<compile_context>
chip_gen: v7x
topology: tpu7x:2x2x1
jax: 0.10.2.dev20260603
libtpu: 0.0.44.dev20260713+nightly
codegen_flags: <defaults>
</compile_context>

<pallas_src>
import functools

import jax
import jax.numpy as jnp
from jax import lax
from jax.experimental import pallas as pl
from jax.experimental.pallas import tpu as pltpu
from jax.experimental.pallas import tpu_sc as plsc

_NC = 2
_NS = 16
_NW = _NC * _NS


@functools.cache
def _make_seg_sum(E, NPAD, D, CH, IB):
    e_per_w = E // _NW
    n_ch = e_per_w // CH
    n_ib = n_ch // IB
    assert n_ch * CH == e_per_w and CH % 8 == 0 and CH <= 128
    assert n_ib * IB == n_ch and IB % 2 == 0
    rows_per_tile = NPAD // _NS
    n_piece = rows_per_tile // CH
    assert n_piece * CH == rows_per_tile

    mesh = plsc.VectorSubcoreMesh(
        core_axis_name="c", subcore_axis_name="s",
        num_cores=_NC, num_subcores=_NS)

    out_type = jax.ShapeDtypeStruct((_NC, NPAD, D), jnp.float32)
    scratch = [
        pltpu.VMEM((IB, CH), jnp.int32),
        pltpu.VMEM((IB, CH), jnp.int32),
        pltpu.VMEM((CH, D), jnp.float32),
        pltpu.VMEM((CH, D), jnp.float32),
        pltpu.VMEM_SHARED((NPAD, D), jnp.float32),
        pltpu.SemaphoreType.DMA,
        pltpu.SemaphoreType.DMA,
        pltpu.SemaphoreType.DMA,
        pltpu.SemaphoreType.DMA,
    ]
    def body(src_hbm, dst_hbm, x_hbm, msg_out,
             src_v, dst_v, rows_a, rows_b, acc_sh, sem_a, sem_b,
             sem_sa, sem_sb):
        cid = lax.axis_index("c")
        sid = lax.axis_index("s")
        wid = sid * _NC + cid
        r0 = sid * rows_per_tile

        zv = jnp.zeros((16,), jnp.float32)

        def zrow(r, carry):
            for k in range(D // 16):
                rows_a[r, pl.ds(k * 16, 16)] = zv
            return carry

        lax.fori_loop(0, CH, zrow, 0)
        for p in range(n_piece):
            pltpu.sync_copy(rows_a, acc_sh.at[pl.ds(r0 + p * CH, CH)])
        plsc.subcore_barrier()

        def block(ib, carry):
            pltpu.sync_copy(src_hbm.at[wid, ib], src_v)
            pltpu.sync_copy(dst_hbm.at[wid, ib], dst_v)
            pltpu.async_copy(x_hbm.at[src_v.at[0]], rows_a, sem_a)

            def pair(i, carry2):
                c0 = 2 * i
                c1 = c0 + 1

                @pl.when(i > 0)
                def _():
                    pltpu.make_async_copy(
                        rows_b, acc_sh.at[dst_v.at[c1 - 2]], sem_sb).wait()

                pltpu.async_copy(x_hbm.at[src_v.at[c1]], rows_b, sem_b)
                pltpu.make_async_copy(
                    x_hbm.at[src_v.at[c0]], rows_a, sem_a).wait()
                pltpu.async_copy(
                    rows_a, acc_sh.at[dst_v.at[c0]], sem_sa, add=True)

                @pl.when(c1 + 1 < IB)
                def _():
                    pltpu.make_async_copy(
                        rows_a, acc_sh.at[dst_v.at[c0]], sem_sa).wait()
                    pltpu.async_copy(
                        x_hbm.at[src_v.at[c1 + 1]], rows_a, sem_a)

                pltpu.make_async_copy(
                    x_hbm.at[src_v.at[c1]], rows_b, sem_b).wait()
                pltpu.async_copy(
                    rows_b, acc_sh.at[dst_v.at[c1]], sem_sb, add=True)
                return carry2

            lax.fori_loop(0, IB // 2, pair, carry)
            pltpu.make_async_copy(
                rows_a, acc_sh.at[dst_v.at[IB - 2]], sem_sa).wait()
            pltpu.make_async_copy(
                rows_b, acc_sh.at[dst_v.at[IB - 1]], sem_sb).wait()
            return carry

        lax.fori_loop(0, n_ib, block, 0)
        plsc.subcore_barrier()

        for p in range(n_piece):
            sl = pl.ds(r0 + p * CH, CH)
            pltpu.sync_copy(acc_sh.at[sl], rows_a)
            pltpu.sync_copy(rows_a, msg_out.at[cid, sl])

    return pl.kernel(body, out_type=out_type, mesh=mesh,
                     scratch_types=scratch)


def _seg_sum(src, dst, x_pad):
    _, n_ib, IB, CH = src.shape
    E = _NW * n_ib * IB * CH
    NPAD, D = x_pad.shape
    fn = _make_seg_sum(E, NPAD, D, CH, IB)
    return fn(src, dst, x_pad)


@functools.cache
def _make_deg(E, NPAD, D, CH, IB):
    e_per_w = E // _NW
    n_ch = e_per_w // CH
    n_ib = n_ch // IB
    rows_per_tile = NPAD // _NS
    n_piece = rows_per_tile // CH

    mesh = plsc.VectorSubcoreMesh(
        core_axis_name="c", subcore_axis_name="s",
        num_cores=_NC, num_subcores=_NS)

    out_type = jax.ShapeDtypeStruct((_NC, NPAD, D), jnp.float32)
    scratch = [
        pltpu.VMEM((IB, CH), jnp.int32),
        pltpu.VMEM((CH, D), jnp.float32),
        pltpu.VMEM_SHARED((NPAD, D), jnp.float32),
        pltpu.SemaphoreType.DMA,
    ]

    def body(dst_hbm, deg_out, dst_v, ones_v, acc_sh, sem):
        cid = lax.axis_index("c")
        sid = lax.axis_index("s")
        wid = sid * _NC + cid
        r0 = sid * rows_per_tile

        def fill(val):
            v = jnp.full((16,), val, jnp.float32)

            def frow(r, carry):
                for k in range(D // 16):
                    ones_v[r, pl.ds(k * 16, 16)] = v
                return carry

            lax.fori_loop(0, CH, frow, 0)

        fill(0.0)
        for p in range(n_piece):
            pltpu.sync_copy(ones_v, acc_sh.at[pl.ds(r0 + p * CH, CH)])
        fill(1.0)
        plsc.subcore_barrier()

        def block(ib, carry):
            pltpu.sync_copy(dst_hbm.at[wid, ib], dst_v)

            def chunk(c, carry2):
                pltpu.async_copy(ones_v, acc_sh.at[dst_v.at[c]], sem,
                                 add=True)
                return carry2

            lax.fori_loop(0, IB, chunk, carry)

            def drain(c, carry2):
                pltpu.make_async_copy(
                    ones_v, acc_sh.at[dst_v.at[c]], sem).wait()
                return carry2

            return lax.fori_loop(0, IB, drain, carry)

        lax.fori_loop(0, n_ib, block, 0)
        plsc.subcore_barrier()

        for p in range(n_piece):
            sl = pl.ds(r0 + p * CH, CH)
            pltpu.sync_copy(acc_sh.at[sl], ones_v)
            pltpu.sync_copy(ones_v, deg_out.at[cid, sl])

    return pl.kernel(body, out_type=out_type, mesh=mesh,
                     scratch_types=scratch)


def _deg_hist(dst, NPAD, D):
    _, n_ib, IB, CH = dst.shape
    E = _NW * n_ib * IB * CH
    return _make_deg(E, NPAD, D, CH, IB)(dst)


def _dense_layer(msg_parts, deg_parts, xin, W_l, W_r, b, n_valid, blk=512):
    NPAD, D = xin.shape
    Dm = msg_parts.shape[2]
    nblk = NPAD // blk

    def body(msg_ref, deg_ref, x_ref, wl_ref, wr_ref, b_ref,
             z_ref, stats_ref, acc_ref):
        i = pl.program_id(0)
        msg = msg_ref[0] + msg_ref[1]
        deg = deg_ref[0, :, 0:1] + deg_ref[1, :, 0:1]
        agg = msg / jnp.maximum(deg, 1.0)
        z = (jnp.dot(agg, wl_ref[...], preferred_element_type=jnp.float32)
             + jnp.dot(x_ref[...], wr_ref[...], preferred_element_type=jnp.float32)
             + b_ref[...])
        rid = i * blk + lax.broadcasted_iota(jnp.int32, (blk, 1), 0)
        z = jnp.where(rid < n_valid, z, 0.0)
        z_ref[...] = z

        @pl.when(i == 0)
        def _():
            acc_ref[...] = jnp.zeros_like(acc_ref)

        acc_ref[0:1] += jnp.sum(z, axis=0, keepdims=True)
        acc_ref[1:2] += jnp.sum(z * z, axis=0, keepdims=True)

        @pl.when(i == nblk - 1)
        def _():
            stats_ref[...] = acc_ref[...]

    return pl.pallas_call(
        body,
        grid=(nblk,),
        in_specs=[
            pl.BlockSpec((2, blk, Dm), lambda i: (0, i, 0)),
            pl.BlockSpec((2, blk, 8), lambda i: (0, i, 0)),
            pl.BlockSpec((blk, D), lambda i: (i, 0)),
            pl.BlockSpec((D, D), lambda i: (0, 0)),
            pl.BlockSpec((D, D), lambda i: (0, 0)),
            pl.BlockSpec((1, D), lambda i: (0, 0)),
        ],
        out_specs=[
            pl.BlockSpec((blk, D), lambda i: (i, 0)),
            pl.BlockSpec((8, D), lambda i: (0, 0)),
        ],
        out_shape=[
            jax.ShapeDtypeStruct((NPAD, D), jnp.float32),
            jax.ShapeDtypeStruct((8, D), jnp.float32),
        ],
        scratch_shapes=[pltpu.VMEM((8, D), jnp.float32)],
    )(msg_parts, deg_parts, xin, W_l, W_r, b.reshape(1, D))


def _bn_relu(z, stats, gamma, beta, n_valid, blk=512):
    NPAD, D = z.shape
    nblk = NPAD // blk
    inv_n = 1.0 / n_valid

    def body(z_ref, stats_ref, g_ref, be_ref, out_ref):
        mean = stats_ref[0:1] * inv_n
        var = stats_ref[1:2] * inv_n - mean * mean
        inv = lax.rsqrt(var + 1e-5)
        out_ref[...] = jnp.maximum(
            (z_ref[...] - mean) * inv * g_ref[...] + be_ref[...], 0.0)

    return pl.pallas_call(
        body,
        grid=(nblk,),
        in_specs=[
            pl.BlockSpec((blk, D), lambda i: (i, 0)),
            pl.BlockSpec((8, D), lambda i: (0, 0)),
            pl.BlockSpec((1, D), lambda i: (0, 0)),
            pl.BlockSpec((1, D), lambda i: (0, 0)),
        ],
        out_specs=pl.BlockSpec((blk, D), lambda i: (i, 0)),
        out_shape=jax.ShapeDtypeStruct((NPAD, D), jnp.float32),
    )(z, stats, gamma.reshape(1, D), beta.reshape(1, D))


def _bn_relu_fc_softmax(z, stats, gamma, beta, W_fc_pad, b_fc_pad,
                        n_valid, blk=512):
    NPAD, D = z.shape
    nblk = NPAD // blk
    inv_n = 1.0 / n_valid

    def body(z_ref, stats_ref, g_ref, be_ref, wfc_ref, bfc_ref,
             x0_ref, x1_ref):
        mean = stats_ref[0:1] * inv_n
        var = stats_ref[1:2] * inv_n - mean * mean
        inv = lax.rsqrt(var + 1e-5)
        x0 = jnp.maximum(
            (z_ref[...] - mean) * inv * g_ref[...] + be_ref[...], 0.0)
        x0_ref[...] = x0
        logits = (jnp.dot(x0, wfc_ref[...], preferred_element_type=jnp.float32)
                  + bfc_ref[...])
        m = jnp.max(logits, axis=1, keepdims=True)
        e = jnp.exp(logits - m)
        x1_ref[...] = e / jnp.sum(e, axis=1, keepdims=True)

    return pl.pallas_call(
        body,
        grid=(nblk,),
        in_specs=[
            pl.BlockSpec((blk, D), lambda i: (i, 0)),
            pl.BlockSpec((8, D), lambda i: (0, 0)),
            pl.BlockSpec((1, D), lambda i: (0, 0)),
            pl.BlockSpec((1, D), lambda i: (0, 0)),
            pl.BlockSpec((D, D), lambda i: (0, 0)),
            pl.BlockSpec((1, D), lambda i: (0, 0)),
        ],
        out_specs=[
            pl.BlockSpec((blk, D), lambda i: (i, 0)),
            pl.BlockSpec((blk, D), lambda i: (i, 0)),
        ],
        out_shape=[
            jax.ShapeDtypeStruct((NPAD, D), jnp.float32),
            jax.ShapeDtypeStruct((NPAD, D), jnp.float32),
        ],
    )(z, stats, gamma.reshape(1, D), beta.reshape(1, D), W_fc_pad, b_fc_pad)


def kernel(x, edge_index, W_l1, W_r1, b1, gamma1, beta1,
           W_l2, W_r2, b2, gamma2, beta2, W_fc, b_fc):
    N, D = x.shape
    E = edge_index.shape[1]
    NC_OUT = W_fc.shape[1]
    NPAD = ((N + 1023) // 1024) * 1024
    CH = 128
    IB = 16
    quantum = _NW * IB * CH
    E_pad = ((E + quantum - 1) // quantum) * quantum
    spare = NPAD - N
    pad_dst = N + jax.lax.iota(jnp.int32, E_pad - E) % spare
    src_flat = jnp.concatenate(
        [edge_index[0], jax.lax.iota(jnp.int32, E_pad - E) % N])
    dst_flat = jnp.concatenate([edge_index[1], pad_dst])
    n_ch = E_pad // (_NW * CH)
    src = src_flat.reshape(_NW, n_ch // IB, IB, CH)
    dst = dst_flat.reshape(_NW, n_ch // IB, IB, CH)
    x_pad = jnp.zeros((NPAD, D), jnp.float32).at[:N].set(x)

    deg_parts = _deg_hist(dst, NPAD, D)
    deg = lax.slice(deg_parts, (0, 0, 0), (2, NPAD, 8))
    msg1 = _seg_sum(src, dst, x_pad)
    z1, stats1 = _dense_layer(msg1, deg, x_pad, W_l1, W_r1, b1, N)
    h1 = _bn_relu(z1, stats1, gamma1, beta1, N)

    msg2 = _seg_sum(src, dst, h1)
    z2, stats2 = _dense_layer(msg2, deg, h1, W_l2, W_r2, b2, N)

    W_fc_pad = jnp.zeros((D, D), jnp.float32).at[:, :NC_OUT].set(W_fc)
    b_fc_pad = jnp.full((1, D), -1e30, jnp.float32).at[0, :NC_OUT].set(b_fc)
    x0_full, x1_full = _bn_relu_fc_softmax(
        z2, stats2, gamma2, beta2, W_fc_pad, b_fc_pad, N)

    return (x0_full[:N], x1_full[:N, :NC_OUT])

# --- scband reference (transcript-rebuilt; emitter-appended) ---
"""Pipeline reference for scband-gcn-26422638805210 (READ-ONLY COPY).

The authoritative reference and input builder live on the scoring server;
editing this copy changes nothing except your own understanding.
"""

import jax, jax.numpy as jnp
import numpy as np

N = 10000
E = 320000
D_IN = 128
D_H = 128
D_EMB = 128
NC = 64


def setup_inputs(seed: int = 0) -> dict:
    key = jax.random.key(seed)
    ks = jax.random.split(key, 16)
    x = jax.random.normal(ks[0], (N, D_IN), dtype=jnp.float32)
    edge_index = jax.random.randint(ks[1], (2, E), 0, N, dtype=jnp.int32)
    s_in = 1.0 / np.sqrt(D_IN)
    s_h = 1.0 / np.sqrt(D_H)
    s_e = 1.0 / np.sqrt(D_EMB)
    W_l1 = jax.random.normal(ks[2], (D_IN, D_H), dtype=jnp.float32) * s_in
    W_r1 = jax.random.normal(ks[3], (D_IN, D_H), dtype=jnp.float32) * s_in
    b1 = jax.random.normal(ks[4], (D_H,), dtype=jnp.float32) * 0.01
    gamma1 = jnp.ones((D_H,), dtype=jnp.float32)
    beta1 = jnp.zeros((D_H,), dtype=jnp.float32)
    W_l2 = jax.random.normal(ks[5], (D_H, D_EMB), dtype=jnp.float32) * s_h
    W_r2 = jax.random.normal(ks[6], (D_H, D_EMB), dtype=jnp.float32) * s_h
    b2 = jax.random.normal(ks[7], (D_EMB,), dtype=jnp.float32) * 0.01
    gamma2 = jnp.ones((D_EMB,), dtype=jnp.float32)
    beta2 = jnp.zeros((D_EMB,), dtype=jnp.float32)
    W_fc = jax.random.normal(ks[8], (D_EMB, NC), dtype=jnp.float32) * s_e
    b_fc = jax.random.normal(ks[9], (NC,), dtype=jnp.float32) * 0.01
    return {
        "x": x, "edge_index": edge_index,
        "W_l1": W_l1, "W_r1": W_r1, "b1": b1, "gamma1": gamma1, "beta1": beta1,
        "W_l2": W_l2, "W_r2": W_r2, "b2": b2, "gamma2": gamma2, "beta2": beta2,
        "W_fc": W_fc, "b_fc": b_fc,
    }


def _sage_conv(x, edge_index, W_l, W_r, b):
    # PyG SAGEConv with mean aggregation: out = lin_l(mean_{j->i} x_j) + lin_r(x_i) + bias
    src = edge_index[0]
    dst = edge_index[1]
    ones = jnp.ones((edge_index.shape[1],), dtype=x.dtype)
    deg = jax.ops.segment_sum(ones, dst, num_segments=N)
    msg_sum = jax.ops.segment_sum(x[src], dst, num_segments=N)
    agg = msg_sum / jnp.clip(deg, 1.0, None)[:, None]
    return agg @ W_l + x @ W_r + b


def _batch_norm(x, gamma, beta, eps=1e-5):
    mean = jnp.mean(x, axis=0)
    var = jnp.var(x, axis=0)  # biased, as torch BatchNorm1d uses for normalization
    return (x - mean) / jnp.sqrt(var + eps) * gamma + beta


def reference(x, edge_index, W_l1, W_r1, b1, gamma1, beta1, W_l2, W_r2, b2, gamma2, beta2, W_fc, b_fc):
    x0 = _sage_conv(x, edge_index, W_l1, W_r1, b1)
    x0 = _batch_norm(x0, gamma1, beta1)
    x0 = jax.nn.relu(x0)
    x0 = _sage_conv(x0, edge_index, W_l2, W_r2, b2)
    x0 = _batch_norm(x0, gamma2, beta2)
    x0 = jax.nn.relu(x0)
    x1 = x0 @ W_fc + b_fc
    x1 = jax.nn.softmax(x1, axis=1)
    return (x0, x1)

if __name__ == "__main__":
    import jax
    _d = setup_inputs()
    print(jax.jit(kernel)(*tuple(_d.values())))

</pallas_src>

<mosaic_0001>
#map = affine_map<(d0, d1) -> (0, 0, 0, 0)>
#map1 = affine_map<(d0, d1) -> (0, 0)>
#map2 = affine_map<(d0, d1) -> (0, 0, 0)>
module attributes {stable_mosaic.version = 14 : i64} {
  func.func @body(%arg0: i32, %arg1: i32, %arg2: memref<32x5x16x128xi32, #tpu.memory_space<hbm>>, %arg3: memref<32x5x16x128xi32, #tpu.memory_space<hbm>>, %arg4: memref<10240x128xf32, #tpu.memory_space<hbm>>, %arg5: memref<2x10240x128xf32, #tpu.memory_space<hbm>>, %arg6: memref<16x128xi32, #tpu.memory_space<vmem>>, %arg7: memref<16x128xi32, #tpu.memory_space<vmem>>, %arg8: memref<128x128xf32, #tpu.memory_space<vmem>>, %arg9: memref<128x128xf32, #tpu.memory_space<vmem>>, %arg10: memref<10240x128xf32, #tpu.memory_space<vmem_shared>>, %arg11: memref<!tpu.dma_semaphore, #tpu.memory_space<semaphore_mem>>, %arg12: memref<!tpu.dma_semaphore, #tpu.memory_space<semaphore_mem>>, %arg13: memref<!tpu.dma_semaphore, #tpu.memory_space<semaphore_mem>>, %arg14: memref<!tpu.dma_semaphore, #tpu.memory_space<semaphore_mem>>) attributes {dimension_semantics = [#tpu.dimension_semantics<core_parallel>, #tpu.dimension_semantics<subcore_parallel>], iteration_bounds = array<i64: 2, 16>, scalar_prefetch = 0 : i64, scratch_operands = 9 : i64, tpu.core_type = #tpu.core_type<sc_vector_subcore>, window_params = [{transform_indices = #map}, {transform_indices = #map}, {transform_indices = #map1}, {transform_indices = #map2}]} {
    %mul3A = arith.constant 2 : i32
    %mul3A_0 = arith.muli %arg1, %mul3A : i32
    %add3A = arith.addi %mul3A_0, %arg0 : i32
    %mul3A_1 = arith.constant 640 : i32
    %mul3A_2 = arith.muli %arg1, %mul3A_1 : i32
    %broadcast_in_dim3A = arith.constant 0.000000e+00 : f32
    %broadcast_in_dim3A_3 = vector.broadcast %broadcast_in_dim3A : f32 to vector<16xf32>
    %scan3A = arith.constant 0 : i32
    %scan3A_4 = arith.constant 0 : i32
    %scan3A_5 = arith.constant 128 : i32
    %scan3A_6 = arith.addi %scan3A_4, %scan3A_5 : i32
    %scan3A_7 = arith.constant 1 : i32
    scf.for %scan3A_36 = %scan3A_4 to %scan3A_6 step %scan3A_7  : i32 {
      %swap3A = arith.index_cast %scan3A_36 : i32 to index
      %swap3A_37 = arith.constant 0 : index
      %swap3A_38 = tpu.vector_load %arg8[%swap3A, %swap3A_37] {strides = array<i32>} : memref<128x128xf32, #tpu.memory_space<vmem>>, vector<1x16xf32>,
      %swap3A_39 = vector.shape_cast %swap3A_38 : vector<1x16xf32> to vector<16xf32>
      %swap3A_40 = vector.shape_cast %broadcast_in_dim3A_3 : vector<16xf32> to vector<1x16xf32>
      tpu.vector_store %arg8[%swap3A, %swap3A_37], %swap3A_40 {strides = array<i32>} : memref<128x128xf32, #tpu.memory_space<vmem>>, vector<1x16xf32>,
      %swap3A_41 = arith.index_cast %scan3A_36 : i32 to index
      %swap3A_42 = arith.constant 16 : index
      %swap3A_43 = tpu.vector_load %arg8[%swap3A_41, %swap3A_42] {strides = array<i32>} : memref<128x128xf32, #tpu.memory_space<vmem>>, vector<1x16xf32>,
      %swap3A_44 = vector.shape_cast %swap3A_43 : vector<1x16xf32> to vector<16xf32>
      %swap3A_45 = vector.shape_cast %broadcast_in_dim3A_3 : vector<16xf32> to vector<1x16xf32>
      tpu.vector_store %arg8[%swap3A_41, %swap3A_42], %swap3A_45 {strides = array<i32>} : memref<128x128xf32, #tpu.memory_space<vmem>>, vector<1x16xf32>,
      %swap3A_46 = arith.index_cast %scan3A_36 : i32 to index
      %swap3A_47 = arith.constant 32 : index
      %swap3A_48 = tpu.vector_load %arg8[%swap3A_46, %swap3A_47] {strides = array<i32>} : memref<128x128xf32, #tpu.memory_space<vmem>>, vector<1x16xf32>,
      %swap3A_49 = vector.shape_cast %swap3A_48 : vector<1x16xf32> to vector<16xf32>
      %swap3A_50 = vector.shape_cast %broadcast_in_dim3A_3 : vector<16xf32> to vector<1x16xf32>
      tpu.vector_store %arg8[%swap3A_46, %swap3A_47], %swap3A_50 {strides = array<i32>} : memref<128x128xf32, #tpu.memory_space<vmem>>, vector<1x16xf32>,
      %swap3A_51 = arith.index_cast %scan3A_36 : i32 to index
      %swap3A_52 = arith.constant 48 : index
      %swap3A_53 = tpu.vector_load %arg8[%swap3A_51, %swap3A_52] {strides = array<i32>} : memref<128x128xf32, #tpu.memory_space<vmem>>, vector<1x16xf32>,
      %swap3A_54 = vector.shape_cast %swap3A_53 : vector<1x16xf32> to vector<16xf32>
      %swap3A_55 = vector.shape_cast %broadcast_in_dim3A_3 : vector<16xf32> to vector<1x16xf32>
      tpu.vector_store %arg8[%swap3A_51, %swap3A_52], %swap3A_55 {strides = array<i32>} : memref<128x128xf32, #tpu.memory_space<vmem>>, vector<1x16xf32>,
      %swap3A_56 = arith.index_cast %scan3A_36 : i32 to index
      %swap3A_57 = arith.constant 64 : index
      %swap3A_58 = tpu.vector_load %arg8[%swap3A_56, %swap3A_57] {strides = array<i32>} : memref<128x128xf32, #tpu.memory_space<vmem>>, vector<1x16xf32>,
      %swap3A_59 = vector.shape_cast %swap3A_58 : vector<1x16xf32> to vector<16xf32>
      %swap3A_60 = vector.shape_cast %broadcast_in_dim3A_3 : vector<16xf32> to vector<1x16xf32>
      tpu.vector_store %arg8[%swap3A_56, %swap3A_57], %swap3A_60 {strides = array<i32>} : memref<128x128xf32, #tpu.memory_space<vmem>>, vector<1x16xf32>,
      %swap3A_61 = arith.index_cast %scan3A_36 : i32 to index
      %swap3A_62 = arith.constant 80 : index
      %swap3A_63 = tpu.vector_load %arg8[%swap3A_61, %swap3A_62] {strides = array<i32>} : memref<128x128xf32, #tpu.memory_space<vmem>>, vector<1x16xf32>,
      %swap3A_64 = vector.shape_cast %swap3A_63 : vector<1x16xf32> to vector<16xf32>
      %swap3A_65 = vector.shape_cast %broadcast_in_dim3A_3 : vector<16xf32> to vector<1x16xf32>
      tpu.vector_store %arg8[%swap3A_61, %swap3A_62], %swap3A_65 {strides = array<i32>} : memref<128x128xf32, #tpu.memory_space<vmem>>, vector<1x16xf32>,
      %swap3A_66 = arith.index_cast %scan3A_36 : i32 to index
      %swap3A_67 = arith.constant 96 : index
      %swap3A_68 = tpu.vector_load %arg8[%swap3A_66, %swap3A_67] {strides = array<i32>} : memref<128x128xf32, #tpu.memory_space<vmem>>, vector<1x16xf32>,
      %swap3A_69 = vector.shape_cast %swap3A_68 : vector<1x16xf32> to vector<16xf32>
      %swap3A_70 = vector.shape_cast %broadcast_in_dim3A_3 : vector<16xf32> to vector<1x16xf32>
      tpu.vector_store %arg8[%swap3A_66, %swap3A_67], %swap3A_70 {strides = array<i32>} : memref<128x128xf32, #tpu.memory_space<vmem>>, vector<1x16xf32>,
      %swap3A_71 = arith.index_cast %scan3A_36 : i32 to index
      %swap3A_72 = arith.constant 112 : index
      %swap3A_73 = tpu.vector_load %arg8[%swap3A_71, %swap3A_72] {strides = array<i32>} : memref<128x128xf32, #tpu.memory_space<vmem>>, vector<1x16xf32>,
      %swap3A_74 = vector.shape_cast %swap3A_73 : vector<1x16xf32> to vector<16xf32>
      %swap3A_75 = vector.shape_cast %broadcast_in_dim3A_3 : vector<16xf32> to vector<1x16xf32>
      tpu.vector_store %arg8[%swap3A_71, %swap3A_72], %swap3A_75 {strides = array<i32>} : memref<128x128xf32, #tpu.memory_space<vmem>>, vector<1x16xf32>,
    }
    %scan3A_8 = arith.constant 128 : i32
    %add3A_9 = arith.constant 0 : i32
    %add3A_10 = arith.addi %mul3A_2, %add3A_9 : i32
    "tpu.region"() ({
      %run_scoped3A = tpu.sem_alloc : memref<!tpu.dma_semaphore, #tpu.memory_space<semaphore_mem>>
      %dma_start3A = arith.constant 0 : i32
      %dma_start3A_36 = tpu.memref_slice %arg10[%add3A_10, %dma_start3A] : memref<10240x128xf32, #tpu.memory_space<vmem_shared>> -> memref<128x128xf32, #tpu.memory_space<vmem_shared>>
      %dma_start3A_37 = arith.constant 0 : i32
      %dma_start3A_38 = tpu.memref_slice %arg10[%add3A_10, %dma_start3A_37] : memref<10240x128xf32, #tpu.memory_space<vmem_shared>> -> memref<128x128xf32, #tpu.memory_space<vmem_shared>>
      tpu.enqueue_dma source(%arg8 : memref<128x128xf32, #tpu.memory_space<vmem>>) target(%dma_start3A_38 : memref<128x128xf32, #tpu.memory_space<vmem_shared>>) target_semaphore(%run_scoped3A : memref<!tpu.dma_semaphore, #tpu.memory_space<semaphore_mem>>)
      %dma_wait3A = arith.constant 0 : i32
      %dma_wait3A_39 = tpu.memref_slice %arg10[%add3A_10, %dma_wait3A] : memref<10240x128xf32, #tpu.memory_space<vmem_shared>> -> memref<128x128xf32, #tpu.memory_space<vmem_shared>>
      %dma_wait3A_40 = arith.constant 0 : i32
      %dma_wait3A_41 = tpu.memref_slice %arg10[%add3A_10, %dma_wait3A_40] : memref<10240x128xf32, #tpu.memory_space<vmem_shared>> -> memref<128x128xf32, #tpu.memory_space<vmem_shared>>
      tpu.wait_dma2 semaphore(%run_scoped3A : memref<!tpu.dma_semaphore, #tpu.memory_space<semaphore_mem>>) src(%arg8 : memref<128x128xf32, #tpu.memory_space<vmem>>) dst(%dma_wait3A_41 : memref<128x128xf32, #tpu.memory_space<vmem_shared>>)
      tpu.yield
    }) : () -> ()
    %add3A_11 = arith.constant 128 : i32
    %add3A_12 = arith.addi %mul3A_2, %add3A_11 : i32
    "tpu.region"() ({
      %run_scoped3A = tpu.sem_alloc : memref<!tpu.dma_semaphore, #tpu.memory_space<semaphore_mem>>
      %dma_start3A = arith.constant 0 : i32
      %dma_start3A_36 = tpu.memref_slice %arg10[%add3A_12, %dma_start3A] : memref<10240x128xf32, #tpu.memory_space<vmem_shared>> -> memref<128x128xf32, #tpu.memory_space<vmem_shared>>
      %dma_start3A_37 = arith.constant 0 : i32
      %dma_start3A_38 = tpu.memref_slice %arg10[%add3A_12, %dma_start3A_37] : memref<10240x128xf32, #tpu.memory_space<vmem_shared>> -> memref<128x128xf32, #tpu.memory_space<vmem_shared>>
      tpu.enqueue_dma source(%arg8 : memref<128x128xf32, #tpu.memory_space<vmem>>) target(%dma_start3A_38 : memref<128x128xf32, #tpu.memory_space<vmem_shared>>) target_semaphore(%run_scoped3A : memref<!tpu.dma_semaphore, #tpu.memory_space<semaphore_mem>>)
      %dma_wait3A = arith.constant 0 : i32
      %dma_wait3A_39 = tpu.memref_slice %arg10[%add3A_12, %dma_wait3A] : memref<10240x128xf32, #tpu.memory_space<vmem_shared>> -> memref<128x128xf32, #tpu.memory_space<vmem_shared>>
      %dma_wait3A_40 = arith.constant 0 : i32
      %dma_wait3A_41 = tpu.memref_slice %arg10[%add3A_12, %dma_wait3A_40] : memref<10240x128xf32, #tpu.memory_space<vmem_shared>> -> memref<128x128xf32, #tpu.memory_space<vmem_shared>>
      tpu.wait_dma2 semaphore(%run_scoped3A : memref<!tpu.dma_semaphore, #tpu.memory_space<semaphore_mem>>) src(%arg8 : memref<128x128xf32, #tpu.memory_space<vmem>>) dst(%dma_wait3A_41 : memref<128x128xf32, #tpu.memory_space<vmem_shared>>)
      tpu.yield
    }) : () -> ()
    %add3A_13 = arith.constant 256 : i32
    %add3A_14 = arith.addi %mul3A_2, %add3A_13 : i32
    "tpu.region"() ({
      %run_scoped3A = tpu.sem_alloc : memref<!tpu.dma_semaphore, #tpu.memory_space<semaphore_mem>>
      %dma_start3A = arith.constant 0 : i32
      %dma_start3A_36 = tpu.memref_slice %arg10[%add3A_14, %dma_start3A] : memref<10240x128xf32, #tpu.memory_space<vmem_shared>> -> memref<128x128xf32, #tpu.memory_space<vmem_shared>>
      %dma_start3A_37 = arith.constant 0 : i32
      %dma_start3A_38 = tpu.memref_slice %arg10[%add3A_14, %dma_start3A_37] : memref<10240x128xf32, #tpu.memory_space<vmem_shared>> -> memref<128x128xf32, #tpu.memory_space<vmem_shared>>
      tpu.enqueue_dma source(%arg8 : memref<128x128xf32, #tpu.memory_space<vmem>>) target(%dma_start3A_38 : memref<128x128xf32, #tpu.memory_space<vmem_shared>>) target_semaphore(%run_scoped3A : memref<!tpu.dma_semaphore, #tpu.memory_space<semaphore_mem>>)
      %dma_wait3A = arith.constant 0 : i32
      %dma_wait3A_39 = tpu.memref_slice %arg10[%add3A_14, %dma_wait3A] : memref<10240x128xf32, #tpu.memory_space<vmem_shared>> -> memref<128x128xf32, #tpu.memory_space<vmem_shared>>
      %dma_wait3A_40 = arith.constant 0 : i32
      %dma_wait3A_41 = tpu.memref_slice %arg10[%add3A_14, %dma_wait3A_40] : memref<10240x128xf32, #tpu.memory_space<vmem_shared>> -> memref<128x128xf32, #tpu.memory_space<vmem_shared>>
      tpu.wait_dma2 semaphore(%run_scoped3A : memref<!tpu.dma_semaphore, #tpu.memory_space<semaphore_mem>>) src(%arg8 : memref<128x128xf32, #tpu.memory_space<vmem>>) dst(%dma_wait3A_41 : memref<128x128xf32, #tpu.memory_space<vmem_shared>>)
      tpu.yield
    }) : () -> ()
    %add3A_15 = arith.constant 384 : i32
    %add3A_16 = arith.addi %mul3A_2, %add3A_15 : i32
    "tpu.region"() ({
      %run_scoped3A = tpu.sem_alloc : memref<!tpu.dma_semaphore, #tpu.memory_space<semaphore_mem>>
      %dma_start3A = arith.constant 0 : i32
      %dma_start3A_36 = tpu.memref_slice %arg10[%add3A_16, %dma_start3A] : memref<10240x128xf32, #tpu.memory_space<vmem_shared>> -> memref<128x128xf32, #tpu.memory_space<vmem_shared>>
      %dma_start3A_37 = arith.constant 0 : i32
      %dma_start3A_38 = tpu.memref_slice %arg10[%add3A_16, %dma_start3A_37] : memref<10240x128xf32, #tpu.memory_space<vmem_shared>> -> memref<128x128xf32, #tpu.memory_space<vmem_shared>>
      tpu.enqueue_dma source(%arg8 : memref<128x128xf32, #tpu.memory_space<vmem>>) target(%dma_start3A_38 : memref<128x128xf32, #tpu.memory_space<vmem_shared>>) target_semaphore(%run_scoped3A : memref<!tpu.dma_semaphore, #tpu.memory_space<semaphore_mem>>)
      %dma_wait3A = arith.constant 0 : i32
      %dma_wait3A_39 = tpu.memref_slice %arg10[%add3A_16, %dma_wait3A] : memref<10240x128xf32, #tpu.memory_space<vmem_shared>> -> memref<128x128xf32, #tpu.memory_space<vmem_shared>>
      %dma_wait3A_40 = arith.constant 0 : i32
      %dma_wait3A_41 = tpu.memref_slice %arg10[%add3A_16, %dma_wait3A_40] : memref<10240x128xf32, #tpu.memory_space<vmem_shared>> -> memref<128x128xf32, #tpu.memory_space<vmem_shared>>
      tpu.wait_dma2 semaphore(%run_scoped3A : memref<!tpu.dma_semaphore, #tpu.memory_space<semaphore_mem>>) src(%arg8 : memref<128x128xf32, #tpu.memory_space<vmem>>) dst(%dma_wait3A_41 : memref<128x128xf32, #tpu.memory_space<vmem_shared>>)
      tpu.yield
    }) : () -> ()
    %add3A_17 = arith.constant 512 : i32
    %add3A_18 = arith.addi %mul3A_2, %add3A_17 : i32
    "tpu.region"() ({
      %run_scoped3A = tpu.sem_alloc : memref<!tpu.dma_semaphore, #tpu.memory_space<semaphore_mem>>
      %dma_start3A = arith.constant 0 : i32
      %dma_start3A_36 = tpu.memref_slice %arg10[%add3A_18, %dma_start3A] : memref<10240x128xf32, #tpu.memory_space<vmem_shared>> -> memref<128x128xf32, #tpu.memory_space<vmem_shared>>
      %dma_start3A_37 = arith.constant 0 : i32
      %dma_start3A_38 = tpu.memref_slice %arg10[%add3A_18, %dma_start3A_37] : memref<10240x128xf32, #tpu.memory_space<vmem_shared>> -> memref<128x128xf32, #tpu.memory_space<vmem_shared>>
      tpu.enqueue_dma source(%arg8 : memref<128x128xf32, #tpu.memory_space<vmem>>) target(%dma_start3A_38 : memref<128x128xf32, #tpu.memory_space<vmem_shared>>) target_semaphore(%run_scoped3A : memref<!tpu.dma_semaphore, #tpu.memory_space<semaphore_mem>>)
      %dma_wait3A = arith.constant 0 : i32
      %dma_wait3A_39 = tpu.memref_slice %arg10[%add3A_18, %dma_wait3A] : memref<10240x128xf32, #tpu.memory_space<vmem_shared>> -> memref<128x128xf32, #tpu.memory_space<vmem_shared>>
      %dma_wait3A_40 = arith.constant 0 : i32
      %dma_wait3A_41 = tpu.memref_slice %arg10[%add3A_18, %dma_wait3A_40] : memref<10240x128xf32, #tpu.memory_space<vmem_shared>> -> memref<128x128xf32, #tpu.memory_space<vmem_shared>>
      tpu.wait_dma2 semaphore(%run_scoped3A : memref<!tpu.dma_semaphore, #tpu.memory_space<semaphore_mem>>) src(%arg8 : memref<128x128xf32, #tpu.memory_space<vmem>>) dst(%dma_wait3A_41 : memref<128x128xf32, #tpu.memory_space<vmem_shared>>)
      tpu.yield
    }) : () -> ()
    %barrier3A = arith.constant 0 : index
    tpu.barrier barrier_id(%barrier3A)
    %scan3A_19 = arith.constant 0 : i32
    %scan3A_20 = arith.constant 0 : i32
    %scan3A_21 = arith.constant 5 : i32
    %scan3A_22 = arith.addi %scan3A_20, %scan3A_21 : i32
    %scan3A_23 = arith.constant 1 : i32
    scf.for %scan3A_36 = %scan3A_20 to %scan3A_22 step %scan3A_23  : i32 {
      "tpu.region"() ({
        %run_scoped3A = tpu.sem_alloc : memref<!tpu.dma_semaphore, #tpu.memory_space<semaphore_mem>>
        %dma_start3A_61 = arith.constant 0 : i32
        %dma_start3A_62 = arith.constant 0 : i32
        %dma_start3A_63 = tpu.memref_slice %arg2[%add3A, %scan3A_36, %dma_start3A_61, %dma_start3A_62] : memref<32x5x16x128xi32, #tpu.memory_space<hbm>> -> memref<1x1x16x128xi32, #tpu.memory_space<hbm>>
        %dma_start3A_64 = tpu.memref_squeeze %dma_start3A_63 : memref<1x1x16x128xi32, #tpu.memory_space<hbm>> -> memref<16x128xi32, #tpu.memory_space<hbm>>
        %dma_start3A_65 = arith.constant 0 : i32
        %dma_start3A_66 = arith.constant 0 : i32
        %dma_start3A_67 = tpu.memref_slice %arg2[%add3A, %scan3A_36, %dma_start3A_65, %dma_start3A_66] : memref<32x5x16x128xi32, #tpu.memory_space<hbm>> -> memref<1x1x16x128xi32, #tpu.memory_space<hbm>>
        %dma_start3A_68 = tpu.memref_squeeze %dma_start3A_67 : memref<1x1x16x128xi32, #tpu.memory_space<hbm>> -> memref<16x128xi32, #tpu.memory_space<hbm>>
        tpu.enqueue_dma source(%dma_start3A_68 : memref<16x128xi32, #tpu.memory_space<hbm>>) target(%arg6 : memref<16x128xi32, #tpu.memory_space<vmem>>) target_semaphore(%run_scoped3A : memref<!tpu.dma_semaphore, #tpu.memory_space<semaphore_mem>>)
        %dma_wait3A_69 = arith.constant 0 : i32
        %dma_wait3A_70 = arith.constant 0 : i32
        %dma_wait3A_71 = tpu.memref_slice %arg2[%add3A, %scan3A_36, %dma_wait3A_69, %dma_wait3A_70] : memref<32x5x16x128xi32, #tpu.memory_space<hbm>> -> memref<1x1x16x128xi32, #tpu.memory_space<hbm>>
        %dma_wait3A_72 = tpu.memref_squeeze %dma_wait3A_71 : memref<1x1x16x128xi32, #tpu.memory_space<hbm>> -> memref<16x128xi32, #tpu.memory_space<hbm>>
        %dma_wait3A_73 = arith.constant 0 : i32
        %dma_wait3A_74 = arith.constant 0 : i32
        %dma_wait3A_75 = tpu.memref_slice %arg2[%add3A, %scan3A_36, %dma_wait3A_73, %dma_wait3A_74] : memref<32x5x16x128xi32, #tpu.memory_space<hbm>> -> memref<1x1x16x128xi32, #tpu.memory_space<hbm>>
        %dma_wait3A_76 = tpu.memref_squeeze %dma_wait3A_75 : memref<1x1x16x128xi32, #tpu.memory_space<hbm>> -> memref<16x128xi32, #tpu.memory_space<hbm>>
        tpu.wait_dma2 semaphore(%run_scoped3A : memref<!tpu.dma_semaphore, #tpu.memory_space<semaphore_mem>>) src(%dma_wait3A_76 : memref<16x128xi32, #tpu.memory_space<hbm>>) dst(%arg6 : memref<16x128xi32, #tpu.memory_space<vmem>>)
        tpu.yield
      }) : () -> ()
      "tpu.region"() ({
        %run_scoped3A = tpu.sem_alloc : memref<!tpu.dma_semaphore, #tpu.memory_space<semaphore_mem>>
        %dma_start3A_61 = arith.constant 0 : i32
        %dma_start3A_62 = arith.constant 0 : i32
        %dma_start3A_63 = tpu.memref_slice %arg3[%add3A, %scan3A_36, %dma_start3A_61, %dma_start3A_62] : memref<32x5x16x128xi32, #tpu.memory_space<hbm>> -> memref<1x1x16x128xi32, #tpu.memory_space<hbm>>
        %dma_start3A_64 = tpu.memref_squeeze %dma_start3A_63 : memref<1x1x16x128xi32, #tpu.memory_space<hbm>> -> memref<16x128xi32, #tpu.memory_space<hbm>>
        %dma_start3A_65 = arith.constant 0 : i32
        %dma_start3A_66 = arith.constant 0 : i32
        %dma_start3A_67 = tpu.memref_slice %arg3[%add3A, %scan3A_36, %dma_start3A_65, %dma_start3A_66] : memref<32x5x16x128xi32, #tpu.memory_space<hbm>> -> memref<1x1x16x128xi32, #tpu.memory_space<hbm>>
        %dma_start3A_68 = tpu.memref_squeeze %dma_start3A_67 : memref<1x1x16x128xi32, #tpu.memory_space<hbm>> -> memref<16x128xi32, #tpu.memory_space<hbm>>
        tpu.enqueue_dma source(%dma_start3A_68 : memref<16x128xi32, #tpu.memory_space<hbm>>) target(%arg7 : memref<16x128xi32, #tpu.memory_space<vmem>>) target_semaphore(%run_scoped3A : memref<!tpu.dma_semaphore, #tpu.memory_space<semaphore_mem>>)
        %dma_wait3A_69 = arith.constant 0 : i32
        %dma_wait3A_70 = arith.constant 0 : i32
        %dma_wait3A_71 = tpu.memref_slice %arg3[%add3A, %scan3A_36, %dma_wait3A_69, %dma_wait3A_70] : memref<32x5x16x128xi32, #tpu.memory_space<hbm>> -> memref<1x1x16x128xi32, #tpu.memory_space<hbm>>
        %dma_wait3A_72 = tpu.memref_squeeze %dma_wait3A_71 : memref<1x1x16x128xi32, #tpu.memory_space<hbm>> -> memref<16x128xi32, #tpu.memory_space<hbm>>
        %dma_wait3A_73 = arith.constant 0 : i32
        %dma_wait3A_74 = arith.constant 0 : i32
        %dma_wait3A_75 = tpu.memref_slice %arg3[%add3A, %scan3A_36, %dma_wait3A_73, %dma_wait3A_74] : memref<32x5x16x128xi32, #tpu.memory_space<hbm>> -> memref<1x1x16x128xi32, #tpu.memory_space<hbm>>
        %dma_wait3A_76 = tpu.memref_squeeze %dma_wait3A_75 : memref<1x1x16x128xi32, #tpu.memory_space<hbm>> -> memref<16x128xi32, #tpu.memory_space<hbm>>
        tpu.wait_dma2 semaphore(%run_scoped3A : memref<!tpu.dma_semaphore, #tpu.memory_space<semaphore_mem>>) src(%dma_wait3A_76 : memref<16x128xi32, #tpu.memory_space<hbm>>) dst(%arg7 : memref<16x128xi32, #tpu.memory_space<vmem>>)
        tpu.yield
      }) : () -> ()
      %dma_start3A = arith.constant 0 : i32
      %dma_start3A_37 = arith.constant 0 : i32
      %dma_start3A_38 = tpu.memref_slice %arg6[%dma_start3A, %dma_start3A_37] : memref<16x128xi32, #tpu.memory_space<vmem>> -> memref<1x128xi32, #tpu.memory_space<vmem>>
      %dma_start3A_39 = tpu.memref_squeeze %dma_start3A_38 : memref<1x128xi32, #tpu.memory_space<vmem>> -> memref<128xi32, #tpu.memory_space<vmem>>
      %dma_start3A_40 = arith.constant 0 : i32
      %dma_start3A_41 = arith.constant 0 : i32
      %dma_start3A_42 = tpu.memref_slice %arg4[%dma_start3A_40, %dma_start3A_41] : memref<10240x128xf32, #tpu.memory_space<hbm>> -> memref<10240x128xf32, #tpu.memory_space<hbm>>
      tpu.enqueue_indirect_dma source(%dma_start3A_42 : memref<10240x128xf32, #tpu.memory_space<hbm>>) target(%arg8 : memref<128x128xf32, #tpu.memory_space<vmem>>) offsets(%dma_start3A_39 : memref<128xi32, #tpu.memory_space<vmem>>) semaphore(%arg11 : memref<!tpu.dma_semaphore, #tpu.memory_space<semaphore_mem>>)
      %scan3A_43 = arith.constant 0 : i32
      %scan3A_44 = arith.constant 8 : i32
      %scan3A_45 = arith.addi %scan3A_43, %scan3A_44 : i32
      %scan3A_46 = arith.constant 1 : i32
      scf.for %scan3A_61 = %scan3A_43 to %scan3A_45 step %scan3A_46  : i32 {
        %mul3A_62 = arith.constant 2 : i32
        %mul3A_63 = arith.muli %mul3A_62, %scan3A_61 : i32
        %add3A_64 = arith.constant 1 : i32
        %add3A_65 = arith.addi %mul3A_63, %add3A_64 : i32
        %gt3A = arith.constant 0 : i32
        %gt3A_66 = arith.cmpi sgt, %scan3A_61, %gt3A : i32
        %convert_element_type3A = arith.extui %gt3A_66 : i1 to i32
        %cond3A = arith.constant 0 : i32
        %cond3A_67 = arith.cmpi ne, %convert_element_type3A, %cond3A : i32
        scf.if %cond3A_67 {
          %sub3A = arith.constant 2 : i32
          %sub3A_104 = arith.subi %add3A_65, %sub3A : i32
          %dma_wait3A_105 = arith.constant 0 : i32
          %dma_wait3A_106 = tpu.memref_slice %arg7[%sub3A_104, %dma_wait3A_105] : memref<16x128xi32, #tpu.memory_space<vmem>> -> memref<1x128xi32, #tpu.memory_space<vmem>>
          %dma_wait3A_107 = tpu.memref_squeeze %dma_wait3A_106 : memref<1x128xi32, #tpu.memory_space<vmem>> -> memref<128xi32, #tpu.memory_space<vmem>>
          %dma_wait3A_108 = arith.constant 0 : i32
          %dma_wait3A_109 = arith.constant 0 : i32
          %dma_wait3A_110 = tpu.memref_slice %arg10[%dma_wait3A_108, %dma_wait3A_109] : memref<10240x128xf32, #tpu.memory_space<vmem_shared>> -> memref<10240x128xf32, #tpu.memory_space<vmem_shared>>
          tpu.wait_indirect_dma semaphore(%arg14 : memref<!tpu.dma_semaphore, #tpu.memory_space<semaphore_mem>>) src(%arg9 : memref<128x128xf32, #tpu.memory_space<vmem>>) dst(%dma_wait3A_110 : memref<10240x128xf32, #tpu.memory_space<vmem_shared>>)
        } else {
        }
        %dma_start3A_68 = arith.constant 0 : i32
        %dma_start3A_69 = tpu.memref_slice %arg6[%add3A_65, %dma_start3A_68] : memref<16x128xi32, #tpu.memory_space<vmem>> -> memref<1x128xi32, #tpu.memory_space<vmem>>
        %dma_start3A_70 = tpu.memref_squeeze %dma_start3A_69 : memref<1x128xi32, #tpu.memory_space<vmem>> -> memref<128xi32, #tpu.memory_space<vmem>>
        %dma_start3A_71 = arith.constant 0 : i32
        %dma_start3A_72 = arith.constant 0 : i32
        %dma_start3A_73 = tpu.memref_slice %arg4[%dma_start3A_71, %dma_start3A_72] : memref<10240x128xf32, #tpu.memory_space<hbm>> -> memref<10240x128xf32, #tpu.memory_space<hbm>>
        tpu.enqueue_indirect_dma source(%dma_start3A_73 : memref<10240x128xf32, #tpu.memory_space<hbm>>) target(%arg9 : memref<128x128xf32, #tpu.memory_space<vmem>>) offsets(%dma_start3A_70 : memref<128xi32, #tpu.memory_space<vmem>>) semaphore(%arg12 : memref<!tpu.dma_semaphore, #tpu.memory_space<semaphore_mem>>)
        %dma_wait3A_74 = arith.constant 0 : i32
        %dma_wait3A_75 = tpu.memref_slice %arg6[%mul3A_63, %dma_wait3A_74] : memref<16x128xi32, #tpu.memory_space<vmem>> -> memref<1x128xi32, #tpu.memory_space<vmem>>
        %dma_wait3A_76 = tpu.memref_squeeze %dma_wait3A_75 : memref<1x128xi32, #tpu.memory_space<vmem>> -> memref<128xi32, #tpu.memory_space<vmem>>
        %dma_wait3A_77 = arith.constant 0 : i32
        %dma_wait3A_78 = arith.constant 0 : i32
        %dma_wait3A_79 = tpu.memref_slice %arg4[%dma_wait3A_77, %dma_wait3A_78] : memref<10240x128xf32, #tpu.memory_space<hbm>> -> memref<10240x128xf32, #tpu.memory_space<hbm>>
        tpu.wait_indirect_dma semaphore(%arg11 : memref<!tpu.dma_semaphore, #tpu.memory_space<semaphore_mem>>) src(%dma_wait3A_79 : memref<10240x128xf32, #tpu.memory_space<hbm>>) dst(%arg8 : memref<128x128xf32, #tpu.memory_space<vmem>>)
        %dma_start3A_80 = arith.constant 0 : i32
        %dma_start3A_81 = tpu.memref_slice %arg7[%mul3A_63, %dma_start3A_80] : memref<16x128xi32, #tpu.memory_space<vmem>> -> memref<1x128xi32, #tpu.memory_space<vmem>>
        %dma_start3A_82 = tpu.memref_squeeze %dma_start3A_81 : memref<1x128xi32, #tpu.memory_space<vmem>> -> memref<128xi32, #tpu.memory_space<vmem>>
        %dma_start3A_83 = arith.constant 0 : i32
        %dma_start3A_84 = arith.constant 0 : i32
        %dma_start3A_85 = tpu.memref_slice %arg10[%dma_start3A_83, %dma_start3A_84] : memref<10240x128xf32, #tpu.memory_space<vmem_shared>> -> memref<10240x128xf32, #tpu.memory_space<vmem_shared>>
        tpu.enqueue_indirect_dma source(%arg8 : memref<128x128xf32, #tpu.memory_space<vmem>>) target(%dma_start3A_85 : memref<10240x128xf32, #tpu.memory_space<vmem_shared>>) offsets(%dma_start3A_82 : memref<128xi32, #tpu.memory_space<vmem>>) semaphore(%arg13 : memref<!tpu.dma_semaphore, #tpu.memory_space<semaphore_mem>>) {add = true}
        %add3A_86 = arith.constant 1 : i32
        %add3A_87 = arith.addi %add3A_65, %add3A_86 : i32
        %lt3A = arith.constant 16 : i32
        %lt3A_88 = arith.cmpi slt, %add3A_87, %lt3A : i32
        %convert_element_type3A_89 = arith.extui %lt3A_88 : i1 to i32
        %cond3A_90 = arith.constant 0 : i32
        %cond3A_91 = arith.cmpi ne, %convert_element_type3A_89, %cond3A_90 : i32
        scf.if %cond3A_91 {
          %dma_wait3A_104 = arith.constant 0 : i32
          %dma_wait3A_105 = tpu.memref_slice %arg7[%mul3A_63, %dma_wait3A_104] : memref<16x128xi32, #tpu.memory_space<vmem>> -> memref<1x128xi32, #tpu.memory_space<vmem>>
          %dma_wait3A_106 = tpu.memref_squeeze %dma_wait3A_105 : memref<1x128xi32, #tpu.memory_space<vmem>> -> memref<128xi32, #tpu.memory_space<vmem>>
          %dma_wait3A_107 = arith.constant 0 : i32
          %dma_wait3A_108 = arith.constant 0 : i32
          %dma_wait3A_109 = tpu.memref_slice %arg10[%dma_wait3A_107, %dma_wait3A_108] : memref<10240x128xf32, #tpu.memory_space<vmem_shared>> -> memref<10240x128xf32, #tpu.memory_space<vmem_shared>>
          tpu.wait_indirect_dma semaphore(%arg13 : memref<!tpu.dma_semaphore, #tpu.memory_space<semaphore_mem>>) src(%arg8 : memref<128x128xf32, #tpu.memory_space<vmem>>) dst(%dma_wait3A_109 : memref<10240x128xf32, #tpu.memory_space<vmem_shared>>)
          %add3A_110 = arith.constant 1 : i32
          %add3A_111 = arith.addi %add3A_65, %add3A_110 : i32
          %dma_start3A_112 = arith.constant 0 : i32
          %dma_start3A_113 = tpu.memref_slice %arg6[%add3A_111, %dma_start3A_112] : memref<16x128xi32, #tpu.memory_space<vmem>> -> memref<1x128xi32, #tpu.memory_space<vmem>>
          %dma_start3A_114 = tpu.memref_squeeze %dma_start3A_113 : memref<1x128xi32, #tpu.memory_space<vmem>> -> memref<128xi32, #tpu.memory_space<vmem>>
          %dma_start3A_115 = arith.constant 0 : i32
          %dma_start3A_116 = arith.constant 0 : i32
          %dma_start3A_117 = tpu.memref_slice %arg4[%dma_start3A_115, %dma_start3A_116] : memref<10240x128xf32, #tpu.memory_space<hbm>> -> memref<10240x128xf32, #tpu.memory_space<hbm>>
          tpu.enqueue_indirect_dma source(%dma_start3A_117 : memref<10240x128xf32, #tpu.memory_space<hbm>>) target(%arg8 : memref<128x128xf32, #tpu.memory_space<vmem>>) offsets(%dma_start3A_114 : memref<128xi32, #tpu.memory_space<vmem>>) semaphore(%arg11 : memref<!tpu.dma_semaphore, #tpu.memory_space<semaphore_mem>>)
        } else {
        }
        %dma_wait3A_92 = arith.constant 0 : i32
        %dma_wait3A_93 = tpu.memref_slice %arg6[%add3A_65, %dma_wait3A_92] : memref<16x128xi32, #tpu.memory_space<vmem>> -> memref<1x128xi32, #tpu.memory_space<vmem>>
        %dma_wait3A_94 = tpu.memref_squeeze %dma_wait3A_93 : memref<1x128xi32, #tpu.memory_space<vmem>> -> memref<128xi32, #tpu.memory_space<vmem>>
        %dma_wait3A_95 = arith.constant 0 : i32
        %dma_wait3A_96 = arith.constant 0 : i32
        %dma_wait3A_97 = tpu.memref_slice %arg4[%dma_wait3A_95, %dma_wait3A_96] : memref<10240x128xf32, #tpu.memory_space<hbm>> -> memref<10240x128xf32, #tpu.memory_space<hbm>>
        tpu.wait_indirect_dma semaphore(%arg12 : memref<!tpu.dma_semaphore, #tpu.memory_space<semaphore_mem>>) src(%dma_wait3A_97 : memref<10240x128xf32, #tpu.memory_space<hbm>>) dst(%arg9 : memref<128x128xf32, #tpu.memory_space<vmem>>)
        %dma_start3A_98 = arith.constant 0 : i32
        %dma_start3A_99 = tpu.memref_slice %arg7[%add3A_65, %dma_start3A_98] : memref<16x128xi32, #tpu.memory_space<vmem>> -> memref<1x128xi32, #tpu.memory_space<vmem>>
        %dma_start3A_100 = tpu.memref_squeeze %dma_start3A_99 : memref<1x128xi32, #tpu.memory_space<vmem>> -> memref<128xi32, #tpu.memory_space<vmem>>
        %dma_start3A_101 = arith.constant 0 : i32
        %dma_start3A_102 = arith.constant 0 : i32
        %dma_start3A_103 = tpu.memref_slice %arg10[%dma_start3A_101, %dma_start3A_102] : memref<10240x128xf32, #tpu.memory_space<vmem_shared>> -> memref<10240x128xf32, #tpu.memory_space<vmem_shared>>
        tpu.enqueue_indirect_dma source(%arg9 : memref<128x128xf32, #tpu.memory_space<vmem>>) target(%dma_start3A_103 : memref<10240x128xf32, #tpu.memory_space<vmem_shared>>) offsets(%dma_start3A_100 : memref<128xi32, #tpu.memory_space<vmem>>) semaphore(%arg14 : memref<!tpu.dma_semaphore, #tpu.memory_space<semaphore_mem>>) {add = true}
      }
      %scan3A_47 = arith.constant 8 : i32
      %dma_wait3A = arith.constant 14 : i32
      %dma_wait3A_48 = arith.constant 0 : i32
      %dma_wait3A_49 = tpu.memref_slice %arg7[%dma_wait3A, %dma_wait3A_48] : memref<16x128xi32, #tpu.memory_space<vmem>> -> memref<1x128xi32, #tpu.memory_space<vmem>>
      %dma_wait3A_50 = tpu.memref_squeeze %dma_wait3A_49 : memref<1x128xi32, #tpu.memory_space<vmem>> -> memref<128xi32, #tpu.memory_space<vmem>>
      %dma_wait3A_51 = arith.constant 0 : i32
      %dma_wait3A_52 = arith.constant 0 : i32
      %dma_wait3A_53 = tpu.memref_slice %arg10[%dma_wait3A_51, %dma_wait3A_52] : memref<10240x128xf32, #tpu.memory_space<vmem_shared>> -> memref<10240x128xf32, #tpu.memory_space<vmem_shared>>
      tpu.wait_indirect_dma semaphore(%arg13 : memref<!tpu.dma_semaphore, #tpu.memory_space<semaphore_mem>>) src(%arg8 : memref<128x128xf32, #tpu.memory_space<vmem>>) dst(%dma_wait3A_53 : memref<10240x128xf32, #tpu.memory_space<vmem_shared>>)
      %dma_wait3A_54 = arith.constant 15 : i32
      %dma_wait3A_55 = arith.constant 0 : i32
      %dma_wait3A_56 = tpu.memref_slice %arg7[%dma_wait3A_54, %dma_wait3A_55] : memref<16x128xi32, #tpu.memory_space<vmem>> -> memref<1x128xi32, #tpu.memory_space<vmem>>
      %dma_wait3A_57 = tpu.memref_squeeze %dma_wait3A_56 : memref<1x128xi32, #tpu.memory_space<vmem>> -> memref<128xi32, #tpu.memory_space<vmem>>
      %dma_wait3A_58 = arith.constant 0 : i32
      %dma_wait3A_59 = arith.constant 0 : i32
      %dma_wait3A_60 = tpu.memref_slice %arg10[%dma_wait3A_58, %dma_wait3A_59] : memref<10240x128xf32, #tpu.memory_space<vmem_shared>> -> memref<10240x128xf32, #tpu.memory_space<vmem_shared>>
      tpu.wait_indirect_dma semaphore(%arg14 : memref<!tpu.dma_semaphore, #tpu.memory_space<semaphore_mem>>) src(%arg9 : memref<128x128xf32, #tpu.memory_space<vmem>>) dst(%dma_wait3A_60 : memref<10240x128xf32, #tpu.memory_space<vmem_shared>>)
    }
    %scan3A_24 = arith.constant 5 : i32
    %barrier3A_25 = arith.constant 0 : index
    tpu.barrier barrier_id(%barrier3A_25)
    %add3A_26 = arith.constant 0 : i32
    %add3A_27 = arith.addi %mul3A_2, %add3A_26 : i32
    "tpu.region"() ({
      %run_scoped3A = tpu.sem_alloc : memref<!tpu.dma_semaphore, #tpu.memory_space<semaphore_mem>>
      %dma_start3A = arith.constant 0 : i32
      %dma_start3A_36 = tpu.memref_slice %arg10[%add3A_27, %dma_start3A] : memref<10240x128xf32, #tpu.memory_space<vmem_shared>> -> memref<128x128xf32, #tpu.memory_space<vmem_shared>>
      %dma_start3A_37 = arith.constant 0 : i32
      %dma_start3A_38 = tpu.memref_slice %arg10[%add3A_27, %dma_start3A_37] : memref<10240x128xf32, #tpu.memory_space<vmem_shared>> -> memref<128x128xf32, #tpu.memory_space<vmem_shared>>
      tpu.enqueue_dma source(%dma_start3A_38 : memref<128x128xf32, #tpu.memory_space<vmem_shared>>) target(%arg8 : memref<128x128xf32, #tpu.memory_space<vmem>>) target_semaphore(%run_scoped3A : memref<!tpu.dma_semaphore, #tpu.memory_space<semaphore_mem>>)
      %dma_wait3A = arith.constant 0 : i32
      %dma_wait3A_39 = tpu.memref_slice %arg10[%add3A_27, %dma_wait3A] : memref<10240x128xf32, #tpu.memory_space<vmem_shared>> -> memref<128x128xf32, #tpu.memory_space<vmem_shared>>
      %dma_wait3A_40 = arith.constant 0 : i32
      %dma_wait3A_41 = tpu.memref_slice %arg10[%add3A_27, %dma_wait3A_40] : memref<10240x128xf32, #tpu.memory_space<vmem_shared>> -> memref<128x128xf32, #tpu.memory_space<vmem_shared>>
      tpu.wait_dma2 semaphore(%run_scoped3A : memref<!tpu.dma_semaphore, #tpu.memory_space<semaphore_mem>>) src(%dma_wait3A_41 : memref<128x128xf32, #tpu.memory_space<vmem_shared>>) dst(%arg8 : memref<128x128xf32, #tpu.memory_space<vmem>>)
      tpu.yield
    }) : () -> ()
    "tpu.region"() ({
      %run_scoped3A = tpu.sem_alloc : memref<!tpu.dma_semaphore, #tpu.memory_space<semaphore_mem>>
      %dma_start3A = arith.constant 0 : i32
      %dma_start3A_36 = tpu.memref_slice %arg5[%arg0, %add3A_27, %dma_start3A] : memref<2x10240x128xf32, #tpu.memory_space<hbm>> -> memref<1x128x128xf32, #tpu.memory_space<hbm>>
      %dma_start3A_37 = tpu.memref_squeeze %dma_start3A_36 : memref<1x128x128xf32, #tpu.memory_space<hbm>> -> memref<128x128xf32, #tpu.memory_space<hbm>>
      %dma_start3A_38 = arith.constant 0 : i32
      %dma_start3A_39 = tpu.memref_slice %arg5[%arg0, %add3A_27, %dma_start3A_38] : memref<2x10240x128xf32, #tpu.memory_space<hbm>> -> memref<1x128x128xf32, #tpu.memory_space<hbm>>
      %dma_start3A_40 = tpu.memref_squeeze %dma_start3A_39 : memref<1x128x128xf32, #tpu.memory_space<hbm>> -> memref<128x128xf32, #tpu.memory_space<hbm>>
      tpu.enqueue_dma source(%arg8 : memref<128x128xf32, #tpu.memory_space<vmem>>) target(%dma_start3A_40 : memref<128x128xf32, #tpu.memory_space<hbm>>) target_semaphore(%run_scoped3A : memref<!tpu.dma_semaphore, #tpu.memory_space<semaphore_mem>>)
      %dma_wait3A = arith.constant 0 : i32
      %dma_wait3A_41 = tpu.memref_slice %arg5[%arg0, %add3A_27, %dma_wait3A] : memref<2x10240x128xf32, #tpu.memory_space<hbm>> -> memref<1x128x128xf32, #tpu.memory_space<hbm>>
      %dma_wait3A_42 = tpu.memref_squeeze %dma_wait3A_41 : memref<1x128x128xf32, #tpu.memory_space<hbm>> -> memref<128x128xf32, #tpu.memory_space<hbm>>
      %dma_wait3A_43 = arith.constant 0 : i32
      %dma_wait3A_44 = tpu.memref_slice %arg5[%arg0, %add3A_27, %dma_wait3A_43] : memref<2x10240x128xf32, #tpu.memory_space<hbm>> -> memref<1x128x128xf32, #tpu.memory_space<hbm>>
      %dma_wait3A_45 = tpu.memref_squeeze %dma_wait3A_44 : memref<1x128x128xf32, #tpu.memory_space<hbm>> -> memref<128x128xf32, #tpu.memory_space<hbm>>
      tpu.wait_dma2 semaphore(%run_scoped3A : memref<!tpu.dma_semaphore, #tpu.memory_space<semaphore_mem>>) src(%arg8 : memref<128x128xf32, #tpu.memory_space<vmem>>) dst(%dma_wait3A_45 : memref<128x128xf32, #tpu.memory_space<hbm>>)
      tpu.yield
    }) : () -> ()
    %add3A_28 = arith.constant 128 : i32
    %add3A_29 = arith.addi %mul3A_2, %add3A_28 : i32
    "tpu.region"() ({
      %run_scoped3A = tpu.sem_alloc : memref<!tpu.dma_semaphore, #tpu.memory_space<semaphore_mem>>
      %dma_start3A = arith.constant 0 : i32
      %dma_start3A_36 = tpu.memref_slice %arg10[%add3A_29, %dma_start3A] : memref<10240x128xf32, #tpu.memory_space<vmem_shared>> -> memref<128x128xf32, #tpu.memory_space<vmem_shared>>
      %dma_start3A_37 = arith.constant 0 : i32
      %dma_start3A_38 = tpu.memref_slice %arg10[%add3A_29, %dma_start3A_37] : memref<10240x128xf32, #tpu.memory_space<vmem_shared>> -> memref<128x128xf32, #tpu.memory_space<vmem_shared>>
      tpu.enqueue_dma source(%dma_start3A_38 : memref<128x128xf32, #tpu.memory_space<vmem_shared>>) target(%arg8 : memref<128x128xf32, #tpu.memory_space<vmem>>) target_semaphore(%run_scoped3A : memref<!tpu.dma_semaphore, #tpu.memory_space<semaphore_mem>>)
      %dma_wait3A = arith.constant 0 : i32
      %dma_wait3A_39 = tpu.memref_slice %arg10[%add3A_29, %dma_wait3A] : memref<10240x128xf32, #tpu.memory_space<vmem_shared>> -> memref<128x128xf32, #tpu.memory_space<vmem_shared>>
      %dma_wait3A_40 = arith.constant 0 : i32
      %dma_wait3A_41 = tpu.memref_slice %arg10[%add3A_29, %dma_wait3A_40] : memref<10240x128xf32, #tpu.memory_space<vmem_shared>> -> memref<128x128xf32, #tpu.memory_space<vmem_shared>>
      tpu.wait_dma2 semaphore(%run_scoped3A : memref<!tpu.dma_semaphore, #tpu.memory_space<semaphore_mem>>) src(%dma_wait3A_41 : memref<128x128xf32, #tpu.memory_space<vmem_shared>>) dst(%arg8 : memref<128x128xf32, #tpu.memory_space<vmem>>)
      tpu.yield
    }) : () -> ()
    "tpu.region"() ({
      %run_scoped3A = tpu.sem_alloc : memref<!tpu.dma_semaphore, #tpu.memory_space<semaphore_mem>>
      %dma_start3A = arith.constant 0 : i32
      %dma_start3A_36 = tpu.memref_slice %arg5[%arg0, %add3A_29, %dma_start3A] : memref<2x10240x128xf32, #tpu.memory_space<hbm>> -> memref<1x128x128xf32, #tpu.memory_space<hbm>>
      %dma_start3A_37 = tpu.memref_squeeze %dma_start3A_36 : memref<1x128x128xf32, #tpu.memory_space<hbm>> -> memref<128x128xf32, #tpu.memory_space<hbm>>
      %dma_start3A_38 = arith.constant 0 : i32
      %dma_start3A_39 = tpu.memref_slice %arg5[%arg0, %add3A_29, %dma_start3A_38] : memref<2x10240x128xf32, #tpu.memory_space<hbm>> -> memref<1x128x128xf32, #tpu.memory_space<hbm>>
      %dma_start3A_40 = tpu.memref_squeeze %dma_start3A_39 : memref<1x128x128xf32, #tpu.memory_space<hbm>> -> memref<128x128xf32, #tpu.memory_space<hbm>>
      tpu.enqueue_dma source(%arg8 : memref<128x128xf32, #tpu.memory_space<vmem>>) target(%dma_start3A_40 : memref<128x128xf32, #tpu.memory_space<hbm>>) target_semaphore(%run_scoped3A : memref<!tpu.dma_semaphore, #tpu.memory_space<semaphore_mem>>)
      %dma_wait3A = arith.constant 0 : i32
      %dma_wait3A_41 = tpu.memref_slice %arg5[%arg0, %add3A_29, %dma_wait3A] : memref<2x10240x128xf32, #tpu.memory_space<hbm>> -> memref<1x128x128xf32, #tpu.memory_space<hbm>>
      %dma_wait3A_42 = tpu.memref_squeeze %dma_wait3A_41 : memref<1x128x128xf32, #tpu.memory_space<hbm>> -> memref<128x128xf32, #tpu.memory_space<hbm>>
      %dma_wait3A_43 = arith.constant 0 : i32
      %dma_wait3A_44 = tpu.memref_slice %arg5[%arg0, %add3A_29, %dma_wait3A_43] : memref<2x10240x128xf32, #tpu.memory_space<hbm>> -> memref<1x128x128xf32, #tpu.memory_space<hbm>>
      %dma_wait3A_45 = tpu.memref_squeeze %dma_wait3A_44 : memref<1x128x128xf32, #tpu.memory_space<hbm>> -> memref<128x128xf32, #tpu.memory_space<hbm>>
      tpu.wait_dma2 semaphore(%run_scoped3A : memref<!tpu.dma_semaphore, #tpu.memory_space<semaphore_mem>>) src(%arg8 : memref<128x128xf32, #tpu.memory_space<vmem>>) dst(%dma_wait3A_45 : memref<128x128xf32, #tpu.memory_space<hbm>>)
      tpu.yield
    }) : () -> ()
    %add3A_30 = arith.constant 256 : i32
    %add3A_31 = arith.addi %mul3A_2, %add3A_30 : i32
    "tpu.region"() ({
      %run_scoped3A = tpu.sem_alloc : memref<!tpu.dma_semaphore, #tpu.memory_space<semaphore_mem>>
      %dma_start3A = arith.constant 0 : i32
      %dma_start3A_36 = tpu.memref_slice %arg10[%add3A_31, %dma_start3A] : memref<10240x128xf32, #tpu.memory_space<vmem_shared>> -> memref<128x128xf32, #tpu.memory_space<vmem_shared>>
      %dma_start3A_37 = arith.constant 0 : i32
      %dma_start3A_38 = tpu.memref_slice %arg10[%add3A_31, %dma_start3A_37] : memref<10240x128xf32, #tpu.memory_space<vmem_shared>> -> memref<128x128xf32, #tpu.memory_space<vmem_shared>>
      tpu.enqueue_dma source(%dma_start3A_38 : memref<128x128xf32, #tpu.memory_space<vmem_shared>>) target(%arg8 : memref<128x128xf32, #tpu.memory_space<vmem>>) target_semaphore(%run_scoped3A : memref<!tpu.dma_semaphore, #tpu.memory_space<semaphore_mem>>)
      %dma_wait3A = arith.constant 0 : i32
      %dma_wait3A_39 = tpu.memref_slice %arg10[%add3A_31, %dma_wait3A] : memref<10240x128xf32, #tpu.memory_space<vmem_shared>> -> memref<128x128xf32, #tpu.memory_space<vmem_shared>>
      %dma_wait3A_40 = arith.constant 0 : i32
      %dma_wait3A_41 = tpu.memref_slice %arg10[%add3A_31, %dma_wait3A_40] : memref<10240x128xf32, #tpu.memory_space<vmem_shared>> -> memref<128x128xf32, #tpu.memory_space<vmem_shared>>
      tpu.wait_dma2 semaphore(%run_scoped3A : memref<!tpu.dma_semaphore, #tpu.memory_space<semaphore_mem>>) src(%dma_wait3A_41 : memref<128x128xf32, #tpu.memory_space<vmem_shared>>) dst(%arg8 : memref<128x128xf32, #tpu.memory_space<vmem>>)
      tpu.yield
    }) : () -> ()
    "tpu.region"() ({
      %run_scoped3A = tpu.sem_alloc : memref<!tpu.dma_semaphore, #tpu.memory_space<semaphore_mem>>
      %dma_start3A = arith.constant 0 : i32
      %dma_start3A_36 = tpu.memref_slice %arg5[%arg0, %add3A_31, %dma_start3A] : memref<2x10240x128xf32, #tpu.memory_space<hbm>> -> memref<1x128x128xf32, #tpu.memory_space<hbm>>
      %dma_start3A_37 = tpu.memref_squeeze %dma_start3A_36 : memref<1x128x128xf32, #tpu.memory_space<hbm>> -> memref<128x128xf32, #tpu.memory_space<hbm>>
      %dma_start3A_38 = arith.constant 0 : i32
      %dma_start3A_39 = tpu.memref_slice %arg5[%arg0, %add3A_31, %dma_start3A_38] : memref<2x10240x128xf32, #tpu.memory_space<hbm>> -> memref<1x128x128xf32, #tpu.memory_space<hbm>>
      %dma_start3A_40 = tpu.memref_squeeze %dma_start3A_39 : memref<1x128x128xf32, #tpu.memory_space<hbm>> -> memref<128x128xf32, #tpu.memory_space<hbm>>
      tpu.enqueue_dma source(%arg8 : memref<128x128xf32, #tpu.memory_space<vmem>>) target(%dma_start3A_40 : memref<128x128xf32, #tpu.memory_space<hbm>>) target_semaphore(%run_scoped3A : memref<!tpu.dma_semaphore, #tpu.memory_space<semaphore_mem>>)
      %dma_wait3A = arith.constant 0 : i32
      %dma_wait3A_41 = tpu.memref_slice %arg5[%arg0, %add3A_31, %dma_wait3A] : memref<2x10240x128xf32, #tpu.memory_space<hbm>> -> memref<1x128x128xf32, #tpu.memory_space<hbm>>
      %dma_wait3A_42 = tpu.memref_squeeze %dma_wait3A_41 : memref<1x128x128xf32, #tpu.memory_space<hbm>> -> memref<128x128xf32, #tpu.memory_space<hbm>>
      %dma_wait3A_43 = arith.constant 0 : i32
      %dma_wait3A_44 = tpu.memref_slice %arg5[%arg0, %add3A_31, %dma_wait3A_43] : memref<2x10240x128xf32, #tpu.memory_space<hbm>> -> memref<1x128x128xf32, #tpu.memory_space<hbm>>
      %dma_wait3A_45 = tpu.memref_squeeze %dma_wait3A_44 : memref<1x128x128xf32, #tpu.memory_space<hbm>> -> memref<128x128xf32, #tpu.memory_space<hbm>>
      tpu.wait_dma2 semaphore(%run_scoped3A : memref<!tpu.dma_semaphore, #tpu.memory_space<semaphore_mem>>) src(%arg8 : memref<128x128xf32, #tpu.memory_space<vmem>>) dst(%dma_wait3A_45 : memref<128x128xf32, #tpu.memory_space<hbm>>)
      tpu.yield
    }) : () -> ()
    %add3A_32 = arith.constant 384 : i32
    %add3A_33 = arith.addi %mul3A_2, %add3A_32 : i32
    "tpu.region"() ({
      %run_scoped3A = tpu.sem_alloc : memref<!tpu.dma_semaphore, #tpu.memory_space<semaphore_mem>>
      %dma_start3A = arith.constant 0 : i32
      %dma_start3A_36 = tpu.memref_slice %arg10[%add3A_33, %dma_start3A] : memref<10240x128xf32, #tpu.memory_space<vmem_shared>> -> memref<128x128xf32, #tpu.memory_space<vmem_shared>>
      %dma_start3A_37 = arith.constant 0 : i32
      %dma_start3A_38 = tpu.memref_slice %arg10[%add3A_33, %dma_start3A_37] : memref<10240x128xf32, #tpu.memory_space<vmem_shared>> -> memref<128x128xf32, #tpu.memory_space<vmem_shared>>
      tpu.enqueue_dma source(%dma_start3A_38 : memref<128x128xf32, #tpu.memory_space<vmem_shared>>) target(%arg8 : memref<128x128xf32, #tpu.memory_space<vmem>>) target_semaphore(%run_scoped3A : memref<!tpu.dma_semaphore, #tpu.memory_space<semaphore_mem>>)
      %dma_wait3A = arith.constant 0 : i32
      %dma_wait3A_39 = tpu.memref_slice %arg10[%add3A_33, %dma_wait3A] : memref<10240x128xf32, #tpu.memory_space<vmem_shared>> -> memref<128x128xf32, #tpu.memory_space<vmem_shared>>
      %dma_wait3A_40 = arith.constant 0 : i32
      %dma_wait3A_41 = tpu.memref_slice %arg10[%add3A_33, %dma_wait3A_40] : memref<10240x128xf32, #tpu.memory_space<vmem_shared>> -> memref<128x128xf32, #tpu.memory_space<vmem_shared>>
      tpu.wait_dma2 semaphore(%run_scoped3A : memref<!tpu.dma_semaphore, #tpu.memory_space<semaphore_mem>>) src(%dma_wait3A_41 : memref<128x128xf32, #tpu.memory_space<vmem_shared>>) dst(%arg8 : memref<128x128xf32, #tpu.memory_space<vmem>>)
      tpu.yield
    }) : () -> ()
    "tpu.region"() ({
      %run_scoped3A = tpu.sem_alloc : memref<!tpu.dma_semaphore, #tpu.memory_space<semaphore_mem>>
      %dma_start3A = arith.constant 0 : i32
      %dma_start3A_36 = tpu.memref_slice %arg5[%arg0, %add3A_33, %dma_start3A] : memref<2x10240x128xf32, #tpu.memory_space<hbm>> -> memref<1x128x128xf32, #tpu.memory_space<hbm>>
      %dma_start3A_37 = tpu.memref_squeeze %dma_start3A_36 : memref<1x128x128xf32, #tpu.memory_space<hbm>> -> memref<128x128xf32, #tpu.memory_space<hbm>>
      %dma_start3A_38 = arith.constant 0 : i32
      %dma_start3A_39 = tpu.memref_slice %arg5[%arg0, %add3A_33, %dma_start3A_38] : memref<2x10240x128xf32, #tpu.memory_space<hbm>> -> memref<1x128x128xf32, #tpu.memory_space<hbm>>
      %dma_start3A_40 = tpu.memref_squeeze %dma_start3A_39 : memref<1x128x128xf32, #tpu.memory_space<hbm>> -> memref<128x128xf32, #tpu.memory_space<hbm>>
      tpu.enqueue_dma source(%arg8 : memref<128x128xf32, #tpu.memory_space<vmem>>) target(%dma_start3A_40 : memref<128x128xf32, #tpu.memory_space<hbm>>) target_semaphore(%run_scoped3A : memref<!tpu.dma_semaphore, #tpu.memory_space<semaphore_mem>>)
      %dma_wait3A = arith.constant 0 : i32
      %dma_wait3A_41 = tpu.memref_slice %arg5[%arg0, %add3A_33, %dma_wait3A] : memref<2x10240x128xf32, #tpu.memory_space<hbm>> -> memref<1x128x128xf32, #tpu.memory_space<hbm>>
      %dma_wait3A_42 = tpu.memref_squeeze %dma_wait3A_41 : memref<1x128x128xf32, #tpu.memory_space<hbm>> -> memref<128x128xf32, #tpu.memory_space<hbm>>
      %dma_wait3A_43 = arith.constant 0 : i32
      %dma_wait3A_44 = tpu.memref_slice %arg5[%arg0, %add3A_33, %dma_wait3A_43] : memref<2x10240x128xf32, #tpu.memory_space<hbm>> -> memref<1x128x128xf32, #tpu.memory_space<hbm>>
      %dma_wait3A_45 = tpu.memref_squeeze %dma_wait3A_44 : memref<1x128x128xf32, #tpu.memory_space<hbm>> -> memref<128x128xf32, #tpu.memory_space<hbm>>
      tpu.wait_dma2 semaphore(%run_scoped3A : memref<!tpu.dma_semaphore, #tpu.memory_space<semaphore_mem>>) src(%arg8 : memref<128x128xf32, #tpu.memory_space<vmem>>) dst(%dma_wait3A_45 : memref<128x128xf32, #tpu.memory_space<hbm>>)
      tpu.yield
    }) : () -> ()
    %add3A_34 = arith.constant 512 : i32
    %add3A_35 = arith.addi %mul3A_2, %add3A_34 : i32
    "tpu.region"() ({
      %run_scoped3A = tpu.sem_alloc : memref<!tpu.dma_semaphore, #tpu.memory_space<semaphore_mem>>
      %dma_start3A = arith.constant 0 : i32
      %dma_start3A_36 = tpu.memref_slice %arg10[%add3A_35, %dma_start3A] : memref<10240x128xf32, #tpu.memory_space<vmem_shared>> -> memref<128x128xf32, #tpu.memory_space<vmem_shared>>
      %dma_start3A_37 = arith.constant 0 : i32
      %dma_start3A_38 = tpu.memref_slice %arg10[%add3A_35, %dma_start3A_37] : memref<10240x128xf32, #tpu.memory_space<vmem_shared>> -> memref<128x128xf32, #tpu.memory_space<vmem_shared>>
      tpu.enqueue_dma source(%dma_start3A_38 : memref<128x128xf32, #tpu.memory_space<vmem_shared>>) target(%arg8 : memref<128x128xf32, #tpu.memory_space<vmem>>) target_semaphore(%run_scoped3A : memref<!tpu.dma_semaphore, #tpu.memory_space<semaphore_mem>>)
      %dma_wait3A = arith.constant 0 : i32
      %dma_wait3A_39 = tpu.memref_slice %arg10[%add3A_35, %dma_wait3A] : memref<10240x128xf32, #tpu.memory_space<vmem_shared>> -> memref<128x128xf32, #tpu.memory_space<vmem_shared>>
      %dma_wait3A_40 = arith.constant 0 : i32
      %dma_wait3A_41 = tpu.memref_slice %arg10[%add3A_35, %dma_wait3A_40] : memref<10240x128xf32, #tpu.memory_space<vmem_shared>> -> memref<128x128xf32, #tpu.memory_space<vmem_shared>>
      tpu.wait_dma2 semaphore(%run_scoped3A : memref<!tpu.dma_semaphore, #tpu.memory_space<semaphore_mem>>) src(%dma_wait3A_41 : memref<128x128xf32, #tpu.memory_space<vmem_shared>>) dst(%arg8 : memref<128x128xf32, #tpu.memory_space<vmem>>)
      tpu.yield
    }) : () -> ()
    "tpu.region"() ({
      %run_scoped3A = tpu.sem_alloc : memref<!tpu.dma_semaphore, #tpu.memory_space<semaphore_mem>>
      %dma_start3A = arith.constant 0 : i32
      %dma_start3A_36 = tpu.memref_slice %arg5[%arg0, %add3A_35, %dma_start3A] : memref<2x10240x128xf32, #tpu.memory_space<hbm>> -> memref<1x128x128xf32, #tpu.memory_space<hbm>>
      %dma_start3A_37 = tpu.memref_squeeze %dma_start3A_36 : memref<1x128x128xf32, #tpu.memory_space<hbm>> -> memref<128x128xf32, #tpu.memory_space<hbm>>
      %dma_start3A_38 = arith.constant 0 : i32
      %dma_start3A_39 = tpu.memref_slice %arg5[%arg0, %add3A_35, %dma_start3A_38] : memref<2x10240x128xf32, #tpu.memory_space<hbm>> -> memref<1x128x128xf32, #tpu.memory_space<hbm>>
      %dma_start3A_40 = tpu.memref_squeeze %dma_start3A_39 : memref<1x128x128xf32, #tpu.memory_space<hbm>> -> memref<128x128xf32, #tpu.memory_space<hbm>>
      tpu.enqueue_dma source(%arg8 : memref<128x128xf32, #tpu.memory_space<vmem>>) target(%dma_start3A_40 : memref<128x128xf32, #tpu.memory_space<hbm>>) target_semaphore(%run_scoped3A : memref<!tpu.dma_semaphore, #tpu.memory_space<semaphore_mem>>)
      %dma_wait3A = arith.constant 0 : i32
      %dma_wait3A_41 = tpu.memref_slice %arg5[%arg0, %add3A_35, %dma_wait3A] : memref<2x10240x128xf32, #tpu.memory_space<hbm>> -> memref<1x128x128xf32, #tpu.memory_space<hbm>>
      %dma_wait3A_42 = tpu.memref_squeeze %dma_wait3A_41 : memref<1x128x128xf32, #tpu.memory_space<hbm>> -> memref<128x128xf32, #tpu.memory_space<hbm>>
      %dma_wait3A_43 = arith.constant 0 : i32
      %dma_wait3A_44 = tpu.memref_slice %arg5[%arg0, %add3A_35, %dma_wait3A_43] : memref<2x10240x128xf32, #tpu.memory_space<hbm>> -> memref<1x128x128xf32, #tpu.memory_space<hbm>>
      %dma_wait3A_45 = tpu.memref_squeeze %dma_wait3A_44 : memref<1x128x128xf32, #tpu.memory_space<hbm>> -> memref<128x128xf32, #tpu.memory_space<hbm>>
      tpu.wait_dma2 semaphore(%run_scoped3A : memref<!tpu.dma_semaphore, #tpu.memory_space<semaphore_mem>>) src(%arg8 : memref<128x128xf32, #tpu.memory_space<vmem>>) dst(%dma_wait3A_45 : memref<128x128xf32, #tpu.memory_space<hbm>>)
      tpu.yield
    }) : () -> ()
    return
  }
}

#map = affine_map<(d0, d1) -> (0, 0, 0, 0)>
#map1 = affine_map<(d0, d1) -> (0, 0)>
#map2 = affine_map<(d0, d1) -> (0, 0, 0)>
module attributes {stable_mosaic.version = 14 : i64} {
  func.func @body(%arg0: i32, %arg1: i32, %arg2: memref<32x5x16x128xi32, #tpu.memory_space<hbm>>, %arg3: memref<32x5x16x128xi32, #tpu.memory_space<hbm>>, %arg4: memref<10240x128xf32, #tpu.memory_space<hbm>>, %arg5: memref<2x10240x128xf32, #tpu.memory_space<hbm>>, %arg6: memref<16x128xi32, #tpu.memory_space<vmem>>, %arg7: memref<16x128xi32, #tpu.memory_space<vmem>>, %arg8: memref<128x128xf32, #tpu.memory_space<vmem>>, %arg9: memref<128x128xf32, #tpu.memory_space<vmem>>, %arg10: memref<10240x128xf32, #tpu.memory_space<vmem_shared>>, %arg11: memref<!tpu.dma_semaphore, #tpu.memory_space<semaphore_mem>>, %arg12: memref<!tpu.dma_semaphore, #tpu.memory_space<semaphore_mem>>, %arg13: memref<!tpu.dma_semaphore, #tpu.memory_space<semaphore_mem>>, %arg14: memref<!tpu.dma_semaphore, #tpu.memory_space<semaphore_mem>>) attributes {dimension_semantics = [#tpu.dimension_semantics<core_parallel>, #tpu.dimension_semantics<subcore_parallel>], iteration_bounds = array<i64: 2, 16>, scalar_prefetch = 0 : i64, scratch_operands = 9 : i64, tpu.core_type = #tpu.core_type<sc_vector_subcore>, window_params = [{transform_indices = #map}, {transform_indices = #map}, {transform_indices = #map1}, {transform_indices = #map2}]} {
    %mul3A = arith.constant 2 : i32
    %mul3A_0 = arith.muli %arg1, %mul3A : i32
    %add3A = arith.addi %mul3A_0, %arg0 : i32
    %mul3A_1 = arith.constant 640 : i32
    %mul3A_2 = arith.muli %arg1, %mul3A_1 : i32
    %broadcast_in_dim3A = arith.constant 0.000000e+00 : f32
    %broadcast_in_dim3A_3 = vector.broadcast %broadcast_in_dim3A : f32 to vector<16xf32>
    %scan3A = arith.constant 0 : i32
    %scan3A_4 = arith.constant 0 : i32
    %scan3A_5 = arith.constant 128 : i32
    %scan3A_6 = arith.addi %scan3A_4, %scan3A_5 : i32
    %scan3A_7 = arith.constant 1 : i32
    scf.for %scan3A_36 = %scan3A_4 to %scan3A_6 step %scan3A_7  : i32 {
      %swap3A = arith.index_cast %scan3A_36 : i32 to index
      %swap3A_37 = arith.constant 0 : index
      %swap3A_38 = tpu.vector_load %arg8[%swap3A, %swap3A_37] {strides = array<i32>} : memref<128x128xf32, #tpu.memory_space<vmem>>, vector<1x16xf32>,
      %swap3A_39 = vector.shape_cast %swap3A_38 : vector<1x16xf32> to vector<16xf32>
      %swap3A_40 = vector.shape_cast %broadcast_in_dim3A_3 : vector<16xf32> to vector<1x16xf32>
      tpu.vector_store %arg8[%swap3A, %swap3A_37], %swap3A_40 {strides = array<i32>} : memref<128x128xf32, #tpu.memory_space<vmem>>, vector<1x16xf32>,
      %swap3A_41 = arith.index_cast %scan3A_36 : i32 to index
      %swap3A_42 = arith.constant 16 : index
      %swap3A_43 = tpu.vector_load %arg8[%swap3A_41, %swap3A_42] {strides = array<i32>} : memref<128x128xf32, #tpu.memory_space<vmem>>, vector<1x16xf32>,
      %swap3A_44 = vector.shape_cast %swap3A_43 : vector<1x16xf32> to vector<16xf32>
      %swap3A_45 = vector.shape_cast %broadcast_in_dim3A_3 : vector<16xf32> to vector<1x16xf32>
      tpu.vector_store %arg8[%swap3A_41, %swap3A_42], %swap3A_45 {strides = array<i32>} : memref<128x128xf32, #tpu.memory_space<vmem>>, vector<1x16xf32>,
      %swap3A_46 = arith.index_cast %scan3A_36 : i32 to index
      %swap3A_47 = arith.constant 32 : index
      %swap3A_48 = tpu.vector_load %arg8[%swap3A_46, %swap3A_47] {strides = array<i32>} : memref<128x128xf32, #tpu.memory_space<vmem>>, vector<1x16xf32>,
      %swap3A_49 = vector.shape_cast %swap3A_48 : vector<1x16xf32> to vector<16xf32>
      %swap3A_50 = vector.shape_cast %broadcast_in_dim3A_3 : vector<16xf32> to vector<1x16xf32>
      tpu.vector_store %arg8[%swap3A_46, %swap3A_47], %swap3A_50 {strides = array<i32>} : memref<128x128xf32, #tpu.memory_space<vmem>>, vector<1x16xf32>,
      %swap3A_51 = arith.index_cast %scan3A_36 : i32 to index
      %swap3A_52 = arith.constant 48 : index
      %swap3A_53 = tpu.vector_load %arg8[%swap3A_51, %swap3A_52] {strides = array<i32>} : memref<128x128xf32, #tpu.memory_space<vmem>>, vector<1x16xf32>,
      %swap3A_54 = vector.shape_cast %swap3A_53 : vector<1x16xf32> to vector<16xf32>
      %swap3A_55 = vector.shape_cast %broadcast_in_dim3A_3 : vector<16xf32> to vector<1x16xf32>
      tpu.vector_store %arg8[%swap3A_51, %swap3A_52], %swap3A_55 {strides = array<i32>} : memref<128x128xf32, #tpu.memory_space<vmem>>, vector<1x16xf32>,
      %swap3A_56 = arith.index_cast %scan3A_36 : i32 to index
      %swap3A_57 = arith.constant 64 : index
      %swap3A_58 = tpu.vector_load %arg8[%swap3A_56, %swap3A_57] {strides = array<i32>} : memref<128x128xf32, #tpu.memory_space<vmem>>, vector<1x16xf32>,
      %swap3A_59 = vector.shape_cast %swap3A_58 : vector<1x16xf32> to vector<16xf32>
      %swap3A_60 = vector.shape_cast %broadcast_in_dim3A_3 : vector<16xf32> to vector<1x16xf32>
      tpu.vector_store %arg8[%swap3A_56, %swap3A_57], %swap3A_60 {strides = array<i32>} : memref<128x128xf32, #tpu.memory_space<vmem>>, vector<1x16xf32>,
      %swap3A_61 = arith.index_cast %scan3A_36 : i32 to index
      %swap3A_62 = arith.constant 80 : index
      %swap3A_63 = tpu.vector_load %arg8[%swap3A_61, %swap3A_62] {strides = array<i32>} : memref<128x128xf32, #tpu.memory_space<vmem>>, vector<1x16xf32>,
      %swap3A_64 = vector.shape_cast %swap3A_63 : vector<1x16xf32> to vector<16xf32>
      %swap3A_65 = vector.shape_cast %broadcast_in_dim3A_3 : vector<16xf32> to vector<1x16xf32>
      tpu.vector_store %arg8[%swap3A_61, %swap3A_62], %swap3A_65 {strides = array<i32>} : memref<128x128xf32, #tpu.memory_space<vmem>>, vector<1x16xf32>,
      %swap3A_66 = arith.index_cast %scan3A_36 : i32 to index
      %swap3A_67 = arith.constant 96 : index
      %swap3A_68 = tpu.vector_load %arg8[%swap3A_66, %swap3A_67] {strides = array<i32>} : memref<128x128xf32, #tpu.memory_space<vmem>>, vector<1x16xf32>,
      %swap3A_69 = vector.shape_cast %swap3A_68 : vector<1x16xf32> to vector<16xf32>
      %swap3A_70 = vector.shape_cast %broadcast_in_dim3A_3 : vector<16xf32> to vector<1x16xf32>
      tpu.vector_store %arg8[%swap3A_66, %swap3A_67], %swap3A_70 {strides = array<i32>} : memref<128x128xf32, #tpu.memory_space<vmem>>, vector<1x16xf32>,
      %swap3A_71 = arith.index_cast %scan3A_36 : i32 to index
      %swap3A_72 = arith.constant 112 : index
      %swap3A_73 = tpu.vector_load %arg8[%swap3A_71, %swap3A_72] {strides = array<i32>} : memref<128x128xf32, #tpu.memory_space<vmem>>, vector<1x16xf32>,
      %swap3A_74 = vector.shape_cast %swap3A_73 : vector<1x16xf32> to vector<16xf32>
      %swap3A_75 = vector.shape_cast %broadcast_in_dim3A_3 : vector<16xf32> to vector<1x16xf32>
      tpu.vector_store %arg8[%swap3A_71, %swap3A_72], %swap3A_75 {strides = array<i32>} : memref<128x128xf32, #tpu.memory_space<vmem>>, vector<1x16xf32>,
    }
    %scan3A_8 = arith.constant 128 : i32
    %add3A_9 = arith.constant 0 : i32
    %add3A_10 = arith.addi %mul3A_2, %add3A_9 : i32
    "tpu.region"() ({
      %run_scoped3A = tpu.sem_alloc : memref<!tpu.dma_semaphore, #tpu.memory_space<semaphore_mem>>
      %dma_start3A = arith.constant 0 : i32
      %dma_start3A_36 = tpu.memref_slice %arg10[%add3A_10, %dma_start3A] : memref<10240x128xf32, #tpu.memory_space<vmem_shared>> -> memref<128x128xf32, #tpu.memory_space<vmem_shared>>
      %dma_start3A_37 = arith.constant 0 : i32
      %dma_start3A_38 = tpu.memref_slice %arg10[%add3A_10, %dma_start3A_37] : memref<10240x128xf32, #tpu.memory_space<vmem_shared>> -> memref<128x128xf32, #tpu.memory_space<vmem_shared>>
      tpu.enqueue_dma source(%arg8 : memref<128x128xf32, #tpu.memory_space<vmem>>) target(%dma_start3A_38 : memref<128x128xf32, #tpu.memory_space<vmem_shared>>) target_semaphore(%run_scoped3A : memref<!tpu.dma_semaphore, #tpu.memory_space<semaphore_mem>>)
      %dma_wait3A = arith.constant 0 : i32
      %dma_wait3A_39 = tpu.memref_slice %arg10[%add3A_10, %dma_wait3A] : memref<10240x128xf32, #tpu.memory_space<vmem_shared>> -> memref<128x128xf32, #tpu.memory_space<vmem_shared>>
      %dma_wait3A_40 = arith.constant 0 : i32
      %dma_wait3A_41 = tpu.memref_slice %arg10[%add3A_10, %dma_wait3A_40] : memref<10240x128xf32, #tpu.memory_space<vmem_shared>> -> memref<128x128xf32, #tpu.memory_space<vmem_shared>>
      tpu.wait_dma2 semaphore(%run_scoped3A : memref<!tpu.dma_semaphore, #tpu.memory_space<semaphore_mem>>) src(%arg8 : memref<128x128xf32, #tpu.memory_space<vmem>>) dst(%dma_wait3A_41 : memref<128x128xf32, #tpu.memory_space<vmem_shared>>)
      tpu.yield
    }) : () -> ()
    %add3A_11 = arith.constant 128 : i32
    %add3A_12 = arith.addi %mul3A_2, %add3A_11 : i32
    "tpu.region"() ({
      %run_scoped3A = tpu.sem_alloc : memref<!tpu.dma_semaphore, #tpu.memory_space<semaphore_mem>>
      %dma_start3A = arith.constant 0 : i32
      %dma_start3A_36 = tpu.memref_slice %arg10[%add3A_12, %dma_start3A] : memref<10240x128xf32, #tpu.memory_space<vmem_shared>> -> memref<128x128xf32, #tpu.memory_space<vmem_shared>>
      %dma_start3A_37 = arith.constant 0 : i32
      %dma_start3A_38 = tpu.memref_slice %arg10[%add3A_12, %dma_start3A_37] : memref<10240x128xf32, #tpu.memory_space<vmem_shared>> -> memref<128x128xf32, #tpu.memory_space<vmem_shared>>
      tpu.enqueue_dma source(%arg8 : memref<128x128xf32, #tpu.memory_space<vmem>>) target(%dma_start3A_38 : memref<128x128xf32, #tpu.memory_space<vmem_shared>>) target_semaphore(%run_scoped3A : memref<!tpu.dma_semaphore, #tpu.memory_space<semaphore_mem>>)
      %dma_wait3A = arith.constant 0 : i32
      %dma_wait3A_39 = tpu.memref_slice %arg10[%add3A_12, %dma_wait3A] : memref<10240x128xf32, #tpu.memory_space<vmem_shared>> -> memref<128x128xf32, #tpu.memory_space<vmem_shared>>
      %dma_wait3A_40 = arith.constant 0 : i32
      %dma_wait3A_41 = tpu.memref_slice %arg10[%add3A_12, %dma_wait3A_40] : memref<10240x128xf32, #tpu.memory_space<vmem_shared>> -> memref<128x128xf32, #tpu.memory_space<vmem_shared>>
      tpu.wait_dma2 semaphore(%run_scoped3A : memref<!tpu.dma_semaphore, #tpu.memory_space<semaphore_mem>>) src(%arg8 : memref<128x128xf32, #tpu.memory_space<vmem>>) dst(%dma_wait3A_41 : memref<128x128xf32, #tpu.memory_space<vmem_shared>>)
      tpu.yield
    }) : () -> ()
    %add3A_13 = arith.constant 256 : i32
    %add3A_14 = arith.addi %mul3A_2, %add3A_13 : i32
    "tpu.region"() ({
      %run_scoped3A = tpu.sem_alloc : memref<!tpu.dma_semaphore, #tpu.memory_space<semaphore_mem>>
      %dma_start3A = arith.constant 0 : i32
      %dma_start3A_36 = tpu.memref_slice %arg10[%add3A_14, %dma_start3A] : memref<10240x128xf32, #tpu.memory_space<vmem_shared>> -> memref<128x128xf32, #tpu.memory_space<vmem_shared>>
      %dma_start3A_37 = arith.constant 0 : i32
      %dma_start3A_38 = tpu.memref_slice %arg10[%add3A_14, %dma_start3A_37] : memref<10240x128xf32, #tpu.memory_space<vmem_shared>> -> memref<128x128xf32, #tpu.memory_space<vmem_shared>>
      tpu.enqueue_dma source(%arg8 : memref<128x128xf32, #tpu.memory_space<vmem>>) target(%dma_start3A_38 : memref<128x128xf32, #tpu.memory_space<vmem_shared>>) target_semaphore(%run_scoped3A : memref<!tpu.dma_semaphore, #tpu.memory_space<semaphore_mem>>)
      %dma_wait3A = arith.constant 0 : i32
      %dma_wait3A_39 = tpu.memref_slice %arg10[%add3A_14, %dma_wait3A] : memref<10240x128xf32, #tpu.memory_space<vmem_shared>> -> memref<128x128xf32, #tpu.memory_space<vmem_shared>>
      %dma_wait3A_40 = arith.constant 0 : i32
      %dma_wait3A_41 = tpu.memref_slice %arg10[%add3A_14, %dma_wait3A_40] : memref<10240x128xf32, #tpu.memory_space<vmem_shared>> -> memref<128x128xf32, #tpu.memory_space<vmem_shared>>
      tpu.wait_dma2 semaphore(%run_scoped3A : memref<!tpu.dma_semaphore, #tpu.memory_space<semaphore_mem>>) src(%arg8 : memref<128x128xf32, #tpu.memory_space<vmem>>) dst(%dma_wait3A_41 : memref<128x128xf32, #tpu.memory_space<vmem_shared>>)
      tpu.yield
    }) : () -> ()
    %add3A_15 = arith.constant 384 : i32
    %add3A_16 = arith.addi %mul3A_2, %add3A_15 : i32
    "tpu.region"() ({
      %run_scoped3A = tpu.sem_alloc : memref<!tpu.dma_semaphore, #tpu.memory_space<semaphore_mem>>
      %dma_start3A = arith.constant 0 : i32
      %dma_start3A_36 = tpu.memref_slice %arg10[%add3A_16, %dma_start3A] : memref<10240x128xf32, #tpu.memory_space<vmem_shared>> -> memref<128x128xf32, #tpu.memory_space<vmem_shared>>
      %dma_start3A_37 = arith.constant 0 : i32
      %dma_start3A_38 = tpu.memref_slice %arg10[%add3A_16, %dma_start3A_37] : memref<10240x128xf32, #tpu.memory_space<vmem_shared>> -> memref<128x128xf32, #tpu.memory_space<vmem_shared>>
      tpu.enqueue_dma source(%arg8 : memref<128x128xf32, #tpu.memory_space<vmem>>) target(%dma_start3A_38 : memref<128x128xf32, #tpu.memory_space<vmem_shared>>) target_semaphore(%run_scoped3A : memref<!tpu.dma_semaphore, #tpu.memory_space<semaphore_mem>>)
      %dma_wait3A = arith.constant 0 : i32
      %dma_wait3A_39 = tpu.memref_slice %arg10[%add3A_16, %dma_wait3A] : memref<10240x128xf32, #tpu.memory_space<vmem_shared>> -> memref<128x128xf32, #tpu.memory_space<vmem_shared>>
      %dma_wait3A_40 = arith.constant 0 : i32
      %dma_wait3A_41 = tpu.memref_slice %arg10[%add3A_16, %dma_wait3A_40] : memref<10240x128xf32, #tpu.memory_space<vmem_shared>> -> memref<128x128xf32, #tpu.memory_space<vmem_shared>>
      tpu.wait_dma2 semaphore(%run_scoped3A : memref<!tpu.dma_semaphore, #tpu.memory_space<semaphore_mem>>) src(%arg8 : memref<128x128xf32, #tpu.memory_space<vmem>>) dst(%dma_wait3A_41 : memref<128x128xf32, #tpu.memory_space<vmem_shared>>)
      tpu.yield
    }) : () -> ()
    %add3A_17 = arith.constant 512 : i32
    %add3A_18 = arith.addi %mul3A_2, %add3A_17 : i32
    "tpu.region"() ({
      %run_scoped3A = tpu.sem_alloc : memref<!tpu.dma_semaphore, #tpu.memory_space<semaphore_mem>>
      %dma_start3A = arith.constant 0 : i32
      %dma_start3A_36 = tpu.memref_slice %arg10[%add3A_18, %dma_start3A] : memref<10240x128xf32, #tpu.memory_space<vmem_shared>> -> memref<128x128xf32, #tpu.memory_space<vmem_shared>>
      %dma_start3A_37 = arith.constant 0 : i32
      %dma_start3A_38 = tpu.memref_slice %arg10[%add3A_18, %dma_start3A_37] : memref<10240x128xf32, #tpu.memory_space<vmem_shared>> -> memref<128x128xf32, #tpu.memory_space<vmem_shared>>
      tpu.enqueue_dma source(%arg8 : memref<128x128xf32, #tpu.memory_space<vmem>>) target(%dma_start3A_38 : memref<128x128xf32, #tpu.memory_space<vmem_shared>>) target_semaphore(%run_scoped3A : memref<!tpu.dma_semaphore, #tpu.memory_space<semaphore_mem>>)
      %dma_wait3A = arith.constant 0 : i32
      %dma_wait3A_39 = tpu.memref_slice %arg10[%add3A_18, %dma_wait3A] : memref<10240x128xf32, #tpu.memory_space<vmem_shared>> -> memref<128x128xf32, #tpu.memory_space<vmem_shared>>
      %dma_wait3A_40 = arith.constant 0 : i32
      %dma_wait3A_41 = tpu.memref_slice %arg10[%add3A_18, %dma_wait3A_40] : memref<10240x128xf32, #tpu.memory_space<vmem_shared>> -> memref<128x128xf32, #tpu.memory_space<vmem_shared>>
      tpu.wait_dma2 semaphore(%run_scoped3A : memref<!tpu.dma_semaphore, #tpu.memory_space<semaphore_mem>>) src(%arg8 : memref<128x128xf32, #tpu.memory_space<vmem>>) dst(%dma_wait3A_41 : memref<128x128xf32, #tpu.memory_space<vmem_shared>>)
      tpu.yield
    }) : () -> ()
    %barrier3A = arith.constant 0 : index
    tpu.barrier barrier_id(%barrier3A)
    %scan3A_19 = arith.constant 0 : i32
    %scan3A_20 = arith.constant 0 : i32
    %scan3A_21 = arith.constant 5 : i32
    %scan3A_22 = arith.addi %scan3A_20, %scan3A_21 : i32
    %scan3A_23 = arith.constant 1 : i32
    scf.for %scan3A_36 = %scan3A_20 to %scan3A_22 step %scan3A_23  : i32 {
      "tpu.region"() ({
        %run_scoped3A = tpu.sem_alloc : memref<!tpu.dma_semaphore, #tpu.memory_space<semaphore_mem>>
        %dma_start3A_61 = arith.constant 0 : i32
        %dma_start3A_62 = arith.constant 0 : i32
        %dma_start3A_63 = tpu.memref_slice %arg2[%add3A, %scan3A_36, %dma_start3A_61, %dma_start3A_62] : memref<32x5x16x128xi32, #tpu.memory_space<hbm>> -> memref<1x1x16x128xi32, #tpu.memory_space<hbm>>
        %dma_start3A_64 = tpu.memref_squeeze %dma_start3A_63 : memref<1x1x16x128xi32, #tpu.memory_space<hbm>> -> memref<16x128xi32, #tpu.memory_space<hbm>>
        %dma_start3A_65 = arith.constant 0 : i32
        %dma_start3A_66 = arith.constant 0 : i32
        %dma_start3A_67 = tpu.memref_slice %arg2[%add3A, %scan3A_36, %dma_start3A_65, %dma_start3A_66] : memref<32x5x16x128xi32, #tpu.memory_space<hbm>> -> memref<1x1x16x128xi32, #tpu.memory_space<hbm>>
        %dma_start3A_68 = tpu.memref_squeeze %dma_start3A_67 : memref<1x1x16x128xi32, #tpu.memory_space<hbm>> -> memref<16x128xi32, #tpu.memory_space<hbm>>
        tpu.enqueue_dma source(%dma_start3A_68 : memref<16x128xi32, #tpu.memory_space<hbm>>) target(%arg6 : memref<16x128xi32, #tpu.memory_space<vmem>>) target_semaphore(%run_scoped3A : memref<!tpu.dma_semaphore, #tpu.memory_space<semaphore_mem>>)
        %dma_wait3A_69 = arith.constant 0 : i32
        %dma_wait3A_70 = arith.constant 0 : i32
        %dma_wait3A_71 = tpu.memref_slice %arg2[%add3A, %scan3A_36, %dma_wait3A_69, %dma_wait3A_70] : memref<32x5x16x128xi32, #tpu.memory_space<hbm>> -> memref<1x1x16x128xi32, #tpu.memory_space<hbm>>
        %dma_wait3A_72 = tpu.memref_squeeze %dma_wait3A_71 : memref<1x1x16x128xi32, #tpu.memory_space<hbm>> -> memref<16x128xi32, #tpu.memory_space<hbm>>
        %dma_wait3A_73 = arith.constant 0 : i32
        %dma_wait3A_74 = arith.constant 0 : i32
        %dma_wait3A_75 = tpu.memref_slice %arg2[%add3A, %scan3A_36, %dma_wait3A_73, %dma_wait3A_74] : memref<32x5x16x128xi32, #tpu.memory_space<hbm>> -> memref<1x1x16x128xi32, #tpu.memory_space<hbm>>
        %dma_wait3A_76 = tpu.memref_squeeze %dma_wait3A_75 : memref<1x1x16x128xi32, #tpu.memory_space<hbm>> -> memref<16x128xi32, #tpu.memory_space<hbm>>
        tpu.wait_dma2 semaphore(%run_scoped3A : memref<!tpu.dma_semaphore, #tpu.memory_space<semaphore_mem>>) src(%dma_wait3A_76 : memref<16x128xi32, #tpu.memory_space<hbm>>) dst(%arg6 : memref<16x128xi32, #tpu.memory_space<vmem>>)
        tpu.yield
      }) : () -> ()
      "tpu.region"() ({
        %run_scoped3A = tpu.sem_alloc : memref<!tpu.dma_semaphore, #tpu.memory_space<semaphore_mem>>
        %dma_start3A_61 = arith.constant 0 : i32
        %dma_start3A_62 = arith.constant 0 : i32
        %dma_start3A_63 = tpu.memref_slice %arg3[%add3A, %scan3A_36, %dma_start3A_61, %dma_start3A_62] : memref<32x5x16x128xi32, #tpu.memory_space<hbm>> -> memref<1x1x16x128xi32, #tpu.memory_space<hbm>>
        %dma_start3A_64 = tpu.memref_squeeze %dma_start3A_63 : memref<1x1x16x128xi32, #tpu.memory_space<hbm>> -> memref<16x128xi32, #tpu.memory_space<hbm>>
        %dma_start3A_65 = arith.constant 0 : i32
        %dma_start3A_66 = arith.constant 0 : i32
        %dma_start3A_67 = tpu.memref_slice %arg3[%add3A, %scan3A_36, %dma_start3A_65, %dma_start3A_66] : memref<32x5x16x128xi32, #tpu.memory_space<hbm>> -> memref<1x1x16x128xi32, #tpu.memory_space<hbm>>
        %dma_start3A_68 = tpu.memref_squeeze %dma_start3A_67 : memref<1x1x16x128xi32, #tpu.memory_space<hbm>> -> memref<16x128xi32, #tpu.memory_space<hbm>>
        tpu.enqueue_dma source(%dma_start3A_68 : memref<16x128xi32, #tpu.memory_space<hbm>>) target(%arg7 : memref<16x128xi32, #tpu.memory_space<vmem>>) target_semaphore(%run_scoped3A : memref<!tpu.dma_semaphore, #tpu.memory_space<semaphore_mem>>)
        %dma_wait3A_69 = arith.constant 0 : i32
        %dma_wait3A_70 = arith.constant 0 : i32
        %dma_wait3A_71 = tpu.memref_slice %arg3[%add3A, %scan3A_36, %dma_wait3A_69, %dma_wait3A_70] : memref<32x5x16x128xi32, #tpu.memory_space<hbm>> -> memref<1x1x16x128xi32, #tpu.memory_space<hbm>>
        %dma_wait3A_72 = tpu.memref_squeeze %dma_wait3A_71 : memref<1x1x16x128xi32, #tpu.memory_space<hbm>> -> memref<16x128xi32, #tpu.memory_space<hbm>>
        %dma_wait3A_73 = arith.constant 0 : i32
        %dma_wait3A_74 = arith.constant 0 : i32
        %dma_wait3A_75 = tpu.memref_slice %arg3[%add3A, %scan3A_36, %dma_wait3A_73, %dma_wait3A_74] : memref<32x5x16x128xi32, #tpu.memory_space<hbm>> -> memref<1x1x16x128xi32, #tpu.memory_space<hbm>>
        %dma_wait3A_76 = tpu.memref_squeeze %dma_wait3A_75 : memref<1x1x16x128xi32, #tpu.memory_space<hbm>> -> memref<16x128xi32, #tpu.memory_space<hbm>>
        tpu.wait_dma2 semaphore(%run_scoped3A : memref<!tpu.dma_semaphore, #tpu.memory_space<semaphore_mem>>) src(%dma_wait3A_76 : memref<16x128xi32, #tpu.memory_space<hbm>>) dst(%arg7 : memref<16x128xi32, #tpu.memory_space<vmem>>)
        tpu.yield
      }) : () -> ()
      %dma_start3A = arith.constant 0 : i32
      %dma_start3A_37 = arith.constant 0 : i32
      %dma_start3A_38 = tpu.memref_slice %arg6[%dma_start3A, %dma_start3A_37] : memref<16x128xi32, #tpu.memory_space<vmem>> -> memref<1x128xi32, #tpu.memory_space<vmem>>
      %dma_start3A_39 = tpu.memref_squeeze %dma_start3A_38 : memref<1x128xi32, #tpu.memory_space<vmem>> -> memref<128xi32, #tpu.memory_space<vmem>>
      %dma_start3A_40 = arith.constant 0 : i32
      %dma_start3A_41 = arith.constant 0 : i32
      %dma_start3A_42 = tpu.memref_slice %arg4[%dma_start3A_40, %dma_start3A_41] : memref<10240x128xf32, #tpu.memory_space<hbm>> -> memref<10240x128xf32, #tpu.memory_space<hbm>>
      tpu.enqueue_indirect_dma source(%dma_start3A_42 : memref<10240x128xf32, #tpu.memory_space<hbm>>) target(%arg8 : memref<128x128xf32, #tpu.memory_space<vmem>>) offsets(%dma_start3A_39 : memref<128xi32, #tpu.memory_space<vmem>>) semaphore(%arg11 : memref<!tpu.dma_semaphore, #tpu.memory_space<semaphore_mem>>)
      %scan3A_43 = arith.constant 0 : i32
      %scan3A_44 = arith.constant 8 : i32
      %scan3A_45 = arith.addi %scan3A_43, %scan3A_44 : i32
      %scan3A_46 = arith.constant 1 : i32
      scf.for %scan3A_61 = %scan3A_43 to %scan3A_45 step %scan3A_46  : i32 {
        %mul3A_62 = arith.constant 2 : i32
        %mul3A_63 = arith.muli %mul3A_62, %scan3A_61 : i32
        %add3A_64 = arith.constant 1 : i32
        %add3A_65 = arith.addi %mul3A_63, %add3A_64 : i32
        %gt3A = arith.constant 0 : i32
        %gt3A_66 = arith.cmpi sgt, %scan3A_61, %gt3A : i32
        %convert_element_type3A = arith.extui %gt3A_66 : i1 to i32
        %cond3A = arith.constant 0 : i32
        %cond3A_67 = arith.cmpi ne, %convert_element_type3A, %cond3A : i32
        scf.if %cond3A_67 {
          %sub3A = arith.constant 2 : i32
          %sub3A_104 = arith.subi %add3A_65, %sub3A : i32
          %dma_wait3A_105 = arith.constant 0 : i32
          %dma_wait3A_106 = tpu.memref_slice %arg7[%sub3A_104, %dma_wait3A_105] : memref<16x128xi32, #tpu.memory_space<vmem>> -> memref<1x128xi32, #tpu.memory_space<vmem>>
          %dma_wait3A_107 = tpu.memref_squeeze %dma_wait3A_106 : memref<1x128xi32, #tpu.memory_space<vmem>> -> memref<128xi32, #tpu.memory_space<vmem>>
          %dma_wait3A_108 = arith.constant 0 : i32
          %dma_wait3A_109 = arith.constant 0 : i32
          %dma_wait3A_110 = tpu.memref_slice %arg10[%dma_wait3A_108, %dma_wait3A_109] : memref<10240x128xf32, #tpu.memory_space<vmem_shared>> -> memref<10240x128xf32, #tpu.memory_space<vmem_shared>>
          tpu.wait_indirect_dma semaphore(%arg14 : memref<!tpu.dma_semaphore, #tpu.memory_space<semaphore_mem>>) src(%arg9 : memref<128x128xf32, #tpu.memory_space<vmem>>) dst(%dma_wait3A_110 : memref<10240x128xf32, #tpu.memory_space<vmem_shared>>)
        } else {
        }
        %dma_start3A_68 = arith.constant 0 : i32
        %dma_start3A_69 = tpu.memref_slice %arg6[%add3A_65, %dma_start3A_68] : memref<16x128xi32, #tpu.memory_space<vmem>> -> memref<1x128xi32, #tpu.memory_space<vmem>>
        %dma_start3A_70 = tpu.memref_squeeze %dma_start3A_69 : memref<1x128xi32, #tpu.memory_space<vmem>> -> memref<128xi32, #tpu.memory_space<vmem>>
        %dma_start3A_71 = arith.constant 0 : i32
        %dma_start3A_72 = arith.constant 0 : i32
        %dma_start3A_73 = tpu.memref_slice %arg4[%dma_start3A_71, %dma_start3A_72] : memref<10240x128xf32, #tpu.memory_space<hbm>> -> memref<10240x128xf32, #tpu.memory_space<hbm>>
        tpu.enqueue_indirect_dma source(%dma_start3A_73 : memref<10240x128xf32, #tpu.memory_space<hbm>>) target(%arg9 : memref<128x128xf32, #tpu.memory_space<vmem>>) offsets(%dma_start3A_70 : memref<128xi32, #tpu.memory_space<vmem>>) semaphore(%arg12 : memref<!tpu.dma_semaphore, #tpu.memory_space<semaphore_mem>>)
        %dma_wait3A_74 = arith.constant 0 : i32
        %dma_wait3A_75 = tpu.memref_slice %arg6[%mul3A_63, %dma_wait3A_74] : memref<16x128xi32, #tpu.memory_space<vmem>> -> memref<1x128xi32, #tpu.memory_space<vmem>>
        %dma_wait3A_76 = tpu.memref_squeeze %dma_wait3A_75 : memref<1x128xi32, #tpu.memory_space<vmem>> -> memref<128xi32, #tpu.memory_space<vmem>>
        %dma_wait3A_77 = arith.constant 0 : i32
        %dma_wait3A_78 = arith.constant 0 : i32
        %dma_wait3A_79 = tpu.memref_slice %arg4[%dma_wait3A_77, %dma_wait3A_78] : memref<10240x128xf32, #tpu.memory_space<hbm>> -> memref<10240x128xf32, #tpu.memory_space<hbm>>
        tpu.wait_indirect_dma semaphore(%arg11 : memref<!tpu.dma_semaphore, #tpu.memory_space<semaphore_mem>>) src(%dma_wait3A_79 : memref<10240x128xf32, #tpu.memory_space<hbm>>) dst(%arg8 : memref<128x128xf32, #tpu.memory_space<vmem>>)
        %dma_start3A_80 = arith.constant 0 : i32
        %dma_start3A_81 = tpu.memref_slice %arg7[%mul3A_63, %dma_start3A_80] : memref<16x128xi32, #tpu.memory_space<vmem>> -> memref<1x128xi32, #tpu.memory_space<vmem>>
        %dma_start3A_82 = tpu.memref_squeeze %dma_start3A_81 : memref<1x128xi32, #tpu.memory_space<vmem>> -> memref<128xi32, #tpu.memory_space<vmem>>
        %dma_start3A_83 = arith.constant 0 : i32
        %dma_start3A_84 = arith.constant 0 : i32
        %dma_start3A_85 = tpu.memref_slice %arg10[%dma_start3A_83, %dma_start3A_84] : memref<10240x128xf32, #tpu.memory_space<vmem_shared>> -> memref<10240x128xf32, #tpu.memory_space<vmem_shared>>
        tpu.enqueue_indirect_dma source(%arg8 : memref<128x128xf32, #tpu.memory_space<vmem>>) target(%dma_start3A_85 : memref<10240x128xf32, #tpu.memory_space<vmem_shared>>) offsets(%dma_start3A_82 : memref<128xi32, #tpu.memory_space<vmem>>) semaphore(%arg13 : memref<!tpu.dma_semaphore, #tpu.memory_space<semaphore_mem>>) {add = true}
        %add3A_86 = arith.constant 1 : i32
        %add3A_87 = arith.addi %add3A_65, %add3A_86 : i32
        %lt3A = arith.constant 16 : i32
        %lt3A_88 = arith.cmpi slt, %add3A_87, %lt3A : i32
        %convert_element_type3A_89 = arith.extui %lt3A_88 : i1 to i32
        %cond3A_90 = arith.constant 0 : i32
        %cond3A_91 = arith.cmpi ne, %convert_element_type3A_89, %cond3A_90 : i32
        scf.if %cond3A_91 {
          %dma_wait3A_104 = arith.constant 0 : i32
          %dma_wait3A_105 = tpu.memref_slice %arg7[%mul3A_63, %dma_wait3A_104] : memref<16x128xi32, #tpu.memory_space<vmem>> -> memref<1x128xi32, #tpu.memory_space<vmem>>
          %dma_wait3A_106 = tpu.memref_squeeze %dma_wait3A_105 : memref<1x128xi32, #tpu.memory_space<vmem>> -> memref<128xi32, #tpu.memory_space<vmem>>
          %dma_wait3A_107 = arith.constant 0 : i32
          %dma_wait3A_108 = arith.constant 0 : i32
          %dma_wait3A_109 = tpu.memref_slice %arg10[%dma_wait3A_107, %dma_wait3A_108] : memref<10240x128xf32, #tpu.memory_space<vmem_shared>> -> memref<10240x128xf32, #tpu.memory_space<vmem_shared>>
          tpu.wait_indirect_dma semaphore(%arg13 : memref<!tpu.dma_semaphore, #tpu.memory_space<semaphore_mem>>) src(%arg8 : memref<128x128xf32, #tpu.memory_space<vmem>>) dst(%dma_wait3A_109 : memref<10240x128xf32, #tpu.memory_space<vmem_shared>>)
          %add3A_110 = arith.constant 1 : i32
          %add3A_111 = arith.addi %add3A_65, %add3A_110 : i32
          %dma_start3A_112 = arith.constant 0 : i32
          %dma_start3A_113 = tpu.memref_slice %arg6[%add3A_111, %dma_start3A_112] : memref<16x128xi32, #tpu.memory_space<vmem>> -> memref<1x128xi32, #tpu.memory_space<vmem>>
          %dma_start3A_114 = tpu.memref_squeeze %dma_start3A_113 : memref<1x128xi32, #tpu.memory_space<vmem>> -> memref<128xi32, #tpu.memory_space<vmem>>
          %dma_start3A_115 = arith.constant 0 : i32
          %dma_start3A_116 = arith.constant 0 : i32
          %dma_start3A_117 = tpu.memref_slice %arg4[%dma_start3A_115, %dma_start3A_116] : memref<10240x128xf32, #tpu.memory_space<hbm>> -> memref<10240x128xf32, #tpu.memory_space<hbm>>
          tpu.enqueue_indirect_dma source(%dma_start3A_117 : memref<10240x128xf32, #tpu.memory_space<hbm>>) target(%arg8 : memref<128x128xf32, #tpu.memory_space<vmem>>) offsets(%dma_start3A_114 : memref<128xi32, #tpu.memory_space<vmem>>) semaphore(%arg11 : memref<!tpu.dma_semaphore, #tpu.memory_space<semaphore_mem>>)
        } else {
        }
        %dma_wait3A_92 = arith.constant 0 : i32
        %dma_wait3A_93 = tpu.memref_slice %arg6[%add3A_65, %dma_wait3A_92] : memref<16x128xi32, #tpu.memory_space<vmem>> -> memref<1x128xi32, #tpu.memory_space<vmem>>
        %dma_wait3A_94 = tpu.memref_squeeze %dma_wait3A_93 : memref<1x128xi32, #tpu.memory_space<vmem>> -> memref<128xi32, #tpu.memory_space<vmem>>
        %dma_wait3A_95 = arith.constant 0 : i32
        %dma_wait3A_96 = arith.constant 0 : i32
        %dma_wait3A_97 = tpu.memref_slice %arg4[%dma_wait3A_95, %dma_wait3A_96] : memref<10240x128xf32, #tpu.memory_space<hbm>> -> memref<10240x128xf32, #tpu.memory_space<hbm>>
        tpu.wait_indirect_dma semaphore(%arg12 : memref<!tpu.dma_semaphore, #tpu.memory_space<semaphore_mem>>) src(%dma_wait3A_97 : memref<10240x128xf32, #tpu.memory_space<hbm>>) dst(%arg9 : memref<128x128xf32, #tpu.memory_space<vmem>>)
        %dma_start3A_98 = arith.constant 0 : i32
        %dma_start3A_99 = tpu.memref_slice %arg7[%add3A_65, %dma_start3A_98] : memref<16x128xi32, #tpu.memory_space<vmem>> -> memref<1x128xi32, #tpu.memory_space<vmem>>
        %dma_start3A_100 = tpu.memref_squeeze %dma_start3A_99 : memref<1x128xi32, #tpu.memory_space<vmem>> -> memref<128xi32, #tpu.memory_space<vmem>>
        %dma_start3A_101 = arith.constant 0 : i32
        %dma_start3A_102 = arith.constant 0 : i32
        %dma_start3A_103 = tpu.memref_slice %arg10[%dma_start3A_101, %dma_start3A_102] : memref<10240x128xf32, #tpu.memory_space<vmem_shared>> -> memref<10240x128xf32, #tpu.memory_space<vmem_shared>>
        tpu.enqueue_indirect_dma source(%arg9 : memref<128x128xf32, #tpu.memory_space<vmem>>) target(%dma_start3A_103 : memref<10240x128xf32, #tpu.memory_space<vmem_shared>>) offsets(%dma_start3A_100 : memref<128xi32, #tpu.memory_space<vmem>>) semaphore(%arg14 : memref<!tpu.dma_semaphore, #tpu.memory_space<semaphore_mem>>) {add = true}
      }
      %scan3A_47 = arith.constant 8 : i32
      %dma_wait3A = arith.constant 14 : i32
      %dma_wait3A_48 = arith.constant 0 : i32
      %dma_wait3A_49 = tpu.memref_slice %arg7[%dma_wait3A, %dma_wait3A_48] : memref<16x128xi32, #tpu.memory_space<vmem>> -> memref<1x128xi32, #tpu.memory_space<vmem>>
      %dma_wait3A_50 = tpu.memref_squeeze %dma_wait3A_49 : memref<1x128xi32, #tpu.memory_space<vmem>> -> memref<128xi32, #tpu.memory_space<vmem>>
      %dma_wait3A_51 = arith.constant 0 : i32
      %dma_wait3A_52 = arith.constant 0 : i32
      %dma_wait3A_53 = tpu.memref_slice %arg10[%dma_wait3A_51, %dma_wait3A_52] : memref<10240x128xf32, #tpu.memory_space<vmem_shared>> -> memref<10240x128xf32, #tpu.memory_space<vmem_shared>>
      tpu.wait_indirect_dma semaphore(%arg13 : memref<!tpu.dma_semaphore, #tpu.memory_space<semaphore_mem>>) src(%arg8 : memref<128x128xf32, #tpu.memory_space<vmem>>) dst(%dma_wait3A_53 : memref<10240x128xf32, #tpu.memory_space<vmem_shared>>)
      %dma_wait3A_54 = arith.constant 15 : i32
      %dma_wait3A_55 = arith.constant 0 : i32
      %dma_wait3A_56 = tpu.memref_slice %arg7[%dma_wait3A_54, %dma_wait3A_55] : memref<16x128xi32, #tpu.memory_space<vmem>> -> memref<1x128xi32, #tpu.memory_space<vmem>>
      %dma_wait3A_57 = tpu.memref_squeeze %dma_wait3A_56 : memref<1x128xi32, #tpu.memory_space<vmem>> -> memref<128xi32, #tpu.memory_space<vmem>>
      %dma_wait3A_58 = arith.constant 0 : i32
      %dma_wait3A_59 = arith.constant 0 : i32
      %dma_wait3A_60 = tpu.memref_slice %arg10[%dma_wait3A_58, %dma_wait3A_59] : memref<10240x128xf32, #tpu.memory_space<vmem_shared>> -> memref<10240x128xf32, #tpu.memory_space<vmem_shared>>
      tpu.wait_indirect_dma semaphore(%arg14 : memref<!tpu.dma_semaphore, #tpu.memory_space<semaphore_mem>>) src(%arg9 : memref<128x128xf32, #tpu.memory_space<vmem>>) dst(%dma_wait3A_60 : memref<10240x128xf32, #tpu.memory_space<vmem_shared>>)
    }
    %scan3A_24 = arith.constant 5 : i32
    %barrier3A_25 = arith.constant 0 : index
    tpu.barrier barrier_id(%barrier3A_25)
    %add3A_26 = arith.constant 0 : i32
    %add3A_27 = arith.addi %mul3A_2, %add3A_26 : i32
    "tpu.region"() ({
      %run_scoped3A = tpu.sem_alloc : memref<!tpu.dma_semaphore, #tpu.memory_space<semaphore_mem>>
      %dma_start3A = arith.constant 0 : i32
      %dma_start3A_36 = tpu.memref_slice %arg10[%add3A_27, %dma_start3A] : memref<10240x128xf32, #tpu.memory_space<vmem_shared>> -> memref<128x128xf32, #tpu.memory_space<vmem_shared>>
      %dma_start3A_37 = arith.constant 0 : i32
      %dma_start3A_38 = tpu.memref_slice %arg10[%add3A_27, %dma_start3A_37] : memref<10240x128xf32, #tpu.memory_space<vmem_shared>> -> memref<128x128xf32, #tpu.memory_space<vmem_shared>>
      tpu.enqueue_dma source(%dma_start3A_38 : memref<128x128xf32, #tpu.memory_space<vmem_shared>>) target(%arg8 : memref<128x128xf32, #tpu.memory_space<vmem>>) target_semaphore(%run_scoped3A : memref<!tpu.dma_semaphore, #tpu.memory_space<semaphore_mem>>)
      %dma_wait3A = arith.constant 0 : i32
      %dma_wait3A_39 = tpu.memref_slice %arg10[%add3A_27, %dma_wait3A] : memref<10240x128xf32, #tpu.memory_space<vmem_shared>> -> memref<128x128xf32, #tpu.memory_space<vmem_shared>>
      %dma_wait3A_40 = arith.constant 0 : i32
      %dma_wait3A_41 = tpu.memref_slice %arg10[%add3A_27, %dma_wait3A_40] : memref<10240x128xf32, #tpu.memory_space<vmem_shared>> -> memref<128x128xf32, #tpu.memory_space<vmem_shared>>
      tpu.wait_dma2 semaphore(%run_scoped3A : memref<!tpu.dma_semaphore, #tpu.memory_space<semaphore_mem>>) src(%dma_wait3A_41 : memref<128x128xf32, #tpu.memory_space<vmem_shared>>) dst(%arg8 : memref<128x128xf32, #tpu.memory_space<vmem>>)
      tpu.yield
    }) : () -> ()
    "tpu.region"() ({
      %run_scoped3A = tpu.sem_alloc : memref<!tpu.dma_semaphore, #tpu.memory_space<semaphore_mem>>
      %dma_start3A = arith.constant 0 : i32
      %dma_start3A_36 = tpu.memref_slice %arg5[%arg0, %add3A_27, %dma_start3A] : memref<2x10240x128xf32, #tpu.memory_space<hbm>> -> memref<1x128x128xf32, #tpu.memory_space<hbm>>
      %dma_start3A_37 = tpu.memref_squeeze %dma_start3A_36 : memref<1x128x128xf32, #tpu.memory_space<hbm>> -> memref<128x128xf32, #tpu.memory_space<hbm>>
      %dma_start3A_38 = arith.constant 0 : i32
      %dma_start3A_39 = tpu.memref_slice %arg5[%arg0, %add3A_27, %dma_start3A_38] : memref<2x10240x128xf32, #tpu.memory_space<hbm>> -> memref<1x128x128xf32, #tpu.memory_space<hbm>>
      %dma_start3A_40 = tpu.memref_squeeze %dma_start3A_39 : memref<1x128x128xf32, #tpu.memory_space<hbm>> -> memref<128x128xf32, #tpu.memory_space<hbm>>
      tpu.enqueue_dma source(%arg8 : memref<128x128xf32, #tpu.memory_space<vmem>>) target(%dma_start3A_40 : memref<128x128xf32, #tpu.memory_space<hbm>>) target_semaphore(%run_scoped3A : memref<!tpu.dma_semaphore, #tpu.memory_space<semaphore_mem>>)
      %dma_wait3A = arith.constant 0 : i32
      %dma_wait3A_41 = tpu.memref_slice %arg5[%arg0, %add3A_27, %dma_wait3A] : memref<2x10240x128xf32, #tpu.memory_space<hbm>> -> memref<1x128x128xf32, #tpu.memory_space<hbm>>
      %dma_wait3A_42 = tpu.memref_squeeze %dma_wait3A_41 : memref<1x128x128xf32, #tpu.memory_space<hbm>> -> memref<128x128xf32, #tpu.memory_space<hbm>>
      %dma_wait3A_43 = arith.constant 0 : i32
      %dma_wait3A_44 = tpu.memref_slice %arg5[%arg0, %add3A_27, %dma_wait3A_43] : memref<2x10240x128xf32, #tpu.memory_space<hbm>> -> memref<1x128x128xf32, #tpu.memory_space<hbm>>
      %dma_wait3A_45 = tpu.memref_squeeze %dma_wait3A_44 : memref<1x128x128xf32, #tpu.memory_space<hbm>> -> memref<128x128xf32, #tpu.memory_space<hbm>>
      tpu.wait_dma2 semaphore(%run_scoped3A : memref<!tpu.dma_semaphore, #tpu.memory_space<semaphore_mem>>) src(%arg8 : memref<128x128xf32, #tpu.memory_space<vmem>>) dst(%dma_wait3A_45 : memref<128x128xf32, #tpu.memory_space<hbm>>)
      tpu.yield
    }) : () -> ()
    %add3A_28 = arith.constant 128 : i32
    %add3A_29 = arith.addi %mul3A_2, %add3A_28 : i32
    "tpu.region"() ({
      %run_scoped3A = tpu.sem_alloc : memref<!tpu.dma_semaphore, #tpu.memory_space<semaphore_mem>>
      %dma_start3A = arith.constant 0 : i32
      %dma_start3A_36 = tpu.memref_slice %arg10[%add3A_29, %dma_start3A] : memref<10240x128xf32, #tpu.memory_space<vmem_shared>> -> memref<128x128xf32, #tpu.memory_space<vmem_shared>>
      %dma_start3A_37 = arith.constant 0 : i32
      %dma_start3A_38 = tpu.memref_slice %arg10[%add3A_29, %dma_start3A_37] : memref<10240x128xf32, #tpu.memory_space<vmem_shared>> -> memref<128x128xf32, #tpu.memory_space<vmem_shared>>
      tpu.enqueue_dma source(%dma_start3A_38 : memref<128x128xf32, #tpu.memory_space<vmem_shared>>) target(%arg8 : memref<128x128xf32, #tpu.memory_space<vmem>>) target_semaphore(%run_scoped3A : memref<!tpu.dma_semaphore, #tpu.memory_space<semaphore_mem>>)
      %dma_wait3A = arith.constant 0 : i32
      %dma_wait3A_39 = tpu.memref_slice %arg10[%add3A_29, %dma_wait3A] : memref<10240x128xf32, #tpu.memory_space<vmem_shared>> -> memref<128x128xf32, #tpu.memory_space<vmem_shared>>
      %dma_wait3A_40 = arith.constant 0 : i32
      %dma_wait3A_41 = tpu.memref_slice %arg10[%add3A_29, %dma_wait3A_40] : memref<10240x128xf32, #tpu.memory_space<vmem_shared>> -> memref<128x128xf32, #tpu.memory_space<vmem_shared>>
      tpu.wait_dma2 semaphore(%run_scoped3A : memref<!tpu.dma_semaphore, #tpu.memory_space<semaphore_mem>>) src(%dma_wait3A_41 : memref<128x128xf32, #tpu.memory_space<vmem_shared>>) dst(%arg8 : memref<128x128xf32, #tpu.memory_space<vmem>>)
      tpu.yield
    }) : () -> ()
    "tpu.region"() ({
      %run_scoped3A = tpu.sem_alloc : memref<!tpu.dma_semaphore, #tpu.memory_space<semaphore_mem>>
      %dma_start3A = arith.constant 0 : i32
      %dma_start3A_36 = tpu.memref_slice %arg5[%arg0, %add3A_29, %dma_start3A] : memref<2x10240x128xf32, #tpu.memory_space<hbm>> -> memref<1x128x128xf32, #tpu.memory_space<hbm>>
      %dma_start3A_37 = tpu.memref_squeeze %dma_start3A_36 : memref<1x128x128xf32, #tpu.memory_space<hbm>> -> memref<128x128xf32, #tpu.memory_space<hbm>>
      %dma_start3A_38 = arith.constant 0 : i32
      %dma_start3A_39 = tpu.memref_slice %arg5[%arg0, %add3A_29, %dma_start3A_38] : memref<2x10240x128xf32, #tpu.memory_space<hbm>> -> memref<1x128x128xf32, #tpu.memory_space<hbm>>
      %dma_start3A_40 = tpu.memref_squeeze %dma_start3A_39 : memref<1x128x128xf32, #tpu.memory_space<hbm>> -> memref<128x128xf32, #tpu.memory_space<hbm>>
      tpu.enqueue_dma source(%arg8 : memref<128x128xf32, #tpu.memory_space<vmem>>) target(%dma_start3A_40 : memref<128x128xf32, #tpu.memory_space<hbm>>) target_semaphore(%run_scoped3A : memref<!tpu.dma_semaphore, #tpu.memory_space<semaphore_mem>>)
      %dma_wait3A = arith.constant 0 : i32
      %dma_wait3A_41 = tpu.memref_slice %arg5[%arg0, %add3A_29, %dma_wait3A] : memref<2x10240x128xf32, #tpu.memory_space<hbm>> -> memref<1x128x128xf32, #tpu.memory_space<hbm>>
      %dma_wait3A_42 = tpu.memref_squeeze %dma_wait3A_41 : memref<1x128x128xf32, #tpu.memory_space<hbm>> -> memref<128x128xf32, #tpu.memory_space<hbm>>
      %dma_wait3A_43 = arith.constant 0 : i32
      %dma_wait3A_44 = tpu.memref_slice %arg5[%arg0, %add3A_29, %dma_wait3A_43] : memref<2x10240x128xf32, #tpu.memory_space<hbm>> -> memref<1x128x128xf32, #tpu.memory_space<hbm>>
      %dma_wait3A_45 = tpu.memref_squeeze %dma_wait3A_44 : memref<1x128x128xf32, #tpu.memory_space<hbm>> -> memref<128x128xf32, #tpu.memory_space<hbm>>
      tpu.wait_dma2 semaphore(%run_scoped3A : memref<!tpu.dma_semaphore, #tpu.memory_space<semaphore_mem>>) src(%arg8 : memref<128x128xf32, #tpu.memory_space<vmem>>) dst(%dma_wait3A_45 : memref<128x128xf32, #tpu.memory_space<hbm>>)
      tpu.yield
    }) : () -> ()
    %add3A_30 = arith.constant 256 : i32
    %add3A_31 = arith.addi %mul3A_2, %add3A_30 : i32
    "tpu.region"() ({
      %run_scoped3A = tpu.sem_alloc : memref<!tpu.dma_semaphore, #tpu.memory_space<semaphore_mem>>
      %dma_start3A = arith.constant 0 : i32
      %dma_start3A_36 = tpu.memref_slice %arg10[%add3A_31, %dma_start3A] : memref<10240x128xf32, #tpu.memory_space<vmem_shared>> -> memref<128x128xf32, #tpu.memory_space<vmem_shared>>
      %dma_start3A_37 = arith.constant 0 : i32
      %dma_start3A_38 = tpu.memref_slice %arg10[%add3A_31, %dma_start3A_37] : memref<10240x128xf32, #tpu.memory_space<vmem_shared>> -> memref<128x128xf32, #tpu.memory_space<vmem_shared>>
      tpu.enqueue_dma source(%dma_start3A_38 : memref<128x128xf32, #tpu.memory_space<vmem_shared>>) target(%arg8 : memref<128x128xf32, #tpu.memory_space<vmem>>) target_semaphore(%run_scoped3A : memref<!tpu.dma_semaphore, #tpu.memory_space<semaphore_mem>>)
      %dma_wait3A = arith.constant 0 : i32
      %dma_wait3A_39 = tpu.memref_slice %arg10[%add3A_31, %dma_wait3A] : memref<10240x128xf32, #tpu.memory_space<vmem_shared>> -> memref<128x128xf32, #tpu.memory_space<vmem_shared>>
      %dma_wait3A_40 = arith.constant 0 : i32
      %dma_wait3A_41 = tpu.memref_slice %arg10[%add3A_31, %dma_wait3A_40] : memref<10240x128xf32, #tpu.memory_space<vmem_shared>> -> memref<128x128xf32, #tpu.memory_space<vmem_shared>>
      tpu.wait_dma2 semaphore(%run_scoped3A : memref<!tpu.dma_semaphore, #tpu.memory_space<semaphore_mem>>) src(%dma_wait3A_41 : memref<128x128xf32, #tpu.memory_space<vmem_shared>>) dst(%arg8 : memref<128x128xf32, #tpu.memory_space<vmem>>)
      tpu.yield
    }) : () -> ()
    "tpu.region"() ({
      %run_scoped3A = tpu.sem_alloc : memref<!tpu.dma_semaphore, #tpu.memory_space<semaphore_mem>>
      %dma_start3A = arith.constant 0 : i32
      %dma_start3A_36 = tpu.memref_slice %arg5[%arg0, %add3A_31, %dma_start3A] : memref<2x10240x128xf32, #tpu.memory_space<hbm>> -> memref<1x128x128xf32, #tpu.memory_space<hbm>>
      %dma_start3A_37 = tpu.memref_squeeze %dma_start3A_36 : memref<1x128x128xf32, #tpu.memory_space<hbm>> -> memref<128x128xf32, #tpu.memory_space<hbm>>
      %dma_start3A_38 = arith.constant 0 : i32
      %dma_start3A_39 = tpu.memref_slice %arg5[%arg0, %add3A_31, %dma_start3A_38] : memref<2x10240x128xf32, #tpu.memory_space<hbm>> -> memref<1x128x128xf32, #tpu.memory_space<hbm>>
      %dma_start3A_40 = tpu.memref_squeeze %dma_start3A_39 : memref<1x128x128xf32, #tpu.memory_space<hbm>> -> memref<128x128xf32, #tpu.memory_space<hbm>>
      tpu.enqueue_dma source(%arg8 : memref<128x128xf32, #tpu.memory_space<vmem>>) target(%dma_start3A_40 : memref<128x128xf32, #tpu.memory_space<hbm>>) target_semaphore(%run_scoped3A : memref<!tpu.dma_semaphore, #tpu.memory_space<semaphore_mem>>)
      %dma_wait3A = arith.constant 0 : i32
      %dma_wait3A_41 = tpu.memref_slice %arg5[%arg0, %add3A_31, %dma_wait3A] : memref<2x10240x128xf32, #tpu.memory_space<hbm>> -> memref<1x128x128xf32, #tpu.memory_space<hbm>>
      %dma_wait3A_42 = tpu.memref_squeeze %dma_wait3A_41 : memref<1x128x128xf32, #tpu.memory_space<hbm>> -> memref<128x128xf32, #tpu.memory_space<hbm>>
      %dma_wait3A_43 = arith.constant 0 : i32
      %dma_wait3A_44 = tpu.memref_slice %arg5[%arg0, %add3A_31, %dma_wait3A_43] : memref<2x10240x128xf32, #tpu.memory_space<hbm>> -> memref<1x128x128xf32, #tpu.memory_space<hbm>>
      %dma_wait3A_45 = tpu.memref_squeeze %dma_wait3A_44 : memref<1x128x128xf32, #tpu.memory_space<hbm>> -> memref<128x128xf32, #tpu.memory_space<hbm>>
      tpu.wait_dma2 semaphore(%run_scoped3A : memref<!tpu.dma_semaphore, #tpu.memory_space<semaphore_mem>>) src(%arg8 : memref<128x128xf32, #tpu.memory_space<vmem>>) dst(%dma_wait3A_45 : memref<128x128xf32, #tpu.memory_space<hbm>>)
      tpu.yield
    }) : () -> ()
    %add3A_32 = arith.constant 384 : i32
    %add3A_33 = arith.addi %mul3A_2, %add3A_32 : i32
    "tpu.region"() ({
      %run_scoped3A = tpu.sem_alloc : memref<!tpu.dma_semaphore, #tpu.memory_space<semaphore_mem>>
      %dma_start3A = arith.constant 0 : i32
      %dma_start3A_36 = tpu.memref_slice %arg10[%add3A_33, %dma_start3A] : memref<10240x128xf32, #tpu.memory_space<vmem_shared>> -> memref<128x128xf32, #tpu.memory_space<vmem_shared>>
      %dma_start3A_37 = arith.constant 0 : i32
      %dma_start3A_38 = tpu.memref_slice %arg10[%add3A_33, %dma_start3A_37] : memref<10240x128xf32, #tpu.memory_space<vmem_shared>> -> memref<128x128xf32, #tpu.memory_space<vmem_shared>>
      tpu.enqueue_dma source(%dma_start3A_38 : memref<128x128xf32, #tpu.memory_space<vmem_shared>>) target(%arg8 : memref<128x128xf32, #tpu.memory_space<vmem>>) target_semaphore(%run_scoped3A : memref<!tpu.dma_semaphore, #tpu.memory_space<semaphore_mem>>)
      %dma_wait3A = arith.constant 0 : i32
      %dma_wait3A_39 = tpu.memref_slice %arg10[%add3A_33, %dma_wait3A] : memref<10240x128xf32, #tpu.memory_space<vmem_shared>> -> memref<128x128xf32, #tpu.memory_space<vmem_shared>>
      %dma_wait3A_40 = arith.constant 0 : i32
      %dma_wait3A_41 = tpu.memref_slice %arg10[%add3A_33, %dma_wait3A_40] : memref<10240x128xf32, #tpu.memory_space<vmem_shared>> -> memref<128x128xf32, #tpu.memory_space<vmem_shared>>
      tpu.wait_dma2 semaphore(%run_scoped3A : memref<!tpu.dma_semaphore, #tpu.memory_space<semaphore_mem>>) src(%dma_wait3A_41 : memref<128x128xf32, #tpu.memory_space<vmem_shared>>) dst(%arg8 : memref<128x128xf32, #tpu.memory_space<vmem>>)
      tpu.yield
    }) : () -> ()
    "tpu.region"() ({
      %run_scoped3A = tpu.sem_alloc : memref<!tpu.dma_semaphore, #tpu.memory_space<semaphore_mem>>
      %dma_start3A = arith.constant 0 : i32
      %dma_start3A_36 = tpu.memref_slice %arg5[%arg0, %add3A_33, %dma_start3A] : memref<2x10240x128xf32, #tpu.memory_space<hbm>> -> memref<1x128x128xf32, #tpu.memory_space<hbm>>
      %dma_start3A_37 = tpu.memref_squeeze %dma_start3A_36 : memref<1x128x128xf32, #tpu.memory_space<hbm>> -> memref<128x128xf32, #tpu.memory_space<hbm>>
      %dma_start3A_38 = arith.constant 0 : i32
      %dma_start3A_39 = tpu.memref_slice %arg5[%arg0, %add3A_33, %dma_start3A_38] : memref<2x10240x128xf32, #tpu.memory_space<hbm>> -> memref<1x128x128xf32, #tpu.memory_space<hbm>>
      %dma_start3A_40 = tpu.memref_squeeze %dma_start3A_39 : memref<1x128x128xf32, #tpu.memory_space<hbm>> -> memref<128x128xf32, #tpu.memory_space<hbm>>
      tpu.enqueue_dma source(%arg8 : memref<128x128xf32, #tpu.memory_space<vmem>>) target(%dma_start3A_40 : memref<128x128xf32, #tpu.memory_space<hbm>>) target_semaphore(%run_scoped3A : memref<!tpu.dma_semaphore, #tpu.memory_space<semaphore_mem>>)
      %dma_wait3A = arith.constant 0 : i32
      %dma_wait3A_41 = tpu.memref_slice %arg5[%arg0, %add3A_33, %dma_wait3A] : memref<2x10240x128xf32, #tpu.memory_space<hbm>> -> memref<1x128x128xf32, #tpu.memory_space<hbm>>
      %dma_wait3A_42 = tpu.memref_squeeze %dma_wait3A_41 : memref<1x128x128xf32, #tpu.memory_space<hbm>> -> memref<128x128xf32, #tpu.memory_space<hbm>>
      %dma_wait3A_43 = arith.constant 0 : i32
      %dma_wait3A_44 = tpu.memref_slice %arg5[%arg0, %add3A_33, %dma_wait3A_43] : memref<2x10240x128xf32, #tpu.memory_space<hbm>> -> memref<1x128x128xf32, #tpu.memory_space<hbm>>
      %dma_wait3A_45 = tpu.memref_squeeze %dma_wait3A_44 : memref<1x128x128xf32, #tpu.memory_space<hbm>> -> memref<128x128xf32, #tpu.memory_space<hbm>>
      tpu.wait_dma2 semaphore(%run_scoped3A : memref<!tpu.dma_semaphore, #tpu.memory_space<semaphore_mem>>) src(%arg8 : memref<128x128xf32, #tpu.memory_space<vmem>>) dst(%dma_wait3A_45 : memref<128x128xf32, #tpu.memory_space<hbm>>)
      tpu.yield
    }) : () -> ()
    %add3A_34 = arith.constant 512 : i32
    %add3A_35 = arith.addi %mul3A_2, %add3A_34 : i32
    "tpu.region"() ({
      %run_scoped3A = tpu.sem_alloc : memref<!tpu.dma_semaphore, #tpu.memory_space<semaphore_mem>>
      %dma_start3A = arith.constant 0 : i32
      %dma_start3A_36 = tpu.memref_slice %arg10[%add3A_35, %dma_start3A] : memref<10240x128xf32, #tpu.memory_space<vmem_shared>> -> memref<128x128xf32, #tpu.memory_space<vmem_shared>>
      %dma_start3A_37 = arith.constant 0 : i32
      %dma_start3A_38 = tpu.memref_slice %arg10[%add3A_35, %dma_start3A_37] : memref<10240x128xf32, #tpu.memory_space<vmem_shared>> -> memref<128x128xf32, #tpu.memory_space<vmem_shared>>
      tpu.enqueue_dma source(%dma_start3A_38 : memref<128x128xf32, #tpu.memory_space<vmem_shared>>) target(%arg8 : memref<128x128xf32, #tpu.memory_space<vmem>>) target_semaphore(%run_scoped3A : memref<!tpu.dma_semaphore, #tpu.memory_space<semaphore_mem>>)
      %dma_wait3A = arith.constant 0 : i32
      %dma_wait3A_39 = tpu.memref_slice %arg10[%add3A_35, %dma_wait3A] : memref<10240x128xf32, #tpu.memory_space<vmem_shared>> -> memref<128x128xf32, #tpu.memory_space<vmem_shared>>
      %dma_wait3A_40 = arith.constant 0 : i32
      %dma_wait3A_41 = tpu.memref_slice %arg10[%add3A_35, %dma_wait3A_40] : memref<10240x128xf32, #tpu.memory_space<vmem_shared>> -> memref<128x128xf32, #tpu.memory_space<vmem_shared>>
      tpu.wait_dma2 semaphore(%run_scoped3A : memref<!tpu.dma_semaphore, #tpu.memory_space<semaphore_mem>>) src(%dma_wait3A_41 : memref<128x128xf32, #tpu.memory_space<vmem_shared>>) dst(%arg8 : memref<128x128xf32, #tpu.memory_space<vmem>>)
      tpu.yield
    }) : () -> ()
    "tpu.region"() ({
      %run_scoped3A = tpu.sem_alloc : memref<!tpu.dma_semaphore, #tpu.memory_space<semaphore_mem>>
      %dma_start3A = arith.constant 0 : i32
      %dma_start3A_36 = tpu.memref_slice %arg5[%arg0, %add3A_35, %dma_start3A] : memref<2x10240x128xf32, #tpu.memory_space<hbm>> -> memref<1x128x128xf32, #tpu.memory_space<hbm>>
      %dma_start3A_37 = tpu.memref_squeeze %dma_start3A_36 : memref<1x128x128xf32, #tpu.memory_space<hbm>> -> memref<128x128xf32, #tpu.memory_space<hbm>>
      %dma_start3A_38 = arith.constant 0 : i32
      %dma_start3A_39 = tpu.memref_slice %arg5[%arg0, %add3A_35, %dma_start3A_38] : memref<2x10240x128xf32, #tpu.memory_space<hbm>> -> memref<1x128x128xf32, #tpu.memory_space<hbm>>
      %dma_start3A_40 = tpu.memref_squeeze %dma_start3A_39 : memref<1x128x128xf32, #tpu.memory_space<hbm>> -> memref<128x128xf32, #tpu.memory_space<hbm>>
      tpu.enqueue_dma source(%arg8 : memref<128x128xf32, #tpu.memory_space<vmem>>) target(%dma_start3A_40 : memref<128x128xf32, #tpu.memory_space<hbm>>) target_semaphore(%run_scoped3A : memref<!tpu.dma_semaphore, #tpu.memory_space<semaphore_mem>>)
      %dma_wait3A = arith.constant 0 : i32
      %dma_wait3A_41 = tpu.memref_slice %arg5[%arg0, %add3A_35, %dma_wait3A] : memref<2x10240x128xf32, #tpu.memory_space<hbm>> -> memref<1x128x128xf32, #tpu.memory_space<hbm>>
      %dma_wait3A_42 = tpu.memref_squeeze %dma_wait3A_41 : memref<1x128x128xf32, #tpu.memory_space<hbm>> -> memref<128x128xf32, #tpu.memory_space<hbm>>
      %dma_wait3A_43 = arith.constant 0 : i32
      %dma_wait3A_44 = tpu.memref_slice %arg5[%arg0, %add3A_35, %dma_wait3A_43] : memref<2x10240x128xf32, #tpu.memory_space<hbm>> -> memref<1x128x128xf32, #tpu.memory_space<hbm>>
      %dma_wait3A_45 = tpu.memref_squeeze %dma_wait3A_44 : memref<1x128x128xf32, #tpu.memory_space<hbm>> -> memref<128x128xf32, #tpu.memory_space<hbm>>
      tpu.wait_dma2 semaphore(%run_scoped3A : memref<!tpu.dma_semaphore, #tpu.memory_space<semaphore_mem>>) src(%arg8 : memref<128x128xf32, #tpu.memory_space<vmem>>) dst(%dma_wait3A_45 : memref<128x128xf32, #tpu.memory_space<hbm>>)
      tpu.yield
    }) : () -> ()
    return
  }
}

#map = affine_map<(d0, d1) -> (0, 0, 0, 0)>
#map1 = affine_map<(d0, d1) -> (0, 0, 0)>
module attributes {stable_mosaic.version = 14 : i64} {
  func.func @body(%arg0: i32, %arg1: i32, %arg2: memref<32x5x16x128xi32, #tpu.memory_space<hbm>>, %arg3: memref<2x10240x128xf32, #tpu.memory_space<hbm>>, %arg4: memref<16x128xi32, #tpu.memory_space<vmem>>, %arg5: memref<128x128xf32, #tpu.memory_space<vmem>>, %arg6: memref<10240x128xf32, #tpu.memory_space<vmem_shared>>, %arg7: memref<!tpu.dma_semaphore, #tpu.memory_space<semaphore_mem>>) attributes {dimension_semantics = [#tpu.dimension_semantics<core_parallel>, #tpu.dimension_semantics<subcore_parallel>], iteration_bounds = array<i64: 2, 16>, scalar_prefetch = 0 : i64, scratch_operands = 4 : i64, tpu.core_type = #tpu.core_type<sc_vector_subcore>, window_params = [{transform_indices = #map}, {transform_indices = #map1}]} {
    %mul3A = arith.constant 2 : i32
    %mul3A_0 = arith.muli %arg1, %mul3A : i32
    %add3A = arith.addi %mul3A_0, %arg0 : i32
    %mul3A_1 = arith.constant 640 : i32
    %mul3A_2 = arith.muli %arg1, %mul3A_1 : i32
    %broadcast_in_dim3A = arith.constant 0.000000e+00 : f32
    %broadcast_in_dim3A_3 = vector.broadcast %broadcast_in_dim3A : f32 to vector<16xf32>
    %scan3A = arith.constant 0 : i32
    %scan3A_4 = arith.constant 0 : i32
    %scan3A_5 = arith.constant 128 : i32
    %scan3A_6 = arith.addi %scan3A_4, %scan3A_5 : i32
    %scan3A_7 = arith.constant 1 : i32
    scf.for %scan3A_44 = %scan3A_4 to %scan3A_6 step %scan3A_7  : i32 {
      %swap3A = arith.index_cast %scan3A_44 : i32 to index
      %swap3A_45 = arith.constant 0 : index
      %swap3A_46 = tpu.vector_load %arg5[%swap3A, %swap3A_45] {strides = array<i32>} : memref<128x128xf32, #tpu.memory_space<vmem>>, vector<1x16xf32>,
      %swap3A_47 = vector.shape_cast %swap3A_46 : vector<1x16xf32> to vector<16xf32>
      %swap3A_48 = vector.shape_cast %broadcast_in_dim3A_3 : vector<16xf32> to vector<1x16xf32>
      tpu.vector_store %arg5[%swap3A, %swap3A_45], %swap3A_48 {strides = array<i32>} : memref<128x128xf32, #tpu.memory_space<vmem>>, vector<1x16xf32>,
      %swap3A_49 = arith.index_cast %scan3A_44 : i32 to index
      %swap3A_50 = arith.constant 16 : index
      %swap3A_51 = tpu.vector_load %arg5[%swap3A_49, %swap3A_50] {strides = array<i32>} : memref<128x128xf32, #tpu.memory_space<vmem>>, vector<1x16xf32>,
      %swap3A_52 = vector.shape_cast %swap3A_51 : vector<1x16xf32> to vector<16xf32>
      %swap3A_53 = vector.shape_cast %broadcast_in_dim3A_3 : vector<16xf32> to vector<1x16xf32>
      tpu.vector_store %arg5[%swap3A_49, %swap3A_50], %swap3A_53 {strides = array<i32>} : memref<128x128xf32, #tpu.memory_space<vmem>>, vector<1x16xf32>,
      %swap3A_54 = arith.index_cast %scan3A_44 : i32 to index
      %swap3A_55 = arith.constant 32 : index
      %swap3A_56 = tpu.vector_load %arg5[%swap3A_54, %swap3A_55] {strides = array<i32>} : memref<128x128xf32, #tpu.memory_space<vmem>>, vector<1x16xf32>,
      %swap3A_57 = vector.shape_cast %swap3A_56 : vector<1x16xf32> to vector<16xf32>
      %swap3A_58 = vector.shape_cast %broadcast_in_dim3A_3 : vector<16xf32> to vector<1x16xf32>
      tpu.vector_store %arg5[%swap3A_54, %swap3A_55], %swap3A_58 {strides = array<i32>} : memref<128x128xf32, #tpu.memory_space<vmem>>, vector<1x16xf32>,
      %swap3A_59 = arith.index_cast %scan3A_44 : i32 to index
      %swap3A_60 = arith.constant 48 : index
      %swap3A_61 = tpu.vector_load %arg5[%swap3A_59, %swap3A_60] {strides = array<i32>} : memref<128x128xf32, #tpu.memory_space<vmem>>, vector<1x16xf32>,
      %swap3A_62 = vector.shape_cast %swap3A_61 : vector<1x16xf32> to vector<16xf32>
      %swap3A_63 = vector.shape_cast %broadcast_in_dim3A_3 : vector<16xf32> to vector<1x16xf32>
      tpu.vector_store %arg5[%swap3A_59, %swap3A_60], %swap3A_63 {strides = array<i32>} : memref<128x128xf32, #tpu.memory_space<vmem>>, vector<1x16xf32>,
      %swap3A_64 = arith.index_cast %scan3A_44 : i32 to index
      %swap3A_65 = arith.constant 64 : index
      %swap3A_66 = tpu.vector_load %arg5[%swap3A_64, %swap3A_65] {strides = array<i32>} : memref<128x128xf32, #tpu.memory_space<vmem>>, vector<1x16xf32>,
      %swap3A_67 = vector.shape_cast %swap3A_66 : vector<1x16xf32> to vector<16xf32>
      %swap3A_68 = vector.shape_cast %broadcast_in_dim3A_3 : vector<16xf32> to vector<1x16xf32>
      tpu.vector_store %arg5[%swap3A_64, %swap3A_65], %swap3A_68 {strides = array<i32>} : memref<128x128xf32, #tpu.memory_space<vmem>>, vector<1x16xf32>,
      %swap3A_69 = arith.index_cast %scan3A_44 : i32 to index
      %swap3A_70 = arith.constant 80 : index
      %swap3A_71 = tpu.vector_load %arg5[%swap3A_69, %swap3A_70] {strides = array<i32>} : memref<128x128xf32, #tpu.memory_space<vmem>>, vector<1x16xf32>,
      %swap3A_72 = vector.shape_cast %swap3A_71 : vector<1x16xf32> to vector<16xf32>
      %swap3A_73 = vector.shape_cast %broadcast_in_dim3A_3 : vector<16xf32> to vector<1x16xf32>
      tpu.vector_store %arg5[%swap3A_69, %swap3A_70], %swap3A_73 {strides = array<i32>} : memref<128x128xf32, #tpu.memory_space<vmem>>, vector<1x16xf32>,
      %swap3A_74 = arith.index_cast %scan3A_44 : i32 to index
      %swap3A_75 = arith.constant 96 : index
      %swap3A_76 = tpu.vector_load %arg5[%swap3A_74, %swap3A_75] {strides = array<i32>} : memref<128x128xf32, #tpu.memory_space<vmem>>, vector<1x16xf32>,
      %swap3A_77 = vector.shape_cast %swap3A_76 : vector<1x16xf32> to vector<16xf32>
      %swap3A_78 = vector.shape_cast %broadcast_in_dim3A_3 : vector<16xf32> to vector<1x16xf32>
      tpu.vector_store %arg5[%swap3A_74, %swap3A_75], %swap3A_78 {strides = array<i32>} : memref<128x128xf32, #tpu.memory_space<vmem>>, vector<1x16xf32>,
      %swap3A_79 = arith.index_cast %scan3A_44 : i32 to index
      %swap3A_80 = arith.constant 112 : index
      %swap3A_81 = tpu.vector_load %arg5[%swap3A_79, %swap3A_80] {strides = array<i32>} : memref<128x128xf32, #tpu.memory_space<vmem>>, vector<1x16xf32>,
      %swap3A_82 = vector.shape_cast %swap3A_81 : vector<1x16xf32> to vector<16xf32>
      %swap3A_83 = vector.shape_cast %broadcast_in_dim3A_3 : vector<16xf32> to vector<1x16xf32>
      tpu.vector_store %arg5[%swap3A_79, %swap3A_80], %swap3A_83 {strides = array<i32>} : memref<128x128xf32, #tpu.memory_space<vmem>>, vector<1x16xf32>,
    }
    %scan3A_8 = arith.constant 128 : i32
    %add3A_9 = arith.constant 0 : i32
    %add3A_10 = arith.addi %mul3A_2, %add3A_9 : i32
    "tpu.region"() ({
      %run_scoped3A = tpu.sem_alloc : memref<!tpu.dma_semaphore, #tpu.memory_space<semaphore_mem>>
      %dma_start3A = arith.constant 0 : i32
      %dma_start3A_44 = tpu.memref_slice %arg6[%add3A_10, %dma_start3A] : memref<10240x128xf32, #tpu.memory_space<vmem_shared>> -> memref<128x128xf32, #tpu.memory_space<vmem_shared>>
      %dma_start3A_45 = arith.constant 0 : i32
      %dma_start3A_46 = tpu.memref_slice %arg6[%add3A_10, %dma_start3A_45] : memref<10240x128xf32, #tpu.memory_space<vmem_shared>> -> memref<128x128xf32, #tpu.memory_space<vmem_shared>>
      tpu.enqueue_dma source(%arg5 : memref<128x128xf32, #tpu.memory_space<vmem>>) target(%dma_start3A_46 : memref<128x128xf32, #tpu.memory_space<vmem_shared>>) target_semaphore(%run_scoped3A : memref<!tpu.dma_semaphore, #tpu.memory_space<semaphore_mem>>)
      %dma_wait3A = arith.constant 0 : i32
      %dma_wait3A_47 = tpu.memref_slice %arg6[%add3A_10, %dma_wait3A] : memref<10240x128xf32, #tpu.memory_space<vmem_shared>> -> memref<128x128xf32, #tpu.memory_space<vmem_shared>>
      %dma_wait3A_48 = arith.constant 0 : i32
      %dma_wait3A_49 = tpu.memref_slice %arg6[%add3A_10, %dma_wait3A_48] : memref<10240x128xf32, #tpu.memory_space<vmem_shared>> -> memref<128x128xf32, #tpu.memory_space<vmem_shared>>
      tpu.wait_dma2 semaphore(%run_scoped3A : memref<!tpu.dma_semaphore, #tpu.memory_space<semaphore_mem>>) src(%arg5 : memref<128x128xf32, #tpu.memory_space<vmem>>) dst(%dma_wait3A_49 : memref<128x128xf32, #tpu.memory_space<vmem_shared>>)
      tpu.yield
    }) : () -> ()
    %add3A_11 = arith.constant 128 : i32
    %add3A_12 = arith.addi %mul3A_2, %add3A_11 : i32
    "tpu.region"() ({
      %run_scoped3A = tpu.sem_alloc : memref<!tpu.dma_semaphore, #tpu.memory_space<semaphore_mem>>
      %dma_start3A = arith.constant 0 : i32
      %dma_start3A_44 = tpu.memref_slice %arg6[%add3A_12, %dma_start3A] : memref<10240x128xf32, #tpu.memory_space<vmem_shared>> -> memref<128x128xf32, #tpu.memory_space<vmem_shared>>
      %dma_start3A_45 = arith.constant 0 : i32
      %dma_start3A_46 = tpu.memref_slice %arg6[%add3A_12, %dma_start3A_45] : memref<10240x128xf32, #tpu.memory_space<vmem_shared>> -> memref<128x128xf32, #tpu.memory_space<vmem_shared>>
      tpu.enqueue_dma source(%arg5 : memref<128x128xf32, #tpu.memory_space<vmem>>) target(%dma_start3A_46 : memref<128x128xf32, #tpu.memory_space<vmem_shared>>) target_semaphore(%run_scoped3A : memref<!tpu.dma_semaphore, #tpu.memory_space<semaphore_mem>>)
      %dma_wait3A = arith.constant 0 : i32
      %dma_wait3A_47 = tpu.memref_slice %arg6[%add3A_12, %dma_wait3A] : memref<10240x128xf32, #tpu.memory_space<vmem_shared>> -> memref<128x128xf32, #tpu.memory_space<vmem_shared>>
      %dma_wait3A_48 = arith.constant 0 : i32
      %dma_wait3A_49 = tpu.memref_slice %arg6[%add3A_12, %dma_wait3A_48] : memref<10240x128xf32, #tpu.memory_space<vmem_shared>> -> memref<128x128xf32, #tpu.memory_space<vmem_shared>>
      tpu.wait_dma2 semaphore(%run_scoped3A : memref<!tpu.dma_semaphore, #tpu.memory_space<semaphore_mem>>) src(%arg5 : memref<128x128xf32, #tpu.memory_space<vmem>>) dst(%dma_wait3A_49 : memref<128x128xf32, #tpu.memory_space<vmem_shared>>)
      tpu.yield
    }) : () -> ()
    %add3A_13 = arith.constant 256 : i32
    %add3A_14 = arith.addi %mul3A_2, %add3A_13 : i32
    "tpu.region"() ({
      %run_scoped3A = tpu.sem_alloc : memref<!tpu.dma_semaphore, #tpu.memory_space<semaphore_mem>>
      %dma_start3A = arith.constant 0 : i32
      %dma_start3A_44 = tpu.memref_slice %arg6[%add3A_14, %dma_start3A] : memref<10240x128xf32, #tpu.memory_space<vmem_shared>> -> memref<128x128xf32, #tpu.memory_space<vmem_shared>>
      %dma_start3A_45 = arith.constant 0 : i32
      %dma_start3A_46 = tpu.memref_slice %arg6[%add3A_14, %dma_start3A_45] : memref<10240x128xf32, #tpu.memory_space<vmem_shared>> -> memref<128x128xf32, #tpu.memory_space<vmem_shared>>
      tpu.enqueue_dma source(%arg5 : memref<128x128xf32, #tpu.memory_space<vmem>>) target(%dma_start3A_46 : memref<128x128xf32, #tpu.memory_space<vmem_shared>>) target_semaphore(%run_scoped3A : memref<!tpu.dma_semaphore, #tpu.memory_space<semaphore_mem>>)
      %dma_wait3A = arith.constant 0 : i32
      %dma_wait3A_47 = tpu.memref_slice %arg6[%add3A_14, %dma_wait3A] : memref<10240x128xf32, #tpu.memory_space<vmem_shared>> -> memref<128x128xf32, #tpu.memory_space<vmem_shared>>
      %dma_wait3A_48 = arith.constant 0 : i32
      %dma_wait3A_49 = tpu.memref_slice %arg6[%add3A_14, %dma_wait3A_48] : memref<10240x128xf32, #tpu.memory_space<vmem_shared>> -> memref<128x128xf32, #tpu.memory_space<vmem_shared>>
      tpu.wait_dma2 semaphore(%run_scoped3A : memref<!tpu.dma_semaphore, #tpu.memory_space<semaphore_mem>>) src(%arg5 : memref<128x128xf32, #tpu.memory_space<vmem>>) dst(%dma_wait3A_49 : memref<128x128xf32, #tpu.memory_space<vmem_shared>>)
      tpu.yield
    }) : () -> ()
    %add3A_15 = arith.constant 384 : i32
    %add3A_16 = arith.addi %mul3A_2, %add3A_15 : i32
    "tpu.region"() ({
      %run_scoped3A = tpu.sem_alloc : memref<!tpu.dma_semaphore, #tpu.memory_space<semaphore_mem>>
      %dma_start3A = arith.constant 0 : i32
      %dma_start3A_44 = tpu.memref_slice %arg6[%add3A_16, %dma_start3A] : memref<10240x128xf32, #tpu.memory_space<vmem_shared>> -> memref<128x128xf32, #tpu.memory_space<vmem_shared>>
      %dma_start3A_45 = arith.constant 0 : i32
      %dma_start3A_46 = tpu.memref_slice %arg6[%add3A_16, %dma_start3A_45] : memref<10240x128xf32, #tpu.memory_space<vmem_shared>> -> memref<128x128xf32, #tpu.memory_space<vmem_shared>>
      tpu.enqueue_dma source(%arg5 : memref<128x128xf32, #tpu.memory_space<vmem>>) target(%dma_start3A_46 : memref<128x128xf32, #tpu.memory_space<vmem_shared>>) target_semaphore(%run_scoped3A : memref<!tpu.dma_semaphore, #tpu.memory_space<semaphore_mem>>)
      %dma_wait3A = arith.constant 0 : i32
      %dma_wait3A_47 = tpu.memref_slice %arg6[%add3A_16, %dma_wait3A] : memref<10240x128xf32, #tpu.memory_space<vmem_shared>> -> memref<128x128xf32, #tpu.memory_space<vmem_shared>>
      %dma_wait3A_48 = arith.constant 0 : i32
      %dma_wait3A_49 = tpu.memref_slice %arg6[%add3A_16, %dma_wait3A_48] : memref<10240x128xf32, #tpu.memory_space<vmem_shared>> -> memref<128x128xf32, #tpu.memory_space<vmem_shared>>
      tpu.wait_dma2 semaphore(%run_scoped3A : memref<!tpu.dma_semaphore, #tpu.memory_space<semaphore_mem>>) src(%arg5 : memref<128x128xf32, #tpu.memory_space<vmem>>) dst(%dma_wait3A_49 : memref<128x128xf32, #tpu.memory_space<vmem_shared>>)
      tpu.yield
    }) : () -> ()
    %add3A_17 = arith.constant 512 : i32
    %add3A_18 = arith.addi %mul3A_2, %add3A_17 : i32
    "tpu.region"() ({
      %run_scoped3A = tpu.sem_alloc : memref<!tpu.dma_semaphore, #tpu.memory_space<semaphore_mem>>
      %dma_start3A = arith.constant 0 : i32
      %dma_start3A_44 = tpu.memref_slice %arg6[%add3A_18, %dma_start3A] : memref<10240x128xf32, #tpu.memory_space<vmem_shared>> -> memref<128x128xf32, #tpu.memory_space<vmem_shared>>
      %dma_start3A_45 = arith.constant 0 : i32
      %dma_start3A_46 = tpu.memref_slice %arg6[%add3A_18, %dma_start3A_45] : memref<10240x128xf32, #tpu.memory_space<vmem_shared>> -> memref<128x128xf32, #tpu.memory_space<vmem_shared>>
      tpu.enqueue_dma source(%arg5 : memref<128x128xf32, #tpu.memory_space<vmem>>) target(%dma_start3A_46 : memref<128x128xf32, #tpu.memory_space<vmem_shared>>) target_semaphore(%run_scoped3A : memref<!tpu.dma_semaphore, #tpu.memory_space<semaphore_mem>>)
      %dma_wait3A = arith.constant 0 : i32
      %dma_wait3A_47 = tpu.memref_slice %arg6[%add3A_18, %dma_wait3A] : memref<10240x128xf32, #tpu.memory_space<vmem_shared>> -> memref<128x128xf32, #tpu.memory_space<vmem_shared>>
      %dma_wait3A_48 = arith.constant 0 : i32
      %dma_wait3A_49 = tpu.memref_slice %arg6[%add3A_18, %dma_wait3A_48] : memref<10240x128xf32, #tpu.memory_space<vmem_shared>> -> memref<128x128xf32, #tpu.memory_space<vmem_shared>>
      tpu.wait_dma2 semaphore(%run_scoped3A : memref<!tpu.dma_semaphore, #tpu.memory_space<semaphore_mem>>) src(%arg5 : memref<128x128xf32, #tpu.memory_space<vmem>>) dst(%dma_wait3A_49 : memref<128x128xf32, #tpu.memory_space<vmem_shared>>)
      tpu.yield
    }) : () -> ()
    %broadcast_in_dim3A_19 = arith.constant 1.000000e+00 : f32
    %broadcast_in_dim3A_20 = vector.broadcast %broadcast_in_dim3A_19 : f32 to vector<16xf32>
    %scan3A_21 = arith.constant 0 : i32
    %scan3A_22 = arith.constant 0 : i32
    %scan3A_23 = arith.constant 128 : i32
    %scan3A_24 = arith.addi %scan3A_22, %scan3A_23 : i32
    %scan3A_25 = arith.constant 1 : i32
    scf.for %scan3A_44 = %scan3A_22 to %scan3A_24 step %scan3A_25  : i32 {
      %swap3A = arith.index_cast %scan3A_44 : i32 to index
      %swap3A_45 = arith.constant 0 : index
      %swap3A_46 = tpu.vector_load %arg5[%swap3A, %swap3A_45] {strides = array<i32>} : memref<128x128xf32, #tpu.memory_space<vmem>>, vector<1x16xf32>,
      %swap3A_47 = vector.shape_cast %swap3A_46 : vector<1x16xf32> to vector<16xf32>
      %swap3A_48 = vector.shape_cast %broadcast_in_dim3A_20 : vector<16xf32> to vector<1x16xf32>
      tpu.vector_store %arg5[%swap3A, %swap3A_45], %swap3A_48 {strides = array<i32>} : memref<128x128xf32, #tpu.memory_space<vmem>>, vector<1x16xf32>,
      %swap3A_49 = arith.index_cast %scan3A_44 : i32 to index
      %swap3A_50 = arith.constant 16 : index
      %swap3A_51 = tpu.vector_load %arg5[%swap3A_49, %swap3A_50] {strides = array<i32>} : memref<128x128xf32, #tpu.memory_space<vmem>>, vector<1x16xf32>,
      %swap3A_52 = vector.shape_cast %swap3A_51 : vector<1x16xf32> to vector<16xf32>
      %swap3A_53 = vector.shape_cast %broadcast_in_dim3A_20 : vector<16xf32> to vector<1x16xf32>
      tpu.vector_store %arg5[%swap3A_49, %swap3A_50], %swap3A_53 {strides = array<i32>} : memref<128x128xf32, #tpu.memory_space<vmem>>, vector<1x16xf32>,
      %swap3A_54 = arith.index_cast %scan3A_44 : i32 to index
      %swap3A_55 = arith.constant 32 : index
      %swap3A_56 = tpu.vector_load %arg5[%swap3A_54, %swap3A_55] {strides = array<i32>} : memref<128x128xf32, #tpu.memory_space<vmem>>, vector<1x16xf32>,
      %swap3A_57 = vector.shape_cast %swap3A_56 : vector<1x16xf32> to vector<16xf32>
      %swap3A_58 = vector.shape_cast %broadcast_in_dim3A_20 : vector<16xf32> to vector<1x16xf32>
      tpu.vector_store %arg5[%swap3A_54, %swap3A_55], %swap3A_58 {strides = array<i32>} : memref<128x128xf32, #tpu.memory_space<vmem>>, vector<1x16xf32>,
      %swap3A_59 = arith.index_cast %scan3A_44 : i32 to index
      %swap3A_60 = arith.constant 48 : index
      %swap3A_61 = tpu.vector_load %arg5[%swap3A_59, %swap3A_60] {strides = array<i32>} : memref<128x128xf32, #tpu.memory_space<vmem>>, vector<1x16xf32>,
      %swap3A_62 = vector.shape_cast %swap3A_61 : vector<1x16xf32> to vector<16xf32>
      %swap3A_63 = vector.shape_cast %broadcast_in_dim3A_20 : vector<16xf32> to vector<1x16xf32>
      tpu.vector_store %arg5[%swap3A_59, %swap3A_60], %swap3A_63 {strides = array<i32>} : memref<128x128xf32, #tpu.memory_space<vmem>>, vector<1x16xf32>,
      %swap3A_64 = arith.index_cast %scan3A_44 : i32 to index
      %swap3A_65 = arith.constant 64 : index
      %swap3A_66 = tpu.vector_load %arg5[%swap3A_64, %swap3A_65] {strides = array<i32>} : memref<128x128xf32, #tpu.memory_space<vmem>>, vector<1x16xf32>,
      %swap3A_67 = vector.shape_cast %swap3A_66 : vector<1x16xf32> to vector<16xf32>
      %swap3A_68 = vector.shape_cast %broadcast_in_dim3A_20 : vector<16xf32> to vector<1x16xf32>
      tpu.vector_store %arg5[%swap3A_64, %swap3A_65], %swap3A_68 {strides = array<i32>} : memref<128x128xf32, #tpu.memory_space<vmem>>, vector<1x16xf32>,
      %swap3A_69 = arith.index_cast %scan3A_44 : i32 to index
      %swap3A_70 = arith.constant 80 : index
      %swap3A_71 = tpu.vector_load %arg5[%swap3A_69, %swap3A_70] {strides = array<i32>} : memref<128x128xf32, #tpu.memory_space<vmem>>, vector<1x16xf32>,
      %swap3A_72 = vector.shape_cast %swap3A_71 : vector<1x16xf32> to vector<16xf32>
      %swap3A_73 = vector.shape_cast %broadcast_in_dim3A_20 : vector<16xf32> to vector<1x16xf32>
      tpu.vector_store %arg5[%swap3A_69, %swap3A_70], %swap3A_73 {strides = array<i32>} : memref<128x128xf32, #tpu.memory_space<vmem>>, vector<1x16xf32>,
      %swap3A_74 = arith.index_cast %scan3A_44 : i32 to index
      %swap3A_75 = arith.constant 96 : index
      %swap3A_76 = tpu.vector_load %arg5[%swap3A_74, %swap3A_75] {strides = array<i32>} : memref<128x128xf32, #tpu.memory_space<vmem>>, vector<1x16xf32>,
      %swap3A_77 = vector.shape_cast %swap3A_76 : vector<1x16xf32> to vector<16xf32>
      %swap3A_78 = vector.shape_cast %broadcast_in_dim3A_20 : vector<16xf32> to vector<1x16xf32>
      tpu.vector_store %arg5[%swap3A_74, %swap3A_75], %swap3A_78 {strides = array<i32>} : memref<128x128xf32, #tpu.memory_space<vmem>>, vector<1x16xf32>,
      %swap3A_79 = arith.index_cast %scan3A_44 : i32 to index
      %swap3A_80 = arith.constant 112 : index
      %swap3A_81 = tpu.vector_load %arg5[%swap3A_79, %swap3A_80] {strides = array<i32>} : memref<128x128xf32, #tpu.memory_space<vmem>>, vector<1x16xf32>,
      %swap3A_82 = vector.shape_cast %swap3A_81 : vector<1x16xf32> to vector<16xf32>
      %swap3A_83 = vector.shape_cast %broadcast_in_dim3A_20 : vector<16xf32> to vector<1x16xf32>
      tpu.vector_store %arg5[%swap3A_79, %swap3A_80], %swap3A_83 {strides = array<i32>} : memref<128x128xf32, #tpu.memory_space<vmem>>, vector<1x16xf32>,
    }
    %scan3A_26 = arith.constant 128 : i32
    %barrier3A = arith.constant 0 : index
    tpu.barrier barrier_id(%barrier3A)
    %scan3A_27 = arith.constant 0 : i32
    %scan3A_28 = arith.constant 0 : i32
    %scan3A_29 = arith.constant 5 : i32
    %scan3A_30 = arith.addi %scan3A_28, %scan3A_29 : i32
    %scan3A_31 = arith.constant 1 : i32
    scf.for %scan3A_44 = %scan3A_28 to %scan3A_30 step %scan3A_31  : i32 {
      "tpu.region"() ({
        %run_scoped3A = tpu.sem_alloc : memref<!tpu.dma_semaphore, #tpu.memory_space<semaphore_mem>>
        %dma_start3A = arith.constant 0 : i32
        %dma_start3A_55 = arith.constant 0 : i32
        %dma_start3A_56 = tpu.memref_slice %arg2[%add3A, %scan3A_44, %dma_start3A, %dma_start3A_55] : memref<32x5x16x128xi32, #tpu.memory_space<hbm>> -> memref<1x1x16x128xi32, #tpu.memory_space<hbm>>
        %dma_start3A_57 = tpu.memref_squeeze %dma_start3A_56 : memref<1x1x16x128xi32, #tpu.memory_space<hbm>> -> memref<16x128xi32, #tpu.memory_space<hbm>>
        %dma_start3A_58 = arith.constant 0 : i32
        %dma_start3A_59 = arith.constant 0 : i32
        %dma_start3A_60 = tpu.memref_slice %arg2[%add3A, %scan3A_44, %dma_start3A_58, %dma_start3A_59] : memref<32x5x16x128xi32, #tpu.memory_space<hbm>> -> memref<1x1x16x128xi32, #tpu.memory_space<hbm>>
        %dma_start3A_61 = tpu.memref_squeeze %dma_start3A_60 : memref<1x1x16x128xi32, #tpu.memory_space<hbm>> -> memref<16x128xi32, #tpu.memory_space<hbm>>
        tpu.enqueue_dma source(%dma_start3A_61 : memref<16x128xi32, #tpu.memory_space<hbm>>) target(%arg4 : memref<16x128xi32, #tpu.memory_space<vmem>>) target_semaphore(%run_scoped3A : memref<!tpu.dma_semaphore, #tpu.memory_space<semaphore_mem>>)
        %dma_wait3A = arith.constant 0 : i32
        %dma_wait3A_62 = arith.constant 0 : i32
        %dma_wait3A_63 = tpu.memref_slice %arg2[%add3A, %scan3A_44, %dma_wait3A, %dma_wait3A_62] : memref<32x5x16x128xi32, #tpu.memory_space<hbm>> -> memref<1x1x16x128xi32, #tpu.memory_space<hbm>>
        %dma_wait3A_64 = tpu.memref_squeeze %dma_wait3A_63 : memref<1x1x16x128xi32, #tpu.memory_space<hbm>> -> memref<16x128xi32, #tpu.memory_space<hbm>>
        %dma_wait3A_65 = arith.constant 0 : i32
        %dma_wait3A_66 = arith.constant 0 : i32
        %dma_wait3A_67 = tpu.memref_slice %arg2[%add3A, %scan3A_44, %dma_wait3A_65, %dma_wait3A_66] : memref<32x5x16x128xi32, #tpu.memory_space<hbm>> -> memref<1x1x16x128xi32, #tpu.memory_space<hbm>>
        %dma_wait3A_68 = tpu.memref_squeeze %dma_wait3A_67 : memref<1x1x16x128xi32, #tpu.memory_space<hbm>> -> memref<16x128xi32, #tpu.memory_space<hbm>>
        tpu.wait_dma2 semaphore(%run_scoped3A : memref<!tpu.dma_semaphore, #tpu.memory_space<semaphore_mem>>) src(%dma_wait3A_68 : memref<16x128xi32, #tpu.memory_space<hbm>>) dst(%arg4 : memref<16x128xi32, #tpu.memory_space<vmem>>)
        tpu.yield
      }) : () -> ()
      %scan3A_45 = arith.constant 0 : i32
      %scan3A_46 = arith.constant 16 : i32
      %scan3A_47 = arith.addi %scan3A_45, %scan3A_46 : i32
      %scan3A_48 = arith.constant 1 : i32
      scf.for %scan3A_55 = %scan3A_45 to %scan3A_47 step %scan3A_48  : i32 {
        %dma_start3A = arith.constant 0 : i32
        %dma_start3A_56 = tpu.memref_slice %arg4[%scan3A_55, %dma_start3A] : memref<16x128xi32, #tpu.memory_space<vmem>> -> memref<1x128xi32, #tpu.memory_space<vmem>>
        %dma_start3A_57 = tpu.memref_squeeze %dma_start3A_56 : memref<1x128xi32, #tpu.memory_space<vmem>> -> memref<128xi32, #tpu.memory_space<vmem>>
        %dma_start3A_58 = arith.constant 0 : i32
        %dma_start3A_59 = arith.constant 0 : i32
        %dma_start3A_60 = tpu.memref_slice %arg6[%dma_start3A_58, %dma_start3A_59] : memref<10240x128xf32, #tpu.memory_space<vmem_shared>> -> memref<10240x128xf32, #tpu.memory_space<vmem_shared>>
        tpu.enqueue_indirect_dma source(%arg5 : memref<128x128xf32, #tpu.memory_space<vmem>>) target(%dma_start3A_60 : memref<10240x128xf32, #tpu.memory_space<vmem_shared>>) offsets(%dma_start3A_57 : memref<128xi32, #tpu.memory_space<vmem>>) semaphore(%arg7 : memref<!tpu.dma_semaphore, #tpu.memory_space<semaphore_mem>>) {add = true}
      }
      %scan3A_49 = arith.constant 16 : i32
      %scan3A_50 = arith.constant 0 : i32
      %scan3A_51 = arith.constant 16 : i32
      %scan3A_52 = arith.addi %scan3A_50, %scan3A_51 : i32
      %scan3A_53 = arith.constant 1 : i32
      scf.for %scan3A_55 = %scan3A_50 to %scan3A_52 step %scan3A_53  : i32 {
        %dma_wait3A = arith.constant 0 : i32
        %dma_wait3A_56 = tpu.memref_slice %arg4[%scan3A_55, %dma_wait3A] : memref<16x128xi32, #tpu.memory_space<vmem>> -> memref<1x128xi32, #tpu.memory_space<vmem>>
        %dma_wait3A_57 = tpu.memref_squeeze %dma_wait3A_56 : memref<1x128xi32, #tpu.memory_space<vmem>> -> memref<128xi32, #tpu.memory_space<vmem>>
        %dma_wait3A_58 = arith.constant 0 : i32
        %dma_wait3A_59 = arith.constant 0 : i32
        %dma_wait3A_60 = tpu.memref_slice %arg6[%dma_wait3A_58, %dma_wait3A_59] : memref<10240x128xf32, #tpu.memory_space<vmem_shared>> -> memref<10240x128xf32, #tpu.memory_space<vmem_shared>>
        tpu.wait_indirect_dma semaphore(%arg7 : memref<!tpu.dma_semaphore, #tpu.memory_space<semaphore_mem>>) src(%arg5 : memref<128x128xf32, #tpu.memory_space<vmem>>) dst(%dma_wait3A_60 : memref<10240x128xf32, #tpu.memory_space<vmem_shared>>)
      }
      %scan3A_54 = arith.constant 16 : i32
    }
    %scan3A_32 = arith.constant 5 : i32
    %barrier3A_33 = arith.constant 0 : index
    tpu.barrier barrier_id(%barrier3A_33)
    %add3A_34 = arith.constant 0 : i32
    %add3A_35 = arith.addi %mul3A_2, %add3A_34 : i32
    "tpu.region"() ({
      %run_scoped3A = tpu.sem_alloc : memref<!tpu.dma_semaphore, #tpu.memory_space<semaphore_mem>>
      %dma_start3A = arith.constant 0 : i32
      %dma_start3A_44 = tpu.memref_slice %arg6[%add3A_35, %dma_start3A] : memref<10240x128xf32, #tpu.memory_space<vmem_shared>> -> memref<128x128xf32, #tpu.memory_space<vmem_shared>>
      %dma_start3A_45 = arith.constant 0 : i32
      %dma_start3A_46 = tpu.memref_slice %arg6[%add3A_35, %dma_start3A_45] : memref<10240x128xf32, #tpu.memory_space<vmem_shared>> -> memref<128x128xf32, #tpu.memory_space<vmem_shared>>
      tpu.enqueue_dma source(%dma_start3A_46 : memref<128x128xf32, #tpu.memory_space<vmem_shared>>) target(%arg5 : memref<128x128xf32, #tpu.memory_space<vmem>>) target_semaphore(%run_scoped3A : memref<!tpu.dma_semaphore, #tpu.memory_space<semaphore_mem>>)
      %dma_wait3A = arith.constant 0 : i32
      %dma_wait3A_47 = tpu.memref_slice %arg6[%add3A_35, %dma_wait3A] : memref<10240x128xf32, #tpu.memory_space<vmem_shared>> -> memref<128x128xf32, #tpu.memory_space<vmem_shared>>
      %dma_wait3A_48 = arith.constant 0 : i32
      %dma_wait3A_49 = tpu.memref_slice %arg6[%add3A_35, %dma_wait3A_48] : memref<10240x128xf32, #tpu.memory_space<vmem_shared>> -> memref<128x128xf32, #tpu.memory_space<vmem_shared>>
      tpu.wait_dma2 semaphore(%run_scoped3A : memref<!tpu.dma_semaphore, #tpu.memory_space<semaphore_mem>>) src(%dma_wait3A_49 : memref<128x128xf32, #tpu.memory_space<vmem_shared>>) dst(%arg5 : memref<128x128xf32, #tpu.memory_space<vmem>>)
      tpu.yield
    }) : () -> ()
    "tpu.region"() ({
      %run_scoped3A = tpu.sem_alloc : memref<!tpu.dma_semaphore, #tpu.memory_space<semaphore_mem>>
      %dma_start3A = arith.constant 0 : i32
      %dma_start3A_44 = tpu.memref_slice %arg3[%arg0, %add3A_35, %dma_start3A] : memref<2x10240x128xf32, #tpu.memory_space<hbm>> -> memref<1x128x128xf32, #tpu.memory_space<hbm>>
      %dma_start3A_45 = tpu.memref_squeeze %dma_start3A_44 : memref<1x128x128xf32, #tpu.memory_space<hbm>> -> memref<128x128xf32, #tpu.memory_space<hbm>>
      %dma_start3A_46 = arith.constant 0 : i32
      %dma_start3A_47 = tpu.memref_slice %arg3[%arg0, %add3A_35, %dma_start3A_46] : memref<2x10240x128xf32, #tpu.memory_space<hbm>> -> memref<1x128x128xf32, #tpu.memory_space<hbm>>
      %dma_start3A_48 = tpu.memref_squeeze %dma_start3A_47 : memref<1x128x128xf32, #tpu.memory_space<hbm>> -> memref<128x128xf32, #tpu.memory_space<hbm>>
      tpu.enqueue_dma source(%arg5 : memref<128x128xf32, #tpu.memory_space<vmem>>) target(%dma_start3A_48 : memref<128x128xf32, #tpu.memory_space<hbm>>) target_semaphore(%run_scoped3A : memref<!tpu.dma_semaphore, #tpu.memory_space<semaphore_mem>>)
      %dma_wait3A = arith.constant 0 : i32
      %dma_wait3A_49 = tpu.memref_slice %arg3[%arg0, %add3A_35, %dma_wait3A] : memref<2x10240x128xf32, #tpu.memory_space<hbm>> -> memref<1x128x128xf32, #tpu.memory_space<hbm>>
      %dma_wait3A_50 = tpu.memref_squeeze %dma_wait3A_49 : memref<1x128x128xf32, #tpu.memory_space<hbm>> -> memref<128x128xf32, #tpu.memory_space<hbm>>
      %dma_wait3A_51 = arith.constant 0 : i32
      %dma_wait3A_52 = tpu.memref_slice %arg3[%arg0, %add3A_35, %dma_wait3A_51] : memref<2x10240x128xf32, #tpu.memory_space<hbm>> -> memref<1x128x128xf32, #tpu.memory_space<hbm>>
      %dma_wait3A_53 = tpu.memref_squeeze %dma_wait3A_52 : memref<1x128x128xf32, #tpu.memory_space<hbm>> -> memref<128x128xf32, #tpu.memory_space<hbm>>
      tpu.wait_dma2 semaphore(%run_scoped3A : memref<!tpu.dma_semaphore, #tpu.memory_space<semaphore_mem>>) src(%arg5 : memref<128x128xf32, #tpu.memory_space<vmem>>) dst(%dma_wait3A_53 : memref<128x128xf32, #tpu.memory_space<hbm>>)
      tpu.yield
    }) : () -> ()
    %add3A_36 = arith.constant 128 : i32
    %add3A_37 = arith.addi %mul3A_2, %add3A_36 : i32
    "tpu.region"() ({
      %run_scoped3A = tpu.sem_alloc : memref<!tpu.dma_semaphore, #tpu.memory_space<semaphore_mem>>
      %dma_start3A = arith.constant 0 : i32
      %dma_start3A_44 = tpu.memref_slice %arg6[%add3A_37, %dma_start3A] : memref<10240x128xf32, #tpu.memory_space<vmem_shared>> -> memref<128x128xf32, #tpu.memory_space<vmem_shared>>
      %dma_start3A_45 = arith.constant 0 : i32
      %dma_start3A_46 = tpu.memref_slice %arg6[%add3A_37, %dma_start3A_45] : memref<10240x128xf32, #tpu.memory_space<vmem_shared>> -> memref<128x128xf32, #tpu.memory_space<vmem_shared>>
      tpu.enqueue_dma source(%dma_start3A_46 : memref<128x128xf32, #tpu.memory_space<vmem_shared>>) target(%arg5 : memref<128x128xf32, #tpu.memory_space<vmem>>) target_semaphore(%run_scoped3A : memref<!tpu.dma_semaphore, #tpu.memory_space<semaphore_mem>>)
      %dma_wait3A = arith.constant 0 : i32
      %dma_wait3A_47 = tpu.memref_slice %arg6[%add3A_37, %dma_wait3A] : memref<10240x128xf32, #tpu.memory_space<vmem_shared>> -> memref<128x128xf32, #tpu.memory_space<vmem_shared>>
      %dma_wait3A_48 = arith.constant 0 : i32
      %dma_wait3A_49 = tpu.memref_slice %arg6[%add3A_37, %dma_wait3A_48] : memref<10240x128xf32, #tpu.memory_space<vmem_shared>> -> memref<128x128xf32, #tpu.memory_space<vmem_shared>>
      tpu.wait_dma2 semaphore(%run_scoped3A : memref<!tpu.dma_semaphore, #tpu.memory_space<semaphore_mem>>) src(%dma_wait3A_49 : memref<128x128xf32, #tpu.memory_space<vmem_shared>>) dst(%arg5 : memref<128x128xf32, #tpu.memory_space<vmem>>)
      tpu.yield
    }) : () -> ()
    "tpu.region"() ({
      %run_scoped3A = tpu.sem_alloc : memref<!tpu.dma_semaphore, #tpu.memory_space<semaphore_mem>>
      %dma_start3A = arith.constant 0 : i32
      %dma_start3A_44 = tpu.memref_slice %arg3[%arg0, %add3A_37, %dma_start3A] : memref<2x10240x128xf32, #tpu.memory_space<hbm>> -> memref<1x128x128xf32, #tpu.memory_space<hbm>>
      %dma_start3A_45 = tpu.memref_squeeze %dma_start3A_44 : memref<1x128x128xf32, #tpu.memory_space<hbm>> -> memref<128x128xf32, #tpu.memory_space<hbm>>
      %dma_start3A_46 = arith.constant 0 : i32
      %dma_start3A_47 = tpu.memref_slice %arg3[%arg0, %add3A_37, %dma_start3A_46] : memref<2x10240x128xf32, #tpu.memory_space<hbm>> -> memref<1x128x128xf32, #tpu.memory_space<hbm>>
      %dma_start3A_48 = tpu.memref_squeeze %dma_start3A_47 : memref<1x128x128xf32, #tpu.memory_space<hbm>> -> memref<128x128xf32, #tpu.memory_space<hbm>>
      tpu.enqueue_dma source(%arg5 : memref<128x128xf32, #tpu.memory_space<vmem>>) target(%dma_start3A_48 : memref<128x128xf32, #tpu.memory_space<hbm>>) target_semaphore(%run_scoped3A : memref<!tpu.dma_semaphore, #tpu.memory_space<semaphore_mem>>)
      %dma_wait3A = arith.constant 0 : i32
      %dma_wait3A_49 = tpu.memref_slice %arg3[%arg0, %add3A_37, %dma_wait3A] : memref<2x10240x128xf32, #tpu.memory_space<hbm>> -> memref<1x128x128xf32, #tpu.memory_space<hbm>>
      %dma_wait3A_50 = tpu.memref_squeeze %dma_wait3A_49 : memref<1x128x128xf32, #tpu.memory_space<hbm>> -> memref<128x128xf32, #tpu.memory_space<hbm>>
      %dma_wait3A_51 = arith.constant 0 : i32
      %dma_wait3A_52 = tpu.memref_slice %arg3[%arg0, %add3A_37, %dma_wait3A_51] : memref<2x10240x128xf32, #tpu.memory_space<hbm>> -> memref<1x128x128xf32, #tpu.memory_space<hbm>>
      %dma_wait3A_53 = tpu.memref_squeeze %dma_wait3A_52 : memref<1x128x128xf32, #tpu.memory_space<hbm>> -> memref<128x128xf32, #tpu.memory_space<hbm>>
      tpu.wait_dma2 semaphore(%run_scoped3A : memref<!tpu.dma_semaphore, #tpu.memory_space<semaphore_mem>>) src(%arg5 : memref<128x128xf32, #tpu.memory_space<vmem>>) dst(%dma_wait3A_53 : memref<128x128xf32, #tpu.memory_space<hbm>>)
      tpu.yield
    }) : () -> ()
    %add3A_38 = arith.constant 256 : i32
    %add3A_39 = arith.addi %mul3A_2, %add3A_38 : i32
    "tpu.region"() ({
      %run_scoped3A = tpu.sem_alloc : memref<!tpu.dma_semaphore, #tpu.memory_space<semaphore_mem>>
      %dma_start3A = arith.constant 0 : i32
      %dma_start3A_44 = tpu.memref_slice %arg6[%add3A_39, %dma_start3A] : memref<10240x128xf32, #tpu.memory_space<vmem_shared>> -> memref<128x128xf32, #tpu.memory_space<vmem_shared>>
      %dma_start3A_45 = arith.constant 0 : i32
      %dma_start3A_46 = tpu.memref_slice %arg6[%add3A_39, %dma_start3A_45] : memref<10240x128xf32, #tpu.memory_space<vmem_shared>> -> memref<128x128xf32, #tpu.memory_space<vmem_shared>>
      tpu.enqueue_dma source(%dma_start3A_46 : memref<128x128xf32, #tpu.memory_space<vmem_shared>>) target(%arg5 : memref<128x128xf32, #tpu.memory_space<vmem>>) target_semaphore(%run_scoped3A : memref<!tpu.dma_semaphore, #tpu.memory_space<semaphore_mem>>)
      %dma_wait3A = arith.constant 0 : i32
      %dma_wait3A_47 = tpu.memref_slice %arg6[%add3A_39, %dma_wait3A] : memref<10240x128xf32, #tpu.memory_space<vmem_shared>> -> memref<128x128xf32, #tpu.memory_space<vmem_shared>>
      %dma_wait3A_48 = arith.constant 0 : i32
      %dma_wait3A_49 = tpu.memref_slice %arg6[%add3A_39, %dma_wait3A_48] : memref<10240x128xf32, #tpu.memory_space<vmem_shared>> -> memref<128x128xf32, #tpu.memory_space<vmem_shared>>
      tpu.wait_dma2 semaphore(%run_scoped3A : memref<!tpu.dma_semaphore, #tpu.memory_space<semaphore_mem>>) src(%dma_wait3A_49 : memref<128x128xf32, #tpu.memory_space<vmem_shared>>) dst(%arg5 : memref<128x128xf32, #tpu.memory_space<vmem>>)
      tpu.yield
    }) : () -> ()
    "tpu.region"() ({
      %run_scoped3A = tpu.sem_alloc : memref<!tpu.dma_semaphore, #tpu.memory_space<semaphore_mem>>
      %dma_start3A = arith.constant 0 : i32
      %dma_start3A_44 = tpu.memref_slice %arg3[%arg0, %add3A_39, %dma_start3A] : memref<2x10240x128xf32, #tpu.memory_space<hbm>> -> memref<1x128x128xf32, #tpu.memory_space<hbm>>
      %dma_start3A_45 = tpu.memref_squeeze %dma_start3A_44 : memref<1x128x128xf32, #tpu.memory_space<hbm>> -> memref<128x128xf32, #tpu.memory_space<hbm>>
      %dma_start3A_46 = arith.constant 0 : i32
      %dma_start3A_47 = tpu.memref_slice %arg3[%arg0, %add3A_39, %dma_start3A_46] : memref<2x10240x128xf32, #tpu.memory_space<hbm>> -> memref<1x128x128xf32, #tpu.memory_space<hbm>>
      %dma_start3A_48 = tpu.memref_squeeze %dma_start3A_47 : memref<1x128x128xf32, #tpu.memory_space<hbm>> -> memref<128x128xf32, #tpu.memory_space<hbm>>
      tpu.enqueue_dma source(%arg5 : memref<128x128xf32, #tpu.memory_space<vmem>>) target(%dma_start3A_48 : memref<128x128xf32, #tpu.memory_space<hbm>>) target_semaphore(%run_scoped3A : memref<!tpu.dma_semaphore, #tpu.memory_space<semaphore_mem>>)
      %dma_wait3A = arith.constant 0 : i32
      %dma_wait3A_49 = tpu.memref_slice %arg3[%arg0, %add3A_39, %dma_wait3A] : memref<2x10240x128xf32, #tpu.memory_space<hbm>> -> memref<1x128x128xf32, #tpu.memory_space<hbm>>
      %dma_wait3A_50 = tpu.memref_squeeze %dma_wait3A_49 : memref<1x128x128xf32, #tpu.memory_space<hbm>> -> memref<128x128xf32, #tpu.memory_space<hbm>>
      %dma_wait3A_51 = arith.constant 0 : i32
      %dma_wait3A_52 = tpu.memref_slice %arg3[%arg0, %add3A_39, %dma_wait3A_51] : memref<2x10240x128xf32, #tpu.memory_space<hbm>> -> memref<1x128x128xf32, #tpu.memory_space<hbm>>
      %dma_wait3A_53 = tpu.memref_squeeze %dma_wait3A_52 : memref<1x128x128xf32, #tpu.memory_space<hbm>> -> memref<128x128xf32, #tpu.memory_space<hbm>>
      tpu.wait_dma2 semaphore(%run_scoped3A : memref<!tpu.dma_semaphore, #tpu.memory_space<semaphore_mem>>) src(%arg5 : memref<128x128xf32, #tpu.memory_space<vmem>>) dst(%dma_wait3A_53 : memref<128x128xf32, #tpu.memory_space<hbm>>)
      tpu.yield
    }) : () -> ()
    %add3A_40 = arith.constant 384 : i32
    %add3A_41 = arith.addi %mul3A_2, %add3A_40 : i32
    "tpu.region"() ({
      %run_scoped3A = tpu.sem_alloc : memref<!tpu.dma_semaphore, #tpu.memory_space<semaphore_mem>>
      %dma_start3A = arith.constant 0 : i32
      %dma_start3A_44 = tpu.memref_slice %arg6[%add3A_41, %dma_start3A] : memref<10240x128xf32, #tpu.memory_space<vmem_shared>> -> memref<128x128xf32, #tpu.memory_space<vmem_shared>>
      %dma_start3A_45 = arith.constant 0 : i32
      %dma_start3A_46 = tpu.memref_slice %arg6[%add3A_41, %dma_start3A_45] : memref<10240x128xf32, #tpu.memory_space<vmem_shared>> -> memref<128x128xf32, #tpu.memory_space<vmem_shared>>
      tpu.enqueue_dma source(%dma_start3A_46 : memref<128x128xf32, #tpu.memory_space<vmem_shared>>) target(%arg5 : memref<128x128xf32, #tpu.memory_space<vmem>>) target_semaphore(%run_scoped3A : memref<!tpu.dma_semaphore, #tpu.memory_space<semaphore_mem>>)
      %dma_wait3A = arith.constant 0 : i32
      %dma_wait3A_47 = tpu.memref_slice %arg6[%add3A_41, %dma_wait3A] : memref<10240x128xf32, #tpu.memory_space<vmem_shared>> -> memref<128x128xf32, #tpu.memory_space<vmem_shared>>
      %dma_wait3A_48 = arith.constant 0 : i32
      %dma_wait3A_49 = tpu.memref_slice %arg6[%add3A_41, %dma_wait3A_48] : memref<10240x128xf32, #tpu.memory_space<vmem_shared>> -> memref<128x128xf32, #tpu.memory_space<vmem_shared>>
      tpu.wait_dma2 semaphore(%run_scoped3A : memref<!tpu.dma_semaphore, #tpu.memory_space<semaphore_mem>>) src(%dma_wait3A_49 : memref<128x128xf32, #tpu.memory_space<vmem_shared>>) dst(%arg5 : memref<128x128xf32, #tpu.memory_space<vmem>>)
      tpu.yield
    }) : () -> ()
    "tpu.region"() ({
      %run_scoped3A = tpu.sem_alloc : memref<!tpu.dma_semaphore, #tpu.memory_space<semaphore_mem>>
      %dma_start3A = arith.constant 0 : i32
      %dma_start3A_44 = tpu.memref_slice %arg3[%arg0, %add3A_41, %dma_start3A] : memref<2x10240x128xf32, #tpu.memory_space<hbm>> -> memref<1x128x128xf32, #tpu.memory_space<hbm>>
      %dma_start3A_45 = tpu.memref_squeeze %dma_start3A_44 : memref<1x128x128xf32, #tpu.memory_space<hbm>> -> memref<128x128xf32, #tpu.memory_space<hbm>>
      %dma_start3A_46 = arith.constant 0 : i32
      %dma_start3A_47 = tpu.memref_slice %arg3[%arg0, %add3A_41, %dma_start3A_46] : memref<2x10240x128xf32, #tpu.memory_space<hbm>> -> memref<1x128x128xf32, #tpu.memory_space<hbm>>
      %dma_start3A_48 = tpu.memref_squeeze %dma_start3A_47 : memref<1x128x128xf32, #tpu.memory_space<hbm>> -> memref<128x128xf32, #tpu.memory_space<hbm>>
      tpu.enqueue_dma source(%arg5 : memref<128x128xf32, #tpu.memory_space<vmem>>) target(%dma_start3A_48 : memref<128x128xf32, #tpu.memory_space<hbm>>) target_semaphore(%run_scoped3A : memref<!tpu.dma_semaphore, #tpu.memory_space<semaphore_mem>>)
      %dma_wait3A = arith.constant 0 : i32
      %dma_wait3A_49 = tpu.memref_slice %arg3[%arg0, %add3A_41, %dma_wait3A] : memref<2x10240x128xf32, #tpu.memory_space<hbm>> -> memref<1x128x128xf32, #tpu.memory_space<hbm>>
      %dma_wait3A_50 = tpu.memref_squeeze %dma_wait3A_49 : memref<1x128x128xf32, #tpu.memory_space<hbm>> -> memref<128x128xf32, #tpu.memory_space<hbm>>
      %dma_wait3A_51 = arith.constant 0 : i32
      %dma_wait3A_52 = tpu.memref_slice %arg3[%arg0, %add3A_41, %dma_wait3A_51] : memref<2x10240x128xf32, #tpu.memory_space<hbm>> -> memref<1x128x128xf32, #tpu.memory_space<hbm>>
      %dma_wait3A_53 = tpu.memref_squeeze %dma_wait3A_52 : memref<1x128x128xf32, #tpu.memory_space<hbm>> -> memref<128x128xf32, #tpu.memory_space<hbm>>
      tpu.wait_dma2 semaphore(%run_scoped3A : memref<!tpu.dma_semaphore, #tpu.memory_space<semaphore_mem>>) src(%arg5 : memref<128x128xf32, #tpu.memory_space<vmem>>) dst(%dma_wait3A_53 : memref<128x128xf32, #tpu.memory_space<hbm>>)
      tpu.yield
    }) : () -> ()
    %add3A_42 = arith.constant 512 : i32
    %add3A_43 = arith.addi %mul3A_2, %add3A_42 : i32
    "tpu.region"() ({
      %run_scoped3A = tpu.sem_alloc : memref<!tpu.dma_semaphore, #tpu.memory_space<semaphore_mem>>
      %dma_start3A = arith.constant 0 : i32
      %dma_start3A_44 = tpu.memref_slice %arg6[%add3A_43, %dma_start3A] : memref<10240x128xf32, #tpu.memory_space<vmem_shared>> -> memref<128x128xf32, #tpu.memory_space<vmem_shared>>
      %dma_start3A_45 = arith.constant 0 : i32
      %dma_start3A_46 = tpu.memref_slice %arg6[%add3A_43, %dma_start3A_45] : memref<10240x128xf32, #tpu.memory_space<vmem_shared>> -> memref<128x128xf32, #tpu.memory_space<vmem_shared>>
      tpu.enqueue_dma source(%dma_start3A_46 : memref<128x128xf32, #tpu.memory_space<vmem_shared>>) target(%arg5 : memref<128x128xf32, #tpu.memory_space<vmem>>) target_semaphore(%run_scoped3A : memref<!tpu.dma_semaphore, #tpu.memory_space<semaphore_mem>>)
      %dma_wait3A = arith.constant 0 : i32
      %dma_wait3A_47 = tpu.memref_slice %arg6[%add3A_43, %dma_wait3A] : memref<10240x128xf32, #tpu.memory_space<vmem_shared>> -> memref<128x128xf32, #tpu.memory_space<vmem_shared>>
      %dma_wait3A_48 = arith.constant 0 : i32
      %dma_wait3A_49 = tpu.memref_slice %arg6[%add3A_43, %dma_wait3A_48] : memref<10240x128xf32, #tpu.memory_space<vmem_shared>> -> memref<128x128xf32, #tpu.memory_space<vmem_shared>>
      tpu.wait_dma2 semaphore(%run_scoped3A : memref<!tpu.dma_semaphore, #tpu.memory_space<semaphore_mem>>) src(%dma_wait3A_49 : memref<128x128xf32, #tpu.memory_space<vmem_shared>>) dst(%arg5 : memref<128x128xf32, #tpu.memory_space<vmem>>)
      tpu.yield
    }) : () -> ()
    "tpu.region"() ({
      %run_scoped3A = tpu.sem_alloc : memref<!tpu.dma_semaphore, #tpu.memory_space<semaphore_mem>>
      %dma_start3A = arith.constant 0 : i32
      %dma_start3A_44 = tpu.memref_slice %arg3[%arg0, %add3A_43, %dma_start3A] : memref<2x10240x128xf32, #tpu.memory_space<hbm>> -> memref<1x128x128xf32, #tpu.memory_space<hbm>>
      %dma_start3A_45 = tpu.memref_squeeze %dma_start3A_44 : memref<1x128x128xf32, #tpu.memory_space<hbm>> -> memref<128x128xf32, #tpu.memory_space<hbm>>
      %dma_start3A_46 = arith.constant 0 : i32
      %dma_start3A_47 = tpu.memref_slice %arg3[%arg0, %add3A_43, %dma_start3A_46] : memref<2x10240x128xf32, #tpu.memory_space<hbm>> -> memref<1x128x128xf32, #tpu.memory_space<hbm>>
      %dma_start3A_48 = tpu.memref_squeeze %dma_start3A_47 : memref<1x128x128xf32, #tpu.memory_space<hbm>> -> memref<128x128xf32, #tpu.memory_space<hbm>>
      tpu.enqueue_dma source(%arg5 : memref<128x128xf32, #tpu.memory_space<vmem>>) target(%dma_start3A_48 : memref<128x128xf32, #tpu.memory_space<hbm>>) target_semaphore(%run_scoped3A : memref<!tpu.dma_semaphore, #tpu.memory_space<semaphore_mem>>)
      %dma_wait3A = arith.constant 0 : i32
      %dma_wait3A_49 = tpu.memref_slice %arg3[%arg0, %add3A_43, %dma_wait3A] : memref<2x10240x128xf32, #tpu.memory_space<hbm>> -> memref<1x128x128xf32, #tpu.memory_space<hbm>>
      %dma_wait3A_50 = tpu.memref_squeeze %dma_wait3A_49 : memref<1x128x128xf32, #tpu.memory_space<hbm>> -> memref<128x128xf32, #tpu.memory_space<hbm>>
      %dma_wait3A_51 = arith.constant 0 : i32
      %dma_wait3A_52 = tpu.memref_slice %arg3[%arg0, %add3A_43, %dma_wait3A_51] : memref<2x10240x128xf32, #tpu.memory_space<hbm>> -> memref<1x128x128xf32, #tpu.memory_space<hbm>>
      %dma_wait3A_53 = tpu.memref_squeeze %dma_wait3A_52 : memref<1x128x128xf32, #tpu.memory_space<hbm>> -> memref<128x128xf32, #tpu.memory_space<hbm>>
      tpu.wait_dma2 semaphore(%run_scoped3A : memref<!tpu.dma_semaphore, #tpu.memory_space<semaphore_mem>>) src(%arg5 : memref<128x128xf32, #tpu.memory_space<vmem>>) dst(%dma_wait3A_53 : memref<128x128xf32, #tpu.memory_space<hbm>>)
      tpu.yield
    }) : () -> ()
    return
  }
}

module attributes {stable_mosaic.version = 14 : i64} {
  func.func @body(%arg0: i32, %arg1: memref<2x512x128xf32, #tpu.memory_space<vmem>>, %arg2: memref<2x512x8xf32, #tpu.memory_space<vmem>>, %arg3: memref<512x128xf32, #tpu.memory_space<vmem>>, %arg4: memref<128x128xf32, #tpu.memory_space<vmem>>, %arg5: memref<128x128xf32, #tpu.memory_space<vmem>>, %arg6: memref<1x128xf32, #tpu.memory_space<vmem>>, %arg7: memref<512x128xf32, #tpu.memory_space<vmem>>, %arg8: memref<8x128xf32, #tpu.memory_space<vmem>>, %arg9: memref<8x128xf32, #tpu.memory_space<vmem>>) attributes {dimension_semantics = [#tpu.dimension_semantics<arbitrary>], iteration_bounds = array<i64: 20>, scalar_prefetch = 0 : i64, scratch_operands = 1 : i64, tpu.core_type = #tpu.core_type<tc>, window_params = [{transform_indices = @transform_0, window_bounds = array<i64: 2, 512, 128>}, {transform_indices = @transform_1, window_bounds = array<i64: 2, 512, 8>}, {transform_indices = @transform_2, window_bounds = array<i64: 512, 128>}, {pipeline_mode = #tpu.pipeline_mode<synchronous>, transform_indices = @transform_3, window_bounds = array<i64: 128, 128>}, {pipeline_mode = #tpu.pipeline_mode<synchronous>, transform_indices = @transform_4, window_bounds = array<i64: 128, 128>}, {pipeline_mode = #tpu.pipeline_mode<synchronous>, transform_indices = @transform_5, window_bounds = array<i64: 1, 128>}, {transform_indices = @transform_6, window_bounds = array<i64: 512, 128>}, {pipeline_mode = #tpu.pipeline_mode<synchronous>, transform_indices = @transform_7, window_bounds = array<i64: 8, 128>}]} {
    %get3A = arith.constant 0 : index
    %get3A_0 = arith.constant 0 : index
    %get3A_1 = arith.constant 0 : index
    %get3A_2 = vector.load %arg1[%get3A, %get3A_0, %get3A_1] : memref<2x512x128xf32, #tpu.memory_space<vmem>>, vector<1x512x128xf32>
    %get3A_3 = vector.shape_cast %get3A_2 : vector<1x512x128xf32> to vector<512x128xf32>
    %get3A_4 = arith.constant 1 : index
    %get3A_5 = arith.constant 0 : index
    %get3A_6 = arith.constant 0 : index
    %get3A_7 = vector.load %arg1[%get3A_4, %get3A_5, %get3A_6] : memref<2x512x128xf32, #tpu.memory_space<vmem>>, vector<1x512x128xf32>
    %get3A_8 = vector.shape_cast %get3A_7 : vector<1x512x128xf32> to vector<512x128xf32>
    %add3A = arith.addf %get3A_3, %get3A_8 : vector<512x128xf32>
    %get3A_9 = arith.constant 0 : index
    %get3A_10 = arith.constant 0 : index
    %get3A_11 = arith.constant 0 : index
    %get3A_12 = vector.load %arg2[%get3A_9, %get3A_10, %get3A_11] : memref<2x512x8xf32, #tpu.memory_space<vmem>>, vector<1x512x1xf32>
    %get3A_13 = vector.shape_cast %get3A_12 : vector<1x512x1xf32> to vector<512x1xf32>
    %get3A_14 = arith.constant 1 : index
    %get3A_15 = arith.constant 0 : index
    %get3A_16 = arith.constant 0 : index
    %get3A_17 = vector.load %arg2[%get3A_14, %get3A_15, %get3A_16] : memref<2x512x8xf32, #tpu.memory_space<vmem>>, vector<1x512x1xf32>
    %get3A_18 = vector.shape_cast %get3A_17 : vector<1x512x1xf32> to vector<512x1xf32>
    %add3A_19 = arith.addf %get3A_13, %get3A_18 : vector<512x1xf32>
    %max3A = arith.constant 1.000000e+00 : f32
    %max3A_20 = vector.broadcast %max3A : f32 to vector<512x1xf32>
    %max3A_21 = arith.maximumf %add3A_19, %max3A_20 : vector<512x1xf32>
    %div3A = vector.broadcast %max3A_21 : vector<512x1xf32> to vector<512x128xf32>
    %div3A_22 = arith.divf %add3A, %div3A : vector<512x128xf32>
    %get3A_23 = arith.constant 0 : index
    %get3A_24 = arith.constant 0 : index
    %get3A_25 = vector.load %arg4[%get3A_23, %get3A_24] : memref<128x128xf32, #tpu.memory_space<vmem>>, vector<128x128xf32>
    %dot_general3A = arith.constant dense<0.000000e+00> : vector<512x128xf32>
    %dot_general3A_26 = tpu.matmul %div3A_22, %get3A_25, %dot_general3A {dimension_numbers = #tpu.dot_dimension_numbers<[1], [0], [0], [1], [0, 0, 1, 1], [], []>, transpose_lhs_hint = false} : vector<512x128xf32>, vector<128x128xf32>, vector<512x128xf32> -> vector<512x128xf32>
    %get3A_27 = arith.constant 0 : index
    %get3A_28 = arith.constant 0 : index
    %get3A_29 = vector.load %arg3[%get3A_27, %get3A_28] : memref<512x128xf32, #tpu.memory_space<vmem>>, vector<512x128xf32>
    %get3A_30 = arith.constant 0 : index
    %get3A_31 = arith.constant 0 : index
    %get3A_32 = vector.load %arg5[%get3A_30, %get3A_31] : memref<128x128xf32, #tpu.memory_space<vmem>>, vector<128x128xf32>
    %dot_general3A_33 = arith.constant dense<0.000000e+00> : vector<512x128xf32>
    %dot_general3A_34 = tpu.matmul %get3A_29, %get3A_32, %dot_general3A_33 {dimension_numbers = #tpu.dot_dimension_numbers<[1], [0], [0], [1], [0, 0, 1, 1], [], []>, transpose_lhs_hint = false} : vector<512x128xf32>, vector<128x128xf32>, vector<512x128xf32> -> vector<512x128xf32>
    %add3A_35 = arith.addf %dot_general3A_26, %dot_general3A_34 : vector<512x128xf32>
    %get3A_36 = arith.constant 0 : index
    %get3A_37 = arith.constant 0 : index
    %get3A_38 = vector.load %arg6[%get3A_36, %get3A_37] : memref<1x128xf32, #tpu.memory_space<vmem>>, vector<1x128xf32>
    %add3A_39 = vector.broadcast %get3A_38 : vector<1x128xf32> to vector<512x128xf32>
    %add3A_40 = arith.addf %add3A_35, %add3A_39 : vector<512x128xf32>
    %mul3A = arith.constant 512 : i32
    %mul3A_41 = arith.muli %arg0, %mul3A : i32
    %iota3A = tpu.iota {dimensions = array<i32: 0>} : vector<512x1xi32>
    %add3A_42 = vector.broadcast %mul3A_41 : i32 to vector<512x1xi32>
    %add3A_43 = arith.addi %add3A_42, %iota3A : vector<512x1xi32>
    %lt3A = arith.constant 10000 : i32
    %lt3A_44 = vector.broadcast %lt3A : i32 to vector<512x1xi32>
    %lt3A_45 = arith.cmpi slt, %add3A_43, %lt3A_44 : vector<512x1xi32>
    %jit3A = arith.constant 0.000000e+00 : f32
    %broadcast_in_dim3A = vector.shape_cast %lt3A_45 : vector<512x1xi1> to vector<512x1xi1>
    %broadcast_in_dim3A_46 = vector.broadcast %broadcast_in_dim3A : vector<512x1xi1> to vector<512x128xi1>
    %broadcast_in_dim3A_47 = vector.broadcast %jit3A : f32 to vector<512x128xf32>
    %select_n3A = arith.select %broadcast_in_dim3A_46, %add3A_40, %broadcast_in_dim3A_47 : vector<512x128xi1>, vector<512x128xf32>
    %swap3A = arith.constant 0 : index
    %swap3A_48 = arith.constant 0 : index
    %swap3A_49 = vector.load %arg7[%swap3A, %swap3A_48] : memref<512x128xf32, #tpu.memory_space<vmem>>, vector<512x128xf32>
    tpu.vector_store %arg7[%swap3A, %swap3A_48], %select_n3A {strides = array<i32>} : memref<512x128xf32, #tpu.memory_space<vmem>>, vector<512x128xf32>,
    %eq3A = arith.constant 0 : i32
    %eq3A_50 = arith.cmpi eq, %arg0, %eq3A : i32
    %convert_element_type3A = arith.extui %eq3A_50 : i1 to i32
    %cond3A = arith.constant 0 : i32
    %cond3A_51 = arith.cmpi ne, %convert_element_type3A, %cond3A : i32
    scf.if %cond3A_51 {
      %broadcast_in_dim3A_77 = arith.constant 0.000000e+00 : f32
      %broadcast_in_dim3A_78 = vector.broadcast %broadcast_in_dim3A_77 : f32 to vector<8x128xf32>
      %swap3A_79 = arith.constant 0 : index
      %swap3A_80 = arith.constant 0 : index
      %swap3A_81 = vector.load %arg9[%swap3A_79, %swap3A_80] : memref<8x128xf32, #tpu.memory_space<vmem>>, vector<8x128xf32>
      tpu.vector_store %arg9[%swap3A_79, %swap3A_80], %broadcast_in_dim3A_78 {strides = array<i32>} : memref<8x128xf32, #tpu.memory_space<vmem>>, vector<8x128xf32>,
    } else {
    }
    %get3A_52 = arith.constant 0 : index
    %get3A_53 = arith.constant 0 : index
    %get3A_54 = vector.load %arg9[%get3A_52, %get3A_53] : memref<8x128xf32, #tpu.memory_space<vmem>>, vector<1x128xf32>
    %reduce_sum3A = arith.constant dense<0.000000e+00> : vector<128xf32>
    %reduce_sum3A_55 = vector.multi_reduction <add>, %select_n3A, %reduce_sum3A [0] : vector<512x128xf32> to vector<128xf32>
    %broadcast_in_dim3A_56 = vector.shape_cast %reduce_sum3A_55 : vector<128xf32> to vector<1x128xf32>
    %add3A_57 = arith.addf %get3A_54, %broadcast_in_dim3A_56 : vector<1x128xf32>
    %swap3A_58 = arith.constant 0 : index
    %swap3A_59 = arith.constant 0 : index
    %swap3A_60 = vector.load %arg9[%swap3A_58, %swap3A_59] : memref<8x128xf32, #tpu.memory_space<vmem>>, vector<1x128xf32>
    tpu.vector_store %arg9[%swap3A_58, %swap3A_59], %add3A_57 {strides = array<i32>} : memref<8x128xf32, #tpu.memory_space<vmem>>, vector<1x128xf32>,
    %get3A_61 = arith.constant 1 : index
    %get3A_62 = arith.constant 0 : index
    %get3A_63 = vector.load %arg9[%get3A_61, %get3A_62] : memref<8x128xf32, #tpu.memory_space<vmem>>, vector<1x128xf32>
    %mul3A_64 = arith.mulf %select_n3A, %select_n3A : vector<512x128xf32>
    %reduce_sum3A_65 = arith.constant dense<0.000000e+00> : vector<128xf32>
    %reduce_sum3A_66 = vector.multi_reduction <add>, %mul3A_64, %reduce_sum3A_65 [0] : vector<512x128xf32> to vector<128xf32>
    %broadcast_in_dim3A_67 = vector.shape_cast %reduce_sum3A_66 : vector<128xf32> to vector<1x128xf32>
    %add3A_68 = arith.addf %get3A_63, %broadcast_in_dim3A_67 : vector<1x128xf32>
    %swap3A_69 = arith.constant 1 : index
    %swap3A_70 = arith.constant 0 : index
    %swap3A_71 = vector.load %arg9[%swap3A_69, %swap3A_70] : memref<8x128xf32, #tpu.memory_space<vmem>>, vector<1x128xf32>
    tpu.vector_store %arg9[%swap3A_69, %swap3A_70], %add3A_68 {strides = array<i32>} : memref<8x128xf32, #tpu.memory_space<vmem>>, vector<1x128xf32>,
    %eq3A_72 = arith.constant 19 : i32
    %eq3A_73 = arith.cmpi eq, %arg0, %eq3A_72 : i32
    %convert_element_type3A_74 = arith.extui %eq3A_73 : i1 to i32
    %cond3A_75 = arith.constant 0 : i32
    %cond3A_76 = arith.cmpi ne, %convert_element_type3A_74, %cond3A_75 : i32
    scf.if %cond3A_76 {
      %get3A_77 = arith.constant 0 : index
      %get3A_78 = arith.constant 0 : index
      %get3A_79 = vector.load %arg9[%get3A_77, %get3A_78] : memref<8x128xf32, #tpu.memory_space<vmem>>, vector<8x128xf32>
      %swap3A_80 = arith.constant 0 : index
      %swap3A_81 = arith.constant 0 : index
      %swap3A_82 = vector.load %arg8[%swap3A_80, %swap3A_81] : memref<8x128xf32, #tpu.memory_space<vmem>>, vector<8x128xf32>
      tpu.vector_store %arg8[%swap3A_80, %swap3A_81], %get3A_79 {strides = array<i32>} : memref<8x128xf32, #tpu.memory_space<vmem>>, vector<8x128xf32>,
    } else {
    }
    return
  }
  func.func @transform_0(%arg0: i32) -> (i32, i32, i32) {
    %c0_i32 = arith.constant 0 : i32
    %c0_i32_0 = arith.constant 0 : i32
    %c0_i32_1 = arith.constant 0 : i32
    return %c0_i32, %arg0, %c0_i32_0 : i32, i32, i32
  }
  func.func @transform_1(%arg0: i32) -> (i32, i32, i32) {
    %c0_i32 = arith.constant 0 : i32
    %c0_i32_0 = arith.constant 0 : i32
    %c0_i32_1 = arith.constant 0 : i32
    return %c0_i32, %arg0, %c0_i32_0 : i32, i32, i32
  }
  func.func @transform_2(%arg0: i32) -> (i32, i32) {
    %c0_i32 = arith.constant 0 : i32
    %c0_i32_0 = arith.constant 0 : i32
    return %arg0, %c0_i32 : i32, i32
  }
  func.func @transform_3(%arg0: i32) -> (i32, i32) {
    %c0_i32 = arith.constant 0 : i32
    %c0_i32_0 = arith.constant 0 : i32
    %c0_i32_1 = arith.constant 0 : i32
    return %c0_i32, %c0_i32_0 : i32, i32
  }
  func.func @transform_4(%arg0: i32) -> (i32, i32) {
    %c0_i32 = arith.constant 0 : i32
    %c0_i32_0 = arith.constant 0 : i32
    %c0_i32_1 = arith.constant 0 : i32
    return %c0_i32, %c0_i32_0 : i32, i32
  }
  func.func @transform_5(%arg0: i32) -> (i32, i32) {
    %c0_i32 = arith.constant 0 : i32
    %c0_i32_0 = arith.constant 0 : i32
    %c0_i32_1 = arith.constant 0 : i32
    return %c0_i32, %c0_i32_0 : i32, i32
  }
  func.func @transform_6(%arg0: i32) -> (i32, i32) {
    %c0_i32 = arith.constant 0 : i32
    %c0_i32_0 = arith.constant 0 : i32
    return %arg0, %c0_i32 : i32, i32
  }
  func.func @transform_7(%arg0: i32) -> (i32, i32) {
    %c0_i32 = arith.constant 0 : i32
    %c0_i32_0 = arith.constant 0 : i32
    %c0_i32_1 = arith.constant 0 : i32
    return %c0_i32, %c0_i32_0 : i32, i32
  }
}

module attributes {stable_mosaic.version = 14 : i64} {
  func.func @body(%arg0: i32, %arg1: memref<512x128xf32, #tpu.memory_space<vmem>>, %arg2: memref<8x128xf32, #tpu.memory_space<vmem>>, %arg3: memref<1x128xf32, #tpu.memory_space<vmem>>, %arg4: memref<1x128xf32, #tpu.memory_space<vmem>>, %arg5: memref<512x128xf32, #tpu.memory_space<vmem>>) attributes {dimension_semantics = [#tpu.dimension_semantics<arbitrary>], iteration_bounds = array<i64: 20>, scalar_prefetch = 0 : i64, scratch_operands = 0 : i64, tpu.core_type = #tpu.core_type<tc>, window_params = [{transform_indices = @transform_0, window_bounds = array<i64: 512, 128>}, {pipeline_mode = #tpu.pipeline_mode<synchronous>, transform_indices = @transform_1, window_bounds = array<i64: 8, 128>}, {pipeline_mode = #tpu.pipeline_mode<synchronous>, transform_indices = @transform_2, window_bounds = array<i64: 1, 128>}, {pipeline_mode = #tpu.pipeline_mode<synchronous>, transform_indices = @transform_3, window_bounds = array<i64: 1, 128>}, {transform_indices = @transform_4, window_bounds = array<i64: 512, 128>}]} {
    %get3A = arith.constant 0 : index
    %get3A_0 = arith.constant 0 : index
    %get3A_1 = vector.load %arg2[%get3A, %get3A_0] : memref<8x128xf32, #tpu.memory_space<vmem>>, vector<1x128xf32>
    %mul3A = arith.constant 9.99999974E-5 : f32
    %mul3A_2 = vector.broadcast %mul3A : f32 to vector<1x128xf32>
    %mul3A_3 = arith.mulf %get3A_1, %mul3A_2 : vector<1x128xf32>
    %get3A_4 = arith.constant 1 : index
    %get3A_5 = arith.constant 0 : index
    %get3A_6 = vector.load %arg2[%get3A_4, %get3A_5] : memref<8x128xf32, #tpu.memory_space<vmem>>, vector<1x128xf32>
    %mul3A_7 = arith.constant 9.99999974E-5 : f32
    %mul3A_8 = vector.broadcast %mul3A_7 : f32 to vector<1x128xf32>
    %mul3A_9 = arith.mulf %get3A_6, %mul3A_8 : vector<1x128xf32>
    %mul3A_10 = arith.mulf %mul3A_3, %mul3A_3 : vector<1x128xf32>
    %sub3A = arith.subf %mul3A_9, %mul3A_10 : vector<1x128xf32>
    %add3A = arith.constant 9.99999974E-6 : f32
    %add3A_11 = vector.broadcast %add3A : f32 to vector<1x128xf32>
    %add3A_12 = arith.addf %sub3A, %add3A_11 : vector<1x128xf32>
    %rsqrt3A = math.rsqrt %add3A_12 : vector<1x128xf32>
    %get3A_13 = arith.constant 0 : index
    %get3A_14 = arith.constant 0 : index
    %get3A_15 = vector.load %arg1[%get3A_13, %get3A_14] : memref<512x128xf32, #tpu.memory_space<vmem>>, vector<512x128xf32>
    %sub3A_16 = vector.broadcast %mul3A_3 : vector<1x128xf32> to vector<512x128xf32>
    %sub3A_17 = arith.subf %get3A_15, %sub3A_16 : vector<512x128xf32>
    %mul3A_18 = vector.broadcast %rsqrt3A : vector<1x128xf32> to vector<512x128xf32>
    %mul3A_19 = arith.mulf %sub3A_17, %mul3A_18 : vector<512x128xf32>
    %get3A_20 = arith.constant 0 : index
    %get3A_21 = arith.constant 0 : index
    %get3A_22 = vector.load %arg3[%get3A_20, %get3A_21] : memref<1x128xf32, #tpu.memory_space<vmem>>, vector<1x128xf32>
    %mul3A_23 = vector.broadcast %get3A_22 : vector<1x128xf32> to vector<512x128xf32>
    %mul3A_24 = arith.mulf %mul3A_19, %mul3A_23 : vector<512x128xf32>
    %get3A_25 = arith.constant 0 : index
    %get3A_26 = arith.constant 0 : index
    %get3A_27 = vector.load %arg4[%get3A_25, %get3A_26] : memref<1x128xf32, #tpu.memory_space<vmem>>, vector<1x128xf32>
    %add3A_28 = vector.broadcast %get3A_27 : vector<1x128xf32> to vector<512x128xf32>
    %add3A_29 = arith.addf %mul3A_24, %add3A_28 : vector<512x128xf32>
    %max3A = arith.constant 0.000000e+00 : f32
    %max3A_30 = vector.broadcast %max3A : f32 to vector<512x128xf32>
    %max3A_31 = arith.maximumf %add3A_29, %max3A_30 : vector<512x128xf32>
    %swap3A = arith.constant 0 : index
    %swap3A_32 = arith.constant 0 : index
    %swap3A_33 = vector.load %arg5[%swap3A, %swap3A_32] : memref<512x128xf32, #tpu.memory_space<vmem>>, vector<512x128xf32>
    tpu.vector_store %arg5[%swap3A, %swap3A_32], %max3A_31 {strides = array<i32>} : memref<512x128xf32, #tpu.memory_space<vmem>>, vector<512x128xf32>,
    return
  }
  func.func @transform_0(%arg0: i32) -> (i32, i32) {
    %c0_i32 = arith.constant 0 : i32
    %c0_i32_0 = arith.constant 0 : i32
    return %arg0, %c0_i32 : i32, i32
  }
  func.func @transform_1(%arg0: i32) -> (i32, i32) {
    %c0_i32 = arith.constant 0 : i32
    %c0_i32_0 = arith.constant 0 : i32
    %c0_i32_1 = arith.constant 0 : i32
    return %c0_i32, %c0_i32_0 : i32, i32
  }
  func.func @transform_2(%arg0: i32) -> (i32, i32) {
    %c0_i32 = arith.constant 0 : i32
    %c0_i32_0 = arith.constant 0 : i32
    %c0_i32_1 = arith.constant 0 : i32
    return %c0_i32, %c0_i32_0 : i32, i32
  }
  func.func @transform_3(%arg0: i32) -> (i32, i32) {
    %c0_i32 = arith.constant 0 : i32
    %c0_i32_0 = arith.constant 0 : i32
    %c0_i32_1 = arith.constant 0 : i32
    return %c0_i32, %c0_i32_0 : i32, i32
  }
  func.func @transform_4(%arg0: i32) -> (i32, i32) {
    %c0_i32 = arith.constant 0 : i32
    %c0_i32_0 = arith.constant 0 : i32
    return %arg0, %c0_i32 : i32, i32
  }
}

module attributes {stable_mosaic.version = 14 : i64} {
  func.func @body(%arg0: i32, %arg1: memref<512x128xf32, #tpu.memory_space<vmem>>, %arg2: memref<8x128xf32, #tpu.memory_space<vmem>>, %arg3: memref<1x128xf32, #tpu.memory_space<vmem>>, %arg4: memref<1x128xf32, #tpu.memory_space<vmem>>, %arg5: memref<128x128xf32, #tpu.memory_space<vmem>>, %arg6: memref<1x128xf32, #tpu.memory_space<vmem>>, %arg7: memref<512x128xf32, #tpu.memory_space<vmem>>, %arg8: memref<512x128xf32, #tpu.memory_space<vmem>>) attributes {dimension_semantics = [#tpu.dimension_semantics<arbitrary>], iteration_bounds = array<i64: 20>, scalar_prefetch = 0 : i64, scratch_operands = 0 : i64, tpu.core_type = #tpu.core_type<tc>, window_params = [{transform_indices = @transform_0, window_bounds = array<i64: 512, 128>}, {pipeline_mode = #tpu.pipeline_mode<synchronous>, transform_indices = @transform_1, window_bounds = array<i64: 8, 128>}, {pipeline_mode = #tpu.pipeline_mode<synchronous>, transform_indices = @transform_2, window_bounds = array<i64: 1, 128>}, {pipeline_mode = #tpu.pipeline_mode<synchronous>, transform_indices = @transform_3, window_bounds = array<i64: 1, 128>}, {pipeline_mode = #tpu.pipeline_mode<synchronous>, transform_indices = @transform_4, window_bounds = array<i64: 128, 128>}, {pipeline_mode = #tpu.pipeline_mode<synchronous>, transform_indices = @transform_5, window_bounds = array<i64: 1, 128>}, {transform_indices = @transform_6, window_bounds = array<i64: 512, 128>}, {transform_indices = @transform_7, window_bounds = array<i64: 512, 128>}]} {
    %get3A = arith.constant 0 : index
    %get3A_0 = arith.constant 0 : index
    %get3A_1 = vector.load %arg2[%get3A, %get3A_0] : memref<8x128xf32, #tpu.memory_space<vmem>>, vector<1x128xf32>
    %mul3A = arith.constant 9.99999974E-5 : f32
    %mul3A_2 = vector.broadcast %mul3A : f32 to vector<1x128xf32>
    %mul3A_3 = arith.mulf %get3A_1, %mul3A_2 : vector<1x128xf32>
    %get3A_4 = arith.constant 1 : index
    %get3A_5 = arith.constant 0 : index
    %get3A_6 = vector.load %arg2[%get3A_4, %get3A_5] : memref<8x128xf32, #tpu.memory_space<vmem>>, vector<1x128xf32>
    %mul3A_7 = arith.constant 9.99999974E-5 : f32
    %mul3A_8 = vector.broadcast %mul3A_7 : f32 to vector<1x128xf32>
    %mul3A_9 = arith.mulf %get3A_6, %mul3A_8 : vector<1x128xf32>
    %mul3A_10 = arith.mulf %mul3A_3, %mul3A_3 : vector<1x128xf32>
    %sub3A = arith.subf %mul3A_9, %mul3A_10 : vector<1x128xf32>
    %add3A = arith.constant 9.99999974E-6 : f32
    %add3A_11 = vector.broadcast %add3A : f32 to vector<1x128xf32>
    %add3A_12 = arith.addf %sub3A, %add3A_11 : vector<1x128xf32>
    %rsqrt3A = math.rsqrt %add3A_12 : vector<1x128xf32>
    %get3A_13 = arith.constant 0 : index
    %get3A_14 = arith.constant 0 : index
    %get3A_15 = vector.load %arg1[%get3A_13, %get3A_14] : memref<512x128xf32, #tpu.memory_space<vmem>>, vector<512x128xf32>
    %sub3A_16 = vector.broadcast %mul3A_3 : vector<1x128xf32> to vector<512x128xf32>
    %sub3A_17 = arith.subf %get3A_15, %sub3A_16 : vector<512x128xf32>
    %mul3A_18 = vector.broadcast %rsqrt3A : vector<1x128xf32> to vector<512x128xf32>
    %mul3A_19 = arith.mulf %sub3A_17, %mul3A_18 : vector<512x128xf32>
    %get3A_20 = arith.constant 0 : index
    %get3A_21 = arith.constant 0 : index
    %get3A_22 = vector.load %arg3[%get3A_20, %get3A_21] : memref<1x128xf32, #tpu.memory_space<vmem>>, vector<1x128xf32>
    %mul3A_23 = vector.broadcast %get3A_22 : vector<1x128xf32> to vector<512x128xf32>
    %mul3A_24 = arith.mulf %mul3A_19, %mul3A_23 : vector<512x128xf32>
    %get3A_25 = arith.constant 0 : index
    %get3A_26 = arith.constant 0 : index
    %get3A_27 = vector.load %arg4[%get3A_25, %get3A_26] : memref<1x128xf32, #tpu.memory_space<vmem>>, vector<1x128xf32>
    %add3A_28 = vector.broadcast %get3A_27 : vector<1x128xf32> to vector<512x128xf32>
    %add3A_29 = arith.addf %mul3A_24, %add3A_28 : vector<512x128xf32>
    %max3A = arith.constant 0.000000e+00 : f32
    %max3A_30 = vector.broadcast %max3A : f32 to vector<512x128xf32>
    %max3A_31 = arith.maximumf %add3A_29, %max3A_30 : vector<512x128xf32>
    %swap3A = arith.constant 0 : index
    %swap3A_32 = arith.constant 0 : index
    %swap3A_33 = vector.load %arg7[%swap3A, %swap3A_32] : memref<512x128xf32, #tpu.memory_space<vmem>>, vector<512x128xf32>
    tpu.vector_store %arg7[%swap3A, %swap3A_32], %max3A_31 {strides = array<i32>} : memref<512x128xf32, #tpu.memory_space<vmem>>, vector<512x128xf32>,
    %get3A_34 = arith.constant 0 : index
    %get3A_35 = arith.constant 0 : index
    %get3A_36 = vector.load %arg5[%get3A_34, %get3A_35] : memref<128x128xf32, #tpu.memory_space<vmem>>, vector<128x128xf32>
    %dot_general3A = arith.constant dense<0.000000e+00> : vector<512x128xf32>
    %dot_general3A_37 = tpu.matmul %max3A_31, %get3A_36, %dot_general3A {dimension_numbers = #tpu.dot_dimension_numbers<[1], [0], [0], [1], [0, 0, 1, 1], [], []>, transpose_lhs_hint = false} : vector<512x128xf32>, vector<128x128xf32>, vector<512x128xf32> -> vector<512x128xf32>
    %get3A_38 = arith.constant 0 : index
    %get3A_39 = arith.constant 0 : index
    %get3A_40 = vector.load %arg6[%get3A_38, %get3A_39] : memref<1x128xf32, #tpu.memory_space<vmem>>, vector<1x128xf32>
    %add3A_41 = vector.broadcast %get3A_40 : vector<1x128xf32> to vector<512x128xf32>
    %add3A_42 = arith.addf %dot_general3A_37, %add3A_41 : vector<512x128xf32>
    %reduce_max3A = arith.constant dense<0xFF800000> : vector<512xf32>
    %reduce_max3A_43 = vector.multi_reduction <maximumf>, %add3A_42, %reduce_max3A [1] : vector<512x128xf32> to vector<512xf32>
    %broadcast_in_dim3A = vector.shape_cast %reduce_max3A_43 : vector<512xf32> to vector<512x1xf32>
    %sub3A_44 = vector.broadcast %broadcast_in_dim3A : vector<512x1xf32> to vector<512x128xf32>
    %sub3A_45 = arith.subf %add3A_42, %sub3A_44 : vector<512x128xf32>
    %exp3A = math.exp %sub3A_45 : vector<512x128xf32>
    %reduce_sum3A = arith.constant dense<0.000000e+00> : vector<512xf32>
    %reduce_sum3A_46 = vector.multi_reduction <add>, %exp3A, %reduce_sum3A [1] : vector<512x128xf32> to vector<512xf32>
    %broadcast_in_dim3A_47 = vector.shape_cast %reduce_sum3A_46 : vector<512xf32> to vector<512x1xf32>
    %div3A = vector.broadcast %broadcast_in_dim3A_47 : vector<512x1xf32> to vector<512x128xf32>
    %div3A_48 = arith.divf %exp3A, %div3A : vector<512x128xf32>
    %swap3A_49 = arith.constant 0 : index
    %swap3A_50 = arith.constant 0 : index
    %swap3A_51 = vector.load %arg8[%swap3A_49, %swap3A_50] : memref<512x128xf32, #tpu.memory_space<vmem>>, vector<512x128xf32>
    tpu.vector_store %arg8[%swap3A_49, %swap3A_50], %div3A_48 {strides = array<i32>} : memref<512x128xf32, #tpu.memory_space<vmem>>, vector<512x128xf32>,
    return
  }
  func.func @transform_0(%arg0: i32) -> (i32, i32) {
    %c0_i32 = arith.constant 0 : i32
    %c0_i32_0 = arith.constant 0 : i32
    return %arg0, %c0_i32 : i32, i32
  }
  func.func @transform_1(%arg0: i32) -> (i32, i32) {
    %c0_i32 = arith.constant 0 : i32
    %c0_i32_0 = arith.constant 0 : i32
    %c0_i32_1 = arith.constant 0 : i32
    return %c0_i32, %c0_i32_0 : i32, i32
  }
  func.func @transform_2(%arg0: i32) -> (i32, i32) {
    %c0_i32 = arith.constant 0 : i32
    %c0_i32_0 = arith.constant 0 : i32
    %c0_i32_1 = arith.constant 0 : i32
    return %c0_i32, %c0_i32_0 : i32, i32
  }
  func.func @transform_3(%arg0: i32) -> (i32, i32) {
    %c0_i32 = arith.constant 0 : i32
    %c0_i32_0 = arith.constant 0 : i32
    %c0_i32_1 = arith.constant 0 : i32
    return %c0_i32, %c0_i32_0 : i32, i32
  }
  func.func @transform_4(%arg0: i32) -> (i32, i32) {
    %c0_i32 = arith.constant 0 : i32
    %c0_i32_0 = arith.constant 0 : i32
    %c0_i32_1 = arith.constant 0 : i32
    return %c0_i32, %c0_i32_0 : i32, i32
  }
  func.func @transform_5(%arg0: i32) -> (i32, i32) {
    %c0_i32 = arith.constant 0 : i32
    %c0_i32_0 = arith.constant 0 : i32
    %c0_i32_1 = arith.constant 0 : i32
    return %c0_i32, %c0_i32_0 : i32, i32
  }
  func.func @transform_6(%arg0: i32) -> (i32, i32) {
    %c0_i32 = arith.constant 0 : i32
    %c0_i32_0 = arith.constant 0 : i32
    return %arg0, %c0_i32 : i32, i32
  }
  func.func @transform_7(%arg0: i32) -> (i32, i32) {
    %c0_i32 = arith.constant 0 : i32
    %c0_i32_0 = arith.constant 0 : i32
    return %arg0, %c0_i32 : i32, i32
  }
}

</mosaic_0001>

<sc_bundles>
// kernel: kernel.12.cloned.1.call-start
scs
__scs_entry_jumppad:
0x0: {  	(pc) =	sbr.rel $0x88, $3  }
0x1: {  	(tag) =	ssettag $0x0;
	lr =	simm.s32 $0x1  }
0x2: {  	[smem:$0x3F93] =	sst lr;
	_ =	strace $0xD0000000  }
0x3: {  	_ = 	snop  }
0x4: {  	_ = 	snop  }
0x5: {  	_ = 	snop  }
0x6: {  	_ = 	snop  }
0x7: {  	_ = 	snop  }
__scs_overlays_trampoline_lowered:
0x8: {  	[smem:$0x3FA2] =	sst s0  }
0x9: {  	[smem:$0x3FA3] =	sst s1  }
0xa: {  	[smem:$0x3FA4] =	sst s2  }
0xb: {  	[smem:$0x3FA5] =	sst s3  }
0xc: {  	[smem:$0x3FA6] =	sst s4  }
0xd: {  	[smem:$0x3FA7] =	sst s5  }
0xe: {  	[smem:$0x3FA8] =	sst s6  }
0xf: {  	[smem:$0x3FA9] =	sst s7  }
0x10: {  	[smem:$0x3FAA] =	sst s8  }
0x11: {  	[smem:$0x3FAB] =	sst s9;
	s0 =	simm.s32 @!p0 $0x0  }
0x12: {  	s1 =	sld [smem:$0x3F91];
	s0 =	simm.s32 @p0 $0x1  }
0x13: {  	[smem:$0x3FAC] =	sst s0;
	s0 =	simm.s32 @!p1 $0x0  }
0x14: {  	s2 =	sld [smem:$0x3F90];
	s0 =	simm.s32 @p1 $0x1  }
0x15: {  	[smem:$0x3FAD] =	sst s0;
	s0 =	simm.s32 @!p2 $0x0  }
0x16: {  	s3 =	sld [smem:$0x3FDB];
	s0 =	simm.s32 @p2 $0x1  }
0x17: {  	s4 =	simm.s32 $0x1BF5;
	[smem:$0x3FAF] =	sst s0  }
0x18: {  	s0 =	sld [smem:$0x3F92];
	_ =	swait.ge [sflag:s4], $0x0  }
0x19: {  	s7 =	sld [smem:$0x3F93]  }
0x1a: {  	s8 =	sadd.s32 $0xFFFFE003, lr  }
0x1b: {  	s9 =	sadd.s32 $0xFFFFFEF7, lr;
	s5 =	simm.s32 $0xFFFFFFFF;
	p2 =	slt.u32 s8, $0xFFFFF086  }
0x1c: {  	p1 =	slt.u32 s9, $0xF7A;
	s5 =	simm.s32 @!p2 $0x0  }
0x1d: {  	s5 =	simm.s32 @p1 $0x1;
	p0 =	seq.s32 s7, s2  }
0x1e: {  	s7 =	smul.u32 @!p0 $0xF7A, s2;
	p2 =	seq.s32 @!p0 s5, $0x0  }
0x1f: {  	s9 =	smul.u32 $0xF7A, s1;
	s8 =	simm.s32 @!p0 $0x1BF5;
	p2 =	por !p2, p0  }
0x20: {  	[sflag:s8] =	ssyncset.s32 @!p0 $0xFFFFF086;
	s6 =	sadd.s32 @!p0 s3, s7;
	s7 =	simm.s32 @!p0 $0x108  }
0x21: {  	s3 =	sadd.s32 s3, s9;
	s6 =	sadd.s32 @!p0 $0x88, s6;
	s7 =	simm.s32 @p2 $0x1082  }
0x22: {  	[simem:s7], [sflag:s8] =	dma.local @!p0 [hbm:s6], $0xF7A  }
0x23: {  	s9 =	sor.u32 $0xD0000000, s2;
	s6 =	simm.s32 $0x108;
	_ =	swait.ge @!p0 [sflag:s8], $0x0  }
0x24: {  	s3 =	sadd.s32 $0x88, s3;
	s6 =	simm.s32 @!p1 $0x1082;
	[sflag:s4] =	ssyncset.s32 $0xFFFFF086  }
0x25: {  	[simem:s6], [sflag:s4] =	dma.local [hbm:s3], $0xF7A  }
0x26: {  	[smem:$0x3F93] =	sst s1;
	(tag) =	ssettag s2;
	_ =	strace s9  }
0x27: {  	s1 =	sld [smem:$0x3FA3]  }
0x28: {  	s2 =	sld [smem:$0x3FA4]  }
0x29: {  	s4 =	sld [smem:$0x3FA6]  }
0x2a: {  	p0 =	seq.s32 s5, $0x0;
	s5 =	sld [smem:$0x3FA7]  }
0x2b: {  	s6 =	sld [smem:$0x3FA8]  }
0x2c: {  	s7 =	sld [smem:$0x3FA9]  }
0x2d: {  	s3 =	simm.s32 $0x108;
	s8 =	sld [smem:$0x3FAA]  }
0x2e: {  	s3 =	simm.s32 @!p0 $0x1082;
	s9 =	sld [smem:$0x3FAB]  }
0x2f: {  	lr =	sadd.s32 s0, s3;
	s0 =	sld [smem:$0x3FA2]  }
0x30: {  	s3 =	sld [smem:$0x3FA5]  }
0x31: {  	[smem:$0x3FAE] =	sst s10  }
0x32: {  	s10 =	sld [smem:$0x3FAC];
	_ =	sdelay $0x3  }
0x33: {  	p0 =	seq.s32 s10, $0x1;
	s10 =	sld [smem:$0x3FAE];
	_ =	sdelay $0x3  }
0x34: {  	[smem:$0x3FAE] =	sst s10  }
0x35: {  	s10 =	sld [smem:$0x3FAD];
	_ =	sdelay $0x3  }
0x36: {  	p1 =	seq.s32 s10, $0x1;
	s10 =	sld [smem:$0x3FAE];
	_ =	sdelay $0x3  }
0x37: {  	[smem:$0x3FAE] =	sst s10  }
0x38: {  	s10 =	sld [smem:$0x3FAF]  }
0x39: {  	_ = 	snop;
	(pc) =	sbr.ind lr, $3  }
0x3a: {  	_ = 	snop  }
0x3b: {  	_ = 	snop  }
0x3c: {  	p2 =	seq.s32 s10, $0x1;
	s10 =	sld [smem:$0x3FAE]  }
0x3d: {  	_ =	shalt  }
0x3e: {  	_ =	shalt  }
0x3f: {  	_ =	shalt  }
0x40: {  	_ =	shalt  }
0x41: {  	_ =	shalt  }
0x42: {  	_ =	shalt  }
0x43: {  	_ =	shalt  }
0x44: {  	_ =	shalt  }
0x45: {  	_ =	shalt  }
0x46: {  	_ =	shalt  }
0x47: {  	_ =	shalt  }
0x48: {  	_ =	shalt  }
0x49: {  	_ =	shalt  }
0x4a: {  	_ =	shalt  }
0x4b: {  	_ =	shalt  }
0x4c: {  	_ =	shalt  }
0x4d: {  	_ =	shalt  }
0x4e: {  	_ =	shalt  }
0x4f: {  	_ =	shalt  }
0x50: {  	_ =	shalt  }
0x51: {  	_ =	shalt  }
0x52: {  	_ =	shalt  }
0x53: {  	_ =	shalt  }
0x54: {  	_ =	shalt  }
0x55: {  	_ =	shalt  }
0x56: {  	_ =	shalt  }
0x57: {  	_ =	shalt  }
0x58: {  	_ =	shalt  }
0x59: {  	_ =	shalt  }
0x5a: {  	_ =	shalt  }
0x5b: {  	_ =	shalt  }
0x5c: {  	_ =	shalt  }
0x5d: {  	_ =	shalt  }
0x5e: {  	_ =	shalt  }
0x5f: {  	_ =	shalt  }
0x60: {  	_ =	shalt  }
0x61: {  	_ =	shalt  }
0x62: {  	_ =	shalt  }
0x63: {  	_ =	shalt  }
0x64: {  	_ =	shalt  }
0x65: {  	_ =	shalt  }
0x66: {  	_ =	shalt  }
0x67: {  	_ =	shalt  }
0x68: {  	_ =	shalt  }
0x69: {  	_ =	shalt  }
0x6a: {  	_ =	shalt  }
0x6b: {  	_ =	shalt  }
0x6c: {  	_ =	shalt  }
0x6d: {  	_ =	shalt  }
0x6e: {  	_ =	shalt  }
0x6f: {  	_ =	shalt  }
0x70: {  	_ =	shalt  }
0x71: {  	_ =	shalt  }
0x72: {  	_ =	shalt  }
0x73: {  	_ =	shalt  }
0x74: {  	_ =	shalt  }
0x75: {  	_ =	shalt  }
0x76: {  	_ =	shalt  }
0x77: {  	_ =	shalt  }
0x78: {  	_ =	shalt  }
0x79: {  	_ =	shalt  }
0x7a: {  	_ =	shalt  }
0x7b: {  	_ =	shalt  }
0x7c: {  	_ =	shalt  }
0x7d: {  	_ =	shalt  }
0x7e: {  	_ =	shalt  }
0x7f: {  	_ =	shalt  }
0x80: {  	_ =	shalt  }
0x81: {  	_ =	shalt  }
0x82: {  	_ =	shalt  }
0x83: {  	_ =	shalt  }
0x84: {  	_ =	shalt  }
0x85: {  	_ =	shalt  }
0x86: {  	_ =	shalt  }
0x87: {  	_ =	shalt  }
.Lfunc_end0:
.L_simem_size_0:
called_computation.1_lowered:
.L_overlay_start_0:
0x88: {  	s2 =	sld [smem:$0x3FD9]  }
0x89: {  	s3 =	sld [smem:$0x3FFE];
	_ =	sdelay $0x1  }
0x8a: {  	s1 =	srdreg.scid  }
0x8b: {  	s0 =	sand.u32 $0x1, s1  }
0x8c: {  	s14 =	sshll.u32 s0, $0xA;
	s2 =	sadd.s32 s3, s2  }
0x8d: {  	s2 =	sadd.s32 s2, s14  }
0x8e: {  	[smem:$0x3FBA] =	sst s2  }
0x8f: {  	_ = 	snop  }
0x90: {  	s2 =	sld [smem:$0x3FD0];
	_ =	sdelay $0x2  }
0x91: {  	s15 =	simm.s32 $0xB;
	s4 =	simm.s32 $0x10  }
0x92: {  	[smem:s4], [sflag:s15] =	dma.local [hbm:s2], $0x1  }
0x93: {  	_ =	swait.eq [sflag:s15], $0x1  }
0x94: {  	[sflag:s15] =	ssyncset.done $0x0  }
0x95: {  	s16 =	sld [smem:$0x10];
	[sflag:s15] =	ssyncadd.s32 $0xFFFFFFFF  }
0x96: {  	s17 =	sld [smem:$0x11];
	(tm) =	ssettm $0x1  }
0x97: {  	s18 =	sld [smem:$0x3FFB];
	_ =	sdelay $0x3  }
0x98: {  	_ =	strace s18  }
0x99: {  	s4 =	sld [smem:$0x3FFC];
	_ =	sdelay $0x3  }
0x9a: {  	_ =	strace s4  }
0x9b: {  	s4 =	sld [smem:$0x3FFD];
	_ =	sdelay $0x3  }
0x9c: {  	_ =	strace s4  }
0x9d: {  	_ =	strace $0x8FFFFFFF  }
0x9e: {  	s19 =	sld [smem:$0x3FDB];
	_ =	sdelay $0x1  }
0x9f: {  	s5 =	simm.s32 $_scs_section_size  }
0xa0: {  	s6 =	simm.s32 $_size__tile_overlayer_lowered;
	s7 =	simm.s32 $_tile_overlayer_lowered  }
0xa1: {  	s22 =	simm.s32 $0x1BFF;
	s21 =	sshll.u32 s7, $0x1;
	s4 =	sadd.s32 s5, s19  }
0xa2: {  	s8 =	simm.s32 $0x0;
	s20 =	sshll.u32 s6, $0x1;
	s6 =	sadd.s32 s21, s4  }
0xa3: {  	[timem:s8], [sflag:s22] =	dma.local [hbm:s6], s20  }
0xa4: {  	_ =	swait.ge [sflag:s22], s20  }
0xa5: {  	s5 =	ssub.s32 $0x0, s20;
	[sflag:s22] =	ssyncset.done $0x0  }
0xa6: {  	[sflag:s22] =	ssyncadd.s32 s5;
	_ =	sdelay $0x1  }
0xa7: {  	s23 =	simm.s32 $0x1B8B  }
0xa8: {  	_ =	swait.ge [sflag:s23], $0x1  }
0xa9: {  	[sflag:s23] =	ssyncset.done $0x0  }
0xaa: {  	s25 =	simm.s32 $0x1B8E;
	s24 =	sld [smem:$0x3FFE];
	[sflag:s23] =	ssyncadd.s32 $0xFFFFFFFF  }
0xab: {  	s26 =	simm.s32 $execute0_lowered;
	[smem:$0x3FD2] =	sst s25  }
0xac: {  	s6 =	sshll.u32 s26, $0x1;
	_ =	strace $0x80000046;
	[dreg:$0x1] =	wrdreg $0xFFFFFFFF  }
0xad: {  	s28 =	simm.s32 $_size_execute0_lowered;
	s4 =	sadd.s32 s4, s6;
	[dreg:$0x0] =	wrdreg $0x0  }
0xae: {  	s6 =	sshll.u32 s28, $0x1;
	[dreg:$0x2] =	wrdreg s4  }
0xaf: {  	[dreg:$0x3] =	wrdreg s6  }
0xb0: {  	[dreg:$0x4] =	wrdreg $0xC0  }
0xb1: {  	_ =	task [dreg:s8], $0x5FFFF  }
0xb2: {  	[dreg:$0x1] =	wrdreg $0xFFFFFFFF  }
0xb3: {  	[dreg:$0x0] =	wrdreg $0x60  }
0xb4: {  	[dreg:$0x2] =	wrdreg s17  }
0xb5: {  	[dreg:$0x3] =	wrdreg s16  }
0xb6: {  	[dreg:$0x4] =	wrdreg s24  }
0xb7: {  	[dreg:$0x5] =	wrdreg $0x90000  }
0xb8: {  	[dreg:$0x6] =	wrdreg $0xA  }
0xb9: {  	_ =	task.clear_ibuf [dreg:s8], $0x7FFFF;
	_ =	strace $0x90000046  }
0xba: {  	s29 =	simm.s32 $0xA;
	_ =	strace $0x80000048  }
0xbb: {  	_ =	swait.ge [sflag:s29], $0x1  }
0xbc: {  	[sflag:s29] =	ssyncadd.s32 $0xFFFFFFFF  }
0xbd: {  	_ =	strace $0x90000048  }
0xbe: {  	_ =	sfence  }
0xbf: {  	s30 =	sld [smem:$0x0];
	_ =	sdelay $0x2  }
0xc0: {  	s31 =	sshll.u32 s1, $0xD;
	s1 =	sshrl.u32 s1, $0x2  }
0xc1: {  	s3 =	sand.u32 $0x4000, s31;
	s1 =	sadd.s32 s1, s30  }
0xc2: {  	s0 =	sor.u32 s3, s0;
	s1 =	sshll.u32 s1, $0x11  }
0xc3: {  	s0 =	sor.u32 s1, s0  }
0xc4: {  	s0 =	sadd.s32 $0x8F2B, s0  }
0xc5: {  	[sflag:s0] =	ssyncadd.remote.s32 $0x1  }
0xc6: {  	_ =	sfence.sel $0xFFFF  }
0xc7: {  	[dreg:$0x0] =	wrdreg $0xFFFFFFFF;
	(pc) =	sbr.abs _section_cstart, $3  }
0xc8: {  	[dreg:$0x1] =	wrdreg $0xFFFFFFFF  }
0xc9: {  	_ =	task.clear_ibuf [dreg:s8], $0x2FFFF;
	_ =	strace $0x9FFFFFFF  }
0xca: {  	(tm) =	ssettm $0x7FFFFFFF  }
0xcb: {  	_ =	shalt  }
tec
execute0_lowered:
.L_overlay_start_1:
0x0: {  	(tag) =	ssettag $0x1  }
0x1: {  	s0 =	rddreg [dreg:$0x0]  }
0x2: {  	s2 =	rddreg [dreg:$0x1]  }
0x3: {  	s5 =	rddreg [dreg:$0x2]  }
0x4: {  	s1 =	rddreg [dreg:$0x3];
	s3 =	simm.s32 $0x0  }
0x5: {  	s4 =	srdreg.scid;
	s14 =	stileid.u32;
	s16 =	simm.s32 $0x200  }
0x6: {  	s18 =	simm.s32 $0x980;
	s19 =	simm.s32 $0x280;
	s20 =	simm.s32 $0xA00  }
0x7: {  	s28 =	simm.s32 $0x500;
	s29 =	simm.s32 $0xC80;
	s30 =	simm.s32 $0x580  }
0x8: {  	s31 =	simm.s32 $0xD00;
	[smem:$0x7FF] =	sst s3;
	s8 =	smul.u32 $0x50000, s14  }
0x9: {  	s6 =	sand.u32 $0x1, s4;
	s4 =	sadd.s32 $0x3000, s5;
	s10 =	smul.u32 $0x14000, s14  }
0xa: {  	s14 =	smul.u32 $0x5000, s14;
	_ =	strace $0x80000047;
	[dreg:$0xb] =	wrdreg s16  }
0xb: {  	s5 =	sadd.s32 $0x2B000, s5;
	s12 =	smul.u32 $0x140000, s6;
	[dreg:$0xc] =	wrdreg s18  }
0xc: {  	s7 =	ssub.s32 $0x2, s6;
	s6 =	smul.u32 $0x2800, s6;
	[dreg:$0xd] =	wrdreg s19  }
0xd: {  	s16 =	simm.s32 $0x1000;
	s18 =	simm.s32 $0x800;
	[dreg:$0xe] =	wrdreg s20  }
0xe: {  	s19 =	simm.s32 $0x80;
	s20 =	simm.s32 $0x5000;
	s9 =	sshrl.u32 s7, $0x1  }
0xf: {  	s8 =	sshrl.u32 s8, $0x2;
	s21 =	sadd.s32 $0x4000, s10;
	s11 =	sadd.s32 $0x8000, s10  }
0x10: {  	s24 =	sadd.s32 $0xC000, s10;
	s7 =	ssub.s32 s7, s9;
	s8 =	sadd.s32 s8, s1  }
0x11: {  	s22 =	sadd.s32 s21, s1;
	s23 =	sadd.s32 s11, s1;
	s13 =	sadd.s32 s10, s12  }
0x12: {  	s10 =	sadd.s32 $0x10000, s10;
	s15 =	sadd.s32 s24, s1;
	[dreg:$0x15] =	wrdreg s8  }
0x13: {  	s9 =	sadd.s32 s12, s21;
	s11 =	sadd.s32 s12, s11;
	[dreg:$0x16] =	wrdreg s22  }
0x14: {  	s6 =	sadd.s32 s6, s14;
	s14 =	simm.s32 $0x180;
	[dreg:$0x17] =	wrdreg s23  }
0x15: {  	s21 =	simm.s32 $0x300;
	s13 =	sshrl.u32 s13, $0x3;
	[dreg:$0x18] =	wrdreg s15  }
0x16: {  	s25 =	sadd.s32 s10, s1;
	s9 =	sshrl.u32 s9, $0x3;
	[dreg:$0x9] =	wrdreg s14  }
0x17: {  	s11 =	sshrl.u32 s11, $0x3;
	s6 =	sshrl.u32 s6, $0x3;
	[dreg:$0xf] =	wrdreg s21  }
0x18: {  	s8 =	sadd.s32 s12, s24;
	s15 =	simm.s32 $0x900;
	[dreg:$0x19] =	wrdreg s25  }
0x19: {  	s17 =	smax.u32 s7, $0x1;
	s22 =	simm.s32 $0xA80;
	[dreg:$0xa] =	wrdreg s15  }
0x1a: {  	s23 =	simm.s32 $0x380;
	s21 =	simm.s32 $0x1;
	[dreg:$0x1f] =	wrdreg s17  }
0x1b: {  	s24 =	simm.s32 $0xB00;
	s14 =	simm.s32 $0x780;
	[dreg:$0x10] =	wrdreg s22  }
0x1c: {  	s7 =	simm.s32 $0x0;
	s13 =	sadd.s32 s5, s13;
	[dreg:$0x11] =	wrdreg s23  }
0x1d: {  	s9 =	sadd.s32 s5, s9;
	s26 =	sadd.s32 s5, s11;
	[dreg:$0x12] =	wrdreg s24  }
0x1e: {  	s2 =	sadd.s32 s6, s2;
	s0 =	sadd.s32 s6, s0;
	[dreg:$0x1a] =	wrdreg s13  }
0x1f: {  	s8 =	sshrl.u32 s8, $0x3;
	s11 =	simm.s32 $0x880;
	[dreg:$0x1b] =	wrdreg s9  }
0x20: {  	s17 =	simm.s32 $0x5;
	s22 =	simm.s32 $0x3;
	[dreg:$0x1c] =	wrdreg s26  }
0x21: {  	s25 =	simm.s32 $0x400;
	s23 =	simm.s32 $0x2;
	[dreg:$0x5] =	wrdreg s2  }
0x22: {  	s24 =	simm.s32 $0x4;
	s15 =	simm.s32 $0xF00;
	[dreg:$0x6] =	wrdreg s0  }
0x23: {  	s9 =	simm.s32 $0x100;
	s2 =	sadd.s32 s5, s8;
	[dreg:$0x8] =	wrdreg s11  }
0x24: {  	s13 =	sadd.s32 s12, s10;
	[dreg:$0x13] =	wrdreg s25;
	s26 =	simm.s32 $0xB80  }
0x25: {  	s25 =	simm.s32 $0x480;
	s0 =	simm.s32 $0x600;
	[dreg:$0x1d] =	wrdreg s2  }
0x26: {  	s10 =	simm.s32 $0x680;
	s11 =	simm.s32 $0xE00;
	[dreg:$0x7] =	wrdreg s9  }
0x27: {  	s12 =	simm.s32 $0x700;
	s2 =	sshrl.u32 s13, $0x3;
	[dreg:$0x14] =	wrdreg s26  }
0x28: {  	s26 =	simm.s32 $0xC00;
	s13 =	simm.s32 $0xE80;
	s2 =	sadd.s32 s5, s2  }
0x29: {  	v0 =	vimm.f32 $0.0e+00;
	s5 =	simm.s32 $0xF80;
	[dreg:$0x1e] =	wrdreg s2;
	s2 =	simm.s32 $0xD80  }
.LBB2_1:
0x2a: {  	[smem:$0x7FD] =	sst s7;
	s7 =	simm.s32 $0x0;
	s8 =	simm.s32 $0x200  }
.LBB2_2:
0x2b: {  	p0 =	sne.s32 s8, $0xFE00;
	[tilespmem:s7+$0x1070] =	vst v0  }
0x2c: {  	[tilespmem:s7+$0x1000] =	vst v0  }
0x2d: {  	[tilespmem:s7+$0x1010] =	vst v0  }
.Ltmp0:
0x2e: {  	[tilespmem:s7+$0x1020] =	vst v0;
	(pc) =	sbr.rel @p0 .LBB2_2-.Ltmp0, $4  }
0x2f: {  	[tilespmem:s7+$0x1030] =	vst v0  }
0x30: {  	[tilespmem:s7+$0x1040] =	vst v0  }
0x31: {  	[tilespmem:s7+$0x1050] =	vst v0  }
0x32: {  	[tilespmem:s7+$0x1060] =	vst v0;
	s7 =	sshra.s32 s8, $0x2;
	s8 =	sadd.s32 $0x200, s8  }
0x33: {  	[tilespmem:s7+$0x1070] =	vst v0  }
0x34: {  	[tilespmem:s7+$0x1000] =	vst v0  }
0x35: {  	[tilespmem:s7+$0x1010] =	vst v0  }
0x36: {  	[tilespmem:s7+$0x1020] =	vst v0  }
0x37: {  	[tilespmem:s7+$0x1030] =	vst v0  }
0x38: {  	[tilespmem:s7+$0x1040] =	vst v0  }
0x39: {  	[tilespmem:s7+$0x1050] =	vst v0  }
0x3a: {  	[tilespmem:s7+$0x1060] =	vst v0;
	s6 =	rddreg [dreg:$0x15]  }
0x3b: {  	[spmem:s6] =	stream.linear.scatter [tilespmem:s16], [sflag:$0x5], $0x4000, $0x38;
	[tilespmem:$0x1D000] =	vst v63  }
0x3c: {  	_ =	swait.ge [sflag:s17], $0x4000  }
0x3d: {  	[sflag:s17] =	ssyncset.done $0x0  }
0x3e: {  	s8 =	rddreg [dreg:$0x16];
	[sflag:s17] =	ssyncadd.s32 $0xFFFFC000  }
0x3f: {  	[spmem:s8] =	stream.linear.scatter [tilespmem:s16], [sflag:$0x5], $0x4000, $0x38;
	[tilespmem:$0x1D000] =	vst v63  }
0x40: {  	_ =	swait.ge [sflag:s17], $0x4000  }
0x41: {  	[sflag:s17] =	ssyncset.done $0x0  }
0x42: {  	s9 =	rddreg [dreg:$0x17];
	[sflag:s17] =	ssyncadd.s32 $0xFFFFC000  }
0x43: {  	[spmem:s9] =	stream.linear.scatter [tilespmem:s16], [sflag:$0x5], $0x4000, $0x38;
	[tilespmem:$0x1D000] =	vst v63  }
0x44: {  	_ =	swait.ge [sflag:s17], $0x4000  }
0x45: {  	[sflag:s17] =	ssyncset.done $0x0  }
0x46: {  	s7 =	rddreg [dreg:$0x18];
	[sflag:s17] =	ssyncadd.s32 $0xFFFFC000  }
0x47: {  	[spmem:s7] =	stream.linear.scatter [tilespmem:s16], [sflag:$0x5], $0x4000, $0x38;
	[tilespmem:$0x1D000] =	vst v63  }
0x48: {  	_ =	swait.ge [sflag:s17], $0x4000  }
0x49: {  	[sflag:s17] =	ssyncset.done $0x0  }
0x4a: {  	s8 =	rddreg [dreg:$0x19];
	[sflag:s17] =	ssyncadd.s32 $0xFFFFC000  }
0x4b: {  	[spmem:s8] =	stream.linear.scatter [tilespmem:s16], [sflag:$0x5], $0x4000, $0x38;
	[tilespmem:$0x1D000] =	vst v63  }
0x4c: {  	_ =	swait.ge [sflag:s17], $0x4000  }
0x4d: {  	[sflag:s17] =	ssyncset.done $0x0  }
0x4e: {  	[sflag:s17] =	ssyncadd.s32 $0xFFFFC000  }
0x4f: {  	[bflag:$0x0] =	sbarrier.arrive $0xFFFF  }
0x50: {  	s9 =	rddreg [dreg:$0x6]  }
0x51: {  	s7 =	sadd.s32 $0x0, s9  }
0x52: {  	[tilespmem:s3], [sflag:$0x5] =	stream.linear.gather [hbm4b:s7+s3], $0x800, $0x38;
	[tilespmem:$0x1D000] =	vst v63  }
0x53: {  	_ =	swait.ge [sflag:s17], $0x800  }
0x54: {  	s6 =	rddreg [dreg:$0x5];
	[sflag:s17] =	ssyncset.done $0x0  }
0x55: {  	[sflag:s17] =	ssyncadd.s32 $0xFFFFF800;
	s7 =	sadd.s32 $0x0, s6  }
0x56: {  	[tilespmem:s18], [sflag:$0x5] =	stream.linear.gather [hbm4b:s7+s3], $0x800, $0x38;
	[tilespmem:$0x1D000] =	vst v63  }
0x57: {  	_ =	swait.ge [sflag:s17], $0x800  }
0x58: {  	[sflag:s17] =	ssyncset.done $0x0  }
0x59: {  	[sflag:s17] =	ssyncadd.s32 $0xFFFFF800  }
0x5a: {  	[tilespmem:s16], [sflag:$0x1] =	stream.indirect.gather [hbm4b:s4+s19], $0x80, s3, s19, $0xb8;
	[tilespmem:$0x1D000] =	vst v63  }
0x5b: {  	_ = 	snop  }
0x5c: {  	[tilespmem:s20], [sflag:$0x2] =	stream.indirect.gather [hbm4b:s4+s19], $0x80, s19, s19, $0xb8;
	[tilespmem:$0x1D000] =	vst v63  }
0x5d: {  	_ =	swait.ge [sflag:s21], $0x4000  }
0x5e: {  	[sflag:s21] =	ssyncset.done $0x0  }
0x5f: {  	[sflag:s21] =	ssyncadd.s32 $0xFFFFC000  }
0x60: {  	[spmem:s1] =	stream.indirect.scatter.add.f32 [tilespmem:s16], [sflag:$0x3], $0x80, s18, s19, $0xb8;
	[tilespmem:$0x1D000] =	vst v63  }
0x61: {  	_ =	swait.ge [sflag:s22], $0x4000  }
0x62: {  	[sflag:s22] =	ssyncset.done $0x0  }
0x63: {  	s8 =	rddreg [dreg:$0x7];
	[sflag:s22] =	ssyncadd.s32 $0xFFFFC000  }
0x64: {  	[tilespmem:s16], [sflag:$0x1] =	stream.indirect.gather [hbm4b:s4+s19], $0x80, s8, s19, $0xb8;
	[tilespmem:$0x1D000] =	vst v63  }
0x65: {  	_ =	swait.ge [sflag:s23], $0x4000  }
0x66: {  	[sflag:s23] =	ssyncset.done $0x0  }
0x67: {  	s9 =	rddreg [dreg:$0x8];
	[sflag:s23] =	ssyncadd.s32 $0xFFFFC000  }
0x68: {  	[spmem:s1] =	stream.indirect.scatter.add.f32 [tilespmem:s20], [sflag:$0x4], $0x80, s9, s19, $0xb8;
	[tilespmem:$0x1D000] =	vst v63  }
0x69: {  	_ =	swait.ge [sflag:s24], $0x4000  }
0x6a: {  	[sflag:s24] =	ssyncset.done $0x0  }
0x6b: {  	s6 =	rddreg [dreg:$0x9];
	[sflag:s24] =	ssyncadd.s32 $0xFFFFC000  }
0x6c: {  	[tilespmem:s20], [sflag:$0x2] =	stream.indirect.gather [hbm4b:s4+s19], $0x80, s6, s19, $0xb8;
	[tilespmem:$0x1D000] =	vst v63  }
0x6d: {  	_ =	swait.ge [sflag:s21], $0x4000  }
0x6e: {  	[sflag:s21] =	ssyncset.done $0x0  }
0x6f: {  	s8 =	rddreg [dreg:$0xa];
	[sflag:s21] =	ssyncadd.s32 $0xFFFFC000  }
0x70: {  	[spmem:s1] =	stream.indirect.scatter.add.f32 [tilespmem:s16], [sflag:$0x3], $0x80, s8, s19, $0xb8;
	[tilespmem:$0x1D000] =	vst v63  }
0x71: {  	_ =	swait.ge [sflag:s22], $0x4000  }
0x72: {  	[sflag:s22] =	ssyncset.done $0x0  }
0x73: {  	s9 =	rddreg [dreg:$0xb];
	[sflag:s22] =	ssyncadd.s32 $0xFFFFC000  }
0x74: {  	[tilespmem:s16], [sflag:$0x1] =	stream.indirect.gather [hbm4b:s4+s19], $0x80, s9, s19, $0xb8;
	[tilespmem:$0x1D000] =	vst v63  }
0x75: {  	_ =	swait.ge [sflag:s23], $0x4000  }
0x76: {  	[sflag:s23] =	ssyncset.done $0x0  }
0x77: {  	s6 =	rddreg [dreg:$0xc];
	[sflag:s23] =	ssyncadd.s32 $0xFFFFC000  }
0x78: {  	[spmem:s1] =	stream.indirect.scatter.add.f32 [tilespmem:s20], [sflag:$0x4], $0x80, s6, s19, $0xb8;
	[tilespmem:$0x1D000] =	vst v63  }
0x79: {  	_ =	swait.ge [sflag:s24], $0x4000  }
0x7a: {  	[sflag:s24] =	ssyncset.done $0x0  }
0x7b: {  	s8 =	rddreg [dreg:$0xd];
	[sflag:s24] =	ssyncadd.s32 $0xFFFFC000  }
0x7c: {  	[tilespmem:s20], [sflag:$0x2] =	stream.indirect.gather [hbm4b:s4+s19], $0x80, s8, s19, $0xb8;
	[tilespmem:$0x1D000] =	vst v63  }
0x7d: {  	_ =	swait.ge [sflag:s21], $0x4000  }
0x7e: {  	[sflag:s21] =	ssyncset.done $0x0  }
0x7f: {  	s9 =	rddreg [dreg:$0xe];
	[sflag:s21] =	ssyncadd.s32 $0xFFFFC000  }
0x80: {  	[spmem:s1] =	stream.indirect.scatter.add.f32 [tilespmem:s16], [sflag:$0x3], $0x80, s9, s19, $0xb8;
	[tilespmem:$0x1D000] =	vst v63  }
0x81: {  	_ =	swait.ge [sflag:s22], $0x4000  }
0x82: {  	[sflag:s22] =	ssyncset.done $0x0  }
0x83: {  	s6 =	rddreg [dreg:$0xf];
	[sflag:s22] =	ssyncadd.s32 $0xFFFFC000  }
0x84: {  	[tilespmem:s16], [sflag:$0x1] =	stream.indirect.gather [hbm4b:s4+s19], $0x80, s6, s19, $0xb8;
	[tilespmem:$0x1D000] =	vst v63  }
0x85: {  	_ =	swait.ge [sflag:s23], $0x4000  }
0x86: {  	[sflag:s23] =	ssyncset.done $0x0  }
0x87: {  	s8 =	rddreg [dreg:$0x10];
	[sflag:s23] =	ssyncadd.s32 $0xFFFFC000  }
0x88: {  	[spmem:s1] =	stream.indirect.scatter.add.f32 [tilespmem:s20], [sflag:$0x4], $0x80, s8, s19, $0xb8;
	[tilespmem:$0x1D000] =	vst v63  }
0x89: {  	_ =	swait.ge [sflag:s24], $0x4000  }
0x8a: {  	[sflag:s24] =	ssyncset.done $0x0  }
0x8b: {  	s9 =	rddreg [dreg:$0x11];
	[sflag:s24] =	ssyncadd.s32 $0xFFFFC000  }
0x8c: {  	[tilespmem:s20], [sflag:$0x2] =	stream.indirect.gather [hbm4b:s4+s19], $0x80, s9, s19, $0xb8;
	[tilespmem:$0x1D000] =	vst v63  }
0x8d: {  	_ =	swait.ge [sflag:s21], $0x4000  }
0x8e: {  	[sflag:s21] =	ssyncset.done $0x0  }
0x8f: {  	s6 =	rddreg [dreg:$0x12];
	[sflag:s21] =	ssyncadd.s32 $0xFFFFC000  }
0x90: {  	[spmem:s1] =	stream.indirect.scatter.add.f32 [tilespmem:s16], [sflag:$0x3], $0x80, s6, s19, $0xb8;
	[tilespmem:$0x1D000] =	vst v63  }
0x91: {  	_ =	swait.ge [sflag:s22], $0x4000  }
0x92: {  	[sflag:s22] =	ssyncset.done $0x0  }
0x93: {  	s8 =	rddreg [dreg:$0x13];
	[sflag:s22] =	ssyncadd.s32 $0xFFFFC000  }
0x94: {  	[tilespmem:s16], [sflag:$0x1] =	stream.indirect.gather [hbm4b:s4+s19], $0x80, s8, s19, $0xb8;
	[tilespmem:$0x1D000] =	vst v63  }
0x95: {  	_ =	swait.ge [sflag:s23], $0x4000  }
0x96: {  	[sflag:s23] =	ssyncset.done $0x0  }
0x97: {  	s9 =	rddreg [dreg:$0x14];
	[sflag:s23] =	ssyncadd.s32 $0xFFFFC000  }
0x98: {  	[spmem:s1] =	stream.indirect.scatter.add.f32 [tilespmem:s20], [sflag:$0x4], $0x80, s9, s19, $0xb8;
	[tilespmem:$0x1D000] =	vst v63  }
0x99: {  	_ =	swait.ge [sflag:s24], $0x4000  }
0x9a: {  	[sflag:s24] =	ssyncset.done $0x0  }
0x9b: {  	[sflag:s24] =	ssyncadd.s32 $0xFFFFC000  }
0x9c: {  	[tilespmem:s20], [sflag:$0x2] =	stream.indirect.gather [hbm4b:s4+s19], $0x80, s25, s19, $0xb8;
	[tilespmem:$0x1D000] =	vst v63  }
0x9d: {  	_ =	swait.ge [sflag:s21], $0x4000  }
0x9e: {  	[sflag:s21] =	ssyncset.done $0x0  }
0x9f: {  	[sflag:s21] =	ssyncadd.s32 $0xFFFFC000  }
0xa0: {  	[spmem:s1] =	stream.indirect.scatter.add.f32 [tilespmem:s16], [sflag:$0x3], $0x80, s26, s19, $0xb8;
	[tilespmem:$0x1D000] =	vst v63  }
0xa1: {  	_ =	swait.ge [sflag:s22], $0x4000  }
0xa2: {  	[sflag:s22] =	ssyncset.done $0x0  }
0xa3: {  	[sflag:s22] =	ssyncadd.s32 $0xFFFFC000  }
0xa4: {  	[tilespmem:s16], [sflag:$0x1] =	stream.indirect.gather [hbm4b:s4+s19], $0x80, s28, s19, $0xb8;
	[tilespmem:$0x1D000] =	vst v63  }
0xa5: {  	_ =	swait.ge [sflag:s23], $0x4000  }
0xa6: {  	[sflag:s23] =	ssyncset.done $0x0  }
0xa7: {  	[sflag:s23] =	ssyncadd.s32 $0xFFFFC000  }
0xa8: {  	[spmem:s1] =	stream.indirect.scatter.add.f32 [tilespmem:s20], [sflag:$0x4], $0x80, s29, s19, $0xb8;
	[tilespmem:$0x1D000] =	vst v63  }
0xa9: {  	_ =	swait.ge [sflag:s24], $0x4000  }
0xaa: {  	[sflag:s24] =	ssyncset.done $0x0  }
0xab: {  	[sflag:s24] =	ssyncadd.s32 $0xFFFFC000  }
0xac: {  	[tilespmem:s20], [sflag:$0x2] =	stream.indirect.gather [hbm4b:s4+s19], $0x80, s30, s19, $0xb8;
	[tilespmem:$0x1D000] =	vst v63  }
0xad: {  	_ =	swait.ge [sflag:s21], $0x4000  }
0xae: {  	[sflag:s21] =	ssyncset.done $0x0  }
0xaf: {  	[sflag:s21] =	ssyncadd.s32 $0xFFFFC000  }
0xb0: {  	[spmem:s1] =	stream.indirect.scatter.add.f32 [tilespmem:s16], [sflag:$0x3], $0x80, s31, s19, $0xb8;
	[tilespmem:$0x1D000] =	vst v63  }
0xb1: {  	_ =	swait.ge [sflag:s22], $0x4000  }
0xb2: {  	[sflag:s22] =	ssyncset.done $0x0  }
0xb3: {  	[sflag:s22] =	ssyncadd.s32 $0xFFFFC000  }
0xb4: {  	[tilespmem:s16], [sflag:$0x1] =	stream.indirect.gather [hbm4b:s4+s19], $0x80, s0, s19, $0xb8;
	[tilespmem:$0x1D000] =	vst v63  }
0xb5: {  	_ =	swait.ge [sflag:s23], $0x4000  }
0xb6: {  	[sflag:s23] =	ssyncset.done $0x0  }
0xb7: {  	[sflag:s23] =	ssyncadd.s32 $0xFFFFC000  }
0xb8: {  	[spmem:s1] =	stream.indirect.scatter.add.f32 [tilespmem:s20], [sflag:$0x4], $0x80, s2, s19, $0xb8;
	[tilespmem:$0x1D000] =	vst v63  }
0xb9: {  	_ =	swait.ge [sflag:s24], $0x4000  }
0xba: {  	[sflag:s24] =	ssyncset.done $0x0  }
0xbb: {  	[sflag:s24] =	ssyncadd.s32 $0xFFFFC000  }
0xbc: {  	[tilespmem:s20], [sflag:$0x2] =	stream.indirect.gather [hbm4b:s4+s19], $0x80, s10, s19, $0xb8;
	[tilespmem:$0x1D000] =	vst v63  }
0xbd: {  	_ =	swait.ge [sflag:s21], $0x4000  }
0xbe: {  	[sflag:s21] =	ssyncset.done $0x0  }
0xbf: {  	[sflag:s21] =	ssyncadd.s32 $0xFFFFC000  }
0xc0: {  	[spmem:s1] =	stream.indirect.scatter.add.f32 [tilespmem:s16], [sflag:$0x3], $0x80, s11, s19, $0xb8;
	[tilespmem:$0x1D000] =	vst v63  }
0xc1: {  	_ =	swait.ge [sflag:s22], $0x4000  }
0xc2: {  	[sflag:s22] =	ssyncset.done $0x0  }
0xc3: {  	[sflag:s22] =	ssyncadd.s32 $0xFFFFC000  }
0xc4: {  	[tilespmem:s16], [sflag:$0x1] =	stream.indirect.gather [hbm4b:s4+s19], $0x80, s12, s19, $0xb8;
	[tilespmem:$0x1D000] =	vst v63  }
0xc5: {  	_ =	swait.ge [sflag:s23], $0x4000  }
0xc6: {  	[sflag:s23] =	ssyncset.done $0x0  }
0xc7: {  	[sflag:s23] =	ssyncadd.s32 $0xFFFFC000  }
0xc8: {  	[spmem:s1] =	stream.indirect.scatter.add.f32 [tilespmem:s20], [sflag:$0x4], $0x80, s13, s19, $0xb8;
	[tilespmem:$0x1D000] =	vst v63  }
0xc9: {  	_ =	swait.ge [sflag:s24], $0x4000  }
0xca: {  	[sflag:s24] =	ssyncset.done $0x0  }
0xcb: {  	[sflag:s24] =	ssyncadd.s32 $0xFFFFC000  }
0xcc: {  	[tilespmem:s20], [sflag:$0x2] =	stream.indirect.gather [hbm4b:s4+s19], $0x80, s14, s19, $0xb8;
	[tilespmem:$0x1D000] =	vst v63  }
0xcd: {  	_ =	swait.ge [sflag:s21], $0x4000  }
0xce: {  	[sflag:s21] =	ssyncset.done $0x0  }
0xcf: {  	[sflag:s21] =	ssyncadd.s32 $0xFFFFC000  }
0xd0: {  	[spmem:s1] =	stream.indirect.scatter.add.f32 [tilespmem:s16], [sflag:$0x3], $0x80, s15, s19, $0xb8;
	[tilespmem:$0x1D000] =	vst v63  }
0xd1: {  	_ =	swait.ge [sflag:s23], $0x4000  }
0xd2: {  	[sflag:s23] =	ssyncset.done $0x0  }
0xd3: {  	[sflag:s23] =	ssyncadd.s32 $0xFFFFC000  }
0xd4: {  	[spmem:s1] =	stream.indirect.scatter.add.f32 [tilespmem:s20], [sflag:$0x4], $0x80, s5, s19, $0xb8;
	[tilespmem:$0x1D000] =	vst v63  }
0xd5: {  	_ =	swait.ge [sflag:s22], $0x4000  }
0xd6: {  	[sflag:s22] =	ssyncset.done $0x0  }
0xd7: {  	[sflag:s22] =	ssyncadd.s32 $0xFFFFC000  }
0xd8: {  	s7 =	simm.s32 $0x100;
	_ =	swait.ge [sflag:s24], $0x4000  }
0xd9: {  	s8 =	simm.s32 $0x200;
	s9 =	rddreg [dreg:$0x6];
	[sflag:s24] =	ssyncset.done $0x0  }
.LBB2_4:
0xda: {  	[sflag:s24] =	ssyncadd.s32 $0xFFFFC000;
	s9 =	sadd.s32 s7, s9  }
0xdb: {  	[tilespmem:s3], [sflag:$0x5] =	stream.linear.gather [hbm4b:s9+s3], $0x800, $0x38;
	[tilespmem:$0x1D000] =	vst v63  }
0xdc: {  	_ =	swait.ge [sflag:s17], $0x800  }
0xdd: {  	s9 =	rddreg [dreg:$0x5];
	[sflag:s17] =	ssyncset.done $0x0  }
0xde: {  	[sflag:s17] =	ssyncadd.s32 $0xFFFFF800;
	s9 =	sadd.s32 s7, s9  }
0xdf: {  	[tilespmem:s18], [sflag:$0x5] =	stream.linear.gather [hbm4b:s9+s3], $0x800, $0x38;
	[tilespmem:$0x1D000] =	vst v63  }
0xe0: {  	_ =	swait.ge [sflag:s17], $0x800  }
0xe1: {  	[sflag:s17] =	ssyncset.done $0x0  }
0xe2: {  	[sflag:s17] =	ssyncadd.s32 $0xFFFFF800  }
0xe3: {  	[tilespmem:s16], [sflag:$0x1] =	stream.indirect.gather [hbm4b:s4+s19], $0x80, s3, s19, $0xb8;
	[tilespmem:$0x1D000] =	vst v63  }
0xe4: {  	_ = 	snop  }
0xe5: {  	[tilespmem:s20], [sflag:$0x2] =	stream.indirect.gather [hbm4b:s4+s19], $0x80, s19, s19, $0xb8;
	[tilespmem:$0x1D000] =	vst v63  }
0xe6: {  	_ =	swait.ge [sflag:s21], $0x4000  }
0xe7: {  	[sflag:s21] =	ssyncset.done $0x0  }
0xe8: {  	[sflag:s21] =	ssyncadd.s32 $0xFFFFC000  }
0xe9: {  	[spmem:s1] =	stream.indirect.scatter.add.f32 [tilespmem:s16], [sflag:$0x3], $0x80, s18, s19, $0xb8;
	[tilespmem:$0x1D000] =	vst v63  }
0xea: {  	_ =	swait.ge [sflag:s22], $0x4000  }
0xeb: {  	[sflag:s22] =	ssyncset.done $0x0  }
0xec: {  	s9 =	rddreg [dreg:$0x7];
	[sflag:s22] =	ssyncadd.s32 $0xFFFFC000  }
0xed: {  	[tilespmem:s16], [sflag:$0x1] =	stream.indirect.gather [hbm4b:s4+s19], $0x80, s9, s19, $0xb8;
	[tilespmem:$0x1D000] =	vst v63  }
0xee: {  	_ =	swait.ge [sflag:s23], $0x4000  }
0xef: {  	[sflag:s23] =	ssyncset.done $0x0  }
0xf0: {  	s9 =	rddreg [dreg:$0x8];
	[sflag:s23] =	ssyncadd.s32 $0xFFFFC000  }
0xf1: {  	[spmem:s1] =	stream.indirect.scatter.add.f32 [tilespmem:s20], [sflag:$0x4], $0x80, s9, s19, $0xb8;
	[tilespmem:$0x1D000] =	vst v63  }
0xf2: {  	_ =	swait.ge [sflag:s24], $0x4000  }
0xf3: {  	[sflag:s24] =	ssyncset.done $0x0  }
0xf4: {  	s9 =	rddreg [dreg:$0x9];
	[sflag:s24] =	ssyncadd.s32 $0xFFFFC000  }
0xf5: {  	[tilespmem:s20], [sflag:$0x2] =	stream.indirect.gather [hbm4b:s4+s19], $0x80, s9, s19, $0xb8;
	[tilespmem:$0x1D000] =	vst v63  }
0xf6: {  	_ =	swait.ge [sflag:s21], $0x4000  }
0xf7: {  	[sflag:s21] =	ssyncset.done $0x0  }
0xf8: {  	s9 =	rddreg [dreg:$0xa];
	[sflag:s21] =	ssyncadd.s32 $0xFFFFC000  }
0xf9: {  	[spmem:s1] =	stream.indirect.scatter.add.f32 [tilespmem:s16], [sflag:$0x3], $0x80, s9, s19, $0xb8;
	[tilespmem:$0x1D000] =	vst v63  }
0xfa: {  	_ =	swait.ge [sflag:s22], $0x4000  }
0xfb: {  	[sflag:s22] =	ssyncset.done $0x0  }
0xfc: {  	s9 =	rddreg [dreg:$0xb];
	[sflag:s22] =	ssyncadd.s32 $0xFFFFC000  }
0xfd: {  	[tilespmem:s16], [sflag:$0x1] =	stream.indirect.gather [hbm4b:s4+s19], $0x80, s9, s19, $0xb8;
	[tilespmem:$0x1D000] =	vst v63  }
0xfe: {  	_ =	swait.ge [sflag:s23], $0x4000  }
0xff: {  	[sflag:s23] =	ssyncset.done $0x0  }
0x100: {  	s9 =	rddreg [dreg:$0xc];
	[sflag:s23] =	ssyncadd.s32 $0xFFFFC000  }
0x101: {  	[spmem:s1] =	stream.indirect.scatter.add.f32 [tilespmem:s20], [sflag:$0x4], $0x80, s9, s19, $0xb8;
	[tilespmem:$0x1D000] =	vst v63  }
0x102: {  	_ =	swait.ge [sflag:s24], $0x4000  }
0x103: {  	[sflag:s24] =	ssyncset.done $0x0  }
0x104: {  	s9 =	rddreg [dreg:$0xd];
	[sflag:s24] =	ssyncadd.s32 $0xFFFFC000  }
0x105: {  	[tilespmem:s20], [sflag:$0x2] =	stream.indirect.gather [hbm4b:s4+s19], $0x80, s9, s19, $0xb8;
	[tilespmem:$0x1D000] =	vst v63  }
0x106: {  	_ =	swait.ge [sflag:s21], $0x4000  }
0x107: {  	[sflag:s21] =	ssyncset.done $0x0  }
0x108: {  	s9 =	rddreg [dreg:$0xe];
	[sflag:s21] =	ssyncadd.s32 $0xFFFFC000  }
0x109: {  	[spmem:s1] =	stream.indirect.scatter.add.f32 [tilespmem:s16], [sflag:$0x3], $0x80, s9, s19, $0xb8;
	[tilespmem:$0x1D000] =	vst v63  }
0x10a: {  	_ =	swait.ge [sflag:s22], $0x4000  }
0x10b: {  	[sflag:s22] =	ssyncset.done $0x0  }
0x10c: {  	s9 =	rddreg [dreg:$0xf];
	[sflag:s22] =	ssyncadd.s32 $0xFFFFC000  }
0x10d: {  	[tilespmem:s16], [sflag:$0x1] =	stream.indirect.gather [hbm4b:s4+s19], $0x80, s9, s19, $0xb8;
	[tilespmem:$0x1D000] =	vst v63  }
0x10e: {  	_ =	swait.ge [sflag:s23], $0x4000  }
0x10f: {  	[sflag:s23] =	ssyncset.done $0x0  }
0x110: {  	s9 =	rddreg [dreg:$0x10];
	[sflag:s23] =	ssyncadd.s32 $0xFFFFC000  }
0x111: {  	[spmem:s1] =	stream.indirect.scatter.add.f32 [tilespmem:s20], [sflag:$0x4], $0x80, s9, s19, $0xb8;
	[tilespmem:$0x1D000] =	vst v63  }
0x112: {  	_ =	swait.ge [sflag:s24], $0x4000  }
0x113: {  	[sflag:s24] =	ssyncset.done $0x0  }
0x114: {  	s9 =	rddreg [dreg:$0x11];
	[sflag:s24] =	ssyncadd.s32 $0xFFFFC000  }
0x115: {  	[tilespmem:s20], [sflag:$0x2] =	stream.indirect.gather [hbm4b:s4+s19], $0x80, s9, s19, $0xb8;
	[tilespmem:$0x1D000] =	vst v63  }
0x116: {  	_ =	swait.ge [sflag:s21], $0x4000  }
0x117: {  	[sflag:s21] =	ssyncset.done $0x0  }
0x118: {  	s9 =	rddreg [dreg:$0x12];
	[sflag:s21] =	ssyncadd.s32 $0xFFFFC000  }
0x119: {  	[spmem:s1] =	stream.indirect.scatter.add.f32 [tilespmem:s16], [sflag:$0x3], $0x80, s9, s19, $0xb8;
	[tilespmem:$0x1D000] =	vst v63  }
0x11a: {  	_ =	swait.ge [sflag:s22], $0x4000  }
0x11b: {  	[sflag:s22] =	ssyncset.done $0x0  }
0x11c: {  	s9 =	rddreg [dreg:$0x13];
	[sflag:s22] =	ssyncadd.s32 $0xFFFFC000  }
0x11d: {  	[tilespmem:s16], [sflag:$0x1] =	stream.indirect.gather [hbm4b:s4+s19], $0x80, s9, s19, $0xb8;
	[tilespmem:$0x1D000] =	vst v63  }
0x11e: {  	_ =	swait.ge [sflag:s23], $0x4000  }
0x11f: {  	[sflag:s23] =	ssyncset.done $0x0  }
0x120: {  	s9 =	rddreg [dreg:$0x14];
	[sflag:s23] =	ssyncadd.s32 $0xFFFFC000  }
0x121: {  	[spmem:s1] =	stream.indirect.scatter.add.f32 [tilespmem:s20], [sflag:$0x4], $0x80, s9, s19, $0xb8;
	[tilespmem:$0x1D000] =	vst v63  }
0x122: {  	_ =	swait.ge [sflag:s24], $0x4000  }
0x123: {  	[sflag:s24] =	ssyncset.done $0x0  }
0x124: {  	[sflag:s24] =	ssyncadd.s32 $0xFFFFC000  }
0x125: {  	[tilespmem:s20], [sflag:$0x2] =	stream.indirect.gather [hbm4b:s4+s19], $0x80, s25, s19, $0xb8;
	[tilespmem:$0x1D000] =	vst v63  }
0x126: {  	_ =	swait.ge [sflag:s21], $0x4000  }
0x127: {  	[sflag:s21] =	ssyncset.done $0x0  }
0x128: {  	[sflag:s21] =	ssyncadd.s32 $0xFFFFC000  }
0x129: {  	[spmem:s1] =	stream.indirect.scatter.add.f32 [tilespmem:s16], [sflag:$0x3], $0x80, s26, s19, $0xb8;
	[tilespmem:$0x1D000] =	vst v63  }
0x12a: {  	_ =	swait.ge [sflag:s22], $0x4000  }
0x12b: {  	[sflag:s22] =	ssyncset.done $0x0  }
0x12c: {  	[sflag:s22] =	ssyncadd.s32 $0xFFFFC000  }
0x12d: {  	[tilespmem:s16], [sflag:$0x1] =	stream.indirect.gather [hbm4b:s4+s19], $0x80, s28, s19, $0xb8;
	[tilespmem:$0x1D000] =	vst v63  }
0x12e: {  	_ =	swait.ge [sflag:s23], $0x4000  }
0x12f: {  	[sflag:s23] =	ssyncset.done $0x0  }
0x130: {  	[sflag:s23] =	ssyncadd.s32 $0xFFFFC000  }
0x131: {  	[spmem:s1] =	stream.indirect.scatter.add.f32 [tilespmem:s20], [sflag:$0x4], $0x80, s29, s19, $0xb8;
	[tilespmem:$0x1D000] =	vst v63  }
0x132: {  	_ =	swait.ge [sflag:s24], $0x4000  }
0x133: {  	[sflag:s24] =	ssyncset.done $0x0  }
0x134: {  	[sflag:s24] =	ssyncadd.s32 $0xFFFFC000  }
0x135: {  	[tilespmem:s20], [sflag:$0x2] =	stream.indirect.gather [hbm4b:s4+s19], $0x80, s30, s19, $0xb8;
	[tilespmem:$0x1D000] =	vst v63  }
0x136: {  	_ =	swait.ge [sflag:s21], $0x4000  }
0x137: {  	[sflag:s21] =	ssyncset.done $0x0  }
0x138: {  	[sflag:s21] =	ssyncadd.s32 $0xFFFFC000  }
0x139: {  	[spmem:s1] =	stream.indirect.scatter.add.f32 [tilespmem:s16], [sflag:$0x3], $0x80, s31, s19, $0xb8;
	[tilespmem:$0x1D000] =	vst v63  }
0x13a: {  	_ =	swait.ge [sflag:s22], $0x4000  }
0x13b: {  	[sflag:s22] =	ssyncset.done $0x0  }
0x13c: {  	[sflag:s22] =	ssyncadd.s32 $0xFFFFC000  }
0x13d: {  	[tilespmem:s16], [sflag:$0x1] =	stream.indirect.gather [hbm4b:s4+s19], $0x80, s0, s19, $0xb8;
	[tilespmem:$0x1D000] =	vst v63  }
0x13e: {  	_ =	swait.ge [sflag:s23], $0x4000  }
0x13f: {  	[sflag:s23] =	ssyncset.done $0x0  }
0x140: {  	[sflag:s23] =	ssyncadd.s32 $0xFFFFC000  }
0x141: {  	[spmem:s1] =	stream.indirect.scatter.add.f32 [tilespmem:s20], [sflag:$0x4], $0x80, s2, s19, $0xb8;
	[tilespmem:$0x1D000] =	vst v63  }
0x142: {  	_ =	swait.ge [sflag:s24], $0x4000  }
0x143: {  	[sflag:s24] =	ssyncset.done $0x0  }
0x144: {  	[sflag:s24] =	ssyncadd.s32 $0xFFFFC000  }
0x145: {  	[tilespmem:s20], [sflag:$0x2] =	stream.indirect.gather [hbm4b:s4+s19], $0x80, s10, s19, $0xb8;
	[tilespmem:$0x1D000] =	vst v63  }
0x146: {  	_ =	swait.ge [sflag:s21], $0x4000  }
0x147: {  	[sflag:s21] =	ssyncset.done $0x0  }
0x148: {  	[sflag:s21] =	ssyncadd.s32 $0xFFFFC000  }
0x149: {  	[spmem:s1] =	stream.indirect.scatter.add.f32 [tilespmem:s16], [sflag:$0x3], $0x80, s11, s19, $0xb8;
	[tilespmem:$0x1D000] =	vst v63  }
0x14a: {  	_ =	swait.ge [sflag:s22], $0x4000  }
0x14b: {  	[sflag:s22] =	ssyncset.done $0x0  }
0x14c: {  	[sflag:s22] =	ssyncadd.s32 $0xFFFFC000  }
0x14d: {  	[tilespmem:s16], [sflag:$0x1] =	stream.indirect.gather [hbm4b:s4+s19], $0x80, s12, s19, $0xb8;
	[tilespmem:$0x1D000] =	vst v63  }
0x14e: {  	_ =	swait.ge [sflag:s23], $0x4000  }
0x14f: {  	[sflag:s23] =	ssyncset.done $0x0  }
0x150: {  	[sflag:s23] =	ssyncadd.s32 $0xFFFFC000  }
0x151: {  	[spmem:s1] =	stream.indirect.scatter.add.f32 [tilespmem:s20], [sflag:$0x4], $0x80, s13, s19, $0xb8;
	[tilespmem:$0x1D000] =	vst v63  }
0x152: {  	_ =	swait.ge [sflag:s24], $0x4000  }
0x153: {  	[sflag:s24] =	ssyncset.done $0x0  }
0x154: {  	[sflag:s24] =	ssyncadd.s32 $0xFFFFC000  }
0x155: {  	[tilespmem:s20], [sflag:$0x2] =	stream.indirect.gather [hbm4b:s4+s19], $0x80, s14, s19, $0xb8;
	[tilespmem:$0x1D000] =	vst v63  }
0x156: {  	_ =	swait.ge [sflag:s21], $0x4000  }
0x157: {  	[sflag:s21] =	ssyncset.done $0x0  }
0x158: {  	[sflag:s21] =	ssyncadd.s32 $0xFFFFC000  }
0x159: {  	[spmem:s1] =	stream.indirect.scatter.add.f32 [tilespmem:s16], [sflag:$0x3], $0x80, s15, s19, $0xb8;
	[tilespmem:$0x1D000] =	vst v63  }
0x15a: {  	_ =	swait.ge [sflag:s23], $0x4000  }
0x15b: {  	[sflag:s23] =	ssyncset.done $0x0  }
0x15c: {  	p0 =	sne.s32 s8, $0x400;
	[sflag:s23] =	ssyncadd.s32 $0xFFFFC000  }
0x15d: {  	[spmem:s1] =	stream.indirect.scatter.add.f32 [tilespmem:s20], [sflag:$0x4], $0x80, s5, s19, $0xb8;
	[tilespmem:$0x1D000] =	vst v63  }
.Ltmp1:
0x15e: {  	_ =	swait.ge [sflag:s22], $0x4000;
	(pc) =	sbr.rel @p0 .LBB2_4-.Ltmp1, $4  }
0x15f: {  	[sflag:s22] =	ssyncset.done $0x0  }
0x160: {  	[sflag:s22] =	ssyncadd.s32 $0xFFFFC000  }
0x161: {  	s6 =	smov.u32 s8;
	s8 =	sadd.s32 $0x100, s8;
	_ =	swait.ge [sflag:s24], $0x4000  }
0x162: {  	s7 =	smov.u32 s6;
	s9 =	rddreg [dreg:$0x6];
	[sflag:s24] =	ssyncset.done $0x0  }
0x163: {  	[sflag:s24] =	ssyncadd.s32 $0xFFFFC000;
	s6 =	sadd.s32 s7, s9  }
0x164: {  	[tilespmem:s3], [sflag:$0x5] =	stream.linear.gather [hbm4b:s6+s3], $0x800, $0x38;
	[tilespmem:$0x1D000] =	vst v63  }
0x165: {  	_ =	swait.ge [sflag:s17], $0x800  }
0x166: {  	s9 =	rddreg [dreg:$0x5];
	[sflag:s17] =	ssyncset.done $0x0  }
0x167: {  	s6 =	sadd.s32 s7, s9;
	[sflag:s17] =	ssyncadd.s32 $0xFFFFF800  }
0x168: {  	[tilespmem:s18], [sflag:$0x5] =	stream.linear.gather [hbm4b:s6+s3], $0x800, $0x38;
	[tilespmem:$0x1D000] =	vst v63  }
0x169: {  	_ =	swait.ge [sflag:s17], $0x800  }
0x16a: {  	[sflag:s17] =	ssyncset.done $0x0  }
0x16b: {  	[sflag:s17] =	ssyncadd.s32 $0xFFFFF800  }
0x16c: {  	[tilespmem:s16], [sflag:$0x1] =	stream.indirect.gather [hbm4b:s4+s19], $0x80, s3, s19, $0xb8;
	[tilespmem:$0x1D000] =	vst v63  }
0x16d: {  	_ = 	snop  }
0x16e: {  	[tilespmem:s20], [sflag:$0x2] =	stream.indirect.gather [hbm4b:s4+s19], $0x80, s19, s19, $0xb8;
	[tilespmem:$0x1D000] =	vst v63  }
0x16f: {  	_ =	swait.ge [sflag:s21], $0x4000  }
0x170: {  	[sflag:s21] =	ssyncset.done $0x0  }
0x171: {  	[sflag:s21] =	ssyncadd.s32 $0xFFFFC000  }
0x172: {  	[spmem:s1] =	stream.indirect.scatter.add.f32 [tilespmem:s16], [sflag:$0x3], $0x80, s18, s19, $0xb8;
	[tilespmem:$0x1D000] =	vst v63  }
0x173: {  	_ =	swait.ge [sflag:s22], $0x4000  }
0x174: {  	[sflag:s22] =	ssyncset.done $0x0  }
0x175: {  	s8 =	rddreg [dreg:$0x7];
	[sflag:s22] =	ssyncadd.s32 $0xFFFFC000  }
0x176: {  	[tilespmem:s16], [sflag:$0x1] =	stream.indirect.gather [hbm4b:s4+s19], $0x80, s8, s19, $0xb8;
	[tilespmem:$0x1D000] =	vst v63  }
0x177: {  	_ =	swait.ge [sflag:s23], $0x4000  }
0x178: {  	[sflag:s23] =	ssyncset.done $0x0  }
0x179: {  	s9 =	rddreg [dreg:$0x8];
	[sflag:s23] =	ssyncadd.s32 $0xFFFFC000  }
0x17a: {  	[spmem:s1] =	stream.indirect.scatter.add.f32 [tilespmem:s20], [sflag:$0x4], $0x80, s9, s19, $0xb8;
	[tilespmem:$0x1D000] =	vst v63  }
0x17b: {  	_ =	swait.ge [sflag:s24], $0x4000  }
0x17c: {  	[sflag:s24] =	ssyncset.done $0x0  }
0x17d: {  	s7 =	rddreg [dreg:$0x9];
	[sflag:s24] =	ssyncadd.s32 $0xFFFFC000  }
0x17e: {  	[tilespmem:s20], [sflag:$0x2] =	stream.indirect.gather [hbm4b:s4+s19], $0x80, s7, s19, $0xb8;
	[tilespmem:$0x1D000] =	vst v63  }
0x17f: {  	_ =	swait.ge [sflag:s21], $0x4000  }
0x180: {  	[sflag:s21] =	ssyncset.done $0x0  }
0x181: {  	s8 =	rddreg [dreg:$0xa];
	[sflag:s21] =	ssyncadd.s32 $0xFFFFC000  }
0x182: {  	[spmem:s1] =	stream.indirect.scatter.add.f32 [tilespmem:s16], [sflag:$0x3], $0x80, s8, s19, $0xb8;
	[tilespmem:$0x1D000] =	vst v63  }
0x183: {  	_ =	swait.ge [sflag:s22], $0x4000  }
0x184: {  	[sflag:s22] =	ssyncset.done $0x0  }
0x185: {  	s9 =	rddreg [dreg:$0xb];
	[sflag:s22] =	ssyncadd.s32 $0xFFFFC000  }
0x186: {  	[tilespmem:s16], [sflag:$0x1] =	stream.indirect.gather [hbm4b:s4+s19], $0x80, s9, s19, $0xb8;
	[tilespmem:$0x1D000] =	vst v63  }
0x187: {  	_ =	swait.ge [sflag:s23], $0x4000  }
0x188: {  	[sflag:s23] =	ssyncset.done $0x0  }
0x189: {  	s7 =	rddreg [dreg:$0xc];
	[sflag:s23] =	ssyncadd.s32 $0xFFFFC000  }
0x18a: {  	[spmem:s1] =	stream.indirect.scatter.add.f32 [tilespmem:s20], [sflag:$0x4], $0x80, s7, s19, $0xb8;
	[tilespmem:$0x1D000] =	vst v63  }
0x18b: {  	_ =	swait.ge [sflag:s24], $0x4000  }
0x18c: {  	[sflag:s24] =	ssyncset.done $0x0  }
0x18d: {  	s8 =	rddreg [dreg:$0xd];
	[sflag:s24] =	ssyncadd.s32 $0xFFFFC000  }
0x18e: {  	[tilespmem:s20], [sflag:$0x2] =	stream.indirect.gather [hbm4b:s4+s19], $0x80, s8, s19, $0xb8;
	[tilespmem:$0x1D000] =	vst v63  }
0x18f: {  	_ =	swait.ge [sflag:s21], $0x4000  }
0x190: {  	[sflag:s21] =	ssyncset.done $0x0  }
0x191: {  	s9 =	rddreg [dreg:$0xe];
	[sflag:s21] =	ssyncadd.s32 $0xFFFFC000  }
0x192: {  	[spmem:s1] =	stream.indirect.scatter.add.f32 [tilespmem:s16], [sflag:$0x3], $0x80, s9, s19, $0xb8;
	[tilespmem:$0x1D000] =	vst v63  }
0x193: {  	_ =	swait.ge [sflag:s22], $0x4000  }
0x194: {  	[sflag:s22] =	ssyncset.done $0x0  }
0x195: {  	s7 =	rddreg [dreg:$0xf];
	[sflag:s22] =	ssyncadd.s32 $0xFFFFC000  }
0x196: {  	[tilespmem:s16], [sflag:$0x1] =	stream.indirect.gather [hbm4b:s4+s19], $0x80, s7, s19, $0xb8;
	[tilespmem:$0x1D000] =	vst v63  }
0x197: {  	_ =	swait.ge [sflag:s23], $0x4000  }
0x198: {  	[sflag:s23] =	ssyncset.done $0x0  }
0x199: {  	s8 =	rddreg [dreg:$0x10];
	[sflag:s23] =	ssyncadd.s32 $0xFFFFC000  }
0x19a: {  	[spmem:s1] =	stream.indirect.scatter.add.f32 [tilespmem:s20], [sflag:$0x4], $0x80, s8, s19, $0xb8;
	[tilespmem:$0x1D000] =	vst v63  }
0x19b: {  	_ =	swait.ge [sflag:s24], $0x4000  }
0x19c: {  	[sflag:s24] =	ssyncset.done $0x0  }
0x19d: {  	s9 =	rddreg [dreg:$0x11];
	[sflag:s24] =	ssyncadd.s32 $0xFFFFC000  }
0x19e: {  	[tilespmem:s20], [sflag:$0x2] =	stream.indirect.gather [hbm4b:s4+s19], $0x80, s9, s19, $0xb8;
	[tilespmem:$0x1D000] =	vst v63  }
0x19f: {  	_ =	swait.ge [sflag:s21], $0x4000  }
0x1a0: {  	[sflag:s21] =	ssyncset.done $0x0  }
0x1a1: {  	s7 =	rddreg [dreg:$0x12];
	[sflag:s21] =	ssyncadd.s32 $0xFFFFC000  }
0x1a2: {  	[spmem:s1] =	stream.indirect.scatter.add.f32 [tilespmem:s16], [sflag:$0x3], $0x80, s7, s19, $0xb8;
	[tilespmem:$0x1D000] =	vst v63  }
0x1a3: {  	_ =	swait.ge [sflag:s22], $0x4000  }
0x1a4: {  	[sflag:s22] =	ssyncset.done $0x0  }
0x1a5: {  	s8 =	rddreg [dreg:$0x13];
	[sflag:s22] =	ssyncadd.s32 $0xFFFFC000  }
0x1a6: {  	[tilespmem:s16], [sflag:$0x1] =	stream.indirect.gather [hbm4b:s4+s19], $0x80, s8, s19, $0xb8;
	[tilespmem:$0x1D000] =	vst v63  }
0x1a7: {  	_ =	swait.ge [sflag:s23], $0x4000  }
0x1a8: {  	[sflag:s23] =	ssyncset.done $0x0  }
0x1a9: {  	s9 =	rddreg [dreg:$0x14];
	[sflag:s23] =	ssyncadd.s32 $0xFFFFC000  }
0x1aa: {  	[spmem:s1] =	stream.indirect.scatter.add.f32 [tilespmem:s20], [sflag:$0x4], $0x80, s9, s19, $0xb8;
	[tilespmem:$0x1D000] =	vst v63  }
0x1ab: {  	_ =	swait.ge [sflag:s24], $0x4000  }
0x1ac: {  	[sflag:s24] =	ssyncset.done $0x0  }
0x1ad: {  	[sflag:s24] =	ssyncadd.s32 $0xFFFFC000  }
0x1ae: {  	[tilespmem:s20], [sflag:$0x2] =	stream.indirect.gather [hbm4b:s4+s19], $0x80, s25, s19, $0xb8;
	[tilespmem:$0x1D000] =	vst v63  }
0x1af: {  	_ =	swait.ge [sflag:s21], $0x4000  }
0x1b0: {  	[sflag:s21] =	ssyncset.done $0x0  }
0x1b1: {  	[sflag:s21] =	ssyncadd.s32 $0xFFFFC000  }
0x1b2: {  	[spmem:s1] =	stream.indirect.scatter.add.f32 [tilespmem:s16], [sflag:$0x3], $0x80, s26, s19, $0xb8;
	[tilespmem:$0x1D000] =	vst v63  }
0x1b3: {  	_ =	swait.ge [sflag:s22], $0x4000  }
0x1b4: {  	[sflag:s22] =	ssyncset.done $0x0  }
0x1b5: {  	[sflag:s22] =	ssyncadd.s32 $0xFFFFC000  }
0x1b6: {  	[tilespmem:s16], [sflag:$0x1] =	stream.indirect.gather [hbm4b:s4+s19], $0x80, s28, s19, $0xb8;
	[tilespmem:$0x1D000] =	vst v63  }
0x1b7: {  	_ =	swait.ge [sflag:s23], $0x4000  }
0x1b8: {  	[sflag:s23] =	ssyncset.done $0x0  }
0x1b9: {  	[sflag:s23] =	ssyncadd.s32 $0xFFFFC000  }
0x1ba: {  	[spmem:s1] =	stream.indirect.scatter.add.f32 [tilespmem:s20], [sflag:$0x4], $0x80, s29, s19, $0xb8;
	[tilespmem:$0x1D000] =	vst v63  }
0x1bb: {  	_ =	swait.ge [sflag:s24], $0x4000  }
0x1bc: {  	[sflag:s24] =	ssyncset.done $0x0  }
0x1bd: {  	[sflag:s24] =	ssyncadd.s32 $0xFFFFC000  }
0x1be: {  	[tilespmem:s20], [sflag:$0x2] =	stream.indirect.gather [hbm4b:s4+s19], $0x80, s30, s19, $0xb8;
	[tilespmem:$0x1D000] =	vst v63  }
0x1bf: {  	_ =	swait.ge [sflag:s21], $0x4000  }
0x1c0: {  	[sflag:s21] =	ssyncset.done $0x0  }
0x1c1: {  	[sflag:s21] =	ssyncadd.s32 $0xFFFFC000  }
0x1c2: {  	[spmem:s1] =	stream.indirect.scatter.add.f32 [tilespmem:s16], [sflag:$0x3], $0x80, s31, s19, $0xb8;
	[tilespmem:$0x1D000] =	vst v63  }
0x1c3: {  	_ =	swait.ge [sflag:s22], $0x4000  }
0x1c4: {  	[sflag:s22] =	ssyncset.done $0x0  }
0x1c5: {  	[sflag:s22] =	ssyncadd.s32 $0xFFFFC000  }
0x1c6: {  	[tilespmem:s16], [sflag:$0x1] =	stream.indirect.gather [hbm4b:s4+s19], $0x80, s0, s19, $0xb8;
	[tilespmem:$0x1D000] =	vst v63  }
0x1c7: {  	_ =	swait.ge [sflag:s23], $0x4000  }
0x1c8: {  	[sflag:s23] =	ssyncset.done $0x0  }
0x1c9: {  	[sflag:s23] =	ssyncadd.s32 $0xFFFFC000  }
0x1ca: {  	[spmem:s1] =	stream.indirect.scatter.add.f32 [tilespmem:s20], [sflag:$0x4], $0x80, s2, s19, $0xb8;
	[tilespmem:$0x1D000] =	vst v63  }
0x1cb: {  	_ =	swait.ge [sflag:s24], $0x4000  }
0x1cc: {  	[sflag:s24] =	ssyncset.done $0x0  }
0x1cd: {  	[sflag:s24] =	ssyncadd.s32 $0xFFFFC000  }
0x1ce: {  	[tilespmem:s20], [sflag:$0x2] =	stream.indirect.gather [hbm4b:s4+s19], $0x80, s10, s19, $0xb8;
	[tilespmem:$0x1D000] =	vst v63  }
0x1cf: {  	_ =	swait.ge [sflag:s21], $0x4000  }
0x1d0: {  	[sflag:s21] =	ssyncset.done $0x0  }
0x1d1: {  	[sflag:s21] =	ssyncadd.s32 $0xFFFFC000  }
0x1d2: {  	[spmem:s1] =	stream.indirect.scatter.add.f32 [tilespmem:s16], [sflag:$0x3], $0x80, s11, s19, $0xb8;
	[tilespmem:$0x1D000] =	vst v63  }
0x1d3: {  	_ =	swait.ge [sflag:s22], $0x4000  }
0x1d4: {  	[sflag:s22] =	ssyncset.done $0x0  }
0x1d5: {  	[sflag:s22] =	ssyncadd.s32 $0xFFFFC000  }
0x1d6: {  	[tilespmem:s16], [sflag:$0x1] =	stream.indirect.gather [hbm4b:s4+s19], $0x80, s12, s19, $0xb8;
	[tilespmem:$0x1D000] =	vst v63  }
0x1d7: {  	_ =	swait.ge [sflag:s23], $0x4000  }
0x1d8: {  	[sflag:s23] =	ssyncset.done $0x0  }
0x1d9: {  	[sflag:s23] =	ssyncadd.s32 $0xFFFFC000  }
0x1da: {  	[spmem:s1] =	stream.indirect.scatter.add.f32 [tilespmem:s20], [sflag:$0x4], $0x80, s13, s19, $0xb8;
	[tilespmem:$0x1D000] =	vst v63  }
0x1db: {  	_ =	swait.ge [sflag:s24], $0x4000  }
0x1dc: {  	[sflag:s24] =	ssyncset.done $0x0  }
0x1dd: {  	[sflag:s24] =	ssyncadd.s32 $0xFFFFC000  }
0x1de: {  	[tilespmem:s20], [sflag:$0x2] =	stream.indirect.gather [hbm4b:s4+s19], $0x80, s14, s19, $0xb8;
	[tilespmem:$0x1D000] =	vst v63  }
0x1df: {  	_ =	swait.ge [sflag:s21], $0x4000  }
0x1e0: {  	[sflag:s21] =	ssyncset.done $0x0  }
0x1e1: {  	[sflag:s21] =	ssyncadd.s32 $0xFFFFC000  }
0x1e2: {  	[spmem:s1] =	stream.indirect.scatter.add.f32 [tilespmem:s16], [sflag:$0x3], $0x80, s15, s19, $0xb8;
	[tilespmem:$0x1D000] =	vst v63  }
0x1e3: {  	_ =	swait.ge [sflag:s23], $0x4000  }
0x1e4: {  	[sflag:s23] =	ssyncset.done $0x0  }
0x1e5: {  	[sflag:s23] =	ssyncadd.s32 $0xFFFFC000  }
0x1e6: {  	[spmem:s1] =	stream.indirect.scatter.add.f32 [tilespmem:s20], [sflag:$0x4], $0x80, s5, s19, $0xb8;
	[tilespmem:$0x1D000] =	vst v63  }
0x1e7: {  	_ =	swait.ge [sflag:s22], $0x4000  }
0x1e8: {  	[sflag:s22] =	ssyncset.done $0x0  }
0x1e9: {  	[sflag:s22] =	ssyncadd.s32 $0xFFFFC000  }
0x1ea: {  	_ =	swait.ge [sflag:s24], $0x4000  }
0x1eb: {  	[sflag:s24] =	ssyncset.done $0x0  }
0x1ec: {  	[sflag:s24] =	ssyncadd.s32 $0xFFFFC000  }
0x1ed: {  	[bflag:$0x0] =	sbarrier.arrive $0xFFFF  }
0x1ee: {  	s7 =	rddreg [dreg:$0x15]  }
0x1ef: {  	[tilespmem:s16], [sflag:$0x5] =	stream.linear.gather [spmem:s7], $0x4000, $0x38;
	[tilespmem:$0x1D000] =	vst v63  }
0x1f0: {  	_ =	swait.ge [sflag:s17], $0x4000  }
0x1f1: {  	[sflag:s17] =	ssyncset.done $0x0  }
0x1f2: {  	s8 =	rddreg [dreg:$0x1a];
	[sflag:s17] =	ssyncadd.s32 $0xFFFFC000  }
0x1f3: {  	[hbm4b:s8+s3] =	stream.linear.scatter [tilespmem:s16], [sflag:$0x5], $0x4000, $0x38;
	[tilespmem:$0x1D000] =	vst v63  }
0x1f4: {  	_ =	swait.ge [sflag:s17], $0x4000  }
0x1f5: {  	[sflag:s17] =	ssyncset.done $0x0  }
0x1f6: {  	s9 =	rddreg [dreg:$0x16];
	[sflag:s17] =	ssyncadd.s32 $0xFFFFC000  }
0x1f7: {  	[tilespmem:s16], [sflag:$0x5] =	stream.linear.gather [spmem:s9], $0x4000, $0x38;
	[tilespmem:$0x1D000] =	vst v63  }
0x1f8: {  	_ =	swait.ge [sflag:s17], $0x4000  }
0x1f9: {  	[sflag:s17] =	ssyncset.done $0x0  }
0x1fa: {  	s7 =	rddreg [dreg:$0x1b];
	[sflag:s17] =	ssyncadd.s32 $0xFFFFC000  }
0x1fb: {  	[hbm4b:s7+s3] =	stream.linear.scatter [tilespmem:s16], [sflag:$0x5], $0x4000, $0x38;
	[tilespmem:$0x1D000] =	vst v63  }
0x1fc: {  	_ =	swait.ge [sflag:s17], $0x4000  }
0x1fd: {  	[sflag:s17] =	ssyncset.done $0x0  }
0x1fe: {  	s8 =	rddreg [dreg:$0x17];
	[sflag:s17] =	ssyncadd.s32 $0xFFFFC000  }
0x1ff: {  	[tilespmem:s16], [sflag:$0x5] =	stream.linear.gather [spmem:s8], $0x4000, $0x38;
	[tilespmem:$0x1D000] =	vst v63  }
0x200: {  	_ =	swait.ge [sflag:s17], $0x4000  }
0x201: {  	[sflag:s17] =	ssyncset.done $0x0  }
0x202: {  	s9 =	rddreg [dreg:$0x1c];
	[sflag:s17] =	ssyncadd.s32 $0xFFFFC000  }
0x203: {  	[hbm4b:s9+s3] =	stream.linear.scatter [tilespmem:s16], [sflag:$0x5], $0x4000, $0x38;
	[tilespmem:$0x1D000] =	vst v63  }
0x204: {  	_ =	swait.ge [sflag:s17], $0x4000  }
0x205: {  	[sflag:s17] =	ssyncset.done $0x0  }
0x206: {  	s7 =	rddreg [dreg:$0x18];
	[sflag:s17] =	ssyncadd.s32 $0xFFFFC000  }
0x207: {  	[tilespmem:s16], [sflag:$0x5] =	stream.linear.gather [spmem:s7], $0x4000, $0x38;
	[tilespmem:$0x1D000] =	vst v63  }
0x208: {  	_ =	swait.ge [sflag:s17], $0x4000  }
0x209: {  	[sflag:s17] =	ssyncset.done $0x0  }
0x20a: {  	s8 =	rddreg [dreg:$0x1d];
	[sflag:s17] =	ssyncadd.s32 $0xFFFFC000  }
0x20b: {  	[hbm4b:s8+s3] =	stream.linear.scatter [tilespmem:s16], [sflag:$0x5], $0x4000, $0x38;
	[tilespmem:$0x1D000] =	vst v63  }
0x20c: {  	_ =	swait.ge [sflag:s17], $0x4000  }
0x20d: {  	[sflag:s17] =	ssyncset.done $0x0  }
0x20e: {  	s9 =	rddreg [dreg:$0x19];
	[sflag:s17] =	ssyncadd.s32 $0xFFFFC000  }
0x20f: {  	[tilespmem:s16], [sflag:$0x5] =	stream.linear.gather [spmem:s9], $0x4000, $0x38;
	[tilespmem:$0x1D000] =	vst v63  }
0x210: {  	_ =	swait.ge [sflag:s17], $0x4000  }
0x211: {  	[sflag:s17] =	ssyncset.done $0x0  }
0x212: {  	s7 =	rddreg [dreg:$0x1e];
	[sflag:s17] =	ssyncadd.s32 $0xFFFFC000  }
0x213: {  	[hbm4b:s7+s3] =	stream.linear.scatter [tilespmem:s16], [sflag:$0x5], $0x4000, $0x38;
	[tilespmem:$0x1D000] =	vst v63  }
0x214: {  	_ =	swait.ge [sflag:s17], $0x4000  }
0x215: {  	s8 =	sld [smem:$0x7FD];
	_ =	sdelay $0x2  }
0x216: {  	s9 =	rddreg [dreg:$0x1f];
	s7 =	sadd.s32 $0x1, s8  }
0x217: {  	p0 =	sne.s32 s7, s9  }
.Ltmp2:
0x218: {  	_ = 	snop;
	(pc) =	sbr.rel @p0 .LBB2_1-.Ltmp2, $3  }
0x219: {  	_ =	sdelay $0x1  }
0x21a: {  	[sflag:s17] =	ssyncset.done $0x0  }
0x21b: {  	[sflag:s17] =	ssyncadd.s32 $0xFFFFC000  }
0x21c: {  	_ =	sfence.sel $0x180000  }
0x21d: {  	[bflag:$0x0] =	sbarrier.arrive $0xFFFF  }
0x21e: {  	_ =	strace $0x90000047  }
0x21f: {  	s0 =	stileid.u32;
	[bflag:$0x2] =	sbarrier.arrive $0xFFFF  }
0x220: {  	p0 =	sne.s32 s0, $0x0;
	s0 =	rddreg [dreg:$0x4]  }
0x221: {  	s0 =	sadd.s32 @!p0 $0x100000, s0  }
0x222: {  	[sflag:s0] =	ssyncadd.tile.s32 @!p0 $0x1;
	_ =	shalt  }
.Lfunc_end2:
_tile_overlayer_lowered:
.L_overlay_start_2:
0x223: {  	(tag) =	ssettag $0x2  }
0x224: {  	s0 =	rddreg [dreg:$0x0];
	s2 =	stileid.u32  }
0x225: {  	s1 =	rddreg [dreg:$0x1];
	p0 =	sne.s32 s2, $0x0  }
0x226: {  	s3 =	rddreg [dreg:$0x2];
	[bflag:$0x3] =	sbarrier.arrive $0xFFFF;
	s2 =	simm.s32 @!p0 $0x1C05  }
0x227: {  	[timem:s3], [sflag:s2] =	dma.local @!p0 [hbm:s0], s1  }
0x228: {  	s0 =	simm.s32 @!p0 $0x5  }
0x229: {  	_ =	swait.ge @!p0 [sflag:s0], s1  }
0x22a: {  	s1 =	ssub.s32 @!p0 $0x0, s1;
	[sflag:s0] =	ssyncset.done @!p0 $0x0  }
0x22b: {  	[sflag:s0] =	ssyncadd.s32 @!p0 s1  }
0x22c: {  	[bflag:$0x3] =	sbarrier.arrive $0xFFFF  }
0x22d: {  	_ =	shalt  }

// kernel: kernel.15.cloned.1.call-start
scs
__scs_entry_jumppad:
0x0: {  	(pc) =	sbr.rel $0x88, $3  }
0x1: {  	(tag) =	ssettag $0x0;
	lr =	simm.s32 $0x1  }
0x2: {  	[smem:$0x3F93] =	sst lr;
	_ =	strace $0xD0000000  }
0x3: {  	_ = 	snop  }
0x4: {  	_ = 	snop  }
0x5: {  	_ = 	snop  }
0x6: {  	_ = 	snop  }
0x7: {  	_ = 	snop  }
__scs_overlays_trampoline_lowered:
0x8: {  	[smem:$0x3FA2] =	sst s0  }
0x9: {  	[smem:$0x3FA3] =	sst s1  }
0xa: {  	[smem:$0x3FA4] =	sst s2  }
0xb: {  	[smem:$0x3FA5] =	sst s3  }
0xc: {  	[smem:$0x3FA6] =	sst s4  }
0xd: {  	[smem:$0x3FA7] =	sst s5  }
0xe: {  	[smem:$0x3FA8] =	sst s6  }
0xf: {  	[smem:$0x3FA9] =	sst s7  }
0x10: {  	[smem:$0x3FAA] =	sst s8  }
0x11: {  	[smem:$0x3FAB] =	sst s9;
	s0 =	simm.s32 @!p0 $0x0  }
0x12: {  	s1 =	sld [smem:$0x3F91];
	s0 =	simm.s32 @p0 $0x1  }
0x13: {  	[smem:$0x3FAC] =	sst s0;
	s0 =	simm.s32 @!p1 $0x0  }
0x14: {  	s2 =	sld [smem:$0x3F90];
	s0 =	simm.s32 @p1 $0x1  }
0x15: {  	[smem:$0x3FAD] =	sst s0;
	s0 =	simm.s32 @!p2 $0x0  }
0x16: {  	s3 =	sld [smem:$0x3FDB];
	s0 =	simm.s32 @p2 $0x1  }
0x17: {  	s4 =	simm.s32 $0x1BF5;
	[smem:$0x3FAF] =	sst s0  }
0x18: {  	s0 =	sld [smem:$0x3F92];
	_ =	swait.ge [sflag:s4], $0x0  }
0x19: {  	s7 =	sld [smem:$0x3F93]  }
0x1a: {  	s8 =	sadd.s32 $0xFFFFE003, lr  }
0x1b: {  	s9 =	sadd.s32 $0xFFFFFEF7, lr;
	s5 =	simm.s32 $0xFFFFFFFF;
	p2 =	slt.u32 s8, $0xFFFFF086  }
0x1c: {  	p1 =	slt.u32 s9, $0xF7A;
	s5 =	simm.s32 @!p2 $0x0  }
0x1d: {  	s5 =	simm.s32 @p1 $0x1;
	p0 =	seq.s32 s7, s2  }
0x1e: {  	s7 =	smul.u32 @!p0 $0xF7A, s2;
	p2 =	seq.s32 @!p0 s5, $0x0  }
0x1f: {  	s9 =	smul.u32 $0xF7A, s1;
	s8 =	simm.s32 @!p0 $0x1BF5;
	p2 =	por !p2, p0  }
0x20: {  	[sflag:s8] =	ssyncset.s32 @!p0 $0xFFFFF086;
	s6 =	sadd.s32 @!p0 s3, s7;
	s7 =	simm.s32 @!p0 $0x108  }
0x21: {  	s3 =	sadd.s32 s3, s9;
	s6 =	sadd.s32 @!p0 $0x88, s6;
	s7 =	simm.s32 @p2 $0x1082  }
0x22: {  	[simem:s7], [sflag:s8] =	dma.local @!p0 [hbm:s6], $0xF7A  }
0x23: {  	s9 =	sor.u32 $0xD0000000, s2;
	s6 =	simm.s32 $0x108;
	_ =	swait.ge @!p0 [sflag:s8], $0x0  }
0x24: {  	s3 =	sadd.s32 $0x88, s3;
	s6 =	simm.s32 @!p1 $0x1082;
	[sflag:s4] =	ssyncset.s32 $0xFFFFF086  }
0x25: {  	[simem:s6], [sflag:s4] =	dma.local [hbm:s3], $0xF7A  }
0x26: {  	[smem:$0x3F93] =	sst s1;
	(tag) =	ssettag s2;
	_ =	strace s9  }
0x27: {  	s1 =	sld [smem:$0x3FA3]  }
0x28: {  	s2 =	sld [smem:$0x3FA4]  }
0x29: {  	s4 =	sld [smem:$0x3FA6]  }
0x2a: {  	p0 =	seq.s32 s5, $0x0;
	s5 =	sld [smem:$0x3FA7]  }
0x2b: {  	s6 =	sld [smem:$0x3FA8]  }
0x2c: {  	s7 =	sld [smem:$0x3FA9]  }
0x2d: {  	s3 =	simm.s32 $0x108;
	s8 =	sld [smem:$0x3FAA]  }
0x2e: {  	s3 =	simm.s32 @!p0 $0x1082;
	s9 =	sld [smem:$0x3FAB]  }
0x2f: {  	lr =	sadd.s32 s0, s3;
	s0 =	sld [smem:$0x3FA2]  }
0x30: {  	s3 =	sld [smem:$0x3FA5]  }
0x31: {  	[smem:$0x3FAE] =	sst s10  }
0x32: {  	s10 =	sld [smem:$0x3FAC];
	_ =	sdelay $0x3  }
0x33: {  	p0 =	seq.s32 s10, $0x1;
	s10 =	sld [smem:$0x3FAE];
	_ =	sdelay $0x3  }
0x34: {  	[smem:$0x3FAE] =	sst s10  }
0x35: {  	s10 =	sld [smem:$0x3FAD];
	_ =	sdelay $0x3  }
0x36: {  	p1 =	seq.s32 s10, $0x1;
	s10 =	sld [smem:$0x3FAE];
	_ =	sdelay $0x3  }
0x37: {  	[smem:$0x3FAE] =	sst s10  }
0x38: {  	s10 =	sld [smem:$0x3FAF]  }
0x39: {  	_ = 	snop;
	(pc) =	sbr.ind lr, $3  }
0x3a: {  	_ = 	snop  }
0x3b: {  	_ = 	snop  }
0x3c: {  	p2 =	seq.s32 s10, $0x1;
	s10 =	sld [smem:$0x3FAE]  }
0x3d: {  	_ =	shalt  }
0x3e: {  	_ =	shalt  }
0x3f: {  	_ =	shalt  }
0x40: {  	_ =	shalt  }
0x41: {  	_ =	shalt  }
0x42: {  	_ =	shalt  }
0x43: {  	_ =	shalt  }
0x44: {  	_ =	shalt  }
0x45: {  	_ =	shalt  }
0x46: {  	_ =	shalt  }
0x47: {  	_ =	shalt  }
0x48: {  	_ =	shalt  }
0x49: {  	_ =	shalt  }
0x4a: {  	_ =	shalt  }
0x4b: {  	_ =	shalt  }
0x4c: {  	_ =	shalt  }
0x4d: {  	_ =	shalt  }
0x4e: {  	_ =	shalt  }
0x4f: {  	_ =	shalt  }
0x50: {  	_ =	shalt  }
0x51: {  	_ =	shalt  }
0x52: {  	_ =	shalt  }
0x53: {  	_ =	shalt  }
0x54: {  	_ =	shalt  }
0x55: {  	_ =	shalt  }
0x56: {  	_ =	shalt  }
0x57: {  	_ =	shalt  }
0x58: {  	_ =	shalt  }
0x59: {  	_ =	shalt  }
0x5a: {  	_ =	shalt  }
0x5b: {  	_ =	shalt  }
0x5c: {  	_ =	shalt  }
0x5d: {  	_ =	shalt  }
0x5e: {  	_ =	shalt  }
0x5f: {  	_ =	shalt  }
0x60: {  	_ =	shalt  }
0x61: {  	_ =	shalt  }
0x62: {  	_ =	shalt  }
0x63: {  	_ =	shalt  }
0x64: {  	_ =	shalt  }
0x65: {  	_ =	shalt  }
0x66: {  	_ =	shalt  }
0x67: {  	_ =	shalt  }
0x68: {  	_ =	shalt  }
0x69: {  	_ =	shalt  }
0x6a: {  	_ =	shalt  }
0x6b: {  	_ =	shalt  }
0x6c: {  	_ =	shalt  }
0x6d: {  	_ =	shalt  }
0x6e: {  	_ =	shalt  }
0x6f: {  	_ =	shalt  }
0x70: {  	_ =	shalt  }
0x71: {  	_ =	shalt  }
0x72: {  	_ =	shalt  }
0x73: {  	_ =	shalt  }
0x74: {  	_ =	shalt  }
0x75: {  	_ =	shalt  }
0x76: {  	_ =	shalt  }
0x77: {  	_ =	shalt  }
0x78: {  	_ =	shalt  }
0x79: {  	_ =	shalt  }
0x7a: {  	_ =	shalt  }
0x7b: {  	_ =	shalt  }
0x7c: {  	_ =	shalt  }
0x7d: {  	_ =	shalt  }
0x7e: {  	_ =	shalt  }
0x7f: {  	_ =	shalt  }
0x80: {  	_ =	shalt  }
0x81: {  	_ =	shalt  }
0x82: {  	_ =	shalt  }
0x83: {  	_ =	shalt  }
0x84: {  	_ =	shalt  }
0x85: {  	_ =	shalt  }
0x86: {  	_ =	shalt  }
0x87: {  	_ =	shalt  }
.Lfunc_end0:
.L_simem_size_0:
called_computation.2_lowered:
.L_overlay_start_0:
0x88: {  	s2 =	sld [smem:$0x3FD9]  }
0x89: {  	s3 =	sld [smem:$0x3FFE];
	_ =	sdelay $0x1  }
0x8a: {  	s1 =	srdreg.scid  }
0x8b: {  	s0 =	sand.u32 $0x1, s1  }
0x8c: {  	s14 =	sshll.u32 s0, $0xA;
	s2 =	sadd.s32 s3, s2  }
0x8d: {  	s2 =	sadd.s32 s2, s14  }
0x8e: {  	[smem:$0x3FBA] =	sst s2  }
0x8f: {  	_ = 	snop  }
0x90: {  	s2 =	sld [smem:$0x3FD0];
	_ =	sdelay $0x2  }
0x91: {  	s15 =	simm.s32 $0xB;
	s4 =	simm.s32 $0x10  }
0x92: {  	[smem:s4], [sflag:s15] =	dma.local [hbm:s2], $0x1  }
0x93: {  	_ =	swait.eq [sflag:s15], $0x1  }
0x94: {  	[sflag:s15] =	ssyncset.done $0x0  }
0x95: {  	s16 =	sld [smem:$0x10];
	[sflag:s15] =	ssyncadd.s32 $0xFFFFFFFF  }
0x96: {  	s17 =	sld [smem:$0x11];
	(tm) =	ssettm $0x1  }
0x97: {  	s18 =	sld [smem:$0x3FFB];
	_ =	sdelay $0x3  }
0x98: {  	_ =	strace s18  }
0x99: {  	s4 =	sld [smem:$0x3FFC];
	_ =	sdelay $0x3  }
0x9a: {  	_ =	strace s4  }
0x9b: {  	s4 =	sld [smem:$0x3FFD];
	_ =	sdelay $0x3  }
0x9c: {  	_ =	strace s4  }
0x9d: {  	_ =	strace $0x8FFFFFFF  }
0x9e: {  	s19 =	sld [smem:$0x3FDB];
	_ =	sdelay $0x1  }
0x9f: {  	s5 =	simm.s32 $_scs_section_size  }
0xa0: {  	s6 =	simm.s32 $_size__tile_overlayer_lowered;
	s7 =	simm.s32 $_tile_overlayer_lowered  }
0xa1: {  	s22 =	simm.s32 $0x1BFF;
	s21 =	sshll.u32 s7, $0x1;
	s4 =	sadd.s32 s5, s19  }
0xa2: {  	s8 =	simm.s32 $0x0;
	s20 =	sshll.u32 s6, $0x1;
	s6 =	sadd.s32 s21, s4  }
0xa3: {  	[timem:s8], [sflag:s22] =	dma.local [hbm:s6], s20  }
0xa4: {  	_ =	swait.ge [sflag:s22], s20  }
0xa5: {  	s5 =	ssub.s32 $0x0, s20;
	[sflag:s22] =	ssyncset.done $0x0  }
0xa6: {  	[sflag:s22] =	ssyncadd.s32 s5;
	_ =	sdelay $0x1  }
0xa7: {  	s23 =	simm.s32 $0x1B8B  }
0xa8: {  	_ =	swait.ge [sflag:s23], $0x1  }
0xa9: {  	[sflag:s23] =	ssyncset.done $0x0  }
0xaa: {  	s25 =	simm.s32 $0x1B8E;
	s24 =	sld [smem:$0x3FFE];
	[sflag:s23] =	ssyncadd.s32 $0xFFFFFFFF  }
0xab: {  	s26 =	simm.s32 $execute0_lowered;
	[smem:$0x3FD2] =	sst s25  }
0xac: {  	s6 =	sshll.u32 s26, $0x1;
	_ =	strace $0x8000004C;
	[dreg:$0x1] =	wrdreg $0xFFFFFFFF  }
0xad: {  	s28 =	simm.s32 $_size_execute0_lowered;
	s4 =	sadd.s32 s4, s6;
	[dreg:$0x0] =	wrdreg $0x0  }
0xae: {  	s6 =	sshll.u32 s28, $0x1;
	[dreg:$0x2] =	wrdreg s4  }
0xaf: {  	[dreg:$0x3] =	wrdreg s6  }
0xb0: {  	[dreg:$0x4] =	wrdreg $0xC0  }
0xb1: {  	_ =	task [dreg:s8], $0x5FFFF  }
0xb2: {  	[dreg:$0x1] =	wrdreg $0xFFFFFFFF  }
0xb3: {  	[dreg:$0x0] =	wrdreg $0x60  }
0xb4: {  	[dreg:$0x2] =	wrdreg s17  }
0xb5: {  	[dreg:$0x3] =	wrdreg s16  }
0xb6: {  	[dreg:$0x4] =	wrdreg s24  }
0xb7: {  	[dreg:$0x5] =	wrdreg $0x90000  }
0xb8: {  	[dreg:$0x6] =	wrdreg $0x9  }
0xb9: {  	_ =	task.clear_ibuf [dreg:s8], $0x7FFFF;
	_ =	strace $0x9000004C  }
0xba: {  	s29 =	simm.s32 $0x9;
	_ =	strace $0x8000004E  }
0xbb: {  	_ =	swait.ge [sflag:s29], $0x1  }
0xbc: {  	[sflag:s29] =	ssyncadd.s32 $0xFFFFFFFF  }
0xbd: {  	_ =	strace $0x9000004E  }
0xbe: {  	_ =	sfence  }
0xbf: {  	s30 =	sld [smem:$0x0];
	_ =	sdelay $0x2  }
0xc0: {  	s31 =	sshll.u32 s1, $0xD;
	s1 =	sshrl.u32 s1, $0x2  }
0xc1: {  	s3 =	sand.u32 $0x4000, s31;
	s1 =	sadd.s32 s1, s30  }
0xc2: {  	s0 =	sor.u32 s3, s0;
	s1 =	sshll.u32 s1, $0x11  }
0xc3: {  	s0 =	sor.u32 s1, s0  }
0xc4: {  	s0 =	sadd.s32 $0x8F2B, s0  }
0xc5: {  	[sflag:s0] =	ssyncadd.remote.s32 $0x1  }
0xc6: {  	_ =	sfence.sel $0xFFFF  }
0xc7: {  	[dreg:$0x0] =	wrdreg $0xFFFFFFFF;
	(pc) =	sbr.abs _section_cstart, $3  }
0xc8: {  	[dreg:$0x1] =	wrdreg $0xFFFFFFFF  }
0xc9: {  	_ =	task.clear_ibuf [dreg:s8], $0x2FFFF;
	_ =	strace $0x9FFFFFFF  }
0xca: {  	(tm) =	ssettm $0x7FFFFFFF  }
0xcb: {  	_ =	shalt  }
tec
execute0_lowered:
.L_overlay_start_1:
0x0: {  	(tag) =	ssettag $0x1  }
0x1: {  	s0 =	rddreg [dreg:$0x0]  }
0x2: {  	s2 =	rddreg [dreg:$0x1]  }
0x3: {  	s5 =	rddreg [dreg:$0x2]  }
0x4: {  	s1 =	rddreg [dreg:$0x3];
	s3 =	simm.s32 $0x0  }
0x5: {  	s4 =	srdreg.scid;
	s14 =	stileid.u32;
	s16 =	simm.s32 $0x200  }
0x6: {  	s18 =	simm.s32 $0x980;
	s19 =	simm.s32 $0x280;
	s20 =	simm.s32 $0xA00  }
0x7: {  	s28 =	simm.s32 $0x500;
	s29 =	simm.s32 $0xC80;
	s30 =	simm.s32 $0x580  }
0x8: {  	s31 =	simm.s32 $0xD00;
	[smem:$0x7FF] =	sst s3;
	s8 =	smul.u32 $0x50000, s14  }
0x9: {  	s6 =	sand.u32 $0x1, s4;
	s4 =	sadd.s32 $0x3000, s5;
	s10 =	smul.u32 $0x14000, s14  }
0xa: {  	s14 =	smul.u32 $0x5000, s14;
	_ =	strace $0x8000004D;
	[dreg:$0xb] =	wrdreg s16  }
0xb: {  	s5 =	sadd.s32 $0x2B000, s5;
	s12 =	smul.u32 $0x140000, s6;
	[dreg:$0xc] =	wrdreg s18  }
0xc: {  	s7 =	ssub.s32 $0x2, s6;
	s6 =	smul.u32 $0x2800, s6;
	[dreg:$0xd] =	wrdreg s19  }
0xd: {  	s16 =	simm.s32 $0x1000;
	s18 =	simm.s32 $0x800;
	[dreg:$0xe] =	wrdreg s20  }
0xe: {  	s19 =	simm.s32 $0x80;
	s20 =	simm.s32 $0x5000;
	s9 =	sshrl.u32 s7, $0x1  }
0xf: {  	s8 =	sshrl.u32 s8, $0x2;
	s21 =	sadd.s32 $0x4000, s10;
	s11 =	sadd.s32 $0x8000, s10  }
0x10: {  	s24 =	sadd.s32 $0xC000, s10;
	s7 =	ssub.s32 s7, s9;
	s8 =	sadd.s32 s8, s1  }
0x11: {  	s22 =	sadd.s32 s21, s1;
	s23 =	sadd.s32 s11, s1;
	s13 =	sadd.s32 s10, s12  }
0x12: {  	s10 =	sadd.s32 $0x10000, s10;
	s15 =	sadd.s32 s24, s1;
	[dreg:$0x15] =	wrdreg s8  }
0x13: {  	s9 =	sadd.s32 s12, s21;
	s11 =	sadd.s32 s12, s11;
	[dreg:$0x16] =	wrdreg s22  }
0x14: {  	s6 =	sadd.s32 s6, s14;
	s14 =	simm.s32 $0x180;
	[dreg:$0x17] =	wrdreg s23  }
0x15: {  	s21 =	simm.s32 $0x300;
	s13 =	sshrl.u32 s13, $0x3;
	[dreg:$0x18] =	wrdreg s15  }
0x16: {  	s25 =	sadd.s32 s10, s1;
	s9 =	sshrl.u32 s9, $0x3;
	[dreg:$0x9] =	wrdreg s14  }
0x17: {  	s11 =	sshrl.u32 s11, $0x3;
	s6 =	sshrl.u32 s6, $0x3;
	[dreg:$0xf] =	wrdreg s21  }
0x18: {  	s8 =	sadd.s32 s12, s24;
	s15 =	simm.s32 $0x900;
	[dreg:$0x19] =	wrdreg s25  }
0x19: {  	s17 =	smax.u32 s7, $0x1;
	s22 =	simm.s32 $0xA80;
	[dreg:$0xa] =	wrdreg s15  }
0x1a: {  	s23 =	simm.s32 $0x380;
	s21 =	simm.s32 $0x1;
	[dreg:$0x1f] =	wrdreg s17  }
0x1b: {  	s24 =	simm.s32 $0xB00;
	s14 =	simm.s32 $0x780;
	[dreg:$0x10] =	wrdreg s22  }
0x1c: {  	s7 =	simm.s32 $0x0;
	s13 =	sadd.s32 s5, s13;
	[dreg:$0x11] =	wrdreg s23  }
0x1d: {  	s9 =	sadd.s32 s5, s9;
	s26 =	sadd.s32 s5, s11;
	[dreg:$0x12] =	wrdreg s24  }
0x1e: {  	s2 =	sadd.s32 s6, s2;
	s0 =	sadd.s32 s6, s0;
	[dreg:$0x1a] =	wrdreg s13  }
0x1f: {  	s8 =	sshrl.u32 s8, $0x3;
	s11 =	simm.s32 $0x880;
	[dreg:$0x1b] =	wrdreg s9  }
0x20: {  	s17 =	simm.s32 $0x5;
	s22 =	simm.s32 $0x3;
	[dreg:$0x1c] =	wrdreg s26  }
0x21: {  	s25 =	simm.s32 $0x400;
	s23 =	simm.s32 $0x2;
	[dreg:$0x5] =	wrdreg s2  }
0x22: {  	s24 =	simm.s32 $0x4;
	s15 =	simm.s32 $0xF00;
	[dreg:$0x6] =	wrdreg s0  }
0x23: {  	s9 =	simm.s32 $0x100;
	s2 =	sadd.s32 s5, s8;
	[dreg:$0x8] =	wrdreg s11  }
0x24: {  	s13 =	sadd.s32 s12, s10;
	[dreg:$0x13] =	wrdreg s25;
	s26 =	simm.s32 $0xB80  }
0x25: {  	s25 =	simm.s32 $0x480;
	s0 =	simm.s32 $0x600;
	[dreg:$0x1d] =	wrdreg s2  }
0x26: {  	s10 =	simm.s32 $0x680;
	s11 =	simm.s32 $0xE00;
	[dreg:$0x7] =	wrdreg s9  }
0x27: {  	s12 =	simm.s32 $0x700;
	s2 =	sshrl.u32 s13, $0x3;
	[dreg:$0x14] =	wrdreg s26  }
0x28: {  	s26 =	simm.s32 $0xC00;
	s13 =	simm.s32 $0xE80;
	s2 =	sadd.s32 s5, s2  }
0x29: {  	v0 =	vimm.f32 $0.0e+00;
	s5 =	simm.s32 $0xF80;
	[dreg:$0x1e] =	wrdreg s2;
	s2 =	simm.s32 $0xD80  }
.LBB2_1:
0x2a: {  	[smem:$0x7FD] =	sst s7;
	s7 =	simm.s32 $0x0;
	s8 =	simm.s32 $0x200  }
.LBB2_2:
0x2b: {  	p0 =	sne.s32 s8, $0xFE00;
	[tilespmem:s7+$0x1070] =	vst v0  }
0x2c: {  	[tilespmem:s7+$0x1000] =	vst v0  }
0x2d: {  	[tilespmem:s7+$0x1010] =	vst v0  }
.Ltmp0:
0x2e: {  	[tilespmem:s7+$0x1020] =	vst v0;
	(pc) =	sbr.rel @p0 .LBB2_2-.Ltmp0, $4  }
0x2f: {  	[tilespmem:s7+$0x1030] =	vst v0  }
0x30: {  	[tilespmem:s7+$0x1040] =	vst v0  }
0x31: {  	[tilespmem:s7+$0x1050] =	vst v0  }
0x32: {  	[tilespmem:s7+$0x1060] =	vst v0;
	s7 =	sshra.s32 s8, $0x2;
	s8 =	sadd.s32 $0x200, s8  }
0x33: {  	[tilespmem:s7+$0x1070] =	vst v0  }
0x34: {  	[tilespmem:s7+$0x1000] =	vst v0  }
0x35: {  	[tilespmem:s7+$0x1010] =	vst v0  }
0x36: {  	[tilespmem:s7+$0x1020] =	vst v0  }
0x37: {  	[tilespmem:s7+$0x1030] =	vst v0  }
0x38: {  	[tilespmem:s7+$0x1040] =	vst v0  }
0x39: {  	[tilespmem:s7+$0x1050] =	vst v0  }
0x3a: {  	[tilespmem:s7+$0x1060] =	vst v0;
	s6 =	rddreg [dreg:$0x15]  }
0x3b: {  	[spmem:s6] =	stream.linear.scatter [tilespmem:s16], [sflag:$0x5], $0x4000, $0x38;
	[tilespmem:$0x1D000] =	vst v63  }
0x3c: {  	_ =	swait.ge [sflag:s17], $0x4000  }
0x3d: {  	[sflag:s17] =	ssyncset.done $0x0  }
0x3e: {  	s8 =	rddreg [dreg:$0x16];
	[sflag:s17] =	ssyncadd.s32 $0xFFFFC000  }
0x3f: {  	[spmem:s8] =	stream.linear.scatter [tilespmem:s16], [sflag:$0x5], $0x4000, $0x38;
	[tilespmem:$0x1D000] =	vst v63  }
0x40: {  	_ =	swait.ge [sflag:s17], $0x4000  }
0x41: {  	[sflag:s17] =	ssyncset.done $0x0  }
0x42: {  	s9 =	rddreg [dreg:$0x17];
	[sflag:s17] =	ssyncadd.s32 $0xFFFFC000  }
0x43: {  	[spmem:s9] =	stream.linear.scatter [tilespmem:s16], [sflag:$0x5], $0x4000, $0x38;
	[tilespmem:$0x1D000] =	vst v63  }
0x44: {  	_ =	swait.ge [sflag:s17], $0x4000  }
0x45: {  	[sflag:s17] =	ssyncset.done $0x0  }
0x46: {  	s7 =	rddreg [dreg:$0x18];
	[sflag:s17] =	ssyncadd.s32 $0xFFFFC000  }
0x47: {  	[spmem:s7] =	stream.linear.scatter [tilespmem:s16], [sflag:$0x5], $0x4000, $0x38;
	[tilespmem:$0x1D000] =	vst v63  }
0x48: {  	_ =	swait.ge [sflag:s17], $0x4000  }
0x49: {  	[sflag:s17] =	ssyncset.done $0x0  }
0x4a: {  	s8 =	rddreg [dreg:$0x19];
	[sflag:s17] =	ssyncadd.s32 $0xFFFFC000  }
0x4b: {  	[spmem:s8] =	stream.linear.scatter [tilespmem:s16], [sflag:$0x5], $0x4000, $0x38;
	[tilespmem:$0x1D000] =	vst v63  }
0x4c: {  	_ =	swait.ge [sflag:s17], $0x4000  }
0x4d: {  	[sflag:s17] =	ssyncset.done $0x0  }
0x4e: {  	[sflag:s17] =	ssyncadd.s32 $0xFFFFC000  }
0x4f: {  	[bflag:$0x0] =	sbarrier.arrive $0xFFFF  }
0x50: {  	s9 =	rddreg [dreg:$0x6]  }
0x51: {  	s7 =	sadd.s32 $0x0, s9  }
0x52: {  	[tilespmem:s3], [sflag:$0x5] =	stream.linear.gather [hbm4b:s7+s3], $0x800, $0x38;
	[tilespmem:$0x1D000] =	vst v63  }
0x53: {  	_ =	swait.ge [sflag:s17], $0x800  }
0x54: {  	s6 =	rddreg [dreg:$0x5];
	[sflag:s17] =	ssyncset.done $0x0  }
0x55: {  	[sflag:s17] =	ssyncadd.s32 $0xFFFFF800;
	s7 =	sadd.s32 $0x0, s6  }
0x56: {  	[tilespmem:s18], [sflag:$0x5] =	stream.linear.gather [hbm4b:s7+s3], $0x800, $0x38;
	[tilespmem:$0x1D000] =	vst v63  }
0x57: {  	_ =	swait.ge [sflag:s17], $0x800  }
0x58: {  	[sflag:s17] =	ssyncset.done $0x0  }
0x59: {  	[sflag:s17] =	ssyncadd.s32 $0xFFFFF800  }
0x5a: {  	[tilespmem:s16], [sflag:$0x1] =	stream.indirect.gather [hbm4b:s4+s19], $0x80, s3, s19, $0xb8;
	[tilespmem:$0x1D000] =	vst v63  }
0x5b: {  	_ = 	snop  }
0x5c: {  	[tilespmem:s20], [sflag:$0x2] =	stream.indirect.gather [hbm4b:s4+s19], $0x80, s19, s19, $0xb8;
	[tilespmem:$0x1D000] =	vst v63  }
0x5d: {  	_ =	swait.ge [sflag:s21], $0x4000  }
0x5e: {  	[sflag:s21] =	ssyncset.done $0x0  }
0x5f: {  	[sflag:s21] =	ssyncadd.s32 $0xFFFFC000  }
0x60: {  	[spmem:s1] =	stream.indirect.scatter.add.f32 [tilespmem:s16], [sflag:$0x3], $0x80, s18, s19, $0xb8;
	[tilespmem:$0x1D000] =	vst v63  }
0x61: {  	_ =	swait.ge [sflag:s22], $0x4000  }
0x62: {  	[sflag:s22] =	ssyncset.done $0x0  }
0x63: {  	s8 =	rddreg [dreg:$0x7];
	[sflag:s22] =	ssyncadd.s32 $0xFFFFC000  }
0x64: {  	[tilespmem:s16], [sflag:$0x1] =	stream.indirect.gather [hbm4b:s4+s19], $0x80, s8, s19, $0xb8;
	[tilespmem:$0x1D000] =	vst v63  }
0x65: {  	_ =	swait.ge [sflag:s23], $0x4000  }
0x66: {  	[sflag:s23] =	ssyncset.done $0x0  }
0x67: {  	s9 =	rddreg [dreg:$0x8];
	[sflag:s23] =	ssyncadd.s32 $0xFFFFC000  }
0x68: {  	[spmem:s1] =	stream.indirect.scatter.add.f32 [tilespmem:s20], [sflag:$0x4], $0x80, s9, s19, $0xb8;
	[tilespmem:$0x1D000] =	vst v63  }
0x69: {  	_ =	swait.ge [sflag:s24], $0x4000  }
0x6a: {  	[sflag:s24] =	ssyncset.done $0x0  }
0x6b: {  	s6 =	rddreg [dreg:$0x9];
	[sflag:s24] =	ssyncadd.s32 $0xFFFFC000  }
0x6c: {  	[tilespmem:s20], [sflag:$0x2] =	stream.indirect.gather [hbm4b:s4+s19], $0x80, s6, s19, $0xb8;
	[tilespmem:$0x1D000] =	vst v63  }
0x6d: {  	_ =	swait.ge [sflag:s21], $0x4000  }
0x6e: {  	[sflag:s21] =	ssyncset.done $0x0  }
0x6f: {  	s8 =	rddreg [dreg:$0xa];
	[sflag:s21] =	ssyncadd.s32 $0xFFFFC000  }
0x70: {  	[spmem:s1] =	stream.indirect.scatter.add.f32 [tilespmem:s16], [sflag:$0x3], $0x80, s8, s19, $0xb8;
	[tilespmem:$0x1D000] =	vst v63  }
0x71: {  	_ =	swait.ge [sflag:s22], $0x4000  }
0x72: {  	[sflag:s22] =	ssyncset.done $0x0  }
0x73: {  	s9 =	rddreg [dreg:$0xb];
	[sflag:s22] =	ssyncadd.s32 $0xFFFFC000  }
0x74: {  	[tilespmem:s16], [sflag:$0x1] =	stream.indirect.gather [hbm4b:s4+s19], $0x80, s9, s19, $0xb8;
	[tilespmem:$0x1D000] =	vst v63  }
0x75: {  	_ =	swait.ge [sflag:s23], $0x4000  }
0x76: {  	[sflag:s23] =	ssyncset.done $0x0  }
0x77: {  	s6 =	rddreg [dreg:$0xc];
	[sflag:s23] =	ssyncadd.s32 $0xFFFFC000  }
0x78: {  	[spmem:s1] =	stream.indirect.scatter.add.f32 [tilespmem:s20], [sflag:$0x4], $0x80, s6, s19, $0xb8;
	[tilespmem:$0x1D000] =	vst v63  }
0x79: {  	_ =	swait.ge [sflag:s24], $0x4000  }
0x7a: {  	[sflag:s24] =	ssyncset.done $0x0  }
0x7b: {  	s8 =	rddreg [dreg:$0xd];
	[sflag:s24] =	ssyncadd.s32 $0xFFFFC000  }
0x7c: {  	[tilespmem:s20], [sflag:$0x2] =	stream.indirect.gather [hbm4b:s4+s19], $0x80, s8, s19, $0xb8;
	[tilespmem:$0x1D000] =	vst v63  }
0x7d: {  	_ =	swait.ge [sflag:s21], $0x4000  }
0x7e: {  	[sflag:s21] =	ssyncset.done $0x0  }
0x7f: {  	s9 =	rddreg [dreg:$0xe];
	[sflag:s21] =	ssyncadd.s32 $0xFFFFC000  }
0x80: {  	[spmem:s1] =	stream.indirect.scatter.add.f32 [tilespmem:s16], [sflag:$0x3], $0x80, s9, s19, $0xb8;
	[tilespmem:$0x1D000] =	vst v63  }
0x81: {  	_ =	swait.ge [sflag:s22], $0x4000  }
0x82: {  	[sflag:s22] =	ssyncset.done $0x0  }
0x83: {  	s6 =	rddreg [dreg:$0xf];
	[sflag:s22] =	ssyncadd.s32 $0xFFFFC000  }
0x84: {  	[tilespmem:s16], [sflag:$0x1] =	stream.indirect.gather [hbm4b:s4+s19], $0x80, s6, s19, $0xb8;
	[tilespmem:$0x1D000] =	vst v63  }
0x85: {  	_ =	swait.ge [sflag:s23], $0x4000  }
0x86: {  	[sflag:s23] =	ssyncset.done $0x0  }
0x87: {  	s8 =	rddreg [dreg:$0x10];
	[sflag:s23] =	ssyncadd.s32 $0xFFFFC000  }
0x88: {  	[spmem:s1] =	stream.indirect.scatter.add.f32 [tilespmem:s20], [sflag:$0x4], $0x80, s8, s19, $0xb8;
	[tilespmem:$0x1D000] =	vst v63  }
0x89: {  	_ =	swait.ge [sflag:s24], $0x4000  }
0x8a: {  	[sflag:s24] =	ssyncset.done $0x0  }
0x8b: {  	s9 =	rddreg [dreg:$0x11];
	[sflag:s24] =	ssyncadd.s32 $0xFFFFC000  }
0x8c: {  	[tilespmem:s20], [sflag:$0x2] =	stream.indirect.gather [hbm4b:s4+s19], $0x80, s9, s19, $0xb8;
	[tilespmem:$0x1D000] =	vst v63  }
0x8d: {  	_ =	swait.ge [sflag:s21], $0x4000  }
0x8e: {  	[sflag:s21] =	ssyncset.done $0x0  }
0x8f: {  	s6 =	rddreg [dreg:$0x12];
	[sflag:s21] =	ssyncadd.s32 $0xFFFFC000  }
0x90: {  	[spmem:s1] =	stream.indirect.scatter.add.f32 [tilespmem:s16], [sflag:$0x3], $0x80, s6, s19, $0xb8;
	[tilespmem:$0x1D000] =	vst v63  }
0x91: {  	_ =	swait.ge [sflag:s22], $0x4000  }
0x92: {  	[sflag:s22] =	ssyncset.done $0x0  }
0x93: {  	s8 =	rddreg [dreg:$0x13];
	[sflag:s22] =	ssyncadd.s32 $0xFFFFC000  }
0x94: {  	[tilespmem:s16], [sflag:$0x1] =	stream.indirect.gather [hbm4b:s4+s19], $0x80, s8, s19, $0xb8;
	[tilespmem:$0x1D000] =	vst v63  }
0x95: {  	_ =	swait.ge [sflag:s23], $0x4000  }
0x96: {  	[sflag:s23] =	ssyncset.done $0x0  }
0x97: {  	s9 =	rddreg [dreg:$0x14];
	[sflag:s23] =	ssyncadd.s32 $0xFFFFC000  }
0x98: {  	[spmem:s1] =	stream.indirect.scatter.add.f32 [tilespmem:s20], [sflag:$0x4], $0x80, s9, s19, $0xb8;
	[tilespmem:$0x1D000] =	vst v63  }
0x99: {  	_ =	swait.ge [sflag:s24], $0x4000  }
0x9a: {  	[sflag:s24] =	ssyncset.done $0x0  }
0x9b: {  	[sflag:s24] =	ssyncadd.s32 $0xFFFFC000  }
0x9c: {  	[tilespmem:s20], [sflag:$0x2] =	stream.indirect.gather [hbm4b:s4+s19], $0x80, s25, s19, $0xb8;
	[tilespmem:$0x1D000] =	vst v63  }
0x9d: {  	_ =	swait.ge [sflag:s21], $0x4000  }
0x9e: {  	[sflag:s21] =	ssyncset.done $0x0  }
0x9f: {  	[sflag:s21] =	ssyncadd.s32 $0xFFFFC000  }
0xa0: {  	[spmem:s1] =	stream.indirect.scatter.add.f32 [tilespmem:s16], [sflag:$0x3], $0x80, s26, s19, $0xb8;
	[tilespmem:$0x1D000] =	vst v63  }
0xa1: {  	_ =	swait.ge [sflag:s22], $0x4000  }
0xa2: {  	[sflag:s22] =	ssyncset.done $0x0  }
0xa3: {  	[sflag:s22] =	ssyncadd.s32 $0xFFFFC000  }
0xa4: {  	[tilespmem:s16], [sflag:$0x1] =	stream.indirect.gather [hbm4b:s4+s19], $0x80, s28, s19, $0xb8;
	[tilespmem:$0x1D000] =	vst v63  }
0xa5: {  	_ =	swait.ge [sflag:s23], $0x4000  }
0xa6: {  	[sflag:s23] =	ssyncset.done $0x0  }
0xa7: {  	[sflag:s23] =	ssyncadd.s32 $0xFFFFC000  }
0xa8: {  	[spmem:s1] =	stream.indirect.scatter.add.f32 [tilespmem:s20], [sflag:$0x4], $0x80, s29, s19, $0xb8;
	[tilespmem:$0x1D000] =	vst v63  }
0xa9: {  	_ =	swait.ge [sflag:s24], $0x4000  }
0xaa: {  	[sflag:s24] =	ssyncset.done $0x0  }
0xab: {  	[sflag:s24] =	ssyncadd.s32 $0xFFFFC000  }
0xac: {  	[tilespmem:s20], [sflag:$0x2] =	stream.indirect.gather [hbm4b:s4+s19], $0x80, s30, s19, $0xb8;
	[tilespmem:$0x1D000] =	vst v63  }
0xad: {  	_ =	swait.ge [sflag:s21], $0x4000  }
0xae: {  	[sflag:s21] =	ssyncset.done $0x0  }
0xaf: {  	[sflag:s21] =	ssyncadd.s32 $0xFFFFC000  }
0xb0: {  	[spmem:s1] =	stream.indirect.scatter.add.f32 [tilespmem:s16], [sflag:$0x3], $0x80, s31, s19, $0xb8;
	[tilespmem:$0x1D000] =	vst v63  }
0xb1: {  	_ =	swait.ge [sflag:s22], $0x4000  }
0xb2: {  	[sflag:s22] =	ssyncset.done $0x0  }
0xb3: {  	[sflag:s22] =	ssyncadd.s32 $0xFFFFC000  }
0xb4: {  	[tilespmem:s16], [sflag:$0x1] =	stream.indirect.gather [hbm4b:s4+s19], $0x80, s0, s19, $0xb8;
	[tilespmem:$0x1D000] =	vst v63  }
0xb5: {  	_ =	swait.ge [sflag:s23], $0x4000  }
0xb6: {  	[sflag:s23] =	ssyncset.done $0x0  }
0xb7: {  	[sflag:s23] =	ssyncadd.s32 $0xFFFFC000  }
0xb8: {  	[spmem:s1] =	stream.indirect.scatter.add.f32 [tilespmem:s20], [sflag:$0x4], $0x80, s2, s19, $0xb8;
	[tilespmem:$0x1D000] =	vst v63  }
0xb9: {  	_ =	swait.ge [sflag:s24], $0x4000  }
0xba: {  	[sflag:s24] =	ssyncset.done $0x0  }
0xbb: {  	[sflag:s24] =	ssyncadd.s32 $0xFFFFC000  }
0xbc: {  	[tilespmem:s20], [sflag:$0x2] =	stream.indirect.gather [hbm4b:s4+s19], $0x80, s10, s19, $0xb8;
	[tilespmem:$0x1D000] =	vst v63  }
0xbd: {  	_ =	swait.ge [sflag:s21], $0x4000  }
0xbe: {  	[sflag:s21] =	ssyncset.done $0x0  }
0xbf: {  	[sflag:s21] =	ssyncadd.s32 $0xFFFFC000  }
0xc0: {  	[spmem:s1] =	stream.indirect.scatter.add.f32 [tilespmem:s16], [sflag:$0x3], $0x80, s11, s19, $0xb8;
	[tilespmem:$0x1D000] =	vst v63  }
0xc1: {  	_ =	swait.ge [sflag:s22], $0x4000  }
0xc2: {  	[sflag:s22] =	ssyncset.done $0x0  }
0xc3: {  	[sflag:s22] =	ssyncadd.s32 $0xFFFFC000  }
0xc4: {  	[tilespmem:s16], [sflag:$0x1] =	stream.indirect.gather [hbm4b:s4+s19], $0x80, s12, s19, $0xb8;
	[tilespmem:$0x1D000] =	vst v63  }
0xc5: {  	_ =	swait.ge [sflag:s23], $0x4000  }
0xc6: {  	[sflag:s23] =	ssyncset.done $0x0  }
0xc7: {  	[sflag:s23] =	ssyncadd.s32 $0xFFFFC000  }
0xc8: {  	[spmem:s1] =	stream.indirect.scatter.add.f32 [tilespmem:s20], [sflag:$0x4], $0x80, s13, s19, $0xb8;
	[tilespmem:$0x1D000] =	vst v63  }
0xc9: {  	_ =	swait.ge [sflag:s24], $0x4000  }
0xca: {  	[sflag:s24] =	ssyncset.done $0x0  }
0xcb: {  	[sflag:s24] =	ssyncadd.s32 $0xFFFFC000  }
0xcc: {  	[tilespmem:s20], [sflag:$0x2] =	stream.indirect.gather [hbm4b:s4+s19], $0x80, s14, s19, $0xb8;
	[tilespmem:$0x1D000] =	vst v63  }
0xcd: {  	_ =	swait.ge [sflag:s21], $0x4000  }
0xce: {  	[sflag:s21] =	ssyncset.done $0x0  }
0xcf: {  	[sflag:s21] =	ssyncadd.s32 $0xFFFFC000  }
0xd0: {  	[spmem:s1] =	stream.indirect.scatter.add.f32 [tilespmem:s16], [sflag:$0x3], $0x80, s15, s19, $0xb8;
	[tilespmem:$0x1D000] =	vst v63  }
0xd1: {  	_ =	swait.ge [sflag:s23], $0x4000  }
0xd2: {  	[sflag:s23] =	ssyncset.done $0x0  }
0xd3: {  	[sflag:s23] =	ssyncadd.s32 $0xFFFFC000  }
0xd4: {  	[spmem:s1] =	stream.indirect.scatter.add.f32 [tilespmem:s20], [sflag:$0x4], $0x80, s5, s19, $0xb8;
	[tilespmem:$0x1D000] =	vst v63  }
0xd5: {  	_ =	swait.ge [sflag:s22], $0x4000  }
0xd6: {  	[sflag:s22] =	ssyncset.done $0x0  }
0xd7: {  	[sflag:s22] =	ssyncadd.s32 $0xFFFFC000  }
0xd8: {  	s7 =	simm.s32 $0x100;
	_ =	swait.ge [sflag:s24], $0x4000  }
0xd9: {  	s8 =	simm.s32 $0x200;
	s9 =	rddreg [dreg:$0x6];
	[sflag:s24] =	ssyncset.done $0x0  }
.LBB2_4:
0xda: {  	[sflag:s24] =	ssyncadd.s32 $0xFFFFC000;
	s9 =	sadd.s32 s7, s9  }
0xdb: {  	[tilespmem:s3], [sflag:$0x5] =	stream.linear.gather [hbm4b:s9+s3], $0x800, $0x38;
	[tilespmem:$0x1D000] =	vst v63  }
0xdc: {  	_ =	swait.ge [sflag:s17], $0x800  }
0xdd: {  	s9 =	rddreg [dreg:$0x5];
	[sflag:s17] =	ssyncset.done $0x0  }
0xde: {  	[sflag:s17] =	ssyncadd.s32 $0xFFFFF800;
	s9 =	sadd.s32 s7, s9  }
0xdf: {  	[tilespmem:s18], [sflag:$0x5] =	stream.linear.gather [hbm4b:s9+s3], $0x800, $0x38;
	[tilespmem:$0x1D000] =	vst v63  }
0xe0: {  	_ =	swait.ge [sflag:s17], $0x800  }
0xe1: {  	[sflag:s17] =	ssyncset.done $0x0  }
0xe2: {  	[sflag:s17] =	ssyncadd.s32 $0xFFFFF800  }
0xe3: {  	[tilespmem:s16], [sflag:$0x1] =	stream.indirect.gather [hbm4b:s4+s19], $0x80, s3, s19, $0xb8;
	[tilespmem:$0x1D000] =	vst v63  }
0xe4: {  	_ = 	snop  }
0xe5: {  	[tilespmem:s20], [sflag:$0x2] =	stream.indirect.gather [hbm4b:s4+s19], $0x80, s19, s19, $0xb8;
	[tilespmem:$0x1D000] =	vst v63  }
0xe6: {  	_ =	swait.ge [sflag:s21], $0x4000  }
0xe7: {  	[sflag:s21] =	ssyncset.done $0x0  }
0xe8: {  	[sflag:s21] =	ssyncadd.s32 $0xFFFFC000  }
0xe9: {  	[spmem:s1] =	stream.indirect.scatter.add.f32 [tilespmem:s16], [sflag:$0x3], $0x80, s18, s19, $0xb8;
	[tilespmem:$0x1D000] =	vst v63  }
0xea: {  	_ =	swait.ge [sflag:s22], $0x4000  }
0xeb: {  	[sflag:s22] =	ssyncset.done $0x0  }
0xec: {  	s9 =	rddreg [dreg:$0x7];
	[sflag:s22] =	ssyncadd.s32 $0xFFFFC000  }
0xed: {  	[tilespmem:s16], [sflag:$0x1] =	stream.indirect.gather [hbm4b:s4+s19], $0x80, s9, s19, $0xb8;
	[tilespmem:$0x1D000] =	vst v63  }
0xee: {  	_ =	swait.ge [sflag:s23], $0x4000  }
0xef: {  	[sflag:s23] =	ssyncset.done $0x0  }
0xf0: {  	s9 =	rddreg [dreg:$0x8];
	[sflag:s23] =	ssyncadd.s32 $0xFFFFC000  }
0xf1: {  	[spmem:s1] =	stream.indirect.scatter.add.f32 [tilespmem:s20], [sflag:$0x4], $0x80, s9, s19, $0xb8;
	[tilespmem:$0x1D000] =	vst v63  }
0xf2: {  	_ =	swait.ge [sflag:s24], $0x4000  }
0xf3: {  	[sflag:s24] =	ssyncset.done $0x0  }
0xf4: {  	s9 =	rddreg [dreg:$0x9];
	[sflag:s24] =	ssyncadd.s32 $0xFFFFC000  }
0xf5: {  	[tilespmem:s20], [sflag:$0x2] =	stream.indirect.gather [hbm4b:s4+s19], $0x80, s9, s19, $0xb8;
	[tilespmem:$0x1D000] =	vst v63  }
0xf6: {  	_ =	swait.ge [sflag:s21], $0x4000  }
0xf7: {  	[sflag:s21] =	ssyncset.done $0x0  }
0xf8: {  	s9 =	rddreg [dreg:$0xa];
	[sflag:s21] =	ssyncadd.s32 $0xFFFFC000  }
0xf9: {  	[spmem:s1] =	stream.indirect.scatter.add.f32 [tilespmem:s16], [sflag:$0x3], $0x80, s9, s19, $0xb8;
	[tilespmem:$0x1D000] =	vst v63  }
0xfa: {  	_ =	swait.ge [sflag:s22], $0x4000  }
0xfb: {  	[sflag:s22] =	ssyncset.done $0x0  }
0xfc: {  	s9 =	rddreg [dreg:$0xb];
	[sflag:s22] =	ssyncadd.s32 $0xFFFFC000  }
0xfd: {  	[tilespmem:s16], [sflag:$0x1] =	stream.indirect.gather [hbm4b:s4+s19], $0x80, s9, s19, $0xb8;
	[tilespmem:$0x1D000] =	vst v63  }
0xfe: {  	_ =	swait.ge [sflag:s23], $0x4000  }
0xff: {  	[sflag:s23] =	ssyncset.done $0x0  }
0x100: {  	s9 =	rddreg [dreg:$0xc];
	[sflag:s23] =	ssyncadd.s32 $0xFFFFC000  }
0x101: {  	[spmem:s1] =	stream.indirect.scatter.add.f32 [tilespmem:s20], [sflag:$0x4], $0x80, s9, s19, $0xb8;
	[tilespmem:$0x1D000] =	vst v63  }
0x102: {  	_ =	swait.ge [sflag:s24], $0x4000  }
0x103: {  	[sflag:s24] =	ssyncset.done $0x0  }
0x104: {  	s9 =	rddreg [dreg:$0xd];
	[sflag:s24] =	ssyncadd.s32 $0xFFFFC000  }
0x105: {  	[tilespmem:s20], [sflag:$0x2] =	stream.indirect.gather [hbm4b:s4+s19], $0x80, s9, s19, $0xb8;
	[tilespmem:$0x1D000] =	vst v63  }
0x106: {  	_ =	swait.ge [sflag:s21], $0x4000  }
0x107: {  	[sflag:s21] =	ssyncset.done $0x0  }
0x108: {  	s9 =	rddreg [dreg:$0xe];
	[sflag:s21] =	ssyncadd.s32 $0xFFFFC000  }
0x109: {  	[spmem:s1] =	stream.indirect.scatter.add.f32 [tilespmem:s16], [sflag:$0x3], $0x80, s9, s19, $0xb8;
	[tilespmem:$0x1D000] =	vst v63  }
0x10a: {  	_ =	swait.ge [sflag:s22], $0x4000  }
0x10b: {  	[sflag:s22] =	ssyncset.done $0x0  }
0x10c: {  	s9 =	rddreg [dreg:$0xf];
	[sflag:s22] =	ssyncadd.s32 $0xFFFFC000  }
0x10d: {  	[tilespmem:s16], [sflag:$0x1] =	stream.indirect.gather [hbm4b:s4+s19], $0x80, s9, s19, $0xb8;
	[tilespmem:$0x1D000] =	vst v63  }
0x10e: {  	_ =	swait.ge [sflag:s23], $0x4000  }
0x10f: {  	[sflag:s23] =	ssyncset.done $0x0  }
0x110: {  	s9 =	rddreg [dreg:$0x10];
	[sflag:s23] =	ssyncadd.s32 $0xFFFFC000  }
0x111: {  	[spmem:s1] =	stream.indirect.scatter.add.f32 [tilespmem:s20], [sflag:$0x4], $0x80, s9, s19, $0xb8;
	[tilespmem:$0x1D000] =	vst v63  }
0x112: {  	_ =	swait.ge [sflag:s24], $0x4000  }
0x113: {  	[sflag:s24] =	ssyncset.done $0x0  }
0x114: {  	s9 =	rddreg [dreg:$0x11];
	[sflag:s24] =	ssyncadd.s32 $0xFFFFC000  }
0x115: {  	[tilespmem:s20], [sflag:$0x2] =	stream.indirect.gather [hbm4b:s4+s19], $0x80, s9, s19, $0xb8;
	[tilespmem:$0x1D000] =	vst v63  }
0x116: {  	_ =	swait.ge [sflag:s21], $0x4000  }
0x117: {  	[sflag:s21] =	ssyncset.done $0x0  }
0x118: {  	s9 =	rddreg [dreg:$0x12];
	[sflag:s21] =	ssyncadd.s32 $0xFFFFC000  }
0x119: {  	[spmem:s1] =	stream.indirect.scatter.add.f32 [tilespmem:s16], [sflag:$0x3], $0x80, s9, s19, $0xb8;
	[tilespmem:$0x1D000] =	vst v63  }
0x11a: {  	_ =	swait.ge [sflag:s22], $0x4000  }
0x11b: {  	[sflag:s22] =	ssyncset.done $0x0  }
0x11c: {  	s9 =	rddreg [dreg:$0x13];
	[sflag:s22] =	ssyncadd.s32 $0xFFFFC000  }
0x11d: {  	[tilespmem:s16], [sflag:$0x1] =	stream.indirect.gather [hbm4b:s4+s19], $0x80, s9, s19, $0xb8;
	[tilespmem:$0x1D000] =	vst v63  }
0x11e: {  	_ =	swait.ge [sflag:s23], $0x4000  }
0x11f: {  	[sflag:s23] =	ssyncset.done $0x0  }
0x120: {  	s9 =	rddreg [dreg:$0x14];
	[sflag:s23] =	ssyncadd.s32 $0xFFFFC000  }
0x121: {  	[spmem:s1] =	stream.indirect.scatter.add.f32 [tilespmem:s20], [sflag:$0x4], $0x80, s9, s19, $0xb8;
	[tilespmem:$0x1D000] =	vst v63  }
0x122: {  	_ =	swait.ge [sflag:s24], $0x4000  }
0x123: {  	[sflag:s24] =	ssyncset.done $0x0  }
0x124: {  	[sflag:s24] =	ssyncadd.s32 $0xFFFFC000  }
0x125: {  	[tilespmem:s20], [sflag:$0x2] =	stream.indirect.gather [hbm4b:s4+s19], $0x80, s25, s19, $0xb8;
	[tilespmem:$0x1D000] =	vst v63  }
0x126: {  	_ =	swait.ge [sflag:s21], $0x4000  }
0x127: {  	[sflag:s21] =	ssyncset.done $0x0  }
0x128: {  	[sflag:s21] =	ssyncadd.s32 $0xFFFFC000  }
0x129: {  	[spmem:s1] =	stream.indirect.scatter.add.f32 [tilespmem:s16], [sflag:$0x3], $0x80, s26, s19, $0xb8;
	[tilespmem:$0x1D000] =	vst v63  }
0x12a: {  	_ =	swait.ge [sflag:s22], $0x4000  }
0x12b: {  	[sflag:s22] =	ssyncset.done $0x0  }
0x12c: {  	[sflag:s22] =	ssyncadd.s32 $0xFFFFC000  }
0x12d: {  	[tilespmem:s16], [sflag:$0x1] =	stream.indirect.gather [hbm4b:s4+s19], $0x80, s28, s19, $0xb8;
	[tilespmem:$0x1D000] =	vst v63  }
0x12e: {  	_ =	swait.ge [sflag:s23], $0x4000  }
0x12f: {  	[sflag:s23] =	ssyncset.done $0x0  }
0x130: {  	[sflag:s23] =	ssyncadd.s32 $0xFFFFC000  }
0x131: {  	[spmem:s1] =	stream.indirect.scatter.add.f32 [tilespmem:s20], [sflag:$0x4], $0x80, s29, s19, $0xb8;
	[tilespmem:$0x1D000] =	vst v63  }
0x132: {  	_ =	swait.ge [sflag:s24], $0x4000  }
0x133: {  	[sflag:s24] =	ssyncset.done $0x0  }
0x134: {  	[sflag:s24] =	ssyncadd.s32 $0xFFFFC000  }
0x135: {  	[tilespmem:s20], [sflag:$0x2] =	stream.indirect.gather [hbm4b:s4+s19], $0x80, s30, s19, $0xb8;
	[tilespmem:$0x1D000] =	vst v63  }
0x136: {  	_ =	swait.ge [sflag:s21], $0x4000  }
0x137: {  	[sflag:s21] =	ssyncset.done $0x0  }
0x138: {  	[sflag:s21] =	ssyncadd.s32 $0xFFFFC000  }
0x139: {  	[spmem:s1] =	stream.indirect.scatter.add.f32 [tilespmem:s16], [sflag:$0x3], $0x80, s31, s19, $0xb8;
	[tilespmem:$0x1D000] =	vst v63  }
0x13a: {  	_ =	swait.ge [sflag:s22], $0x4000  }
0x13b: {  	[sflag:s22] =	ssyncset.done $0x0  }
0x13c: {  	[sflag:s22] =	ssyncadd.s32 $0xFFFFC000  }
0x13d: {  	[tilespmem:s16], [sflag:$0x1] =	stream.indirect.gather [hbm4b:s4+s19], $0x80, s0, s19, $0xb8;
	[tilespmem:$0x1D000] =	vst v63  }
0x13e: {  	_ =	swait.ge [sflag:s23], $0x4000  }
0x13f: {  	[sflag:s23] =	ssyncset.done $0x0  }
0x140: {  	[sflag:s23] =	ssyncadd.s32 $0xFFFFC000  }
0x141: {  	[spmem:s1] =	stream.indirect.scatter.add.f32 [tilespmem:s20], [sflag:$0x4], $0x80, s2, s19, $0xb8;
	[tilespmem:$0x1D000] =	vst v63  }
0x142: {  	_ =	swait.ge [sflag:s24], $0x4000  }
0x143: {  	[sflag:s24] =	ssyncset.done $0x0  }
0x144: {  	[sflag:s24] =	ssyncadd.s32 $0xFFFFC000  }
0x145: {  	[tilespmem:s20], [sflag:$0x2] =	stream.indirect.gather [hbm4b:s4+s19], $0x80, s10, s19, $0xb8;
	[tilespmem:$0x1D000] =	vst v63  }
0x146: {  	_ =	swait.ge [sflag:s21], $0x4000  }
0x147: {  	[sflag:s21] =	ssyncset.done $0x0  }
0x148: {  	[sflag:s21] =	ssyncadd.s32 $0xFFFFC000  }
0x149: {  	[spmem:s1] =	stream.indirect.scatter.add.f32 [tilespmem:s16], [sflag:$0x3], $0x80, s11, s19, $0xb8;
	[tilespmem:$0x1D000] =	vst v63  }
0x14a: {  	_ =	swait.ge [sflag:s22], $0x4000  }
0x14b: {  	[sflag:s22] =	ssyncset.done $0x0  }
0x14c: {  	[sflag:s22] =	ssyncadd.s32 $0xFFFFC000  }
0x14d: {  	[tilespmem:s16], [sflag:$0x1] =	stream.indirect.gather [hbm4b:s4+s19], $0x80, s12, s19, $0xb8;
	[tilespmem:$0x1D000] =	vst v63  }
0x14e: {  	_ =	swait.ge [sflag:s23], $0x4000  }
0x14f: {  	[sflag:s23] =	ssyncset.done $0x0  }
0x150: {  	[sflag:s23] =	ssyncadd.s32 $0xFFFFC000  }
0x151: {  	[spmem:s1] =	stream.indirect.scatter.add.f32 [tilespmem:s20], [sflag:$0x4], $0x80, s13, s19, $0xb8;
	[tilespmem:$0x1D000] =	vst v63  }
0x152: {  	_ =	swait.ge [sflag:s24], $0x4000  }
0x153: {  	[sflag:s24] =	ssyncset.done $0x0  }
0x154: {  	[sflag:s24] =	ssyncadd.s32 $0xFFFFC000  }
0x155: {  	[tilespmem:s20], [sflag:$0x2] =	stream.indirect.gather [hbm4b:s4+s19], $0x80, s14, s19, $0xb8;
	[tilespmem:$0x1D000] =	vst v63  }
0x156: {  	_ =	swait.ge [sflag:s21], $0x4000  }
0x157: {  	[sflag:s21] =	ssyncset.done $0x0  }
0x158: {  	[sflag:s21] =	ssyncadd.s32 $0xFFFFC000  }
0x159: {  	[spmem:s1] =	stream.indirect.scatter.add.f32 [tilespmem:s16], [sflag:$0x3], $0x80, s15, s19, $0xb8;
	[tilespmem:$0x1D000] =	vst v63  }
0x15a: {  	_ =	swait.ge [sflag:s23], $0x4000  }
0x15b: {  	[sflag:s23] =	ssyncset.done $0x0  }
0x15c: {  	p0 =	sne.s32 s8, $0x400;
	[sflag:s23] =	ssyncadd.s32 $0xFFFFC000  }
0x15d: {  	[spmem:s1] =	stream.indirect.scatter.add.f32 [tilespmem:s20], [sflag:$0x4], $0x80, s5, s19, $0xb8;
	[tilespmem:$0x1D000] =	vst v63  }
.Ltmp1:
0x15e: {  	_ =	swait.ge [sflag:s22], $0x4000;
	(pc) =	sbr.rel @p0 .LBB2_4-.Ltmp1, $4  }
0x15f: {  	[sflag:s22] =	ssyncset.done $0x0  }
0x160: {  	[sflag:s22] =	ssyncadd.s32 $0xFFFFC000  }
0x161: {  	s6 =	smov.u32 s8;
	s8 =	sadd.s32 $0x100, s8;
	_ =	swait.ge [sflag:s24], $0x4000  }
0x162: {  	s7 =	smov.u32 s6;
	s9 =	rddreg [dreg:$0x6];
	[sflag:s24] =	ssyncset.done $0x0  }
0x163: {  	[sflag:s24] =	ssyncadd.s32 $0xFFFFC000;
	s6 =	sadd.s32 s7, s9  }
0x164: {  	[tilespmem:s3], [sflag:$0x5] =	stream.linear.gather [hbm4b:s6+s3], $0x800, $0x38;
	[tilespmem:$0x1D000] =	vst v63  }
0x165: {  	_ =	swait.ge [sflag:s17], $0x800  }
0x166: {  	s9 =	rddreg [dreg:$0x5];
	[sflag:s17] =	ssyncset.done $0x0  }
0x167: {  	s6 =	sadd.s32 s7, s9;
	[sflag:s17] =	ssyncadd.s32 $0xFFFFF800  }
0x168: {  	[tilespmem:s18], [sflag:$0x5] =	stream.linear.gather [hbm4b:s6+s3], $0x800, $0x38;
	[tilespmem:$0x1D000] =	vst v63  }
0x169: {  	_ =	swait.ge [sflag:s17], $0x800  }
0x16a: {  	[sflag:s17] =	ssyncset.done $0x0  }
0x16b: {  	[sflag:s17] =	ssyncadd.s32 $0xFFFFF800  }
0x16c: {  	[tilespmem:s16], [sflag:$0x1] =	stream.indirect.gather [hbm4b:s4+s19], $0x80, s3, s19, $0xb8;
	[tilespmem:$0x1D000] =	vst v63  }
0x16d: {  	_ = 	snop  }
0x16e: {  	[tilespmem:s20], [sflag:$0x2] =	stream.indirect.gather [hbm4b:s4+s19], $0x80, s19, s19, $0xb8;
	[tilespmem:$0x1D000] =	vst v63  }
0x16f: {  	_ =	swait.ge [sflag:s21], $0x4000  }
0x170: {  	[sflag:s21] =	ssyncset.done $0x0  }
0x171: {  	[sflag:s21] =	ssyncadd.s32 $0xFFFFC000  }
0x172: {  	[spmem:s1] =	stream.indirect.scatter.add.f32 [tilespmem:s16], [sflag:$0x3], $0x80, s18, s19, $0xb8;
	[tilespmem:$0x1D000] =	vst v63  }
0x173: {  	_ =	swait.ge [sflag:s22], $0x4000  }
0x174: {  	[sflag:s22] =	ssyncset.done $0x0  }
0x175: {  	s8 =	rddreg [dreg:$0x7];
	[sflag:s22] =	ssyncadd.s32 $0xFFFFC000  }
0x176: {  	[tilespmem:s16], [sflag:$0x1] =	stream.indirect.gather [hbm4b:s4+s19], $0x80, s8, s19, $0xb8;
	[tilespmem:$0x1D000] =	vst v63  }
0x177: {  	_ =	swait.ge [sflag:s23], $0x4000  }
0x178: {  	[sflag:s23] =	ssyncset.done $0x0  }
0x179: {  	s9 =	rddreg [dreg:$0x8];
	[sflag:s23] =	ssyncadd.s32 $0xFFFFC000  }
0x17a: {  	[spmem:s1] =	stream.indirect.scatter.add.f32 [tilespmem:s20], [sflag:$0x4], $0x80, s9, s19, $0xb8;
	[tilespmem:$0x1D000] =	vst v63  }
0x17b: {  	_ =	swait.ge [sflag:s24], $0x4000  }
0x17c: {  	[sflag:s24] =	ssyncset.done $0x0  }
0x17d: {  	s7 =	rddreg [dreg:$0x9];
	[sflag:s24] =	ssyncadd.s32 $0xFFFFC000  }
0x17e: {  	[tilespmem:s20], [sflag:$0x2] =	stream.indirect.gather [hbm4b:s4+s19], $0x80, s7, s19, $0xb8;
	[tilespmem:$0x1D000] =	vst v63  }
0x17f: {  	_ =	swait.ge [sflag:s21], $0x4000  }
0x180: {  	[sflag:s21] =	ssyncset.done $0x0  }
0x181: {  	s8 =	rddreg [dreg:$0xa];
	[sflag:s21] =	ssyncadd.s32 $0xFFFFC000  }
0x182: {  	[spmem:s1] =	stream.indirect.scatter.add.f32 [tilespmem:s16], [sflag:$0x3], $0x80, s8, s19, $0xb8;
	[tilespmem:$0x1D000] =	vst v63  }
0x183: {  	_ =	swait.ge [sflag:s22], $0x4000  }
0x184: {  	[sflag:s22] =	ssyncset.done $0x0  }
0x185: {  	s9 =	rddreg [dreg:$0xb];
	[sflag:s22] =	ssyncadd.s32 $0xFFFFC000  }
0x186: {  	[tilespmem:s16], [sflag:$0x1] =	stream.indirect.gather [hbm4b:s4+s19], $0x80, s9, s19, $0xb8;
	[tilespmem:$0x1D000] =	vst v63  }
0x187: {  	_ =	swait.ge [sflag:s23], $0x4000  }
0x188: {  	[sflag:s23] =	ssyncset.done $0x0  }
0x189: {  	s7 =	rddreg [dreg:$0xc];
	[sflag:s23] =	ssyncadd.s32 $0xFFFFC000  }
0x18a: {  	[spmem:s1] =	stream.indirect.scatter.add.f32 [tilespmem:s20], [sflag:$0x4], $0x80, s7, s19, $0xb8;
	[tilespmem:$0x1D000] =	vst v63  }
0x18b: {  	_ =	swait.ge [sflag:s24], $0x4000  }
0x18c: {  	[sflag:s24] =	ssyncset.done $0x0  }
0x18d: {  	s8 =	rddreg [dreg:$0xd];
	[sflag:s24] =	ssyncadd.s32 $0xFFFFC000  }
0x18e: {  	[tilespmem:s20], [sflag:$0x2] =	stream.indirect.gather [hbm4b:s4+s19], $0x80, s8, s19, $0xb8;
	[tilespmem:$0x1D000] =	vst v63  }
0x18f: {  	_ =	swait.ge [sflag:s21], $0x4000  }
0x190: {  	[sflag:s21] =	ssyncset.done $0x0  }
0x191: {  	s9 =	rddreg [dreg:$0xe];
	[sflag:s21] =	ssyncadd.s32 $0xFFFFC000  }
0x192: {  	[spmem:s1] =	stream.indirect.scatter.add.f32 [tilespmem:s16], [sflag:$0x3], $0x80, s9, s19, $0xb8;
	[tilespmem:$0x1D000] =	vst v63  }
0x193: {  	_ =	swait.ge [sflag:s22], $0x4000  }
0x194: {  	[sflag:s22] =	ssyncset.done $0x0  }
0x195: {  	s7 =	rddreg [dreg:$0xf];
	[sflag:s22] =	ssyncadd.s32 $0xFFFFC000  }
0x196: {  	[tilespmem:s16], [sflag:$0x1] =	stream.indirect.gather [hbm4b:s4+s19], $0x80, s7, s19, $0xb8;
	[tilespmem:$0x1D000] =	vst v63  }
0x197: {  	_ =	swait.ge [sflag:s23], $0x4000  }
0x198: {  	[sflag:s23] =	ssyncset.done $0x0  }
0x199: {  	s8 =	rddreg [dreg:$0x10];
	[sflag:s23] =	ssyncadd.s32 $0xFFFFC000  }
0x19a: {  	[spmem:s1] =	stream.indirect.scatter.add.f32 [tilespmem:s20], [sflag:$0x4], $0x80, s8, s19, $0xb8;
	[tilespmem:$0x1D000] =	vst v63  }
0x19b: {  	_ =	swait.ge [sflag:s24], $0x4000  }
0x19c: {  	[sflag:s24] =	ssyncset.done $0x0  }
0x19d: {  	s9 =	rddreg [dreg:$0x11];
	[sflag:s24] =	ssyncadd.s32 $0xFFFFC000  }
0x19e: {  	[tilespmem:s20], [sflag:$0x2] =	stream.indirect.gather [hbm4b:s4+s19], $0x80, s9, s19, $0xb8;
	[tilespmem:$0x1D000] =	vst v63  }
0x19f: {  	_ =	swait.ge [sflag:s21], $0x4000  }
0x1a0: {  	[sflag:s21] =	ssyncset.done $0x0  }
0x1a1: {  	s7 =	rddreg [dreg:$0x12];
	[sflag:s21] =	ssyncadd.s32 $0xFFFFC000  }
0x1a2: {  	[spmem:s1] =	stream.indirect.scatter.add.f32 [tilespmem:s16], [sflag:$0x3], $0x80, s7, s19, $0xb8;
	[tilespmem:$0x1D000] =	vst v63  }
0x1a3: {  	_ =	swait.ge [sflag:s22], $0x4000  }
0x1a4: {  	[sflag:s22] =	ssyncset.done $0x0  }
0x1a5: {  	s8 =	rddreg [dreg:$0x13];
	[sflag:s22] =	ssyncadd.s32 $0xFFFFC000  }
0x1a6: {  	[tilespmem:s16], [sflag:$0x1] =	stream.indirect.gather [hbm4b:s4+s19], $0x80, s8, s19, $0xb8;
	[tilespmem:$0x1D000] =	vst v63  }
0x1a7: {  	_ =	swait.ge [sflag:s23], $0x4000  }
0x1a8: {  	[sflag:s23] =	ssyncset.done $0x0  }
0x1a9: {  	s9 =	rddreg [dreg:$0x14];
	[sflag:s23] =	ssyncadd.s32 $0xFFFFC000  }
0x1aa: {  	[spmem:s1] =	stream.indirect.scatter.add.f32 [tilespmem:s20], [sflag:$0x4], $0x80, s9, s19, $0xb8;
	[tilespmem:$0x1D000] =	vst v63  }
0x1ab: {  	_ =	swait.ge [sflag:s24], $0x4000  }
0x1ac: {  	[sflag:s24] =	ssyncset.done $0x0  }
0x1ad: {  	[sflag:s24] =	ssyncadd.s32 $0xFFFFC000  }
0x1ae: {  	[tilespmem:s20], [sflag:$0x2] =	stream.indirect.gather [hbm4b:s4+s19], $0x80, s25, s19, $0xb8;
	[tilespmem:$0x1D000] =	vst v63  }
0x1af: {  	_ =	swait.ge [sflag:s21], $0x4000  }
0x1b0: {  	[sflag:s21] =	ssyncset.done $0x0  }
0x1b1: {  	[sflag:s21] =	ssyncadd.s32 $0xFFFFC000  }
0x1b2: {  	[spmem:s1] =	stream.indirect.scatter.add.f32 [tilespmem:s16], [sflag:$0x3], $0x80, s26, s19, $0xb8;
	[tilespmem:$0x1D000] =	vst v63  }
0x1b3: {  	_ =	swait.ge [sflag:s22], $0x4000  }
0x1b4: {  	[sflag:s22] =	ssyncset.done $0x0  }
0x1b5: {  	[sflag:s22] =	ssyncadd.s32 $0xFFFFC000  }
0x1b6: {  	[tilespmem:s16], [sflag:$0x1] =	stream.indirect.gather [hbm4b:s4+s19], $0x80, s28, s19, $0xb8;
	[tilespmem:$0x1D000] =	vst v63  }
0x1b7: {  	_ =	swait.ge [sflag:s23], $0x4000  }
0x1b8: {  	[sflag:s23] =	ssyncset.done $0x0  }
0x1b9: {  	[sflag:s23] =	ssyncadd.s32 $0xFFFFC000  }
0x1ba: {  	[spmem:s1] =	stream.indirect.scatter.add.f32 [tilespmem:s20], [sflag:$0x4], $0x80, s29, s19, $0xb8;
	[tilespmem:$0x1D000] =	vst v63  }
0x1bb: {  	_ =	swait.ge [sflag:s24], $0x4000  }
0x1bc: {  	[sflag:s24] =	ssyncset.done $0x0  }
0x1bd: {  	[sflag:s24] =	ssyncadd.s32 $0xFFFFC000  }
0x1be: {  	[tilespmem:s20], [sflag:$0x2] =	stream.indirect.gather [hbm4b:s4+s19], $0x80, s30, s19, $0xb8;
	[tilespmem:$0x1D000] =	vst v63  }
0x1bf: {  	_ =	swait.ge [sflag:s21], $0x4000  }
0x1c0: {  	[sflag:s21] =	ssyncset.done $0x0  }
0x1c1: {  	[sflag:s21] =	ssyncadd.s32 $0xFFFFC000  }
0x1c2: {  	[spmem:s1] =	stream.indirect.scatter.add.f32 [tilespmem:s16], [sflag:$0x3], $0x80, s31, s19, $0xb8;
	[tilespmem:$0x1D000] =	vst v63  }
0x1c3: {  	_ =	swait.ge [sflag:s22], $0x4000  }
0x1c4: {  	[sflag:s22] =	ssyncset.done $0x0  }
0x1c5: {  	[sflag:s22] =	ssyncadd.s32 $0xFFFFC000  }
0x1c6: {  	[tilespmem:s16], [sflag:$0x1] =	stream.indirect.gather [hbm4b:s4+s19], $0x80, s0, s19, $0xb8;
	[tilespmem:$0x1D000] =	vst v63  }
0x1c7: {  	_ =	swait.ge [sflag:s23], $0x4000  }
0x1c8: {  	[sflag:s23] =	ssyncset.done $0x0  }
0x1c9: {  	[sflag:s23] =	ssyncadd.s32 $0xFFFFC000  }
0x1ca: {  	[spmem:s1] =	stream.indirect.scatter.add.f32 [tilespmem:s20], [sflag:$0x4], $0x80, s2, s19, $0xb8;
	[tilespmem:$0x1D000] =	vst v63  }
0x1cb: {  	_ =	swait.ge [sflag:s24], $0x4000  }
0x1cc: {  	[sflag:s24] =	ssyncset.done $0x0  }
0x1cd: {  	[sflag:s24] =	ssyncadd.s32 $0xFFFFC000  }
0x1ce: {  	[tilespmem:s20], [sflag:$0x2] =	stream.indirect.gather [hbm4b:s4+s19], $0x80, s10, s19, $0xb8;
	[tilespmem:$0x1D000] =	vst v63  }
0x1cf: {  	_ =	swait.ge [sflag:s21], $0x4000  }
0x1d0: {  	[sflag:s21] =	ssyncset.done $0x0  }
0x1d1: {  	[sflag:s21] =	ssyncadd.s32 $0xFFFFC000  }
0x1d2: {  	[spmem:s1] =	stream.indirect.scatter.add.f32 [tilespmem:s16], [sflag:$0x3], $0x80, s11, s19, $0xb8;
	[tilespmem:$0x1D000] =	vst v63  }
0x1d3: {  	_ =	swait.ge [sflag:s22], $0x4000  }
0x1d4: {  	[sflag:s22] =	ssyncset.done $0x0  }
0x1d5: {  	[sflag:s22] =	ssyncadd.s32 $0xFFFFC000  }
0x1d6: {  	[tilespmem:s16], [sflag:$0x1] =	stream.indirect.gather [hbm4b:s4+s19], $0x80, s12, s19, $0xb8;
	[tilespmem:$0x1D000] =	vst v63  }
0x1d7: {  	_ =	swait.ge [sflag:s23], $0x4000  }
0x1d8: {  	[sflag:s23] =	ssyncset.done $0x0  }
0x1d9: {  	[sflag:s23] =	ssyncadd.s32 $0xFFFFC000  }
0x1da: {  	[spmem:s1] =	stream.indirect.scatter.add.f32 [tilespmem:s20], [sflag:$0x4], $0x80, s13, s19, $0xb8;
	[tilespmem:$0x1D000] =	vst v63  }
0x1db: {  	_ =	swait.ge [sflag:s24], $0x4000  }
0x1dc: {  	[sflag:s24] =	ssyncset.done $0x0  }
0x1dd: {  	[sflag:s24] =	ssyncadd.s32 $0xFFFFC000  }
0x1de: {  	[tilespmem:s20], [sflag:$0x2] =	stream.indirect.gather [hbm4b:s4+s19], $0x80, s14, s19, $0xb8;
	[tilespmem:$0x1D000] =	vst v63  }
0x1df: {  	_ =	swait.ge [sflag:s21], $0x4000  }
0x1e0: {  	[sflag:s21] =	ssyncset.done $0x0  }
0x1e1: {  	[sflag:s21] =	ssyncadd.s32 $0xFFFFC000  }
0x1e2: {  	[spmem:s1] =	stream.indirect.scatter.add.f32 [tilespmem:s16], [sflag:$0x3], $0x80, s15, s19, $0xb8;
	[tilespmem:$0x1D000] =	vst v63  }
0x1e3: {  	_ =	swait.ge [sflag:s23], $0x4000  }
0x1e4: {  	[sflag:s23] =	ssyncset.done $0x0  }
0x1e5: {  	[sflag:s23] =	ssyncadd.s32 $0xFFFFC000  }
0x1e6: {  	[spmem:s1] =	stream.indirect.scatter.add.f32 [tilespmem:s20], [sflag:$0x4], $0x80, s5, s19, $0xb8;
	[tilespmem:$0x1D000] =	vst v63  }
0x1e7: {  	_ =	swait.ge [sflag:s22], $0x4000  }
0x1e8: {  	[sflag:s22] =	ssyncset.done $0x0  }
0x1e9: {  	[sflag:s22] =	ssyncadd.s32 $0xFFFFC000  }
0x1ea: {  	_ =	swait.ge [sflag:s24], $0x4000  }
0x1eb: {  	[sflag:s24] =	ssyncset.done $0x0  }
0x1ec: {  	[sflag:s24] =	ssyncadd.s32 $0xFFFFC000  }
0x1ed: {  	[bflag:$0x0] =	sbarrier.arrive $0xFFFF  }
0x1ee: {  	s7 =	rddreg [dreg:$0x15]  }
0x1ef: {  	[tilespmem:s16], [sflag:$0x5] =	stream.linear.gather [spmem:s7], $0x4000, $0x38;
	[tilespmem:$0x1D000] =	vst v63  }
0x1f0: {  	_ =	swait.ge [sflag:s17], $0x4000  }
0x1f1: {  	[sflag:s17] =	ssyncset.done $0x0  }
0x1f2: {  	s8 =	rddreg [dreg:$0x1a];
	[sflag:s17] =	ssyncadd.s32 $0xFFFFC000  }
0x1f3: {  	[hbm4b:s8+s3] =	stream.linear.scatter [tilespmem:s16], [sflag:$0x5], $0x4000, $0x38;
	[tilespmem:$0x1D000] =	vst v63  }
0x1f4: {  	_ =	swait.ge [sflag:s17], $0x4000  }
0x1f5: {  	[sflag:s17] =	ssyncset.done $0x0  }
0x1f6: {  	s9 =	rddreg [dreg:$0x16];
	[sflag:s17] =	ssyncadd.s32 $0xFFFFC000  }
0x1f7: {  	[tilespmem:s16], [sflag:$0x5] =	stream.linear.gather [spmem:s9], $0x4000, $0x38;
	[tilespmem:$0x1D000] =	vst v63  }
0x1f8: {  	_ =	swait.ge [sflag:s17], $0x4000  }
0x1f9: {  	[sflag:s17] =	ssyncset.done $0x0  }
0x1fa: {  	s7 =	rddreg [dreg:$0x1b];
	[sflag:s17] =	ssyncadd.s32 $0xFFFFC000  }
0x1fb: {  	[hbm4b:s7+s3] =	stream.linear.scatter [tilespmem:s16], [sflag:$0x5], $0x4000, $0x38;
	[tilespmem:$0x1D000] =	vst v63  }
0x1fc: {  	_ =	swait.ge [sflag:s17], $0x4000  }
0x1fd: {  	[sflag:s17] =	ssyncset.done $0x0  }
0x1fe: {  	s8 =	rddreg [dreg:$0x17];
	[sflag:s17] =	ssyncadd.s32 $0xFFFFC000  }
0x1ff: {  	[tilespmem:s16], [sflag:$0x5] =	stream.linear.gather [spmem:s8], $0x4000, $0x38;
	[tilespmem:$0x1D000] =	vst v63  }
0x200: {  	_ =	swait.ge [sflag:s17], $0x4000  }
0x201: {  	[sflag:s17] =	ssyncset.done $0x0  }
0x202: {  	s9 =	rddreg [dreg:$0x1c];
	[sflag:s17] =	ssyncadd.s32 $0xFFFFC000  }
0x203: {  	[hbm4b:s9+s3] =	stream.linear.scatter [tilespmem:s16], [sflag:$0x5], $0x4000, $0x38;
	[tilespmem:$0x1D000] =	vst v63  }
0x204: {  	_ =	swait.ge [sflag:s17], $0x4000  }
0x205: {  	[sflag:s17] =	ssyncset.done $0x0  }
0x206: {  	s7 =	rddreg [dreg:$0x18];
	[sflag:s17] =	ssyncadd.s32 $0xFFFFC000  }
0x207: {  	[tilespmem:s16], [sflag:$0x5] =	stream.linear.gather [spmem:s7], $0x4000, $0x38;
	[tilespmem:$0x1D000] =	vst v63  }
0x208: {  	_ =	swait.ge [sflag:s17], $0x4000  }
0x209: {  	[sflag:s17] =	ssyncset.done $0x0  }
0x20a: {  	s8 =	rddreg [dreg:$0x1d];
	[sflag:s17] =	ssyncadd.s32 $0xFFFFC000  }
0x20b: {  	[hbm4b:s8+s3] =	stream.linear.scatter [tilespmem:s16], [sflag:$0x5], $0x4000, $0x38;
	[tilespmem:$0x1D000] =	vst v63  }
0x20c: {  	_ =	swait.ge [sflag:s17], $0x4000  }
0x20d: {  	[sflag:s17] =	ssyncset.done $0x0  }
0x20e: {  	s9 =	rddreg [dreg:$0x19];
	[sflag:s17] =	ssyncadd.s32 $0xFFFFC000  }
0x20f: {  	[tilespmem:s16], [sflag:$0x5] =	stream.linear.gather [spmem:s9], $0x4000, $0x38;
	[tilespmem:$0x1D000] =	vst v63  }
0x210: {  	_ =	swait.ge [sflag:s17], $0x4000  }
0x211: {  	[sflag:s17] =	ssyncset.done $0x0  }
0x212: {  	s7 =	rddreg [dreg:$0x1e];
	[sflag:s17] =	ssyncadd.s32 $0xFFFFC000  }
0x213: {  	[hbm4b:s7+s3] =	stream.linear.scatter [tilespmem:s16], [sflag:$0x5], $0x4000, $0x38;
	[tilespmem:$0x1D000] =	vst v63  }
0x214: {  	_ =	swait.ge [sflag:s17], $0x4000  }
0x215: {  	s8 =	sld [smem:$0x7FD];
	_ =	sdelay $0x2  }
0x216: {  	s9 =	rddreg [dreg:$0x1f];
	s7 =	sadd.s32 $0x1, s8  }
0x217: {  	p0 =	sne.s32 s7, s9  }
.Ltmp2:
0x218: {  	_ = 	snop;
	(pc) =	sbr.rel @p0 .LBB2_1-.Ltmp2, $3  }
0x219: {  	_ =	sdelay $0x1  }
0x21a: {  	[sflag:s17] =	ssyncset.done $0x0  }
0x21b: {  	[sflag:s17] =	ssyncadd.s32 $0xFFFFC000  }
0x21c: {  	_ =	sfence.sel $0x180000  }
0x21d: {  	[bflag:$0x0] =	sbarrier.arrive $0xFFFF  }
0x21e: {  	_ =	strace $0x9000004D  }
0x21f: {  	s0 =	stileid.u32;
	[bflag:$0x2] =	sbarrier.arrive $0xFFFF  }
0x220: {  	p0 =	sne.s32 s0, $0x0;
	s0 =	rddreg [dreg:$0x4]  }
0x221: {  	s0 =	sadd.s32 @!p0 $0x100000, s0  }
0x222: {  	[sflag:s0] =	ssyncadd.tile.s32 @!p0 $0x1;
	_ =	shalt  }
.Lfunc_end2:
_tile_overlayer_lowered:
.L_overlay_start_2:
0x223: {  	(tag) =	ssettag $0x2  }
0x224: {  	s0 =	rddreg [dreg:$0x0];
	s2 =	stileid.u32  }
0x225: {  	s1 =	rddreg [dreg:$0x1];
	p0 =	sne.s32 s2, $0x0  }
0x226: {  	s3 =	rddreg [dreg:$0x2];
	[bflag:$0x3] =	sbarrier.arrive $0xFFFF;
	s2 =	simm.s32 @!p0 $0x1C05  }
0x227: {  	[timem:s3], [sflag:s2] =	dma.local @!p0 [hbm:s0], s1  }
0x228: {  	s0 =	simm.s32 @!p0 $0x5  }
0x229: {  	_ =	swait.ge @!p0 [sflag:s0], s1  }
0x22a: {  	s1 =	ssub.s32 @!p0 $0x0, s1;
	[sflag:s0] =	ssyncset.done @!p0 $0x0  }
0x22b: {  	[sflag:s0] =	ssyncadd.s32 @!p0 s1  }
0x22c: {  	[bflag:$0x3] =	sbarrier.arrive $0xFFFF  }
0x22d: {  	_ =	shalt  }

// kernel: kernel.9.cloned.1.call-start
scs
__scs_entry_jumppad:
0x0: {  	(pc) =	sbr.rel $0x88, $3  }
0x1: {  	(tag) =	ssettag $0x0;
	lr =	simm.s32 $0x1  }
0x2: {  	[smem:$0x3F93] =	sst lr;
	_ =	strace $0xD0000000  }
0x3: {  	_ = 	snop  }
0x4: {  	_ = 	snop  }
0x5: {  	_ = 	snop  }
0x6: {  	_ = 	snop  }
0x7: {  	_ = 	snop  }
__scs_overlays_trampoline_lowered:
0x8: {  	[smem:$0x3FA2] =	sst s0  }
0x9: {  	[smem:$0x3FA3] =	sst s1  }
0xa: {  	[smem:$0x3FA4] =	sst s2  }
0xb: {  	[smem:$0x3FA5] =	sst s3  }
0xc: {  	[smem:$0x3FA6] =	sst s4  }
0xd: {  	[smem:$0x3FA7] =	sst s5  }
0xe: {  	[smem:$0x3FA8] =	sst s6  }
0xf: {  	[smem:$0x3FA9] =	sst s7  }
0x10: {  	[smem:$0x3FAA] =	sst s8  }
0x11: {  	[smem:$0x3FAB] =	sst s9;
	s0 =	simm.s32 @!p0 $0x0  }
0x12: {  	s1 =	sld [smem:$0x3F91];
	s0 =	simm.s32 @p0 $0x1  }
0x13: {  	[smem:$0x3FAC] =	sst s0;
	s0 =	simm.s32 @!p1 $0x0  }
0x14: {  	s2 =	sld [smem:$0x3F90];
	s0 =	simm.s32 @p1 $0x1  }
0x15: {  	[smem:$0x3FAD] =	sst s0;
	s0 =	simm.s32 @!p2 $0x0  }
0x16: {  	s3 =	sld [smem:$0x3FDB];
	s0 =	simm.s32 @p2 $0x1  }
0x17: {  	s4 =	simm.s32 $0x1BF5;
	[smem:$0x3FAF] =	sst s0  }
0x18: {  	s0 =	sld [smem:$0x3F92];
	_ =	swait.ge [sflag:s4], $0x0  }
0x19: {  	s7 =	sld [smem:$0x3F93]  }
0x1a: {  	s8 =	sadd.s32 $0xFFFFE003, lr  }
0x1b: {  	s9 =	sadd.s32 $0xFFFFFEF7, lr;
	s5 =	simm.s32 $0xFFFFFFFF;
	p2 =	slt.u32 s8, $0xFFFFF086  }
0x1c: {  	p1 =	slt.u32 s9, $0xF7A;
	s5 =	simm.s32 @!p2 $0x0  }
0x1d: {  	s5 =	simm.s32 @p1 $0x1;
	p0 =	seq.s32 s7, s2  }
0x1e: {  	s7 =	smul.u32 @!p0 $0xF7A, s2;
	p2 =	seq.s32 @!p0 s5, $0x0  }
0x1f: {  	s9 =	smul.u32 $0xF7A, s1;
	s8 =	simm.s32 @!p0 $0x1BF5;
	p2 =	por !p2, p0  }
0x20: {  	[sflag:s8] =	ssyncset.s32 @!p0 $0xFFFFF086;
	s6 =	sadd.s32 @!p0 s3, s7;
	s7 =	simm.s32 @!p0 $0x108  }
0x21: {  	s3 =	sadd.s32 s3, s9;
	s6 =	sadd.s32 @!p0 $0x88, s6;
	s7 =	simm.s32 @p2 $0x1082  }
0x22: {  	[simem:s7], [sflag:s8] =	dma.local @!p0 [hbm:s6], $0xF7A  }
0x23: {  	s9 =	sor.u32 $0xD0000000, s2;
	s6 =	simm.s32 $0x108;
	_ =	swait.ge @!p0 [sflag:s8], $0x0  }
0x24: {  	s3 =	sadd.s32 $0x88, s3;
	s6 =	simm.s32 @!p1 $0x1082;
	[sflag:s4] =	ssyncset.s32 $0xFFFFF086  }
0x25: {  	[simem:s6], [sflag:s4] =	dma.local [hbm:s3], $0xF7A  }
0x26: {  	[smem:$0x3F93] =	sst s1;
	(tag) =	ssettag s2;
	_ =	strace s9  }
0x27: {  	s1 =	sld [smem:$0x3FA3]  }
0x28: {  	s2 =	sld [smem:$0x3FA4]  }
0x29: {  	s4 =	sld [smem:$0x3FA6]  }
0x2a: {  	p0 =	seq.s32 s5, $0x0;
	s5 =	sld [smem:$0x3FA7]  }
0x2b: {  	s6 =	sld [smem:$0x3FA8]  }
0x2c: {  	s7 =	sld [smem:$0x3FA9]  }
0x2d: {  	s3 =	simm.s32 $0x108;
	s8 =	sld [smem:$0x3FAA]  }
0x2e: {  	s3 =	simm.s32 @!p0 $0x1082;
	s9 =	sld [smem:$0x3FAB]  }
0x2f: {  	lr =	sadd.s32 s0, s3;
	s0 =	sld [smem:$0x3FA2]  }
0x30: {  	s3 =	sld [smem:$0x3FA5]  }
0x31: {  	[smem:$0x3FAE] =	sst s10  }
0x32: {  	s10 =	sld [smem:$0x3FAC];
	_ =	sdelay $0x3  }
0x33: {  	p0 =	seq.s32 s10, $0x1;
	s10 =	sld [smem:$0x3FAE];
	_ =	sdelay $0x3  }
0x34: {  	[smem:$0x3FAE] =	sst s10  }
0x35: {  	s10 =	sld [smem:$0x3FAD];
	_ =	sdelay $0x3  }
0x36: {  	p1 =	seq.s32 s10, $0x1;
	s10 =	sld [smem:$0x3FAE];
	_ =	sdelay $0x3  }
0x37: {  	[smem:$0x3FAE] =	sst s10  }
0x38: {  	s10 =	sld [smem:$0x3FAF]  }
0x39: {  	_ = 	snop;
	(pc) =	sbr.ind lr, $3  }
0x3a: {  	_ = 	snop  }
0x3b: {  	_ = 	snop  }
0x3c: {  	p2 =	seq.s32 s10, $0x1;
	s10 =	sld [smem:$0x3FAE]  }
0x3d: {  	_ =	shalt  }
0x3e: {  	_ =	shalt  }
0x3f: {  	_ =	shalt  }
0x40: {  	_ =	shalt  }
0x41: {  	_ =	shalt  }
0x42: {  	_ =	shalt  }
0x43: {  	_ =	shalt  }
0x44: {  	_ =	shalt  }
0x45: {  	_ =	shalt  }
0x46: {  	_ =	shalt  }
0x47: {  	_ =	shalt  }
0x48: {  	_ =	shalt  }
0x49: {  	_ =	shalt  }
0x4a: {  	_ =	shalt  }
0x4b: {  	_ =	shalt  }
0x4c: {  	_ =	shalt  }
0x4d: {  	_ =	shalt  }
0x4e: {  	_ =	shalt  }
0x4f: {  	_ =	shalt  }
0x50: {  	_ =	shalt  }
0x51: {  	_ =	shalt  }
0x52: {  	_ =	shalt  }
0x53: {  	_ =	shalt  }
0x54: {  	_ =	shalt  }
0x55: {  	_ =	shalt  }
0x56: {  	_ =	shalt  }
0x57: {  	_ =	shalt  }
0x58: {  	_ =	shalt  }
0x59: {  	_ =	shalt  }
0x5a: {  	_ =	shalt  }
0x5b: {  	_ =	shalt  }
0x5c: {  	_ =	shalt  }
0x5d: {  	_ =	shalt  }
0x5e: {  	_ =	shalt  }
0x5f: {  	_ =	shalt  }
0x60: {  	_ =	shalt  }
0x61: {  	_ =	shalt  }
0x62: {  	_ =	shalt  }
0x63: {  	_ =	shalt  }
0x64: {  	_ =	shalt  }
0x65: {  	_ =	shalt  }
0x66: {  	_ =	shalt  }
0x67: {  	_ =	shalt  }
0x68: {  	_ =	shalt  }
0x69: {  	_ =	shalt  }
0x6a: {  	_ =	shalt  }
0x6b: {  	_ =	shalt  }
0x6c: {  	_ =	shalt  }
0x6d: {  	_ =	shalt  }
0x6e: {  	_ =	shalt  }
0x6f: {  	_ =	shalt  }
0x70: {  	_ =	shalt  }
0x71: {  	_ =	shalt  }
0x72: {  	_ =	shalt  }
0x73: {  	_ =	shalt  }
0x74: {  	_ =	shalt  }
0x75: {  	_ =	shalt  }
0x76: {  	_ =	shalt  }
0x77: {  	_ =	shalt  }
0x78: {  	_ =	shalt  }
0x79: {  	_ =	shalt  }
0x7a: {  	_ =	shalt  }
0x7b: {  	_ =	shalt  }
0x7c: {  	_ =	shalt  }
0x7d: {  	_ =	shalt  }
0x7e: {  	_ =	shalt  }
0x7f: {  	_ =	shalt  }
0x80: {  	_ =	shalt  }
0x81: {  	_ =	shalt  }
0x82: {  	_ =	shalt  }
0x83: {  	_ =	shalt  }
0x84: {  	_ =	shalt  }
0x85: {  	_ =	shalt  }
0x86: {  	_ =	shalt  }
0x87: {  	_ =	shalt  }
.Lfunc_end0:
.L_simem_size_0:
called_computation_lowered:
.L_overlay_start_0:
0x88: {  	s2 =	sld [smem:$0x3FD9]  }
0x89: {  	s3 =	sld [smem:$0x3FFE];
	_ =	sdelay $0x1  }
0x8a: {  	s1 =	srdreg.scid  }
0x8b: {  	s0 =	sand.u32 $0x1, s1  }
0x8c: {  	s15 =	sshll.u32 s0, $0xA;
	s2 =	sadd.s32 s3, s2  }
0x8d: {  	s2 =	sadd.s32 s2, s15  }
0x8e: {  	[smem:$0x3FBA] =	sst s2  }
0x8f: {  	_ = 	snop  }
0x90: {  	s2 =	sld [smem:$0x3FD0];
	_ =	sdelay $0x2  }
0x91: {  	s16 =	simm.s32 $0xB;
	s4 =	simm.s32 $0x10  }
0x92: {  	[smem:s4], [sflag:s16] =	dma.local [hbm:s2], $0x1  }
0x93: {  	_ =	swait.eq [sflag:s16], $0x1  }
0x94: {  	[sflag:s16] =	ssyncset.done $0x0  }
0x95: {  	[sflag:s16] =	ssyncadd.s32 $0xFFFFFFFF  }
0x96: {  	s17 =	sld [smem:$0x10];
	(tm) =	ssettm $0x1  }
0x97: {  	s18 =	sld [smem:$0x3FFB];
	_ =	sdelay $0x3  }
0x98: {  	_ =	strace s18  }
0x99: {  	s2 =	sld [smem:$0x3FFC];
	_ =	sdelay $0x3  }
0x9a: {  	_ =	strace s2  }
0x9b: {  	s2 =	sld [smem:$0x3FFD];
	_ =	sdelay $0x3  }
0x9c: {  	_ =	strace s2  }
0x9d: {  	_ =	strace $0x8FFFFFFF  }
0x9e: {  	s19 =	sld [smem:$0x3FDB];
	_ =	sdelay $0x1  }
0x9f: {  	s20 =	simm.s32 $_scs_section_size  }
0xa0: {  	s5 =	simm.s32 $_size__tile_overlayer_lowered;
	s6 =	simm.s32 $_tile_overlayer_lowered  }
0xa1: {  	s7 =	simm.s32 $0x1BFF;
	s21 =	sshll.u32 s6, $0x1;
	s4 =	sadd.s32 s20, s19  }
0xa2: {  	s22 =	simm.s32 $0x0;
	s5 =	sshll.u32 s5, $0x1;
	s6 =	sadd.s32 s21, s4  }
0xa3: {  	[timem:s22], [sflag:s7] =	dma.local [hbm:s6], s5  }
0xa4: {  	_ =	swait.ge [sflag:s7], s5  }
0xa5: {  	s5 =	ssub.s32 $0x0, s5;
	[sflag:s7] =	ssyncset.done $0x0  }
0xa6: {  	[sflag:s7] =	ssyncadd.s32 s5;
	_ =	sdelay $0x1  }
0xa7: {  	s23 =	simm.s32 $0x1B8B  }
0xa8: {  	_ =	swait.ge [sflag:s23], $0x1  }
0xa9: {  	[sflag:s23] =	ssyncset.done $0x0  }
0xaa: {  	[sflag:s23] =	ssyncadd.s32 $0xFFFFFFFF  }
0xab: {  	s5 =	sld [smem:$0x0]  }
0xac: {  	s6 =	sand.u32 $0xFFFFFFFE, s1  }
0xad: {  	p0 =	sne.s32 s1, s6  }
0xae: {  	s6 =	sshll.u32 @p0 s6, $0xE  }
0xaf: {  	s6 =	sadd.s32 @p0 $0x11B8D, s6;
	s7 =	sshll.u32 @p0 s5, $0x11  }
0xb0: {  	s6 =	sor.u32 @p0 s7, s6  }
0xb1: {  	[sflag:s6] =	ssyncadd.remote.s32 @p0 $0x1;
	_ =	sdelay $0x1  }
0xb2: {  	s6 =	simm.s32 @p0 $0x1B8D  }
0xb3: {  	_ =	swait.eq @p0 [sflag:s6], $0x1  }
0xb4: {  	[sflag:s6] =	ssyncadd.s32 @p0 $0xFFFFFFFF  }
0xb5: {  	s7 =	sshll.u32 @!p0 s1, $0xE  }
0xb6: {  	s7 =	sor.u32 @!p0 $0x4000, s7;
	s6 =	simm.s32 @!p0 $0x1B8D  }
0xb7: {  	s5 =	sshll.u32 @!p0 s5, $0x11;
	s7 =	sadd.s32 @!p0 $0x11B8D, s7;
	_ =	swait.eq @!p0 [sflag:s6], $0x1  }
0xb8: {  	s5 =	sor.u32 @!p0 s5, s7;
	[sflag:s6] =	ssyncadd.s32 @!p0 $0xFFFFFFFF  }
0xb9: {  	s25 =	simm.s32 $0x1B8E;
	s24 =	sld [smem:$0x3FFE];
	[sflag:s5] =	ssyncadd.remote.s32 @!p0 $0x1  }
0xba: {  	s26 =	simm.s32 $execute0_lowered;
	[smem:$0x3FD2] =	sst s25  }
0xbb: {  	s6 =	sshll.u32 s26, $0x1;
	_ =	strace $0x80000049;
	[dreg:$0x1] =	wrdreg $0xFFFFFFFF  }
0xbc: {  	s28 =	simm.s32 $_size_execute0_lowered;
	s4 =	sadd.s32 s4, s6;
	[dreg:$0x0] =	wrdreg $0x0  }
0xbd: {  	s6 =	sshll.u32 s28, $0x1;
	[dreg:$0x2] =	wrdreg s4  }
0xbe: {  	[dreg:$0x3] =	wrdreg s6  }
0xbf: {  	[dreg:$0x4] =	wrdreg $0xC0  }
0xc0: {  	_ =	task [dreg:s22], $0x5FFFF  }
0xc1: {  	[dreg:$0x1] =	wrdreg $0xFFFFFFFF  }
0xc2: {  	[dreg:$0x0] =	wrdreg $0x60  }
0xc3: {  	[dreg:$0x2] =	wrdreg s17  }
0xc4: {  	[dreg:$0x3] =	wrdreg s24  }
0xc5: {  	[dreg:$0x4] =	wrdreg $0x48000  }
0xc6: {  	[dreg:$0x5] =	wrdreg $0x9  }
0xc7: {  	_ =	task.clear_ibuf [dreg:s22], $0x6FFFF;
	_ =	strace $0x90000049  }
0xc8: {  	s29 =	simm.s32 $0x9;
	_ =	strace $0x8000004B  }
0xc9: {  	_ =	swait.ge [sflag:s29], $0x1  }
0xca: {  	[sflag:s29] =	ssyncadd.s32 $0xFFFFFFFF  }
0xcb: {  	_ =	strace $0x9000004B  }
0xcc: {  	_ =	sfence  }
0xcd: {  	s30 =	sld [smem:$0x0];
	_ =	sdelay $0x2  }
0xce: {  	s31 =	sshll.u32 s1, $0xD;
	s1 =	sshrl.u32 s1, $0x2  }
0xcf: {  	s4 =	sand.u32 $0x4000, s31;
	s1 =	sadd.s32 s1, s30  }
0xd0: {  	s0 =	sor.u32 s4, s0;
	s1 =	sshll.u32 s1, $0x11  }
0xd1: {  	s0 =	sor.u32 s1, s0  }
0xd2: {  	s0 =	sadd.s32 $0x8F2B, s0  }
0xd3: {  	[sflag:s0] =	ssyncadd.remote.s32 $0x1  }
0xd4: {  	_ =	sfence.sel $0xFFFF  }
0xd5: {  	[dreg:$0x0] =	wrdreg $0xFFFFFFFF;
	(pc) =	sbr.abs _section_cstart, $3  }
0xd6: {  	[dreg:$0x1] =	wrdreg $0xFFFFFFFF  }
0xd7: {  	_ =	task.clear_ibuf [dreg:s22], $0x2FFFF;
	_ =	strace $0x9FFFFFFF  }
0xd8: {  	(tm) =	ssettm $0x7FFFFFFF  }
0xd9: {  	_ =	shalt  }
tec
execute0_lowered:
.L_overlay_start_1:
0x0: {  	(tag) =	ssettag $0x1  }
0x1: {  	s0 =	rddreg [dreg:$0x0]  }
0x2: {  	s1 =	rddreg [dreg:$0x1]  }
0x3: {  	s2 =	rddreg [dreg:$0x2]  }
0x4: {  	s3 =	srdreg.scid;
	s17 =	stileid.u32;
	s18 =	simm.s32 $0x80  }
0x5: {  	s19 =	simm.s32 $0x100;
	s20 =	simm.s32 $0x180;
	s28 =	simm.s32 $0x500  }
0x6: {  	s29 =	simm.s32 $0x580;
	s30 =	simm.s32 $0x600;
	s5 =	smul.u32 $0x50000, s17  }
0x7: {  	s31 =	simm.s32 $0x680;
	s9 =	sand.u32 $0x1, s3;
	s8 =	smul.u32 $0x14000, s17  }
0x8: {  	s3 =	simm.s32 $0x0;
	s1 =	sadd.s32 $0x7B000, s1;
	s22 =	smul.u32 $0x5000, s17  }
0x9: {  	s17 =	simm.s32 $0x2;
	s4 =	ssub.s32 $0x2, s9;
	s12 =	smul.u32 $0x140000, s9  }
0xa: {  	[smem:$0x7FF] =	sst s3;
	s9 =	smul.u32 $0x2800, s9;
	s6 =	sshrl.u32 s4, $0x1  }
0xb: {  	_ =	strace $0x8000004A;
	s21 =	sshrl.u32 s5, $0x2;
	s11 =	sadd.s32 $0x4000, s8  }
0xc: {  	s13 =	sadd.s32 $0x8000, s8;
	s14 =	sadd.s32 $0xC000, s8;
	s16 =	sadd.s32 $0x10000, s8  }
0xd: {  	s10 =	ssub.s32 s4, s6;
	s4 =	sadd.s32 s21, s2;
	s5 =	sadd.s32 s11, s2  }
0xe: {  	s6 =	sadd.s32 s13, s2;
	s15 =	sadd.s32 s8, s12;
	s7 =	sadd.s32 s14, s2  }
0xf: {  	s8 =	sadd.s32 s16, s2;
	s11 =	sadd.s32 s12, s11;
	s13 =	sadd.s32 s12, s13  }
0x10: {  	s24 =	sadd.s32 s12, s14;
	s12 =	sadd.s32 s12, s16;
	s9 =	sadd.s32 s9, s22  }
0x11: {  	s16 =	simm.s32 $0x800;
	s21 =	simm.s32 $0x200;
	s22 =	simm.s32 $0x280  }
0x12: {  	s15 =	sshrl.u32 s15, $0x3;
	s11 =	sshrl.u32 s11, $0x3;
	s23 =	sshrl.u32 s13, $0x3  }
0x13: {  	s12 =	sshrl.u32 s12, $0x3;
	s25 =	sshrl.u32 s9, $0x3;
	s26 =	smax.u32 s10, $0x1  }
0x14: {  	s9 =	simm.s32 $0x1;
	s15 =	sadd.s32 s1, s15;
	[dreg:$0x9] =	wrdreg s26  }
0x15: {  	s10 =	simm.s32 $0x0;
	s11 =	sadd.s32 s1, s11;
	[dreg:$0x4] =	wrdreg s15  }
0x16: {  	s26 =	simm.s32 $0x480;
	[dreg:$0x5] =	wrdreg s11;
	s11 =	sadd.s32 s1, s23  }
0x17: {  	s15 =	sadd.s32 s25, s0;
	[dreg:$0x6] =	wrdreg s11;
	s11 =	sshrl.u32 s24, $0x3  }
0x18: {  	s23 =	simm.s32 $0x300;
	s25 =	simm.s32 $0x400;
	s11 =	sadd.s32 s1, s11  }
0x19: {  	s0 =	simm.s32 $0x700;
	s1 =	sadd.s32 s1, s12;
	[dreg:$0x7] =	wrdreg s11  }
0x1a: {  	v0 =	vimm.f32 $0.0e+00;
	v1 =	vimm.f32 $1.000000000e+00;
	s24 =	simm.s32 $0x380;
	[dreg:$0x8] =	wrdreg s1;
	s1 =	simm.s32 $0x780  }
.LBB2_1:
0x1b: {  	s11 =	simm.s32 $0x0;
	s12 =	simm.s32 $0x200  }
.LBB2_2:
0x1c: {  	p0 =	sne.s32 s12, $0xFE00;
	[tilespmem:s11+$0x870] =	vst v0  }
0x1d: {  	[tilespmem:s11+$0x800] =	vst v0  }
0x1e: {  	[tilespmem:s11+$0x810] =	vst v0  }
.Ltmp0:
0x1f: {  	[tilespmem:s11+$0x820] =	vst v0;
	(pc) =	sbr.rel @p0 .LBB2_2-.Ltmp0, $4  }
0x20: {  	[tilespmem:s11+$0x830] =	vst v0  }
0x21: {  	[tilespmem:s11+$0x840] =	vst v0  }
0x22: {  	[tilespmem:s11+$0x850] =	vst v0  }
0x23: {  	[tilespmem:s11+$0x860] =	vst v0;
	s11 =	sshra.s32 s12, $0x2;
	s12 =	sadd.s32 $0x200, s12  }
0x24: {  	[tilespmem:s11+$0x870] =	vst v0  }
0x25: {  	[tilespmem:s11+$0x800] =	vst v0  }
0x26: {  	[tilespmem:s11+$0x810] =	vst v0  }
0x27: {  	[tilespmem:s11+$0x820] =	vst v0  }
0x28: {  	[tilespmem:s11+$0x830] =	vst v0  }
0x29: {  	[tilespmem:s11+$0x840] =	vst v0  }
0x2a: {  	[tilespmem:s11+$0x850] =	vst v0  }
0x2b: {  	[tilespmem:s11+$0x860] =	vst v0  }
0x2c: {  	[spmem:s4] =	stream.linear.scatter [tilespmem:s16], [sflag:$0x2], $0x4000, $0x38;
	[tilespmem:$0x18800] =	vst v63  }
0x2d: {  	_ =	swait.ge [sflag:s17], $0x4000  }
0x2e: {  	[sflag:s17] =	ssyncset.done $0x0  }
0x2f: {  	[sflag:s17] =	ssyncadd.s32 $0xFFFFC000  }
0x30: {  	[spmem:s5] =	stream.linear.scatter [tilespmem:s16], [sflag:$0x2], $0x4000, $0x38;
	[tilespmem:$0x18800] =	vst v63  }
0x31: {  	_ =	swait.ge [sflag:s17], $0x4000  }
0x32: {  	[sflag:s17] =	ssyncset.done $0x0  }
0x33: {  	[sflag:s17] =	ssyncadd.s32 $0xFFFFC000  }
0x34: {  	[spmem:s6] =	stream.linear.scatter [tilespmem:s16], [sflag:$0x2], $0x4000, $0x38;
	[tilespmem:$0x18800] =	vst v63  }
0x35: {  	_ =	swait.ge [sflag:s17], $0x4000  }
0x36: {  	[sflag:s17] =	ssyncset.done $0x0  }
0x37: {  	[sflag:s17] =	ssyncadd.s32 $0xFFFFC000  }
0x38: {  	[spmem:s7] =	stream.linear.scatter [tilespmem:s16], [sflag:$0x2], $0x4000, $0x38;
	[tilespmem:$0x18800] =	vst v63  }
0x39: {  	_ =	swait.ge [sflag:s17], $0x4000  }
0x3a: {  	[sflag:s17] =	ssyncset.done $0x0  }
0x3b: {  	[sflag:s17] =	ssyncadd.s32 $0xFFFFC000  }
0x3c: {  	[spmem:s8] =	stream.linear.scatter [tilespmem:s16], [sflag:$0x2], $0x4000, $0x38;
	[tilespmem:$0x18800] =	vst v63  }
0x3d: {  	_ =	swait.ge [sflag:s17], $0x4000  }
0x3e: {  	[sflag:s17] =	ssyncset.done $0x0  }
0x3f: {  	s11 =	simm.s32 $0x0;
	s12 =	simm.s32 $0x200;
	[sflag:s17] =	ssyncadd.s32 $0xFFFFC000  }
.LBB2_4:
0x40: {  	p0 =	sne.s32 s12, $0xFE00;
	[tilespmem:s11+$0x870] =	vst v1  }
0x41: {  	[tilespmem:s11+$0x800] =	vst v1  }
0x42: {  	[tilespmem:s11+$0x810] =	vst v1  }
.Ltmp1:
0x43: {  	[tilespmem:s11+$0x820] =	vst v1;
	(pc) =	sbr.rel @p0 .LBB2_4-.Ltmp1, $4  }
0x44: {  	[tilespmem:s11+$0x830] =	vst v1  }
0x45: {  	[tilespmem:s11+$0x840] =	vst v1  }
0x46: {  	[tilespmem:s11+$0x850] =	vst v1  }
0x47: {  	[tilespmem:s11+$0x860] =	vst v1;
	s11 =	sshra.s32 s12, $0x2;
	s12 =	sadd.s32 $0x200, s12  }
0x48: {  	[tilespmem:s11+$0x870] =	vst v1  }
0x49: {  	[tilespmem:s11+$0x800] =	vst v1  }
0x4a: {  	[tilespmem:s11+$0x810] =	vst v1  }
0x4b: {  	[tilespmem:s11+$0x820] =	vst v1  }
0x4c: {  	[tilespmem:s11+$0x830] =	vst v1  }
0x4d: {  	[tilespmem:s11+$0x840] =	vst v1  }
0x4e: {  	[tilespmem:s11+$0x850] =	vst v1  }
0x4f: {  	[tilespmem:s11+$0x860] =	vst v1  }
0x50: {  	s14 =	sadd.s32 $0x0, s15;
	[bflag:$0x0] =	sbarrier.arrive $0xFFFF  }
0x51: {  	[tilespmem:s3], [sflag:$0x2] =	stream.linear.gather [hbm4b:s14+s3], $0x800, $0x38;
	[tilespmem:$0x18800] =	vst v63  }
0x52: {  	_ =	swait.ge [sflag:s17], $0x800  }
0x53: {  	[sflag:s17] =	ssyncset.done $0x0  }
0x54: {  	[sflag:s17] =	ssyncadd.s32 $0xFFFFF800  }
0x55: {  	[spmem:s2] =	stream.indirect.scatter.add.f32 [tilespmem:s16], [sflag:$0x1], $0x80, s3, s18, $0xb8;
	[tilespmem:$0x18800] =	vst v63  }
0x56: {  	_ = 	snop  }
0x57: {  	[spmem:s2] =	stream.indirect.scatter.add.f32 [tilespmem:s16], [sflag:$0x1], $0x80, s18, s18, $0xb8;
	[tilespmem:$0x18800] =	vst v63  }
0x58: {  	_ = 	snop  }
0x59: {  	[spmem:s2] =	stream.indirect.scatter.add.f32 [tilespmem:s16], [sflag:$0x1], $0x80, s19, s18, $0xb8;
	[tilespmem:$0x18800] =	vst v63  }
0x5a: {  	_ = 	snop  }
0x5b: {  	[spmem:s2] =	stream.indirect.scatter.add.f32 [tilespmem:s16], [sflag:$0x1], $0x80, s20, s18, $0xb8;
	[tilespmem:$0x18800] =	vst v63  }
0x5c: {  	_ = 	snop  }
0x5d: {  	[spmem:s2] =	stream.indirect.scatter.add.f32 [tilespmem:s16], [sflag:$0x1], $0x80, s21, s18, $0xb8;
	[tilespmem:$0x18800] =	vst v63  }
0x5e: {  	_ = 	snop  }
0x5f: {  	[spmem:s2] =	stream.indirect.scatter.add.f32 [tilespmem:s16], [sflag:$0x1], $0x80, s22, s18, $0xb8;
	[tilespmem:$0x18800] =	vst v63  }
0x60: {  	_ = 	snop  }
0x61: {  	[spmem:s2] =	stream.indirect.scatter.add.f32 [tilespmem:s16], [sflag:$0x1], $0x80, s23, s18, $0xb8;
	[tilespmem:$0x18800] =	vst v63  }
0x62: {  	_ = 	snop  }
0x63: {  	[spmem:s2] =	stream.indirect.scatter.add.f32 [tilespmem:s16], [sflag:$0x1], $0x80, s24, s18, $0xb8;
	[tilespmem:$0x18800] =	vst v63  }
0x64: {  	_ = 	snop  }
0x65: {  	[spmem:s2] =	stream.indirect.scatter.add.f32 [tilespmem:s16], [sflag:$0x1], $0x80, s25, s18, $0xb8;
	[tilespmem:$0x18800] =	vst v63  }
0x66: {  	_ = 	snop  }
0x67: {  	[spmem:s2] =	stream.indirect.scatter.add.f32 [tilespmem:s16], [sflag:$0x1], $0x80, s26, s18, $0xb8;
	[tilespmem:$0x18800] =	vst v63  }
0x68: {  	_ = 	snop  }
0x69: {  	[spmem:s2] =	stream.indirect.scatter.add.f32 [tilespmem:s16], [sflag:$0x1], $0x80, s28, s18, $0xb8;
	[tilespmem:$0x18800] =	vst v63  }
0x6a: {  	_ = 	snop  }
0x6b: {  	[spmem:s2] =	stream.indirect.scatter.add.f32 [tilespmem:s16], [sflag:$0x1], $0x80, s29, s18, $0xb8;
	[tilespmem:$0x18800] =	vst v63  }
0x6c: {  	_ = 	snop  }
0x6d: {  	[spmem:s2] =	stream.indirect.scatter.add.f32 [tilespmem:s16], [sflag:$0x1], $0x80, s30, s18, $0xb8;
	[tilespmem:$0x18800] =	vst v63  }
0x6e: {  	_ = 	snop  }
0x6f: {  	[spmem:s2] =	stream.indirect.scatter.add.f32 [tilespmem:s16], [sflag:$0x1], $0x80, s31, s18, $0xb8;
	[tilespmem:$0x18800] =	vst v63  }
0x70: {  	_ = 	snop  }
0x71: {  	[spmem:s2] =	stream.indirect.scatter.add.f32 [tilespmem:s16], [sflag:$0x1], $0x80, s0, s18, $0xb8;
	[tilespmem:$0x18800] =	vst v63  }
0x72: {  	_ = 	snop  }
0x73: {  	[spmem:s2] =	stream.indirect.scatter.add.f32 [tilespmem:s16], [sflag:$0x1], $0x80, s1, s18, $0xb8;
	[tilespmem:$0x18800] =	vst v63  }
0x74: {  	_ =	swait.ge [sflag:s9], $0x4000  }
0x75: {  	[sflag:s9] =	ssyncset.done $0x0  }
0x76: {  	[sflag:s9] =	ssyncadd.s32 $0xFFFFC000  }
0x77: {  	_ =	swait.ge [sflag:s9], $0x4000  }
0x78: {  	[sflag:s9] =	ssyncset.done $0x0  }
0x79: {  	[sflag:s9] =	ssyncadd.s32 $0xFFFFC000  }
0x7a: {  	_ =	swait.ge [sflag:s9], $0x4000  }
0x7b: {  	[sflag:s9] =	ssyncset.done $0x0  }
0x7c: {  	[sflag:s9] =	ssyncadd.s32 $0xFFFFC000  }
0x7d: {  	_ =	swait.ge [sflag:s9], $0x4000  }
0x7e: {  	[sflag:s9] =	ssyncset.done $0x0  }
0x7f: {  	[sflag:s9] =	ssyncadd.s32 $0xFFFFC000  }
0x80: {  	_ =	swait.ge [sflag:s9], $0x4000  }
0x81: {  	[sflag:s9] =	ssyncset.done $0x0  }
0x82: {  	[sflag:s9] =	ssyncadd.s32 $0xFFFFC000  }
0x83: {  	_ =	swait.ge [sflag:s9], $0x4000  }
0x84: {  	[sflag:s9] =	ssyncset.done $0x0  }
0x85: {  	[sflag:s9] =	ssyncadd.s32 $0xFFFFC000  }
0x86: {  	_ =	swait.ge [sflag:s9], $0x4000  }
0x87: {  	[sflag:s9] =	ssyncset.done $0x0  }
0x88: {  	[sflag:s9] =	ssyncadd.s32 $0xFFFFC000  }
0x89: {  	_ =	swait.ge [sflag:s9], $0x4000  }
0x8a: {  	[sflag:s9] =	ssyncset.done $0x0  }
0x8b: {  	[sflag:s9] =	ssyncadd.s32 $0xFFFFC000  }
0x8c: {  	_ =	swait.ge [sflag:s9], $0x4000  }
0x8d: {  	[sflag:s9] =	ssyncset.done $0x0  }
0x8e: {  	[sflag:s9] =	ssyncadd.s32 $0xFFFFC000  }
0x8f: {  	_ =	swait.ge [sflag:s9], $0x4000  }
0x90: {  	[sflag:s9] =	ssyncset.done $0x0  }
0x91: {  	[sflag:s9] =	ssyncadd.s32 $0xFFFFC000  }
0x92: {  	_ =	swait.ge [sflag:s9], $0x4000  }
0x93: {  	[sflag:s9] =	ssyncset.done $0x0  }
0x94: {  	[sflag:s9] =	ssyncadd.s32 $0xFFFFC000  }
0x95: {  	_ =	swait.ge [sflag:s9], $0x4000  }
0x96: {  	[sflag:s9] =	ssyncset.done $0x0  }
0x97: {  	[sflag:s9] =	ssyncadd.s32 $0xFFFFC000  }
0x98: {  	_ =	swait.ge [sflag:s9], $0x4000  }
0x99: {  	[sflag:s9] =	ssyncset.done $0x0  }
0x9a: {  	[sflag:s9] =	ssyncadd.s32 $0xFFFFC000  }
0x9b: {  	_ =	swait.ge [sflag:s9], $0x4000  }
0x9c: {  	[sflag:s9] =	ssyncset.done $0x0  }
0x9d: {  	[sflag:s9] =	ssyncadd.s32 $0xFFFFC000  }
0x9e: {  	_ =	swait.ge [sflag:s9], $0x4000  }
0x9f: {  	[sflag:s9] =	ssyncset.done $0x0  }
0xa0: {  	[sflag:s9] =	ssyncadd.s32 $0xFFFFC000  }
0xa1: {  	_ =	swait.ge [sflag:s9], $0x4000  }
0xa2: {  	s11 =	simm.s32 $0x100;
	s12 =	simm.s32 $0x200;
	[sflag:s9] =	ssyncset.done $0x0  }
.LBB2_6:
0xa3: {  	s14 =	sadd.s32 s11, s15  }
0xa4: {  	[sflag:s9] =	ssyncadd.s32 $0xFFFFC000;
	s11 =	smov.u32 s12;
	s13 =	sadd.s32 $0x100, s12  }
0xa5: {  	[tilespmem:s3], [sflag:$0x2] =	stream.linear.gather [hbm4b:s14+s3], $0x800, $0x38;
	[tilespmem:$0x18800] =	vst v63  }
0xa6: {  	p0 =	sne.s32 s12, $0x400;
	_ =	swait.ge [sflag:s17], $0x800  }
0xa7: {  	[sflag:s17] =	ssyncset.done $0x0  }
0xa8: {  	[sflag:s17] =	ssyncadd.s32 $0xFFFFF800  }
0xa9: {  	[spmem:s2] =	stream.indirect.scatter.add.f32 [tilespmem:s16], [sflag:$0x1], $0x80, s3, s18, $0xb8;
	[tilespmem:$0x18800] =	vst v63  }
0xaa: {  	_ = 	snop  }
0xab: {  	[spmem:s2] =	stream.indirect.scatter.add.f32 [tilespmem:s16], [sflag:$0x1], $0x80, s18, s18, $0xb8;
	[tilespmem:$0x18800] =	vst v63  }
0xac: {  	_ = 	snop  }
0xad: {  	[spmem:s2] =	stream.indirect.scatter.add.f32 [tilespmem:s16], [sflag:$0x1], $0x80, s19, s18, $0xb8;
	[tilespmem:$0x18800] =	vst v63  }
0xae: {  	_ = 	snop  }
0xaf: {  	[spmem:s2] =	stream.indirect.scatter.add.f32 [tilespmem:s16], [sflag:$0x1], $0x80, s20, s18, $0xb8;
	[tilespmem:$0x18800] =	vst v63  }
0xb0: {  	_ = 	snop  }
0xb1: {  	[spmem:s2] =	stream.indirect.scatter.add.f32 [tilespmem:s16], [sflag:$0x1], $0x80, s21, s18, $0xb8;
	[tilespmem:$0x18800] =	vst v63  }
0xb2: {  	_ = 	snop  }
0xb3: {  	[spmem:s2] =	stream.indirect.scatter.add.f32 [tilespmem:s16], [sflag:$0x1], $0x80, s22, s18, $0xb8;
	[tilespmem:$0x18800] =	vst v63  }
0xb4: {  	_ = 	snop  }
0xb5: {  	[spmem:s2] =	stream.indirect.scatter.add.f32 [tilespmem:s16], [sflag:$0x1], $0x80, s23, s18, $0xb8;
	[tilespmem:$0x18800] =	vst v63  }
0xb6: {  	_ = 	snop  }
0xb7: {  	[spmem:s2] =	stream.indirect.scatter.add.f32 [tilespmem:s16], [sflag:$0x1], $0x80, s24, s18, $0xb8;
	[tilespmem:$0x18800] =	vst v63  }
0xb8: {  	_ = 	snop  }
0xb9: {  	[spmem:s2] =	stream.indirect.scatter.add.f32 [tilespmem:s16], [sflag:$0x1], $0x80, s25, s18, $0xb8;
	[tilespmem:$0x18800] =	vst v63  }
0xba: {  	_ = 	snop  }
0xbb: {  	[spmem:s2] =	stream.indirect.scatter.add.f32 [tilespmem:s16], [sflag:$0x1], $0x80, s26, s18, $0xb8;
	[tilespmem:$0x18800] =	vst v63  }
0xbc: {  	_ = 	snop  }
0xbd: {  	[spmem:s2] =	stream.indirect.scatter.add.f32 [tilespmem:s16], [sflag:$0x1], $0x80, s28, s18, $0xb8;
	[tilespmem:$0x18800] =	vst v63  }
0xbe: {  	_ = 	snop  }
0xbf: {  	[spmem:s2] =	stream.indirect.scatter.add.f32 [tilespmem:s16], [sflag:$0x1], $0x80, s29, s18, $0xb8;
	[tilespmem:$0x18800] =	vst v63  }
0xc0: {  	_ = 	snop  }
0xc1: {  	[spmem:s2] =	stream.indirect.scatter.add.f32 [tilespmem:s16], [sflag:$0x1], $0x80, s30, s18, $0xb8;
	[tilespmem:$0x18800] =	vst v63  }
0xc2: {  	_ = 	snop  }
0xc3: {  	[spmem:s2] =	stream.indirect.scatter.add.f32 [tilespmem:s16], [sflag:$0x1], $0x80, s31, s18, $0xb8;
	[tilespmem:$0x18800] =	vst v63  }
0xc4: {  	_ = 	snop  }
0xc5: {  	[spmem:s2] =	stream.indirect.scatter.add.f32 [tilespmem:s16], [sflag:$0x1], $0x80, s0, s18, $0xb8;
	[tilespmem:$0x18800] =	vst v63  }
0xc6: {  	_ = 	snop  }
0xc7: {  	[spmem:s2] =	stream.indirect.scatter.add.f32 [tilespmem:s16], [sflag:$0x1], $0x80, s1, s18, $0xb8;
	[tilespmem:$0x18800] =	vst v63  }
0xc8: {  	_ =	swait.ge [sflag:s9], $0x4000  }
0xc9: {  	[sflag:s9] =	ssyncset.done $0x0  }
0xca: {  	[sflag:s9] =	ssyncadd.s32 $0xFFFFC000  }
0xcb: {  	_ =	swait.ge [sflag:s9], $0x4000  }
0xcc: {  	[sflag:s9] =	ssyncset.done $0x0  }
0xcd: {  	[sflag:s9] =	ssyncadd.s32 $0xFFFFC000  }
0xce: {  	_ =	swait.ge [sflag:s9], $0x4000  }
0xcf: {  	[sflag:s9] =	ssyncset.done $0x0  }
0xd0: {  	[sflag:s9] =	ssyncadd.s32 $0xFFFFC000  }
0xd1: {  	_ =	swait.ge [sflag:s9], $0x4000  }
0xd2: {  	[sflag:s9] =	ssyncset.done $0x0  }
0xd3: {  	[sflag:s9] =	ssyncadd.s32 $0xFFFFC000  }
0xd4: {  	_ =	swait.ge [sflag:s9], $0x4000  }
0xd5: {  	[sflag:s9] =	ssyncset.done $0x0  }
0xd6: {  	[sflag:s9] =	ssyncadd.s32 $0xFFFFC000  }
0xd7: {  	_ =	swait.ge [sflag:s9], $0x4000  }
0xd8: {  	[sflag:s9] =	ssyncset.done $0x0  }
0xd9: {  	[sflag:s9] =	ssyncadd.s32 $0xFFFFC000  }
0xda: {  	_ =	swait.ge [sflag:s9], $0x4000  }
0xdb: {  	[sflag:s9] =	ssyncset.done $0x0  }
0xdc: {  	[sflag:s9] =	ssyncadd.s32 $0xFFFFC000  }
0xdd: {  	_ =	swait.ge [sflag:s9], $0x4000  }
0xde: {  	[sflag:s9] =	ssyncset.done $0x0  }
0xdf: {  	[sflag:s9] =	ssyncadd.s32 $0xFFFFC000  }
0xe0: {  	_ =	swait.ge [sflag:s9], $0x4000  }
0xe1: {  	[sflag:s9] =	ssyncset.done $0x0  }
0xe2: {  	[sflag:s9] =	ssyncadd.s32 $0xFFFFC000  }
0xe3: {  	_ =	swait.ge [sflag:s9], $0x4000  }
0xe4: {  	[sflag:s9] =	ssyncset.done $0x0  }
0xe5: {  	[sflag:s9] =	ssyncadd.s32 $0xFFFFC000  }
0xe6: {  	_ =	swait.ge [sflag:s9], $0x4000  }
0xe7: {  	[sflag:s9] =	ssyncset.done $0x0  }
0xe8: {  	[sflag:s9] =	ssyncadd.s32 $0xFFFFC000  }
0xe9: {  	_ =	swait.ge [sflag:s9], $0x4000  }
0xea: {  	[sflag:s9] =	ssyncset.done $0x0  }
0xeb: {  	[sflag:s9] =	ssyncadd.s32 $0xFFFFC000  }
0xec: {  	_ =	swait.ge [sflag:s9], $0x4000  }
0xed: {  	[sflag:s9] =	ssyncset.done $0x0  }
0xee: {  	[sflag:s9] =	ssyncadd.s32 $0xFFFFC000  }
0xef: {  	_ =	swait.ge [sflag:s9], $0x4000  }
0xf0: {  	[sflag:s9] =	ssyncset.done $0x0  }
0xf1: {  	[sflag:s9] =	ssyncadd.s32 $0xFFFFC000  }
.Ltmp2:
0xf2: {  	_ =	swait.ge [sflag:s9], $0x4000;
	(pc) =	sbr.rel @p0 .LBB2_6-.Ltmp2, $4  }
0xf3: {  	[sflag:s9] =	ssyncset.done $0x0  }
0xf4: {  	[sflag:s9] =	ssyncadd.s32 $0xFFFFC000  }
0xf5: {  	_ =	swait.ge [sflag:s9], $0x4000  }
0xf6: {  	s12 =	smov.u32 s13;
	[sflag:s9] =	ssyncset.done $0x0  }
0xf7: {  	s11 =	sadd.s32 s11, s15;
	[sflag:s9] =	ssyncadd.s32 $0xFFFFC000  }
0xf8: {  	[tilespmem:s3], [sflag:$0x2] =	stream.linear.gather [hbm4b:s11+s3], $0x800, $0x38;
	[tilespmem:$0x18800] =	vst v63  }
0xf9: {  	_ =	swait.ge [sflag:s17], $0x800  }
0xfa: {  	[sflag:s17] =	ssyncset.done $0x0  }
0xfb: {  	[sflag:s17] =	ssyncadd.s32 $0xFFFFF800  }
0xfc: {  	[spmem:s2] =	stream.indirect.scatter.add.f32 [tilespmem:s16], [sflag:$0x1], $0x80, s3, s18, $0xb8;
	[tilespmem:$0x18800] =	vst v63  }
0xfd: {  	_ = 	snop  }
0xfe: {  	[spmem:s2] =	stream.indirect.scatter.add.f32 [tilespmem:s16], [sflag:$0x1], $0x80, s18, s18, $0xb8;
	[tilespmem:$0x18800] =	vst v63  }
0xff: {  	_ = 	snop  }
0x100: {  	[spmem:s2] =	stream.indirect.scatter.add.f32 [tilespmem:s16], [sflag:$0x1], $0x80, s19, s18, $0xb8;
	[tilespmem:$0x18800] =	vst v63  }
0x101: {  	_ = 	snop  }
0x102: {  	[spmem:s2] =	stream.indirect.scatter.add.f32 [tilespmem:s16], [sflag:$0x1], $0x80, s20, s18, $0xb8;
	[tilespmem:$0x18800] =	vst v63  }
0x103: {  	_ = 	snop  }
0x104: {  	[spmem:s2] =	stream.indirect.scatter.add.f32 [tilespmem:s16], [sflag:$0x1], $0x80, s21, s18, $0xb8;
	[tilespmem:$0x18800] =	vst v63  }
0x105: {  	_ = 	snop  }
0x106: {  	[spmem:s2] =	stream.indirect.scatter.add.f32 [tilespmem:s16], [sflag:$0x1], $0x80, s22, s18, $0xb8;
	[tilespmem:$0x18800] =	vst v63  }
0x107: {  	_ = 	snop  }
0x108: {  	[spmem:s2] =	stream.indirect.scatter.add.f32 [tilespmem:s16], [sflag:$0x1], $0x80, s23, s18, $0xb8;
	[tilespmem:$0x18800] =	vst v63  }
0x109: {  	_ = 	snop  }
0x10a: {  	[spmem:s2] =	stream.indirect.scatter.add.f32 [tilespmem:s16], [sflag:$0x1], $0x80, s24, s18, $0xb8;
	[tilespmem:$0x18800] =	vst v63  }
0x10b: {  	_ = 	snop  }
0x10c: {  	[spmem:s2] =	stream.indirect.scatter.add.f32 [tilespmem:s16], [sflag:$0x1], $0x80, s25, s18, $0xb8;
	[tilespmem:$0x18800] =	vst v63  }
0x10d: {  	_ = 	snop  }
0x10e: {  	[spmem:s2] =	stream.indirect.scatter.add.f32 [tilespmem:s16], [sflag:$0x1], $0x80, s26, s18, $0xb8;
	[tilespmem:$0x18800] =	vst v63  }
0x10f: {  	_ = 	snop  }
0x110: {  	[spmem:s2] =	stream.indirect.scatter.add.f32 [tilespmem:s16], [sflag:$0x1], $0x80, s28, s18, $0xb8;
	[tilespmem:$0x18800] =	vst v63  }
0x111: {  	_ = 	snop  }
0x112: {  	[spmem:s2] =	stream.indirect.scatter.add.f32 [tilespmem:s16], [sflag:$0x1], $0x80, s29, s18, $0xb8;
	[tilespmem:$0x18800] =	vst v63  }
0x113: {  	_ = 	snop  }
0x114: {  	[spmem:s2] =	stream.indirect.scatter.add.f32 [tilespmem:s16], [sflag:$0x1], $0x80, s30, s18, $0xb8;
	[tilespmem:$0x18800] =	vst v63  }
0x115: {  	_ = 	snop  }
0x116: {  	[spmem:s2] =	stream.indirect.scatter.add.f32 [tilespmem:s16], [sflag:$0x1], $0x80, s31, s18, $0xb8;
	[tilespmem:$0x18800] =	vst v63  }
0x117: {  	_ = 	snop  }
0x118: {  	[spmem:s2] =	stream.indirect.scatter.add.f32 [tilespmem:s16], [sflag:$0x1], $0x80, s0, s18, $0xb8;
	[tilespmem:$0x18800] =	vst v63  }
0x119: {  	_ = 	snop  }
0x11a: {  	[spmem:s2] =	stream.indirect.scatter.add.f32 [tilespmem:s16], [sflag:$0x1], $0x80, s1, s18, $0xb8;
	[tilespmem:$0x18800] =	vst v63  }
0x11b: {  	_ =	swait.ge [sflag:s9], $0x4000  }
0x11c: {  	[sflag:s9] =	ssyncset.done $0x0  }
0x11d: {  	[sflag:s9] =	ssyncadd.s32 $0xFFFFC000  }
0x11e: {  	_ =	swait.ge [sflag:s9], $0x4000  }
0x11f: {  	[sflag:s9] =	ssyncset.done $0x0  }
0x120: {  	[sflag:s9] =	ssyncadd.s32 $0xFFFFC000  }
0x121: {  	_ =	swait.ge [sflag:s9], $0x4000  }
0x122: {  	[sflag:s9] =	ssyncset.done $0x0  }
0x123: {  	[sflag:s9] =	ssyncadd.s32 $0xFFFFC000  }
0x124: {  	_ =	swait.ge [sflag:s9], $0x4000  }
0x125: {  	[sflag:s9] =	ssyncset.done $0x0  }
0x126: {  	[sflag:s9] =	ssyncadd.s32 $0xFFFFC000  }
0x127: {  	_ =	swait.ge [sflag:s9], $0x4000  }
0x128: {  	[sflag:s9] =	ssyncset.done $0x0  }
0x129: {  	[sflag:s9] =	ssyncadd.s32 $0xFFFFC000  }
0x12a: {  	_ =	swait.ge [sflag:s9], $0x4000  }
0x12b: {  	[sflag:s9] =	ssyncset.done $0x0  }
0x12c: {  	[sflag:s9] =	ssyncadd.s32 $0xFFFFC000  }
0x12d: {  	_ =	swait.ge [sflag:s9], $0x4000  }
0x12e: {  	[sflag:s9] =	ssyncset.done $0x0  }
0x12f: {  	[sflag:s9] =	ssyncadd.s32 $0xFFFFC000  }
0x130: {  	_ =	swait.ge [sflag:s9], $0x4000  }
0x131: {  	[sflag:s9] =	ssyncset.done $0x0  }
0x132: {  	[sflag:s9] =	ssyncadd.s32 $0xFFFFC000  }
0x133: {  	_ =	swait.ge [sflag:s9], $0x4000  }
0x134: {  	[sflag:s9] =	ssyncset.done $0x0  }
0x135: {  	[sflag:s9] =	ssyncadd.s32 $0xFFFFC000  }
0x136: {  	_ =	swait.ge [sflag:s9], $0x4000  }
0x137: {  	[sflag:s9] =	ssyncset.done $0x0  }
0x138: {  	[sflag:s9] =	ssyncadd.s32 $0xFFFFC000  }
0x139: {  	_ =	swait.ge [sflag:s9], $0x4000  }
0x13a: {  	[sflag:s9] =	ssyncset.done $0x0  }
0x13b: {  	[sflag:s9] =	ssyncadd.s32 $0xFFFFC000  }
0x13c: {  	_ =	swait.ge [sflag:s9], $0x4000  }
0x13d: {  	[sflag:s9] =	ssyncset.done $0x0  }
0x13e: {  	[sflag:s9] =	ssyncadd.s32 $0xFFFFC000  }
0x13f: {  	_ =	swait.ge [sflag:s9], $0x4000  }
0x140: {  	[sflag:s9] =	ssyncset.done $0x0  }
0x141: {  	[sflag:s9] =	ssyncadd.s32 $0xFFFFC000  }
0x142: {  	_ =	swait.ge [sflag:s9], $0x4000  }
0x143: {  	[sflag:s9] =	ssyncset.done $0x0  }
0x144: {  	[sflag:s9] =	ssyncadd.s32 $0xFFFFC000  }
0x145: {  	_ =	swait.ge [sflag:s9], $0x4000  }
0x146: {  	[sflag:s9] =	ssyncset.done $0x0  }
0x147: {  	[sflag:s9] =	ssyncadd.s32 $0xFFFFC000  }
0x148: {  	_ =	swait.ge [sflag:s9], $0x4000  }
0x149: {  	[sflag:s9] =	ssyncset.done $0x0  }
0x14a: {  	[sflag:s9] =	ssyncadd.s32 $0xFFFFC000  }
0x14b: {  	[bflag:$0x0] =	sbarrier.arrive $0xFFFF  }
0x14c: {  	[tilespmem:s16], [sflag:$0x2] =	stream.linear.gather [spmem:s4], $0x4000, $0x38;
	[tilespmem:$0x18800] =	vst v63  }
0x14d: {  	_ =	swait.ge [sflag:s17], $0x4000  }
0x14e: {  	[sflag:s17] =	ssyncset.done $0x0  }
0x14f: {  	s12 =	rddreg [dreg:$0x4];
	[sflag:s17] =	ssyncadd.s32 $0xFFFFC000  }
0x150: {  	[hbm4b:s12+s3] =	stream.linear.scatter [tilespmem:s16], [sflag:$0x2], $0x4000, $0x38;
	[tilespmem:$0x18800] =	vst v63  }
0x151: {  	_ =	swait.ge [sflag:s17], $0x4000  }
0x152: {  	[sflag:s17] =	ssyncset.done $0x0  }
0x153: {  	[sflag:s17] =	ssyncadd.s32 $0xFFFFC000  }
0x154: {  	[tilespmem:s16], [sflag:$0x2] =	stream.linear.gather [spmem:s5], $0x4000, $0x38;
	[tilespmem:$0x18800] =	vst v63  }
0x155: {  	_ =	swait.ge [sflag:s17], $0x4000  }
0x156: {  	[sflag:s17] =	ssyncset.done $0x0  }
0x157: {  	s13 =	rddreg [dreg:$0x5];
	[sflag:s17] =	ssyncadd.s32 $0xFFFFC000  }
0x158: {  	[hbm4b:s13+s3] =	stream.linear.scatter [tilespmem:s16], [sflag:$0x2], $0x4000, $0x38;
	[tilespmem:$0x18800] =	vst v63  }
0x159: {  	_ =	swait.ge [sflag:s17], $0x4000  }
0x15a: {  	[sflag:s17] =	ssyncset.done $0x0  }
0x15b: {  	[sflag:s17] =	ssyncadd.s32 $0xFFFFC000  }
0x15c: {  	[tilespmem:s16], [sflag:$0x2] =	stream.linear.gather [spmem:s6], $0x4000, $0x38;
	[tilespmem:$0x18800] =	vst v63  }
0x15d: {  	_ =	swait.ge [sflag:s17], $0x4000  }
0x15e: {  	[sflag:s17] =	ssyncset.done $0x0  }
0x15f: {  	s14 =	rddreg [dreg:$0x6];
	[sflag:s17] =	ssyncadd.s32 $0xFFFFC000  }
0x160: {  	[hbm4b:s14+s3] =	stream.linear.scatter [tilespmem:s16], [sflag:$0x2], $0x4000, $0x38;
	[tilespmem:$0x18800] =	vst v63  }
0x161: {  	_ =	swait.ge [sflag:s17], $0x4000  }
0x162: {  	[sflag:s17] =	ssyncset.done $0x0  }
0x163: {  	[sflag:s17] =	ssyncadd.s32 $0xFFFFC000  }
0x164: {  	[tilespmem:s16], [sflag:$0x2] =	stream.linear.gather [spmem:s7], $0x4000, $0x38;
	[tilespmem:$0x18800] =	vst v63  }
0x165: {  	_ =	swait.ge [sflag:s17], $0x4000  }
0x166: {  	[sflag:s17] =	ssyncset.done $0x0  }
0x167: {  	s12 =	rddreg [dreg:$0x7];
	[sflag:s17] =	ssyncadd.s32 $0xFFFFC000  }
0x168: {  	[hbm4b:s12+s3] =	stream.linear.scatter [tilespmem:s16], [sflag:$0x2], $0x4000, $0x38;
	[tilespmem:$0x18800] =	vst v63  }
0x169: {  	_ =	swait.ge [sflag:s17], $0x4000  }
0x16a: {  	[sflag:s17] =	ssyncset.done $0x0  }
0x16b: {  	[sflag:s17] =	ssyncadd.s32 $0xFFFFC000  }
0x16c: {  	[tilespmem:s16], [sflag:$0x2] =	stream.linear.gather [spmem:s8], $0x4000, $0x38;
	[tilespmem:$0x18800] =	vst v63  }
0x16d: {  	_ =	swait.ge [sflag:s17], $0x4000  }
0x16e: {  	[sflag:s17] =	ssyncset.done $0x0  }
0x16f: {  	s13 =	rddreg [dreg:$0x8];
	[sflag:s17] =	ssyncadd.s32 $0xFFFFC000  }
0x170: {  	[hbm4b:s13+s3] =	stream.linear.scatter [tilespmem:s16], [sflag:$0x2], $0x4000, $0x38;
	[tilespmem:$0x18800] =	vst v63  }
0x171: {  	_ =	swait.ge [sflag:s17], $0x4000  }
0x172: {  	s10 =	sadd.s32 $0x1, s10;
	s14 =	rddreg [dreg:$0x9]  }
0x173: {  	p0 =	sne.s32 s10, s14  }
.Ltmp3:
0x174: {  	_ = 	snop;
	(pc) =	sbr.rel @p0 .LBB2_1-.Ltmp3, $3  }
0x175: {  	_ =	sdelay $0x1  }
0x176: {  	[sflag:s17] =	ssyncset.done $0x0  }
0x177: {  	[sflag:s17] =	ssyncadd.s32 $0xFFFFC000  }
0x178: {  	_ =	sfence.sel $0x180000  }
0x179: {  	[bflag:$0x0] =	sbarrier.arrive $0xFFFF  }
0x17a: {  	_ =	strace $0x9000004A  }
0x17b: {  	s0 =	stileid.u32;
	[bflag:$0x2] =	sbarrier.arrive $0xFFFF  }
0x17c: {  	p0 =	sne.s32 s0, $0x0;
	s0 =	rddreg [dreg:$0x3]  }
0x17d: {  	s0 =	sadd.s32 @!p0 $0x100000, s0  }
0x17e: {  	[sflag:s0] =	ssyncadd.tile.s32 @!p0 $0x1;
	_ =	shalt  }
.Lfunc_end2:
_tile_overlayer_lowered:
.L_overlay_start_2:
0x17f: {  	(tag) =	ssettag $0x2  }
0x180: {  	s0 =	rddreg [dreg:$0x0];
	s2 =	stileid.u32  }
0x181: {  	s1 =	rddreg [dreg:$0x1];
	p0 =	sne.s32 s2, $0x0  }
0x182: {  	s3 =	rddreg [dreg:$0x2];
	[bflag:$0x3] =	sbarrier.arrive $0xFFFF;
	s2 =	simm.s32 @!p0 $0x1C02  }
0x183: {  	[timem:s3], [sflag:s2] =	dma.local @!p0 [hbm:s0], s1  }
0x184: {  	s0 =	simm.s32 @!p0 $0x2  }
0x185: {  	_ =	swait.ge @!p0 [sflag:s0], s1  }
0x186: {  	s1 =	ssub.s32 @!p0 $0x0, s1;
	[sflag:s0] =	ssyncset.done @!p0 $0x0  }
0x187: {  	[sflag:s0] =	ssyncadd.s32 @!p0 s1  }
0x188: {  	[bflag:$0x3] =	sbarrier.arrive $0xFFFF  }
0x189: {  	_ =	shalt  }

</sc_bundles>
